<compile_context>
chip_gen: v7x
topology: tpu7x:2x2x1
jax: 0.10.2.dev20260603
libtpu: 0.0.44.dev20260713+nightly
codegen_flags: <defaults>
</compile_context>

<pallas_src>
import functools

import jax
import jax.numpy as jnp
from jax import lax
from jax.experimental import pallas as pl
from jax.experimental.pallas import tpu as pltpu
from jax.experimental.pallas import tpu_sc as plsc

N = 10000
E = 320000
D = 128

NC = 2
NS = 16
NW = NC * NS
LANES = 16

EP = E // NW
CH = 125
NCHT = E // CH
NCH_TILE = EP // CH
NP = 10240
RPT = NP // NS
ZR = 16
NZCOPY = RPT // ZR


def _fill_2d(ref, rows, cols, value):
    v = jnp.full((LANES,), value, dtype=jnp.float32)
    per_row = cols // LANES

    def body(i, _):
        r = i // per_row
        c = (i % per_row) * LANES
        ref[r, pl.ds(c, LANES)] = v
        return 0

    lax.fori_loop(0, rows * per_row, body, 0)


NQUAD = NCH_TILE // 4


def _make_sc_agg(with_deg: bool):
    out_type = [jax.ShapeDtypeStruct((NC, NP, D), jnp.float32)]
    scratch = [
        pltpu.VMEM_SHARED((NP, D), jnp.float32),
        pltpu.VMEM((2, CH), jnp.int32),
        pltpu.VMEM((2, CH), jnp.int32),
        pltpu.VMEM((2, CH), jnp.int32),
        pltpu.VMEM((2, CH), jnp.int32),
        pltpu.VMEM((CH, D), jnp.float32),
        pltpu.VMEM((CH, D), jnp.float32),
        pltpu.VMEM((ZR, D), jnp.float32),
    ] + [pltpu.SemaphoreType.DMA] * 10
    if with_deg:
        out_type.append(jax.ShapeDtypeStruct((NC, NP, LANES), jnp.float32))
        scratch += [
            pltpu.VMEM_SHARED((NP, LANES), jnp.float32),
            pltpu.VMEM((CH, LANES), jnp.float32),
            pltpu.VMEM((ZR, LANES), jnp.float32),
        ]

    mesh = plsc.VectorSubcoreMesh(
        core_axis_name="c", subcore_axis_name="s",
        num_cores=NC, num_subcores=NS)

    def body(h_hbm, ei_hbm, *refs):
        if with_deg:
            (part_hbm, deg_hbm, acc, ib0, ib1, ib2, ib3, rows0, rows1, zbuf,
             is0a, is0b, is1a, is1b, is2a, is2b, is3a, is3b, gs0, gs1,
             dacc, ones_v, zdbuf) = refs
        else:
            (part_hbm, acc, ib0, ib1, ib2, ib3, rows0, rows1, zbuf,
             is0a, is0b, is1a, is1b, is2a, is2b, is3a, is3b, gs0, gs1) = refs

        ibufs = (ib0, ib1, ib2, ib3)
        isems = ((is0a, is0b), (is1a, is1b), (is2a, is2b), (is3a, is3b))
        rows = (rows0, rows1)
        gsems = (gs0, gs1)

        cid = lax.axis_index("c")
        sid = lax.axis_index("s")
        wid = cid * NS + sid

        _fill_2d(zbuf, ZR, D, 0.0)
        if with_deg:
            _fill_2d(ones_v, CH, LANES, 1.0)
            _fill_2d(zdbuf, ZR, LANES, 0.0)
        zcopies = []
        for k in range(NZCOPY):
            zcopies.append(
                (zbuf, acc.at[pl.ds(sid * RPT + k * ZR, ZR)], isems[k % 4][0]))
        if with_deg:
            for k in range(NZCOPY):
                zcopies.append(
                    (zdbuf, dacc.at[pl.ds(sid * RPT + k * ZR, ZR)],
                     isems[k % 4][1]))
        for s, d, sem in zcopies:
            pltpu.async_copy(s, d, sem)
        for s, d, sem in zcopies:
            pltpu.make_async_copy(s, d, sem).wait()

        plsc.subcore_barrier()

        base = wid * NCH_TILE

        def idx_fetch(cc, j):
            pltpu.async_copy(ei_hbm.at[0, cc], ibufs[j].at[0], isems[j][0])
            pltpu.async_copy(ei_hbm.at[1, cc], ibufs[j].at[1], isems[j][1])

        def idx_wait(cc, j):
            pltpu.make_async_copy(
                ei_hbm.at[0, cc], ibufs[j].at[0], isems[j][0]).wait()
            pltpu.make_async_copy(
                ei_hbm.at[1, cc], ibufs[j].at[1], isems[j][1]).wait()

        def gather_start(j, r):
            pltpu.async_copy(h_hbm.at[ibufs[j].at[0]], rows[r], gsems[r])

        def gather_wait(j, r):
            pltpu.make_async_copy(
                h_hbm.at[ibufs[j].at[0]], rows[r], gsems[r]).wait()

        idx_fetch(base + 0, 0)
        idx_fetch(base + 1, 1)
        idx_fetch(base + 2, 2)
        idx_wait(base + 0, 0)
        gather_start(0, 0)

        def quad(k, _):
            c0 = 4 * k
            for j in range(4):
                c = c0 + j
                cc = base + c
                nj = (j + 1) % 4
                fj = (j + 3) % 4

                gather_wait(j, j % 2)

                if j + 1 < 4:
                    idx_wait(cc + 1, nj)
                    gather_start(nj, (j + 1) % 2)
                else:
                    @pl.when(k < NQUAD - 1)
                    def _():
                        idx_wait(cc + 1, nj)
                        gather_start(nj, (j + 1) % 2)

                if j == 0:
                    idx_fetch(cc + 3, fj)
                else:
                    @pl.when(k < NQUAD - 1)
                    def _():
                        idx_fetch(cc + 3, fj)

                pltpu.sync_copy(rows[j % 2], acc.at[ibufs[j].at[1]], add=True)
                if with_deg:
                    pltpu.sync_copy(ones_v, dacc.at[ibufs[j].at[1]], add=True)
            return 0

        lax.fori_loop(0, NQUAD, quad, 0)

        plsc.subcore_barrier()

        sl = pl.ds(sid * RPT, RPT)
        pltpu.async_copy(acc.at[sl], part_hbm.at[cid, sl], gs0)
        if with_deg:
            pltpu.async_copy(dacc.at[sl], deg_hbm.at[cid, sl], gs1)
        pltpu.make_async_copy(acc.at[sl], part_hbm.at[cid, sl], gs0).wait()
        if with_deg:
            pltpu.make_async_copy(dacc.at[sl], deg_hbm.at[cid, sl], gs1).wait()

    return pl.kernel(
        body, out_type=tuple(out_type), mesh=mesh, scratch_types=scratch,
        compiler_params=pltpu.CompilerParams(use_tc_tiling_on_sc=False))


_sc_cache = {}


def _sc_agg_fn(with_deg: bool):
    if with_deg not in _sc_cache:
        _sc_cache[with_deg] = _make_sc_agg(with_deg)
    return _sc_cache[with_deg]


BLK = 1000


def _selfmm_body(h_ref, ws_ref, b_ref, o_ref):
    o_ref[...] = (
        jnp.dot(h_ref[...], ws_ref[...], preferred_element_type=jnp.float32)
        + b_ref[...])


_selfmm = pl.pallas_call(
    _selfmm_body,
    grid=(N // BLK,),
    in_specs=[
        pl.BlockSpec((BLK, D), lambda i: (i, 0)),
        pl.BlockSpec((D, D), lambda i: (0, 0)),
        pl.BlockSpec((1, D), lambda i: (0, 0)),
    ],
    out_specs=pl.BlockSpec((BLK, D), lambda i: (i, 0)),
    out_shape=jax.ShapeDtypeStruct((N, D), jnp.float32),
)


def _combine_body(relu, s_ref, p_ref, d_ref, wn_ref, o_ref):
    agg = p_ref[0] + p_ref[1]
    deg = d_ref[0, :, 0:1] + d_ref[1, :, 0:1]
    hn = agg * (1.0 / jnp.maximum(deg, 1.0))
    out = s_ref[...] + jnp.dot(hn, wn_ref[...],
                               preferred_element_type=jnp.float32)
    if relu:
        out = jnp.maximum(out, 0.0)
    o_ref[...] = out


def _make_combine(relu: bool):
    grid = (N // BLK,)
    return pl.pallas_call(
        functools.partial(_combine_body, relu),
        grid=grid,
        in_specs=[
            pl.BlockSpec((BLK, D), lambda i: (i, 0)),
            pl.BlockSpec((NC, BLK, D), lambda i: (0, i, 0)),
            pl.BlockSpec((NC, BLK, LANES), lambda i: (0, i, 0)),
            pl.BlockSpec((D, D), lambda i: (0, 0)),
        ],
        out_specs=pl.BlockSpec((BLK, D), lambda i: (i, 0)),
        out_shape=jax.ShapeDtypeStruct((N, D), jnp.float32),
    )


_combine_relu = _make_combine(True)
_combine_lin = _make_combine(False)


def kernel(h, e, edge_index, W_self0, W_neigh0, b0, W_self1, W_neigh1, b1):
    ei = edge_index.reshape(2, NCHT, CH)
    b0r = b0.reshape(1, D)
    b1r = b1.reshape(1, D)

    part0, degp = _sc_agg_fn(True)(h, ei)
    smm0 = _selfmm(h, W_self0, b0r)
    h1 = _combine_relu(smm0, part0, degp, W_neigh0)
    (part1,) = _sc_agg_fn(False)(h1, ei)
    smm1 = _selfmm(h1, W_self1, b1r)
    h2 = _combine_lin(smm1, part1, degp, W_neigh1)
    return (h2, e)

# --- scband reference (transcript-rebuilt; emitter-appended) ---
"""Pipeline reference for scband-sage-processor-29180007809053 (READ-ONLY COPY).

The authoritative reference and input builder live on the scoring server;
editing this copy changes nothing except your own understanding.
"""

import jax, jax.numpy as jnp
import numpy as np

N = 10000
E = 320000
D = 128
DE = 16


def setup_inputs(seed: int = 0) -> dict:
    key = jax.random.key(seed)
    ks = jax.random.split(key, 10)
    h = jax.random.normal(ks[0], (N, D), dtype=jnp.float32)
    e = jax.random.normal(ks[1], (E, DE), dtype=jnp.float32)
    edge_index = jax.random.randint(ks[2], (2, E), 0, N, dtype=jnp.int32)
    s = 1.0 / np.sqrt(D)
    W_self0 = jax.random.normal(ks[3], (D, D), dtype=jnp.float32) * s
    W_neigh0 = jax.random.normal(ks[4], (D, D), dtype=jnp.float32) * s
    b0 = jnp.zeros((D,), dtype=jnp.float32)
    W_self1 = jax.random.normal(ks[5], (D, D), dtype=jnp.float32) * s
    W_neigh1 = jax.random.normal(ks[6], (D, D), dtype=jnp.float32) * s
    b1 = jnp.zeros((D,), dtype=jnp.float32)
    return {"h": h, "e": e, "edge_index": edge_index,
            "W_self0": W_self0, "W_neigh0": W_neigh0, "b0": b0,
            "W_self1": W_self1, "W_neigh1": W_neigh1, "b1": b1}


def _sage_layer(h, edge_index, W_self, W_neigh, b):
    # DGL SAGEConv with 'mean' aggregator, feat_drop=0.0:
    # h_neigh = mean_{src in N(dst)} h[src]; out = h @ W_self + h_neigh @ W_neigh + b
    src = edge_index[0]
    dst = edge_index[1]
    n = h.shape[0]
    msg = jnp.take(h, src, axis=0)                              # gather [E, D]
    summed = jax.ops.segment_sum(msg, dst, num_segments=n)      # scatter-add [N, D]
    deg = jax.ops.segment_sum(jnp.ones((src.shape[0],), dtype=h.dtype), dst, num_segments=n)
    h_neigh = summed / jnp.clip(deg, 1.0)[:, None]
    return h @ W_self + h_neigh @ W_neigh + b


def reference(h, e, edge_index, W_self0, W_neigh0, b0, W_self1, W_neigh1, b1):
    h1 = jax.nn.relu(_sage_layer(h, edge_index, W_self0, W_neigh0, b0))
    h2 = _sage_layer(h1, edge_index, W_self1, W_neigh1, b1)
    return (h2, e)

if __name__ == "__main__":
    import jax
    _d = setup_inputs()
    print(jax.jit(kernel)(*tuple(_d.values())))

</pallas_src>

<mosaic_0001>
#map = affine_map<(d0, d1) -> (0, 0)>
#map1 = affine_map<(d0, d1) -> (0, 0, 0)>
module attributes {stable_mosaic.version = 14 : i64} {
  func.func @body(%arg0: i32, %arg1: i32, %arg2: memref<10000x128xf32, #tpu.memory_space<hbm>>, %arg3: memref<2x2560x125xi32, #tpu.memory_space<hbm>>, %arg4: memref<2x10240x128xf32, #tpu.memory_space<hbm>>, %arg5: memref<10240x128xf32, #tpu.memory_space<vmem_shared>>, %arg6: memref<2x125xi32, #tpu.memory_space<vmem>>, %arg7: memref<2x125xi32, #tpu.memory_space<vmem>>, %arg8: memref<2x125xi32, #tpu.memory_space<vmem>>, %arg9: memref<2x125xi32, #tpu.memory_space<vmem>>, %arg10: memref<125x128xf32, #tpu.memory_space<vmem>>, %arg11: memref<125x128xf32, #tpu.memory_space<vmem>>, %arg12: memref<16x128xf32, #tpu.memory_space<vmem>>, %arg13: memref<!tpu.dma_semaphore, #tpu.memory_space<semaphore_mem>>, %arg14: memref<!tpu.dma_semaphore, #tpu.memory_space<semaphore_mem>>, %arg15: memref<!tpu.dma_semaphore, #tpu.memory_space<semaphore_mem>>, %arg16: memref<!tpu.dma_semaphore, #tpu.memory_space<semaphore_mem>>, %arg17: memref<!tpu.dma_semaphore, #tpu.memory_space<semaphore_mem>>, %arg18: memref<!tpu.dma_semaphore, #tpu.memory_space<semaphore_mem>>, %arg19: memref<!tpu.dma_semaphore, #tpu.memory_space<semaphore_mem>>, %arg20: memref<!tpu.dma_semaphore, #tpu.memory_space<semaphore_mem>>, %arg21: memref<!tpu.dma_semaphore, #tpu.memory_space<semaphore_mem>>, %arg22: memref<!tpu.dma_semaphore, #tpu.memory_space<semaphore_mem>>) attributes {dimension_semantics = [#tpu.dimension_semantics<core_parallel>, #tpu.dimension_semantics<subcore_parallel>], iteration_bounds = array<i64: 2, 16>, scalar_prefetch = 0 : i64, scratch_operands = 18 : i64, tpu.core_type = #tpu.core_type<sc_vector_subcore>, window_params = [{transform_indices = #map}, {transform_indices = #map1}, {transform_indices = #map1}]} {
    %mul3A = arith.constant 16 : i32
    %mul3A_0 = arith.muli %arg0, %mul3A : i32
    %add3A = arith.addi %mul3A_0, %arg1 : i32
    %broadcast_in_dim3A = arith.constant 0.000000e+00 : f32
    %broadcast_in_dim3A_1 = vector.broadcast %broadcast_in_dim3A : f32 to vector<16xf32>
    %scan3A = arith.constant 0 : i32
    %scan3A_2 = arith.constant 0 : i32
    %scan3A_3 = arith.constant 128 : i32
    %scan3A_4 = arith.addi %scan3A_2, %scan3A_3 : i32
    %scan3A_5 = arith.constant 1 : i32
    %scan3A_6 = scf.for %scan3A_635 = %scan3A_2 to %scan3A_4 step %scan3A_5 iter_args(%scan3A_636 = %scan3A) -> (i32)  : i32 {
      %jit3A = arith.constant 8 : i32
      %div3A = arith.divsi %scan3A_635, %jit3A : i32
      %sign3A = arith.constant 0 : i32
      %sign3A_637 = arith.cmpi sgt, %scan3A_635, %sign3A : i32
      %sign3A_638 = arith.extui %sign3A_637 : i1 to i32
      %sign3A_639 = arith.constant 0 : i32
      %sign3A_640 = arith.cmpi slt, %scan3A_635, %sign3A_639 : i32
      %sign3A_641 = arith.extui %sign3A_640 : i1 to i32
      %sign3A_642 = arith.subi %sign3A_638, %sign3A_641 : i32
      %sign3A_643 = arith.constant 0 : i32
      %sign3A_644 = arith.cmpi sgt, %jit3A, %sign3A_643 : i32
      %sign3A_645 = arith.extui %sign3A_644 : i1 to i32
      %sign3A_646 = arith.constant 0 : i32
      %sign3A_647 = arith.cmpi slt, %jit3A, %sign3A_646 : i32
      %sign3A_648 = arith.extui %sign3A_647 : i1 to i32
      %sign3A_649 = arith.subi %sign3A_645, %sign3A_648 : i32
      %ne3A = arith.cmpi ne, %sign3A_642, %sign3A_649 : i32
      %rem3A = arith.remsi %scan3A_635, %jit3A : i32
      %ne3A_650 = arith.constant 0 : i32
      %ne3A_651 = arith.cmpi ne, %rem3A, %ne3A_650 : i32
      %and3A = arith.andi %ne3A, %ne3A_651 : i1
      %sub3A = arith.constant 1 : i32
      %sub3A_652 = arith.subi %div3A, %sub3A : i32
      %select_n3A = arith.select %and3A, %sub3A_652, %div3A : i32
      %jit3A_653 = arith.constant 8 : i32
      %eq3A = arith.constant 0 : i32
      %eq3A_654 = arith.cmpi eq, %jit3A_653, %eq3A : i32
      %jit3A_655 = arith.constant 1 : i32
      %select_n3A_656 = arith.select %eq3A_654, %jit3A_655, %jit3A_653 : i32
      %rem3A_657 = arith.remsi %scan3A_635, %select_n3A_656 : i32
      %ne3A_658 = arith.constant 0 : i32
      %ne3A_659 = arith.cmpi ne, %rem3A_657, %ne3A_658 : i32
      %lt3A = arith.constant 0 : i32
      %lt3A_660 = arith.cmpi slt, %rem3A_657, %lt3A : i32
      %lt3A_661 = arith.constant 0 : i32
      %lt3A_662 = arith.cmpi slt, %select_n3A_656, %lt3A_661 : i32
      %ne3A_663 = arith.xori %lt3A_660, %lt3A_662 : i1
      %and3A_664 = arith.andi %ne3A_663, %ne3A_659 : i1
      %add3A_665 = arith.addi %rem3A_657, %select_n3A_656 : i32
      %select_n3A_666 = arith.select %and3A_664, %add3A_665, %rem3A_657 : i32
      %mul3A_667 = arith.constant 16 : i32
      %mul3A_668 = arith.muli %select_n3A_666, %mul3A_667 : i32
      %swap3A = arith.index_cast %select_n3A : i32 to index
      %swap3A_669 = arith.index_cast %mul3A_668 : i32 to index
      %swap3A_670 = tpu.vector_load %arg12[%swap3A, %swap3A_669] {strides = array<i32>} : memref<16x128xf32, #tpu.memory_space<vmem>>, vector<1x16xf32>,
      %swap3A_671 = vector.shape_cast %swap3A_670 : vector<1x16xf32> to vector<16xf32>
      %swap3A_672 = vector.shape_cast %broadcast_in_dim3A_1 : vector<16xf32> to vector<1x16xf32>
      tpu.vector_store %arg12[%swap3A, %swap3A_669], %swap3A_672 {strides = array<i32>} : memref<16x128xf32, #tpu.memory_space<vmem>>, vector<1x16xf32>,
      %scan3A_673 = arith.constant 0 : i32
      scf.yield %scan3A_673 : i32
    }
    %scan3A_7 = arith.constant 128 : i32
    %mul3A_8 = arith.constant 640 : i32
    %mul3A_9 = arith.muli %arg1, %mul3A_8 : i32
    %add3A_10 = arith.constant 0 : i32
    %add3A_11 = arith.addi %mul3A_9, %add3A_10 : i32
    %mul3A_12 = arith.constant 640 : i32
    %mul3A_13 = arith.muli %arg1, %mul3A_12 : i32
    %add3A_14 = arith.constant 16 : i32
    %add3A_15 = arith.addi %mul3A_13, %add3A_14 : i32
    %mul3A_16 = arith.constant 640 : i32
    %mul3A_17 = arith.muli %arg1, %mul3A_16 : i32
    %add3A_18 = arith.constant 32 : i32
    %add3A_19 = arith.addi %mul3A_17, %add3A_18 : i32
    %mul3A_20 = arith.constant 640 : i32
    %mul3A_21 = arith.muli %arg1, %mul3A_20 : i32
    %add3A_22 = arith.constant 48 : i32
    %add3A_23 = arith.addi %mul3A_21, %add3A_22 : i32
    %mul3A_24 = arith.constant 640 : i32
    %mul3A_25 = arith.muli %arg1, %mul3A_24 : i32
    %add3A_26 = arith.constant 64 : i32
    %add3A_27 = arith.addi %mul3A_25, %add3A_26 : i32
    %mul3A_28 = arith.constant 640 : i32
    %mul3A_29 = arith.muli %arg1, %mul3A_28 : i32
    %add3A_30 = arith.constant 80 : i32
    %add3A_31 = arith.addi %mul3A_29, %add3A_30 : i32
    %mul3A_32 = arith.constant 640 : i32
    %mul3A_33 = arith.muli %arg1, %mul3A_32 : i32
    %add3A_34 = arith.constant 96 : i32
    %add3A_35 = arith.addi %mul3A_33, %add3A_34 : i32
    %mul3A_36 = arith.constant 640 : i32
    %mul3A_37 = arith.muli %arg1, %mul3A_36 : i32
    %add3A_38 = arith.constant 112 : i32
    %add3A_39 = arith.addi %mul3A_37, %add3A_38 : i32
    %mul3A_40 = arith.constant 640 : i32
    %mul3A_41 = arith.muli %arg1, %mul3A_40 : i32
    %add3A_42 = arith.constant 128 : i32
    %add3A_43 = arith.addi %mul3A_41, %add3A_42 : i32
    %mul3A_44 = arith.constant 640 : i32
    %mul3A_45 = arith.muli %arg1, %mul3A_44 : i32
    %add3A_46 = arith.constant 144 : i32
    %add3A_47 = arith.addi %mul3A_45, %add3A_46 : i32
    %mul3A_48 = arith.constant 640 : i32
    %mul3A_49 = arith.muli %arg1, %mul3A_48 : i32
    %add3A_50 = arith.constant 160 : i32
    %add3A_51 = arith.addi %mul3A_49, %add3A_50 : i32
    %mul3A_52 = arith.constant 640 : i32
    %mul3A_53 = arith.muli %arg1, %mul3A_52 : i32
    %add3A_54 = arith.constant 176 : i32
    %add3A_55 = arith.addi %mul3A_53, %add3A_54 : i32
    %mul3A_56 = arith.constant 640 : i32
    %mul3A_57 = arith.muli %arg1, %mul3A_56 : i32
    %add3A_58 = arith.constant 192 : i32
    %add3A_59 = arith.addi %mul3A_57, %add3A_58 : i32
    %mul3A_60 = arith.constant 640 : i32
    %mul3A_61 = arith.muli %arg1, %mul3A_60 : i32
    %add3A_62 = arith.constant 208 : i32
    %add3A_63 = arith.addi %mul3A_61, %add3A_62 : i32
    %mul3A_64 = arith.constant 640 : i32
    %mul3A_65 = arith.muli %arg1, %mul3A_64 : i32
    %add3A_66 = arith.constant 224 : i32
    %add3A_67 = arith.addi %mul3A_65, %add3A_66 : i32
    %mul3A_68 = arith.constant 640 : i32
    %mul3A_69 = arith.muli %arg1, %mul3A_68 : i32
    %add3A_70 = arith.constant 240 : i32
    %add3A_71 = arith.addi %mul3A_69, %add3A_70 : i32
    %mul3A_72 = arith.constant 640 : i32
    %mul3A_73 = arith.muli %arg1, %mul3A_72 : i32
    %add3A_74 = arith.constant 256 : i32
    %add3A_75 = arith.addi %mul3A_73, %add3A_74 : i32
    %mul3A_76 = arith.constant 640 : i32
    %mul3A_77 = arith.muli %arg1, %mul3A_76 : i32
    %add3A_78 = arith.constant 272 : i32
    %add3A_79 = arith.addi %mul3A_77, %add3A_78 : i32
    %mul3A_80 = arith.constant 640 : i32
    %mul3A_81 = arith.muli %arg1, %mul3A_80 : i32
    %add3A_82 = arith.constant 288 : i32
    %add3A_83 = arith.addi %mul3A_81, %add3A_82 : i32
    %mul3A_84 = arith.constant 640 : i32
    %mul3A_85 = arith.muli %arg1, %mul3A_84 : i32
    %add3A_86 = arith.constant 304 : i32
    %add3A_87 = arith.addi %mul3A_85, %add3A_86 : i32
    %mul3A_88 = arith.constant 640 : i32
    %mul3A_89 = arith.muli %arg1, %mul3A_88 : i32
    %add3A_90 = arith.constant 320 : i32
    %add3A_91 = arith.addi %mul3A_89, %add3A_90 : i32
    %mul3A_92 = arith.constant 640 : i32
    %mul3A_93 = arith.muli %arg1, %mul3A_92 : i32
    %add3A_94 = arith.constant 336 : i32
    %add3A_95 = arith.addi %mul3A_93, %add3A_94 : i32
    %mul3A_96 = arith.constant 640 : i32
    %mul3A_97 = arith.muli %arg1, %mul3A_96 : i32
    %add3A_98 = arith.constant 352 : i32
    %add3A_99 = arith.addi %mul3A_97, %add3A_98 : i32
    %mul3A_100 = arith.constant 640 : i32
    %mul3A_101 = arith.muli %arg1, %mul3A_100 : i32
    %add3A_102 = arith.constant 368 : i32
    %add3A_103 = arith.addi %mul3A_101, %add3A_102 : i32
    %mul3A_104 = arith.constant 640 : i32
    %mul3A_105 = arith.muli %arg1, %mul3A_104 : i32
    %add3A_106 = arith.constant 384 : i32
    %add3A_107 = arith.addi %mul3A_105, %add3A_106 : i32
    %mul3A_108 = arith.constant 640 : i32
    %mul3A_109 = arith.muli %arg1, %mul3A_108 : i32
    %add3A_110 = arith.constant 400 : i32
    %add3A_111 = arith.addi %mul3A_109, %add3A_110 : i32
    %mul3A_112 = arith.constant 640 : i32
    %mul3A_113 = arith.muli %arg1, %mul3A_112 : i32
    %add3A_114 = arith.constant 416 : i32
    %add3A_115 = arith.addi %mul3A_113, %add3A_114 : i32
    %mul3A_116 = arith.constant 640 : i32
    %mul3A_117 = arith.muli %arg1, %mul3A_116 : i32
    %add3A_118 = arith.constant 432 : i32
    %add3A_119 = arith.addi %mul3A_117, %add3A_118 : i32
    %mul3A_120 = arith.constant 640 : i32
    %mul3A_121 = arith.muli %arg1, %mul3A_120 : i32
    %add3A_122 = arith.constant 448 : i32
    %add3A_123 = arith.addi %mul3A_121, %add3A_122 : i32
    %mul3A_124 = arith.constant 640 : i32
    %mul3A_125 = arith.muli %arg1, %mul3A_124 : i32
    %add3A_126 = arith.constant 464 : i32
    %add3A_127 = arith.addi %mul3A_125, %add3A_126 : i32
    %mul3A_128 = arith.constant 640 : i32
    %mul3A_129 = arith.muli %arg1, %mul3A_128 : i32
    %add3A_130 = arith.constant 480 : i32
    %add3A_131 = arith.addi %mul3A_129, %add3A_130 : i32
    %mul3A_132 = arith.constant 640 : i32
    %mul3A_133 = arith.muli %arg1, %mul3A_132 : i32
    %add3A_134 = arith.constant 496 : i32
    %add3A_135 = arith.addi %mul3A_133, %add3A_134 : i32
    %mul3A_136 = arith.constant 640 : i32
    %mul3A_137 = arith.muli %arg1, %mul3A_136 : i32
    %add3A_138 = arith.constant 512 : i32
    %add3A_139 = arith.addi %mul3A_137, %add3A_138 : i32
    %mul3A_140 = arith.constant 640 : i32
    %mul3A_141 = arith.muli %arg1, %mul3A_140 : i32
    %add3A_142 = arith.constant 528 : i32
    %add3A_143 = arith.addi %mul3A_141, %add3A_142 : i32
    %mul3A_144 = arith.constant 640 : i32
    %mul3A_145 = arith.muli %arg1, %mul3A_144 : i32
    %add3A_146 = arith.constant 544 : i32
    %add3A_147 = arith.addi %mul3A_145, %add3A_146 : i32
    %mul3A_148 = arith.constant 640 : i32
    %mul3A_149 = arith.muli %arg1, %mul3A_148 : i32
    %add3A_150 = arith.constant 560 : i32
    %add3A_151 = arith.addi %mul3A_149, %add3A_150 : i32
    %mul3A_152 = arith.constant 640 : i32
    %mul3A_153 = arith.muli %arg1, %mul3A_152 : i32
    %add3A_154 = arith.constant 576 : i32
    %add3A_155 = arith.addi %mul3A_153, %add3A_154 : i32
    %mul3A_156 = arith.constant 640 : i32
    %mul3A_157 = arith.muli %arg1, %mul3A_156 : i32
    %add3A_158 = arith.constant 592 : i32
    %add3A_159 = arith.addi %mul3A_157, %add3A_158 : i32
    %mul3A_160 = arith.constant 640 : i32
    %mul3A_161 = arith.muli %arg1, %mul3A_160 : i32
    %add3A_162 = arith.constant 608 : i32
    %add3A_163 = arith.addi %mul3A_161, %add3A_162 : i32
    %mul3A_164 = arith.constant 640 : i32
    %mul3A_165 = arith.muli %arg1, %mul3A_164 : i32
    %add3A_166 = arith.constant 624 : i32
    %add3A_167 = arith.addi %mul3A_165, %add3A_166 : i32
    %dma_start3A = arith.constant 0 : i32
    %dma_start3A_168 = tpu.memref_slice %arg5[%add3A_11, %dma_start3A] : memref<10240x128xf32, #tpu.memory_space<vmem_shared>> -> memref<16x128xf32, #tpu.memory_space<vmem_shared>>
    %dma_start3A_169 = arith.constant 0 : i32
    %dma_start3A_170 = tpu.memref_slice %arg5[%add3A_11, %dma_start3A_169] : memref<10240x128xf32, #tpu.memory_space<vmem_shared>> -> memref<16x128xf32, #tpu.memory_space<vmem_shared>>
    tpu.enqueue_dma source(%arg12 : memref<16x128xf32, #tpu.memory_space<vmem>>) target(%dma_start3A_170 : memref<16x128xf32, #tpu.memory_space<vmem_shared>>) target_semaphore(%arg13 : memref<!tpu.dma_semaphore, #tpu.memory_space<semaphore_mem>>)
    %dma_start3A_171 = arith.constant 0 : i32
    %dma_start3A_172 = tpu.memref_slice %arg5[%add3A_15, %dma_start3A_171] : memref<10240x128xf32, #tpu.memory_space<vmem_shared>> -> memref<16x128xf32, #tpu.memory_space<vmem_shared>>
    %dma_start3A_173 = arith.constant 0 : i32
    %dma_start3A_174 = tpu.memref_slice %arg5[%add3A_15, %dma_start3A_173] : memref<10240x128xf32, #tpu.memory_space<vmem_shared>> -> memref<16x128xf32, #tpu.memory_space<vmem_shared>>
    tpu.enqueue_dma source(%arg12 : memref<16x128xf32, #tpu.memory_space<vmem>>) target(%dma_start3A_174 : memref<16x128xf32, #tpu.memory_space<vmem_shared>>) target_semaphore(%arg15 : memref<!tpu.dma_semaphore, #tpu.memory_space<semaphore_mem>>)
    %dma_start3A_175 = arith.constant 0 : i32
    %dma_start3A_176 = tpu.memref_slice %arg5[%add3A_19, %dma_start3A_175] : memref<10240x128xf32, #tpu.memory_space<vmem_shared>> -> memref<16x128xf32, #tpu.memory_space<vmem_shared>>
    %dma_start3A_177 = arith.constant 0 : i32
    %dma_start3A_178 = tpu.memref_slice %arg5[%add3A_19, %dma_start3A_177] : memref<10240x128xf32, #tpu.memory_space<vmem_shared>> -> memref<16x128xf32, #tpu.memory_space<vmem_shared>>
    tpu.enqueue_dma source(%arg12 : memref<16x128xf32, #tpu.memory_space<vmem>>) target(%dma_start3A_178 : memref<16x128xf32, #tpu.memory_space<vmem_shared>>) target_semaphore(%arg17 : memref<!tpu.dma_semaphore, #tpu.memory_space<semaphore_mem>>)
    %dma_start3A_179 = arith.constant 0 : i32
    %dma_start3A_180 = tpu.memref_slice %arg5[%add3A_23, %dma_start3A_179] : memref<10240x128xf32, #tpu.memory_space<vmem_shared>> -> memref<16x128xf32, #tpu.memory_space<vmem_shared>>
    %dma_start3A_181 = arith.constant 0 : i32
    %dma_start3A_182 = tpu.memref_slice %arg5[%add3A_23, %dma_start3A_181] : memref<10240x128xf32, #tpu.memory_space<vmem_shared>> -> memref<16x128xf32, #tpu.memory_space<vmem_shared>>
    tpu.enqueue_dma source(%arg12 : memref<16x128xf32, #tpu.memory_space<vmem>>) target(%dma_start3A_182 : memref<16x128xf32, #tpu.memory_space<vmem_shared>>) target_semaphore(%arg19 : memref<!tpu.dma_semaphore, #tpu.memory_space<semaphore_mem>>)
    %dma_start3A_183 = arith.constant 0 : i32
    %dma_start3A_184 = tpu.memref_slice %arg5[%add3A_27, %dma_start3A_183] : memref<10240x128xf32, #tpu.memory_space<vmem_shared>> -> memref<16x128xf32, #tpu.memory_space<vmem_shared>>
    %dma_start3A_185 = arith.constant 0 : i32
    %dma_start3A_186 = tpu.memref_slice %arg5[%add3A_27, %dma_start3A_185] : memref<10240x128xf32, #tpu.memory_space<vmem_shared>> -> memref<16x128xf32, #tpu.memory_space<vmem_shared>>
    tpu.enqueue_dma source(%arg12 : memref<16x128xf32, #tpu.memory_space<vmem>>) target(%dma_start3A_186 : memref<16x128xf32, #tpu.memory_space<vmem_shared>>) target_semaphore(%arg13 : memref<!tpu.dma_semaphore, #tpu.memory_space<semaphore_mem>>)
    %dma_start3A_187 = arith.constant 0 : i32
    %dma_start3A_188 = tpu.memref_slice %arg5[%add3A_31, %dma_start3A_187] : memref<10240x128xf32, #tpu.memory_space<vmem_shared>> -> memref<16x128xf32, #tpu.memory_space<vmem_shared>>
    %dma_start3A_189 = arith.constant 0 : i32
    %dma_start3A_190 = tpu.memref_slice %arg5[%add3A_31, %dma_start3A_189] : memref<10240x128xf32, #tpu.memory_space<vmem_shared>> -> memref<16x128xf32, #tpu.memory_space<vmem_shared>>
    tpu.enqueue_dma source(%arg12 : memref<16x128xf32, #tpu.memory_space<vmem>>) target(%dma_start3A_190 : memref<16x128xf32, #tpu.memory_space<vmem_shared>>) target_semaphore(%arg15 : memref<!tpu.dma_semaphore, #tpu.memory_space<semaphore_mem>>)
    %dma_start3A_191 = arith.constant 0 : i32
    %dma_start3A_192 = tpu.memref_slice %arg5[%add3A_35, %dma_start3A_191] : memref<10240x128xf32, #tpu.memory_space<vmem_shared>> -> memref<16x128xf32, #tpu.memory_space<vmem_shared>>
    %dma_start3A_193 = arith.constant 0 : i32
    %dma_start3A_194 = tpu.memref_slice %arg5[%add3A_35, %dma_start3A_193] : memref<10240x128xf32, #tpu.memory_space<vmem_shared>> -> memref<16x128xf32, #tpu.memory_space<vmem_shared>>
    tpu.enqueue_dma source(%arg12 : memref<16x128xf32, #tpu.memory_space<vmem>>) target(%dma_start3A_194 : memref<16x128xf32, #tpu.memory_space<vmem_shared>>) target_semaphore(%arg17 : memref<!tpu.dma_semaphore, #tpu.memory_space<semaphore_mem>>)
    %dma_start3A_195 = arith.constant 0 : i32
    %dma_start3A_196 = tpu.memref_slice %arg5[%add3A_39, %dma_start3A_195] : memref<10240x128xf32, #tpu.memory_space<vmem_shared>> -> memref<16x128xf32, #tpu.memory_space<vmem_shared>>
    %dma_start3A_197 = arith.constant 0 : i32
    %dma_start3A_198 = tpu.memref_slice %arg5[%add3A_39, %dma_start3A_197] : memref<10240x128xf32, #tpu.memory_space<vmem_shared>> -> memref<16x128xf32, #tpu.memory_space<vmem_shared>>
    tpu.enqueue_dma source(%arg12 : memref<16x128xf32, #tpu.memory_space<vmem>>) target(%dma_start3A_198 : memref<16x128xf32, #tpu.memory_space<vmem_shared>>) target_semaphore(%arg19 : memref<!tpu.dma_semaphore, #tpu.memory_space<semaphore_mem>>)
    %dma_start3A_199 = arith.constant 0 : i32
    %dma_start3A_200 = tpu.memref_slice %arg5[%add3A_43, %dma_start3A_199] : memref<10240x128xf32, #tpu.memory_space<vmem_shared>> -> memref<16x128xf32, #tpu.memory_space<vmem_shared>>
    %dma_start3A_201 = arith.constant 0 : i32
    %dma_start3A_202 = tpu.memref_slice %arg5[%add3A_43, %dma_start3A_201] : memref<10240x128xf32, #tpu.memory_space<vmem_shared>> -> memref<16x128xf32, #tpu.memory_space<vmem_shared>>
    tpu.enqueue_dma source(%arg12 : memref<16x128xf32, #tpu.memory_space<vmem>>) target(%dma_start3A_202 : memref<16x128xf32, #tpu.memory_space<vmem_shared>>) target_semaphore(%arg13 : memref<!tpu.dma_semaphore, #tpu.memory_space<semaphore_mem>>)
    %dma_start3A_203 = arith.constant 0 : i32
    %dma_start3A_204 = tpu.memref_slice %arg5[%add3A_47, %dma_start3A_203] : memref<10240x128xf32, #tpu.memory_space<vmem_shared>> -> memref<16x128xf32, #tpu.memory_space<vmem_shared>>
    %dma_start3A_205 = arith.constant 0 : i32
    %dma_start3A_206 = tpu.memref_slice %arg5[%add3A_47, %dma_start3A_205] : memref<10240x128xf32, #tpu.memory_space<vmem_shared>> -> memref<16x128xf32, #tpu.memory_space<vmem_shared>>
    tpu.enqueue_dma source(%arg12 : memref<16x128xf32, #tpu.memory_space<vmem>>) target(%dma_start3A_206 : memref<16x128xf32, #tpu.memory_space<vmem_shared>>) target_semaphore(%arg15 : memref<!tpu.dma_semaphore, #tpu.memory_space<semaphore_mem>>)
    %dma_start3A_207 = arith.constant 0 : i32
    %dma_start3A_208 = tpu.memref_slice %arg5[%add3A_51, %dma_start3A_207] : memref<10240x128xf32, #tpu.memory_space<vmem_shared>> -> memref<16x128xf32, #tpu.memory_space<vmem_shared>>
    %dma_start3A_209 = arith.constant 0 : i32
    %dma_start3A_210 = tpu.memref_slice %arg5[%add3A_51, %dma_start3A_209] : memref<10240x128xf32, #tpu.memory_space<vmem_shared>> -> memref<16x128xf32, #tpu.memory_space<vmem_shared>>
    tpu.enqueue_dma source(%arg12 : memref<16x128xf32, #tpu.memory_space<vmem>>) target(%dma_start3A_210 : memref<16x128xf32, #tpu.memory_space<vmem_shared>>) target_semaphore(%arg17 : memref<!tpu.dma_semaphore, #tpu.memory_space<semaphore_mem>>)
    %dma_start3A_211 = arith.constant 0 : i32
    %dma_start3A_212 = tpu.memref_slice %arg5[%add3A_55, %dma_start3A_211] : memref<10240x128xf32, #tpu.memory_space<vmem_shared>> -> memref<16x128xf32, #tpu.memory_space<vmem_shared>>
    %dma_start3A_213 = arith.constant 0 : i32
    %dma_start3A_214 = tpu.memref_slice %arg5[%add3A_55, %dma_start3A_213] : memref<10240x128xf32, #tpu.memory_space<vmem_shared>> -> memref<16x128xf32, #tpu.memory_space<vmem_shared>>
    tpu.enqueue_dma source(%arg12 : memref<16x128xf32, #tpu.memory_space<vmem>>) target(%dma_start3A_214 : memref<16x128xf32, #tpu.memory_space<vmem_shared>>) target_semaphore(%arg19 : memref<!tpu.dma_semaphore, #tpu.memory_space<semaphore_mem>>)
    %dma_start3A_215 = arith.constant 0 : i32
    %dma_start3A_216 = tpu.memref_slice %arg5[%add3A_59, %dma_start3A_215] : memref<10240x128xf32, #tpu.memory_space<vmem_shared>> -> memref<16x128xf32, #tpu.memory_space<vmem_shared>>
    %dma_start3A_217 = arith.constant 0 : i32
    %dma_start3A_218 = tpu.memref_slice %arg5[%add3A_59, %dma_start3A_217] : memref<10240x128xf32, #tpu.memory_space<vmem_shared>> -> memref<16x128xf32, #tpu.memory_space<vmem_shared>>
    tpu.enqueue_dma source(%arg12 : memref<16x128xf32, #tpu.memory_space<vmem>>) target(%dma_start3A_218 : memref<16x128xf32, #tpu.memory_space<vmem_shared>>) target_semaphore(%arg13 : memref<!tpu.dma_semaphore, #tpu.memory_space<semaphore_mem>>)
    %dma_start3A_219 = arith.constant 0 : i32
    %dma_start3A_220 = tpu.memref_slice %arg5[%add3A_63, %dma_start3A_219] : memref<10240x128xf32, #tpu.memory_space<vmem_shared>> -> memref<16x128xf32, #tpu.memory_space<vmem_shared>>
    %dma_start3A_221 = arith.constant 0 : i32
    %dma_start3A_222 = tpu.memref_slice %arg5[%add3A_63, %dma_start3A_221] : memref<10240x128xf32, #tpu.memory_space<vmem_shared>> -> memref<16x128xf32, #tpu.memory_space<vmem_shared>>
    tpu.enqueue_dma source(%arg12 : memref<16x128xf32, #tpu.memory_space<vmem>>) target(%dma_start3A_222 : memref<16x128xf32, #tpu.memory_space<vmem_shared>>) target_semaphore(%arg15 : memref<!tpu.dma_semaphore, #tpu.memory_space<semaphore_mem>>)
    %dma_start3A_223 = arith.constant 0 : i32
    %dma_start3A_224 = tpu.memref_slice %arg5[%add3A_67, %dma_start3A_223] : memref<10240x128xf32, #tpu.memory_space<vmem_shared>> -> memref<16x128xf32, #tpu.memory_space<vmem_shared>>
    %dma_start3A_225 = arith.constant 0 : i32
    %dma_start3A_226 = tpu.memref_slice %arg5[%add3A_67, %dma_start3A_225] : memref<10240x128xf32, #tpu.memory_space<vmem_shared>> -> memref<16x128xf32, #tpu.memory_space<vmem_shared>>
    tpu.enqueue_dma source(%arg12 : memref<16x128xf32, #tpu.memory_space<vmem>>) target(%dma_start3A_226 : memref<16x128xf32, #tpu.memory_space<vmem_shared>>) target_semaphore(%arg17 : memref<!tpu.dma_semaphore, #tpu.memory_space<semaphore_mem>>)
    %dma_start3A_227 = arith.constant 0 : i32
    %dma_start3A_228 = tpu.memref_slice %arg5[%add3A_71, %dma_start3A_227] : memref<10240x128xf32, #tpu.memory_space<vmem_shared>> -> memref<16x128xf32, #tpu.memory_space<vmem_shared>>
    %dma_start3A_229 = arith.constant 0 : i32
    %dma_start3A_230 = tpu.memref_slice %arg5[%add3A_71, %dma_start3A_229] : memref<10240x128xf32, #tpu.memory_space<vmem_shared>> -> memref<16x128xf32, #tpu.memory_space<vmem_shared>>
    tpu.enqueue_dma source(%arg12 : memref<16x128xf32, #tpu.memory_space<vmem>>) target(%dma_start3A_230 : memref<16x128xf32, #tpu.memory_space<vmem_shared>>) target_semaphore(%arg19 : memref<!tpu.dma_semaphore, #tpu.memory_space<semaphore_mem>>)
    %dma_start3A_231 = arith.constant 0 : i32
    %dma_start3A_232 = tpu.memref_slice %arg5[%add3A_75, %dma_start3A_231] : memref<10240x128xf32, #tpu.memory_space<vmem_shared>> -> memref<16x128xf32, #tpu.memory_space<vmem_shared>>
    %dma_start3A_233 = arith.constant 0 : i32
    %dma_start3A_234 = tpu.memref_slice %arg5[%add3A_75, %dma_start3A_233] : memref<10240x128xf32, #tpu.memory_space<vmem_shared>> -> memref<16x128xf32, #tpu.memory_space<vmem_shared>>
    tpu.enqueue_dma source(%arg12 : memref<16x128xf32, #tpu.memory_space<vmem>>) target(%dma_start3A_234 : memref<16x128xf32, #tpu.memory_space<vmem_shared>>) target_semaphore(%arg13 : memref<!tpu.dma_semaphore, #tpu.memory_space<semaphore_mem>>)
    %dma_start3A_235 = arith.constant 0 : i32
    %dma_start3A_236 = tpu.memref_slice %arg5[%add3A_79, %dma_start3A_235] : memref<10240x128xf32, #tpu.memory_space<vmem_shared>> -> memref<16x128xf32, #tpu.memory_space<vmem_shared>>
    %dma_start3A_237 = arith.constant 0 : i32
    %dma_start3A_238 = tpu.memref_slice %arg5[%add3A_79, %dma_start3A_237] : memref<10240x128xf32, #tpu.memory_space<vmem_shared>> -> memref<16x128xf32, #tpu.memory_space<vmem_shared>>
    tpu.enqueue_dma source(%arg12 : memref<16x128xf32, #tpu.memory_space<vmem>>) target(%dma_start3A_238 : memref<16x128xf32, #tpu.memory_space<vmem_shared>>) target_semaphore(%arg15 : memref<!tpu.dma_semaphore, #tpu.memory_space<semaphore_mem>>)
    %dma_start3A_239 = arith.constant 0 : i32
    %dma_start3A_240 = tpu.memref_slice %arg5[%add3A_83, %dma_start3A_239] : memref<10240x128xf32, #tpu.memory_space<vmem_shared>> -> memref<16x128xf32, #tpu.memory_space<vmem_shared>>
    %dma_start3A_241 = arith.constant 0 : i32
    %dma_start3A_242 = tpu.memref_slice %arg5[%add3A_83, %dma_start3A_241] : memref<10240x128xf32, #tpu.memory_space<vmem_shared>> -> memref<16x128xf32, #tpu.memory_space<vmem_shared>>
    tpu.enqueue_dma source(%arg12 : memref<16x128xf32, #tpu.memory_space<vmem>>) target(%dma_start3A_242 : memref<16x128xf32, #tpu.memory_space<vmem_shared>>) target_semaphore(%arg17 : memref<!tpu.dma_semaphore, #tpu.memory_space<semaphore_mem>>)
    %dma_start3A_243 = arith.constant 0 : i32
    %dma_start3A_244 = tpu.memref_slice %arg5[%add3A_87, %dma_start3A_243] : memref<10240x128xf32, #tpu.memory_space<vmem_shared>> -> memref<16x128xf32, #tpu.memory_space<vmem_shared>>
    %dma_start3A_245 = arith.constant 0 : i32
    %dma_start3A_246 = tpu.memref_slice %arg5[%add3A_87, %dma_start3A_245] : memref<10240x128xf32, #tpu.memory_space<vmem_shared>> -> memref<16x128xf32, #tpu.memory_space<vmem_shared>>
    tpu.enqueue_dma source(%arg12 : memref<16x128xf32, #tpu.memory_space<vmem>>) target(%dma_start3A_246 : memref<16x128xf32, #tpu.memory_space<vmem_shared>>) target_semaphore(%arg19 : memref<!tpu.dma_semaphore, #tpu.memory_space<semaphore_mem>>)
    %dma_start3A_247 = arith.constant 0 : i32
    %dma_start3A_248 = tpu.memref_slice %arg5[%add3A_91, %dma_start3A_247] : memref<10240x128xf32, #tpu.memory_space<vmem_shared>> -> memref<16x128xf32, #tpu.memory_space<vmem_shared>>
    %dma_start3A_249 = arith.constant 0 : i32
    %dma_start3A_250 = tpu.memref_slice %arg5[%add3A_91, %dma_start3A_249] : memref<10240x128xf32, #tpu.memory_space<vmem_shared>> -> memref<16x128xf32, #tpu.memory_space<vmem_shared>>
    tpu.enqueue_dma source(%arg12 : memref<16x128xf32, #tpu.memory_space<vmem>>) target(%dma_start3A_250 : memref<16x128xf32, #tpu.memory_space<vmem_shared>>) target_semaphore(%arg13 : memref<!tpu.dma_semaphore, #tpu.memory_space<semaphore_mem>>)
    %dma_start3A_251 = arith.constant 0 : i32
    %dma_start3A_252 = tpu.memref_slice %arg5[%add3A_95, %dma_start3A_251] : memref<10240x128xf32, #tpu.memory_space<vmem_shared>> -> memref<16x128xf32, #tpu.memory_space<vmem_shared>>
    %dma_start3A_253 = arith.constant 0 : i32
    %dma_start3A_254 = tpu.memref_slice %arg5[%add3A_95, %dma_start3A_253] : memref<10240x128xf32, #tpu.memory_space<vmem_shared>> -> memref<16x128xf32, #tpu.memory_space<vmem_shared>>
    tpu.enqueue_dma source(%arg12 : memref<16x128xf32, #tpu.memory_space<vmem>>) target(%dma_start3A_254 : memref<16x128xf32, #tpu.memory_space<vmem_shared>>) target_semaphore(%arg15 : memref<!tpu.dma_semaphore, #tpu.memory_space<semaphore_mem>>)
    %dma_start3A_255 = arith.constant 0 : i32
    %dma_start3A_256 = tpu.memref_slice %arg5[%add3A_99, %dma_start3A_255] : memref<10240x128xf32, #tpu.memory_space<vmem_shared>> -> memref<16x128xf32, #tpu.memory_space<vmem_shared>>
    %dma_start3A_257 = arith.constant 0 : i32
    %dma_start3A_258 = tpu.memref_slice %arg5[%add3A_99, %dma_start3A_257] : memref<10240x128xf32, #tpu.memory_space<vmem_shared>> -> memref<16x128xf32, #tpu.memory_space<vmem_shared>>
    tpu.enqueue_dma source(%arg12 : memref<16x128xf32, #tpu.memory_space<vmem>>) target(%dma_start3A_258 : memref<16x128xf32, #tpu.memory_space<vmem_shared>>) target_semaphore(%arg17 : memref<!tpu.dma_semaphore, #tpu.memory_space<semaphore_mem>>)
    %dma_start3A_259 = arith.constant 0 : i32
    %dma_start3A_260 = tpu.memref_slice %arg5[%add3A_103, %dma_start3A_259] : memref<10240x128xf32, #tpu.memory_space<vmem_shared>> -> memref<16x128xf32, #tpu.memory_space<vmem_shared>>
    %dma_start3A_261 = arith.constant 0 : i32
    %dma_start3A_262 = tpu.memref_slice %arg5[%add3A_103, %dma_start3A_261] : memref<10240x128xf32, #tpu.memory_space<vmem_shared>> -> memref<16x128xf32, #tpu.memory_space<vmem_shared>>
    tpu.enqueue_dma source(%arg12 : memref<16x128xf32, #tpu.memory_space<vmem>>) target(%dma_start3A_262 : memref<16x128xf32, #tpu.memory_space<vmem_shared>>) target_semaphore(%arg19 : memref<!tpu.dma_semaphore, #tpu.memory_space<semaphore_mem>>)
    %dma_start3A_263 = arith.constant 0 : i32
    %dma_start3A_264 = tpu.memref_slice %arg5[%add3A_107, %dma_start3A_263] : memref<10240x128xf32, #tpu.memory_space<vmem_shared>> -> memref<16x128xf32, #tpu.memory_space<vmem_shared>>
    %dma_start3A_265 = arith.constant 0 : i32
    %dma_start3A_266 = tpu.memref_slice %arg5[%add3A_107, %dma_start3A_265] : memref<10240x128xf32, #tpu.memory_space<vmem_shared>> -> memref<16x128xf32, #tpu.memory_space<vmem_shared>>
    tpu.enqueue_dma source(%arg12 : memref<16x128xf32, #tpu.memory_space<vmem>>) target(%dma_start3A_266 : memref<16x128xf32, #tpu.memory_space<vmem_shared>>) target_semaphore(%arg13 : memref<!tpu.dma_semaphore, #tpu.memory_space<semaphore_mem>>)
    %dma_start3A_267 = arith.constant 0 : i32
    %dma_start3A_268 = tpu.memref_slice %arg5[%add3A_111, %dma_start3A_267] : memref<10240x128xf32, #tpu.memory_space<vmem_shared>> -> memref<16x128xf32, #tpu.memory_space<vmem_shared>>
    %dma_start3A_269 = arith.constant 0 : i32
    %dma_start3A_270 = tpu.memref_slice %arg5[%add3A_111, %dma_start3A_269] : memref<10240x128xf32, #tpu.memory_space<vmem_shared>> -> memref<16x128xf32, #tpu.memory_space<vmem_shared>>
    tpu.enqueue_dma source(%arg12 : memref<16x128xf32, #tpu.memory_space<vmem>>) target(%dma_start3A_270 : memref<16x128xf32, #tpu.memory_space<vmem_shared>>) target_semaphore(%arg15 : memref<!tpu.dma_semaphore, #tpu.memory_space<semaphore_mem>>)
    %dma_start3A_271 = arith.constant 0 : i32
    %dma_start3A_272 = tpu.memref_slice %arg5[%add3A_115, %dma_start3A_271] : memref<10240x128xf32, #tpu.memory_space<vmem_shared>> -> memref<16x128xf32, #tpu.memory_space<vmem_shared>>
    %dma_start3A_273 = arith.constant 0 : i32
    %dma_start3A_274 = tpu.memref_slice %arg5[%add3A_115, %dma_start3A_273] : memref<10240x128xf32, #tpu.memory_space<vmem_shared>> -> memref<16x128xf32, #tpu.memory_space<vmem_shared>>
    tpu.enqueue_dma source(%arg12 : memref<16x128xf32, #tpu.memory_space<vmem>>) target(%dma_start3A_274 : memref<16x128xf32, #tpu.memory_space<vmem_shared>>) target_semaphore(%arg17 : memref<!tpu.dma_semaphore, #tpu.memory_space<semaphore_mem>>)
    %dma_start3A_275 = arith.constant 0 : i32
    %dma_start3A_276 = tpu.memref_slice %arg5[%add3A_119, %dma_start3A_275] : memref<10240x128xf32, #tpu.memory_space<vmem_shared>> -> memref<16x128xf32, #tpu.memory_space<vmem_shared>>
    %dma_start3A_277 = arith.constant 0 : i32
    %dma_start3A_278 = tpu.memref_slice %arg5[%add3A_119, %dma_start3A_277] : memref<10240x128xf32, #tpu.memory_space<vmem_shared>> -> memref<16x128xf32, #tpu.memory_space<vmem_shared>>
    tpu.enqueue_dma source(%arg12 : memref<16x128xf32, #tpu.memory_space<vmem>>) target(%dma_start3A_278 : memref<16x128xf32, #tpu.memory_space<vmem_shared>>) target_semaphore(%arg19 : memref<!tpu.dma_semaphore, #tpu.memory_space<semaphore_mem>>)
    %dma_start3A_279 = arith.constant 0 : i32
    %dma_start3A_280 = tpu.memref_slice %arg5[%add3A_123, %dma_start3A_279] : memref<10240x128xf32, #tpu.memory_space<vmem_shared>> -> memref<16x128xf32, #tpu.memory_space<vmem_shared>>
    %dma_start3A_281 = arith.constant 0 : i32
    %dma_start3A_282 = tpu.memref_slice %arg5[%add3A_123, %dma_start3A_281] : memref<10240x128xf32, #tpu.memory_space<vmem_shared>> -> memref<16x128xf32, #tpu.memory_space<vmem_shared>>
    tpu.enqueue_dma source(%arg12 : memref<16x128xf32, #tpu.memory_space<vmem>>) target(%dma_start3A_282 : memref<16x128xf32, #tpu.memory_space<vmem_shared>>) target_semaphore(%arg13 : memref<!tpu.dma_semaphore, #tpu.memory_space<semaphore_mem>>)
    %dma_start3A_283 = arith.constant 0 : i32
    %dma_start3A_284 = tpu.memref_slice %arg5[%add3A_127, %dma_start3A_283] : memref<10240x128xf32, #tpu.memory_space<vmem_shared>> -> memref<16x128xf32, #tpu.memory_space<vmem_shared>>
    %dma_start3A_285 = arith.constant 0 : i32
    %dma_start3A_286 = tpu.memref_slice %arg5[%add3A_127, %dma_start3A_285] : memref<10240x128xf32, #tpu.memory_space<vmem_shared>> -> memref<16x128xf32, #tpu.memory_space<vmem_shared>>
    tpu.enqueue_dma source(%arg12 : memref<16x128xf32, #tpu.memory_space<vmem>>) target(%dma_start3A_286 : memref<16x128xf32, #tpu.memory_space<vmem_shared>>) target_semaphore(%arg15 : memref<!tpu.dma_semaphore, #tpu.memory_space<semaphore_mem>>)
    %dma_start3A_287 = arith.constant 0 : i32
    %dma_start3A_288 = tpu.memref_slice %arg5[%add3A_131, %dma_start3A_287] : memref<10240x128xf32, #tpu.memory_space<vmem_shared>> -> memref<16x128xf32, #tpu.memory_space<vmem_shared>>
    %dma_start3A_289 = arith.constant 0 : i32
    %dma_start3A_290 = tpu.memref_slice %arg5[%add3A_131, %dma_start3A_289] : memref<10240x128xf32, #tpu.memory_space<vmem_shared>> -> memref<16x128xf32, #tpu.memory_space<vmem_shared>>
    tpu.enqueue_dma source(%arg12 : memref<16x128xf32, #tpu.memory_space<vmem>>) target(%dma_start3A_290 : memref<16x128xf32, #tpu.memory_space<vmem_shared>>) target_semaphore(%arg17 : memref<!tpu.dma_semaphore, #tpu.memory_space<semaphore_mem>>)
    %dma_start3A_291 = arith.constant 0 : i32
    %dma_start3A_292 = tpu.memref_slice %arg5[%add3A_135, %dma_start3A_291] : memref<10240x128xf32, #tpu.memory_space<vmem_shared>> -> memref<16x128xf32, #tpu.memory_space<vmem_shared>>
    %dma_start3A_293 = arith.constant 0 : i32
    %dma_start3A_294 = tpu.memref_slice %arg5[%add3A_135, %dma_start3A_293] : memref<10240x128xf32, #tpu.memory_space<vmem_shared>> -> memref<16x128xf32, #tpu.memory_space<vmem_shared>>
    tpu.enqueue_dma source(%arg12 : memref<16x128xf32, #tpu.memory_space<vmem>>) target(%dma_start3A_294 : memref<16x128xf32, #tpu.memory_space<vmem_shared>>) target_semaphore(%arg19 : memref<!tpu.dma_semaphore, #tpu.memory_space<semaphore_mem>>)
    %dma_start3A_295 = arith.constant 0 : i32
    %dma_start3A_296 = tpu.memref_slice %arg5[%add3A_139, %dma_start3A_295] : memref<10240x128xf32, #tpu.memory_space<vmem_shared>> -> memref<16x128xf32, #tpu.memory_space<vmem_shared>>
    %dma_start3A_297 = arith.constant 0 : i32
    %dma_start3A_298 = tpu.memref_slice %arg5[%add3A_139, %dma_start3A_297] : memref<10240x128xf32, #tpu.memory_space<vmem_shared>> -> memref<16x128xf32, #tpu.memory_space<vmem_shared>>
    tpu.enqueue_dma source(%arg12 : memref<16x128xf32, #tpu.memory_space<vmem>>) target(%dma_start3A_298 : memref<16x128xf32, #tpu.memory_space<vmem_shared>>) target_semaphore(%arg13 : memref<!tpu.dma_semaphore, #tpu.memory_space<semaphore_mem>>)
    %dma_start3A_299 = arith.constant 0 : i32
    %dma_start3A_300 = tpu.memref_slice %arg5[%add3A_143, %dma_start3A_299] : memref<10240x128xf32, #tpu.memory_space<vmem_shared>> -> memref<16x128xf32, #tpu.memory_space<vmem_shared>>
    %dma_start3A_301 = arith.constant 0 : i32
    %dma_start3A_302 = tpu.memref_slice %arg5[%add3A_143, %dma_start3A_301] : memref<10240x128xf32, #tpu.memory_space<vmem_shared>> -> memref<16x128xf32, #tpu.memory_space<vmem_shared>>
    tpu.enqueue_dma source(%arg12 : memref<16x128xf32, #tpu.memory_space<vmem>>) target(%dma_start3A_302 : memref<16x128xf32, #tpu.memory_space<vmem_shared>>) target_semaphore(%arg15 : memref<!tpu.dma_semaphore, #tpu.memory_space<semaphore_mem>>)
    %dma_start3A_303 = arith.constant 0 : i32
    %dma_start3A_304 = tpu.memref_slice %arg5[%add3A_147, %dma_start3A_303] : memref<10240x128xf32, #tpu.memory_space<vmem_shared>> -> memref<16x128xf32, #tpu.memory_space<vmem_shared>>
    %dma_start3A_305 = arith.constant 0 : i32
    %dma_start3A_306 = tpu.memref_slice %arg5[%add3A_147, %dma_start3A_305] : memref<10240x128xf32, #tpu.memory_space<vmem_shared>> -> memref<16x128xf32, #tpu.memory_space<vmem_shared>>
    tpu.enqueue_dma source(%arg12 : memref<16x128xf32, #tpu.memory_space<vmem>>) target(%dma_start3A_306 : memref<16x128xf32, #tpu.memory_space<vmem_shared>>) target_semaphore(%arg17 : memref<!tpu.dma_semaphore, #tpu.memory_space<semaphore_mem>>)
    %dma_start3A_307 = arith.constant 0 : i32
    %dma_start3A_308 = tpu.memref_slice %arg5[%add3A_151, %dma_start3A_307] : memref<10240x128xf32, #tpu.memory_space<vmem_shared>> -> memref<16x128xf32, #tpu.memory_space<vmem_shared>>
    %dma_start3A_309 = arith.constant 0 : i32
    %dma_start3A_310 = tpu.memref_slice %arg5[%add3A_151, %dma_start3A_309] : memref<10240x128xf32, #tpu.memory_space<vmem_shared>> -> memref<16x128xf32, #tpu.memory_space<vmem_shared>>
    tpu.enqueue_dma source(%arg12 : memref<16x128xf32, #tpu.memory_space<vmem>>) target(%dma_start3A_310 : memref<16x128xf32, #tpu.memory_space<vmem_shared>>) target_semaphore(%arg19 : memref<!tpu.dma_semaphore, #tpu.memory_space<semaphore_mem>>)
    %dma_start3A_311 = arith.constant 0 : i32
    %dma_start3A_312 = tpu.memref_slice %arg5[%add3A_155, %dma_start3A_311] : memref<10240x128xf32, #tpu.memory_space<vmem_shared>> -> memref<16x128xf32, #tpu.memory_space<vmem_shared>>
    %dma_start3A_313 = arith.constant 0 : i32
    %dma_start3A_314 = tpu.memref_slice %arg5[%add3A_155, %dma_start3A_313] : memref<10240x128xf32, #tpu.memory_space<vmem_shared>> -> memref<16x128xf32, #tpu.memory_space<vmem_shared>>
    tpu.enqueue_dma source(%arg12 : memref<16x128xf32, #tpu.memory_space<vmem>>) target(%dma_start3A_314 : memref<16x128xf32, #tpu.memory_space<vmem_shared>>) target_semaphore(%arg13 : memref<!tpu.dma_semaphore, #tpu.memory_space<semaphore_mem>>)
    %dma_start3A_315 = arith.constant 0 : i32
    %dma_start3A_316 = tpu.memref_slice %arg5[%add3A_159, %dma_start3A_315] : memref<10240x128xf32, #tpu.memory_space<vmem_shared>> -> memref<16x128xf32, #tpu.memory_space<vmem_shared>>
    %dma_start3A_317 = arith.constant 0 : i32
    %dma_start3A_318 = tpu.memref_slice %arg5[%add3A_159, %dma_start3A_317] : memref<10240x128xf32, #tpu.memory_space<vmem_shared>> -> memref<16x128xf32, #tpu.memory_space<vmem_shared>>
    tpu.enqueue_dma source(%arg12 : memref<16x128xf32, #tpu.memory_space<vmem>>) target(%dma_start3A_318 : memref<16x128xf32, #tpu.memory_space<vmem_shared>>) target_semaphore(%arg15 : memref<!tpu.dma_semaphore, #tpu.memory_space<semaphore_mem>>)
    %dma_start3A_319 = arith.constant 0 : i32
    %dma_start3A_320 = tpu.memref_slice %arg5[%add3A_163, %dma_start3A_319] : memref<10240x128xf32, #tpu.memory_space<vmem_shared>> -> memref<16x128xf32, #tpu.memory_space<vmem_shared>>
    %dma_start3A_321 = arith.constant 0 : i32
    %dma_start3A_322 = tpu.memref_slice %arg5[%add3A_163, %dma_start3A_321] : memref<10240x128xf32, #tpu.memory_space<vmem_shared>> -> memref<16x128xf32, #tpu.memory_space<vmem_shared>>
    tpu.enqueue_dma source(%arg12 : memref<16x128xf32, #tpu.memory_space<vmem>>) target(%dma_start3A_322 : memref<16x128xf32, #tpu.memory_space<vmem_shared>>) target_semaphore(%arg17 : memref<!tpu.dma_semaphore, #tpu.memory_space<semaphore_mem>>)
    %dma_start3A_323 = arith.constant 0 : i32
    %dma_start3A_324 = tpu.memref_slice %arg5[%add3A_167, %dma_start3A_323] : memref<10240x128xf32, #tpu.memory_space<vmem_shared>> -> memref<16x128xf32, #tpu.memory_space<vmem_shared>>
    %dma_start3A_325 = arith.constant 0 : i32
    %dma_start3A_326 = tpu.memref_slice %arg5[%add3A_167, %dma_start3A_325] : memref<10240x128xf32, #tpu.memory_space<vmem_shared>> -> memref<16x128xf32, #tpu.memory_space<vmem_shared>>
    tpu.enqueue_dma source(%arg12 : memref<16x128xf32, #tpu.memory_space<vmem>>) target(%dma_start3A_326 : memref<16x128xf32, #tpu.memory_space<vmem_shared>>) target_semaphore(%arg19 : memref<!tpu.dma_semaphore, #tpu.memory_space<semaphore_mem>>)
    %dma_wait3A = arith.constant 0 : i32
    %dma_wait3A_327 = tpu.memref_slice %arg5[%add3A_11, %dma_wait3A] : memref<10240x128xf32, #tpu.memory_space<vmem_shared>> -> memref<16x128xf32, #tpu.memory_space<vmem_shared>>
    %dma_wait3A_328 = arith.constant 0 : i32
    %dma_wait3A_329 = tpu.memref_slice %arg5[%add3A_11, %dma_wait3A_328] : memref<10240x128xf32, #tpu.memory_space<vmem_shared>> -> memref<16x128xf32, #tpu.memory_space<vmem_shared>>
    tpu.wait_dma2 semaphore(%arg13 : memref<!tpu.dma_semaphore, #tpu.memory_space<semaphore_mem>>) src(%arg12 : memref<16x128xf32, #tpu.memory_space<vmem>>) dst(%dma_wait3A_329 : memref<16x128xf32, #tpu.memory_space<vmem_shared>>)
    %dma_wait3A_330 = arith.constant 0 : i32
    %dma_wait3A_331 = tpu.memref_slice %arg5[%add3A_15, %dma_wait3A_330] : memref<10240x128xf32, #tpu.memory_space<vmem_shared>> -> memref<16x128xf32, #tpu.memory_space<vmem_shared>>
    %dma_wait3A_332 = arith.constant 0 : i32
    %dma_wait3A_333 = tpu.memref_slice %arg5[%add3A_15, %dma_wait3A_332] : memref<10240x128xf32, #tpu.memory_space<vmem_shared>> -> memref<16x128xf32, #tpu.memory_space<vmem_shared>>
    tpu.wait_dma2 semaphore(%arg15 : memref<!tpu.dma_semaphore, #tpu.memory_space<semaphore_mem>>) src(%arg12 : memref<16x128xf32, #tpu.memory_space<vmem>>) dst(%dma_wait3A_333 : memref<16x128xf32, #tpu.memory_space<vmem_shared>>)
    %dma_wait3A_334 = arith.constant 0 : i32
    %dma_wait3A_335 = tpu.memref_slice %arg5[%add3A_19, %dma_wait3A_334] : memref<10240x128xf32, #tpu.memory_space<vmem_shared>> -> memref<16x128xf32, #tpu.memory_space<vmem_shared>>
    %dma_wait3A_336 = arith.constant 0 : i32
    %dma_wait3A_337 = tpu.memref_slice %arg5[%add3A_19, %dma_wait3A_336] : memref<10240x128xf32, #tpu.memory_space<vmem_shared>> -> memref<16x128xf32, #tpu.memory_space<vmem_shared>>
    tpu.wait_dma2 semaphore(%arg17 : memref<!tpu.dma_semaphore, #tpu.memory_space<semaphore_mem>>) src(%arg12 : memref<16x128xf32, #tpu.memory_space<vmem>>) dst(%dma_wait3A_337 : memref<16x128xf32, #tpu.memory_space<vmem_shared>>)
    %dma_wait3A_338 = arith.constant 0 : i32
    %dma_wait3A_339 = tpu.memref_slice %arg5[%add3A_23, %dma_wait3A_338] : memref<10240x128xf32, #tpu.memory_space<vmem_shared>> -> memref<16x128xf32, #tpu.memory_space<vmem_shared>>
    %dma_wait3A_340 = arith.constant 0 : i32
    %dma_wait3A_341 = tpu.memref_slice %arg5[%add3A_23, %dma_wait3A_340] : memref<10240x128xf32, #tpu.memory_space<vmem_shared>> -> memref<16x128xf32, #tpu.memory_space<vmem_shared>>
    tpu.wait_dma2 semaphore(%arg19 : memref<!tpu.dma_semaphore, #tpu.memory_space<semaphore_mem>>) src(%arg12 : memref<16x128xf32, #tpu.memory_space<vmem>>) dst(%dma_wait3A_341 : memref<16x128xf32, #tpu.memory_space<vmem_shared>>)
    %dma_wait3A_342 = arith.constant 0 : i32
    %dma_wait3A_343 = tpu.memref_slice %arg5[%add3A_27, %dma_wait3A_342] : memref<10240x128xf32, #tpu.memory_space<vmem_shared>> -> memref<16x128xf32, #tpu.memory_space<vmem_shared>>
    %dma_wait3A_344 = arith.constant 0 : i32
    %dma_wait3A_345 = tpu.memref_slice %arg5[%add3A_27, %dma_wait3A_344] : memref<10240x128xf32, #tpu.memory_space<vmem_shared>> -> memref<16x128xf32, #tpu.memory_space<vmem_shared>>
    tpu.wait_dma2 semaphore(%arg13 : memref<!tpu.dma_semaphore, #tpu.memory_space<semaphore_mem>>) src(%arg12 : memref<16x128xf32, #tpu.memory_space<vmem>>) dst(%dma_wait3A_345 : memref<16x128xf32, #tpu.memory_space<vmem_shared>>)
    %dma_wait3A_346 = arith.constant 0 : i32
    %dma_wait3A_347 = tpu.memref_slice %arg5[%add3A_31, %dma_wait3A_346] : memref<10240x128xf32, #tpu.memory_space<vmem_shared>> -> memref<16x128xf32, #tpu.memory_space<vmem_shared>>
    %dma_wait3A_348 = arith.constant 0 : i32
    %dma_wait3A_349 = tpu.memref_slice %arg5[%add3A_31, %dma_wait3A_348] : memref<10240x128xf32, #tpu.memory_space<vmem_shared>> -> memref<16x128xf32, #tpu.memory_space<vmem_shared>>
    tpu.wait_dma2 semaphore(%arg15 : memref<!tpu.dma_semaphore, #tpu.memory_space<semaphore_mem>>) src(%arg12 : memref<16x128xf32, #tpu.memory_space<vmem>>) dst(%dma_wait3A_349 : memref<16x128xf32, #tpu.memory_space<vmem_shared>>)
    %dma_wait3A_350 = arith.constant 0 : i32
    %dma_wait3A_351 = tpu.memref_slice %arg5[%add3A_35, %dma_wait3A_350] : memref<10240x128xf32, #tpu.memory_space<vmem_shared>> -> memref<16x128xf32, #tpu.memory_space<vmem_shared>>
    %dma_wait3A_352 = arith.constant 0 : i32
    %dma_wait3A_353 = tpu.memref_slice %arg5[%add3A_35, %dma_wait3A_352] : memref<10240x128xf32, #tpu.memory_space<vmem_shared>> -> memref<16x128xf32, #tpu.memory_space<vmem_shared>>
    tpu.wait_dma2 semaphore(%arg17 : memref<!tpu.dma_semaphore, #tpu.memory_space<semaphore_mem>>) src(%arg12 : memref<16x128xf32, #tpu.memory_space<vmem>>) dst(%dma_wait3A_353 : memref<16x128xf32, #tpu.memory_space<vmem_shared>>)
    %dma_wait3A_354 = arith.constant 0 : i32
    %dma_wait3A_355 = tpu.memref_slice %arg5[%add3A_39, %dma_wait3A_354] : memref<10240x128xf32, #tpu.memory_space<vmem_shared>> -> memref<16x128xf32, #tpu.memory_space<vmem_shared>>
    %dma_wait3A_356 = arith.constant 0 : i32
    %dma_wait3A_357 = tpu.memref_slice %arg5[%add3A_39, %dma_wait3A_356] : memref<10240x128xf32, #tpu.memory_space<vmem_shared>> -> memref<16x128xf32, #tpu.memory_space<vmem_shared>>
    tpu.wait_dma2 semaphore(%arg19 : memref<!tpu.dma_semaphore, #tpu.memory_space<semaphore_mem>>) src(%arg12 : memref<16x128xf32, #tpu.memory_space<vmem>>) dst(%dma_wait3A_357 : memref<16x128xf32, #tpu.memory_space<vmem_shared>>)
    %dma_wait3A_358 = arith.constant 0 : i32
    %dma_wait3A_359 = tpu.memref_slice %arg5[%add3A_43, %dma_wait3A_358] : memref<10240x128xf32, #tpu.memory_space<vmem_shared>> -> memref<16x128xf32, #tpu.memory_space<vmem_shared>>
    %dma_wait3A_360 = arith.constant 0 : i32
    %dma_wait3A_361 = tpu.memref_slice %arg5[%add3A_43, %dma_wait3A_360] : memref<10240x128xf32, #tpu.memory_space<vmem_shared>> -> memref<16x128xf32, #tpu.memory_space<vmem_shared>>
    tpu.wait_dma2 semaphore(%arg13 : memref<!tpu.dma_semaphore, #tpu.memory_space<semaphore_mem>>) src(%arg12 : memref<16x128xf32, #tpu.memory_space<vmem>>) dst(%dma_wait3A_361 : memref<16x128xf32, #tpu.memory_space<vmem_shared>>)
    %dma_wait3A_362 = arith.constant 0 : i32
    %dma_wait3A_363 = tpu.memref_slice %arg5[%add3A_47, %dma_wait3A_362] : memref<10240x128xf32, #tpu.memory_space<vmem_shared>> -> memref<16x128xf32, #tpu.memory_space<vmem_shared>>
    %dma_wait3A_364 = arith.constant 0 : i32
    %dma_wait3A_365 = tpu.memref_slice %arg5[%add3A_47, %dma_wait3A_364] : memref<10240x128xf32, #tpu.memory_space<vmem_shared>> -> memref<16x128xf32, #tpu.memory_space<vmem_shared>>
    tpu.wait_dma2 semaphore(%arg15 : memref<!tpu.dma_semaphore, #tpu.memory_space<semaphore_mem>>) src(%arg12 : memref<16x128xf32, #tpu.memory_space<vmem>>) dst(%dma_wait3A_365 : memref<16x128xf32, #tpu.memory_space<vmem_shared>>)
    %dma_wait3A_366 = arith.constant 0 : i32
    %dma_wait3A_367 = tpu.memref_slice %arg5[%add3A_51, %dma_wait3A_366] : memref<10240x128xf32, #tpu.memory_space<vmem_shared>> -> memref<16x128xf32, #tpu.memory_space<vmem_shared>>
    %dma_wait3A_368 = arith.constant 0 : i32
    %dma_wait3A_369 = tpu.memref_slice %arg5[%add3A_51, %dma_wait3A_368] : memref<10240x128xf32, #tpu.memory_space<vmem_shared>> -> memref<16x128xf32, #tpu.memory_space<vmem_shared>>
    tpu.wait_dma2 semaphore(%arg17 : memref<!tpu.dma_semaphore, #tpu.memory_space<semaphore_mem>>) src(%arg12 : memref<16x128xf32, #tpu.memory_space<vmem>>) dst(%dma_wait3A_369 : memref<16x128xf32, #tpu.memory_space<vmem_shared>>)
    %dma_wait3A_370 = arith.constant 0 : i32
    %dma_wait3A_371 = tpu.memref_slice %arg5[%add3A_55, %dma_wait3A_370] : memref<10240x128xf32, #tpu.memory_space<vmem_shared>> -> memref<16x128xf32, #tpu.memory_space<vmem_shared>>
    %dma_wait3A_372 = arith.constant 0 : i32
    %dma_wait3A_373 = tpu.memref_slice %arg5[%add3A_55, %dma_wait3A_372] : memref<10240x128xf32, #tpu.memory_space<vmem_shared>> -> memref<16x128xf32, #tpu.memory_space<vmem_shared>>
    tpu.wait_dma2 semaphore(%arg19 : memref<!tpu.dma_semaphore, #tpu.memory_space<semaphore_mem>>) src(%arg12 : memref<16x128xf32, #tpu.memory_space<vmem>>) dst(%dma_wait3A_373 : memref<16x128xf32, #tpu.memory_space<vmem_shared>>)
    %dma_wait3A_374 = arith.constant 0 : i32
    %dma_wait3A_375 = tpu.memref_slice %arg5[%add3A_59, %dma_wait3A_374] : memref<10240x128xf32, #tpu.memory_space<vmem_shared>> -> memref<16x128xf32, #tpu.memory_space<vmem_shared>>
    %dma_wait3A_376 = arith.constant 0 : i32
    %dma_wait3A_377 = tpu.memref_slice %arg5[%add3A_59, %dma_wait3A_376] : memref<10240x128xf32, #tpu.memory_space<vmem_shared>> -> memref<16x128xf32, #tpu.memory_space<vmem_shared>>
    tpu.wait_dma2 semaphore(%arg13 : memref<!tpu.dma_semaphore, #tpu.memory_space<semaphore_mem>>) src(%arg12 : memref<16x128xf32, #tpu.memory_space<vmem>>) dst(%dma_wait3A_377 : memref<16x128xf32, #tpu.memory_space<vmem_shared>>)
    %dma_wait3A_378 = arith.constant 0 : i32
    %dma_wait3A_379 = tpu.memref_slice %arg5[%add3A_63, %dma_wait3A_378] : memref<10240x128xf32, #tpu.memory_space<vmem_shared>> -> memref<16x128xf32, #tpu.memory_space<vmem_shared>>
    %dma_wait3A_380 = arith.constant 0 : i32
    %dma_wait3A_381 = tpu.memref_slice %arg5[%add3A_63, %dma_wait3A_380] : memref<10240x128xf32, #tpu.memory_space<vmem_shared>> -> memref<16x128xf32, #tpu.memory_space<vmem_shared>>
    tpu.wait_dma2 semaphore(%arg15 : memref<!tpu.dma_semaphore, #tpu.memory_space<semaphore_mem>>) src(%arg12 : memref<16x128xf32, #tpu.memory_space<vmem>>) dst(%dma_wait3A_381 : memref<16x128xf32, #tpu.memory_space<vmem_shared>>)
    %dma_wait3A_382 = arith.constant 0 : i32
    %dma_wait3A_383 = tpu.memref_slice %arg5[%add3A_67, %dma_wait3A_382] : memref<10240x128xf32, #tpu.memory_space<vmem_shared>> -> memref<16x128xf32, #tpu.memory_space<vmem_shared>>
    %dma_wait3A_384 = arith.constant 0 : i32
    %dma_wait3A_385 = tpu.memref_slice %arg5[%add3A_67, %dma_wait3A_384] : memref<10240x128xf32, #tpu.memory_space<vmem_shared>> -> memref<16x128xf32, #tpu.memory_space<vmem_shared>>
    tpu.wait_dma2 semaphore(%arg17 : memref<!tpu.dma_semaphore, #tpu.memory_space<semaphore_mem>>) src(%arg12 : memref<16x128xf32, #tpu.memory_space<vmem>>) dst(%dma_wait3A_385 : memref<16x128xf32, #tpu.memory_space<vmem_shared>>)
    %dma_wait3A_386 = arith.constant 0 : i32
    %dma_wait3A_387 = tpu.memref_slice %arg5[%add3A_71, %dma_wait3A_386] : memref<10240x128xf32, #tpu.memory_space<vmem_shared>> -> memref<16x128xf32, #tpu.memory_space<vmem_shared>>
    %dma_wait3A_388 = arith.constant 0 : i32
    %dma_wait3A_389 = tpu.memref_slice %arg5[%add3A_71, %dma_wait3A_388] : memref<10240x128xf32, #tpu.memory_space<vmem_shared>> -> memref<16x128xf32, #tpu.memory_space<vmem_shared>>
    tpu.wait_dma2 semaphore(%arg19 : memref<!tpu.dma_semaphore, #tpu.memory_space<semaphore_mem>>) src(%arg12 : memref<16x128xf32, #tpu.memory_space<vmem>>) dst(%dma_wait3A_389 : memref<16x128xf32, #tpu.memory_space<vmem_shared>>)
    %dma_wait3A_390 = arith.constant 0 : i32
    %dma_wait3A_391 = tpu.memref_slice %arg5[%add3A_75, %dma_wait3A_390] : memref<10240x128xf32, #tpu.memory_space<vmem_shared>> -> memref<16x128xf32, #tpu.memory_space<vmem_shared>>
    %dma_wait3A_392 = arith.constant 0 : i32
    %dma_wait3A_393 = tpu.memref_slice %arg5[%add3A_75, %dma_wait3A_392] : memref<10240x128xf32, #tpu.memory_space<vmem_shared>> -> memref<16x128xf32, #tpu.memory_space<vmem_shared>>
    tpu.wait_dma2 semaphore(%arg13 : memref<!tpu.dma_semaphore, #tpu.memory_space<semaphore_mem>>) src(%arg12 : memref<16x128xf32, #tpu.memory_space<vmem>>) dst(%dma_wait3A_393 : memref<16x128xf32, #tpu.memory_space<vmem_shared>>)
    %dma_wait3A_394 = arith.constant 0 : i32
    %dma_wait3A_395 = tpu.memref_slice %arg5[%add3A_79, %dma_wait3A_394] : memref<10240x128xf32, #tpu.memory_space<vmem_shared>> -> memref<16x128xf32, #tpu.memory_space<vmem_shared>>
    %dma_wait3A_396 = arith.constant 0 : i32
    %dma_wait3A_397 = tpu.memref_slice %arg5[%add3A_79, %dma_wait3A_396] : memref<10240x128xf32, #tpu.memory_space<vmem_shared>> -> memref<16x128xf32, #tpu.memory_space<vmem_shared>>
    tpu.wait_dma2 semaphore(%arg15 : memref<!tpu.dma_semaphore, #tpu.memory_space<semaphore_mem>>) src(%arg12 : memref<16x128xf32, #tpu.memory_space<vmem>>) dst(%dma_wait3A_397 : memref<16x128xf32, #tpu.memory_space<vmem_shared>>)
    %dma_wait3A_398 = arith.constant 0 : i32
    %dma_wait3A_399 = tpu.memref_slice %arg5[%add3A_83, %dma_wait3A_398] : memref<10240x128xf32, #tpu.memory_space<vmem_shared>> -> memref<16x128xf32, #tpu.memory_space<vmem_shared>>
    %dma_wait3A_400 = arith.constant 0 : i32
    %dma_wait3A_401 = tpu.memref_slice %arg5[%add3A_83, %dma_wait3A_400] : memref<10240x128xf32, #tpu.memory_space<vmem_shared>> -> memref<16x128xf32, #tpu.memory_space<vmem_shared>>
    tpu.wait_dma2 semaphore(%arg17 : memref<!tpu.dma_semaphore, #tpu.memory_space<semaphore_mem>>) src(%arg12 : memref<16x128xf32, #tpu.memory_space<vmem>>) dst(%dma_wait3A_401 : memref<16x128xf32, #tpu.memory_space<vmem_shared>>)
    %dma_wait3A_402 = arith.constant 0 : i32
    %dma_wait3A_403 = tpu.memref_slice %arg5[%add3A_87, %dma_wait3A_402] : memref<10240x128xf32, #tpu.memory_space<vmem_shared>> -> memref<16x128xf32, #tpu.memory_space<vmem_shared>>
    %dma_wait3A_404 = arith.constant 0 : i32
    %dma_wait3A_405 = tpu.memref_slice %arg5[%add3A_87, %dma_wait3A_404] : memref<10240x128xf32, #tpu.memory_space<vmem_shared>> -> memref<16x128xf32, #tpu.memory_space<vmem_shared>>
    tpu.wait_dma2 semaphore(%arg19 : memref<!tpu.dma_semaphore, #tpu.memory_space<semaphore_mem>>) src(%arg12 : memref<16x128xf32, #tpu.memory_space<vmem>>) dst(%dma_wait3A_405 : memref<16x128xf32, #tpu.memory_space<vmem_shared>>)
    %dma_wait3A_406 = arith.constant 0 : i32
    %dma_wait3A_407 = tpu.memref_slice %arg5[%add3A_91, %dma_wait3A_406] : memref<10240x128xf32, #tpu.memory_space<vmem_shared>> -> memref<16x128xf32, #tpu.memory_space<vmem_shared>>
    %dma_wait3A_408 = arith.constant 0 : i32
    %dma_wait3A_409 = tpu.memref_slice %arg5[%add3A_91, %dma_wait3A_408] : memref<10240x128xf32, #tpu.memory_space<vmem_shared>> -> memref<16x128xf32, #tpu.memory_space<vmem_shared>>
    tpu.wait_dma2 semaphore(%arg13 : memref<!tpu.dma_semaphore, #tpu.memory_space<semaphore_mem>>) src(%arg12 : memref<16x128xf32, #tpu.memory_space<vmem>>) dst(%dma_wait3A_409 : memref<16x128xf32, #tpu.memory_space<vmem_shared>>)
    %dma_wait3A_410 = arith.constant 0 : i32
    %dma_wait3A_411 = tpu.memref_slice %arg5[%add3A_95, %dma_wait3A_410] : memref<10240x128xf32, #tpu.memory_space<vmem_shared>> -> memref<16x128xf32, #tpu.memory_space<vmem_shared>>
    %dma_wait3A_412 = arith.constant 0 : i32
    %dma_wait3A_413 = tpu.memref_slice %arg5[%add3A_95, %dma_wait3A_412] : memref<10240x128xf32, #tpu.memory_space<vmem_shared>> -> memref<16x128xf32, #tpu.memory_space<vmem_shared>>
    tpu.wait_dma2 semaphore(%arg15 : memref<!tpu.dma_semaphore, #tpu.memory_space<semaphore_mem>>) src(%arg12 : memref<16x128xf32, #tpu.memory_space<vmem>>) dst(%dma_wait3A_413 : memref<16x128xf32, #tpu.memory_space<vmem_shared>>)
    %dma_wait3A_414 = arith.constant 0 : i32
    %dma_wait3A_415 = tpu.memref_slice %arg5[%add3A_99, %dma_wait3A_414] : memref<10240x128xf32, #tpu.memory_space<vmem_shared>> -> memref<16x128xf32, #tpu.memory_space<vmem_shared>>
    %dma_wait3A_416 = arith.constant 0 : i32
    %dma_wait3A_417 = tpu.memref_slice %arg5[%add3A_99, %dma_wait3A_416] : memref<10240x128xf32, #tpu.memory_space<vmem_shared>> -> memref<16x128xf32, #tpu.memory_space<vmem_shared>>
    tpu.wait_dma2 semaphore(%arg17 : memref<!tpu.dma_semaphore, #tpu.memory_space<semaphore_mem>>) src(%arg12 : memref<16x128xf32, #tpu.memory_space<vmem>>) dst(%dma_wait3A_417 : memref<16x128xf32, #tpu.memory_space<vmem_shared>>)
    %dma_wait3A_418 = arith.constant 0 : i32
    %dma_wait3A_419 = tpu.memref_slice %arg5[%add3A_103, %dma_wait3A_418] : memref<10240x128xf32, #tpu.memory_space<vmem_shared>> -> memref<16x128xf32, #tpu.memory_space<vmem_shared>>
    %dma_wait3A_420 = arith.constant 0 : i32
    %dma_wait3A_421 = tpu.memref_slice %arg5[%add3A_103, %dma_wait3A_420] : memref<10240x128xf32, #tpu.memory_space<vmem_shared>> -> memref<16x128xf32, #tpu.memory_space<vmem_shared>>
    tpu.wait_dma2 semaphore(%arg19 : memref<!tpu.dma_semaphore, #tpu.memory_space<semaphore_mem>>) src(%arg12 : memref<16x128xf32, #tpu.memory_space<vmem>>) dst(%dma_wait3A_421 : memref<16x128xf32, #tpu.memory_space<vmem_shared>>)
    %dma_wait3A_422 = arith.constant 0 : i32
    %dma_wait3A_423 = tpu.memref_slice %arg5[%add3A_107, %dma_wait3A_422] : memref<10240x128xf32, #tpu.memory_space<vmem_shared>> -> memref<16x128xf32, #tpu.memory_space<vmem_shared>>
    %dma_wait3A_424 = arith.constant 0 : i32
    %dma_wait3A_425 = tpu.memref_slice %arg5[%add3A_107, %dma_wait3A_424] : memref<10240x128xf32, #tpu.memory_space<vmem_shared>> -> memref<16x128xf32, #tpu.memory_space<vmem_shared>>
    tpu.wait_dma2 semaphore(%arg13 : memref<!tpu.dma_semaphore, #tpu.memory_space<semaphore_mem>>) src(%arg12 : memref<16x128xf32, #tpu.memory_space<vmem>>) dst(%dma_wait3A_425 : memref<16x128xf32, #tpu.memory_space<vmem_shared>>)
    %dma_wait3A_426 = arith.constant 0 : i32
    %dma_wait3A_427 = tpu.memref_slice %arg5[%add3A_111, %dma_wait3A_426] : memref<10240x128xf32, #tpu.memory_space<vmem_shared>> -> memref<16x128xf32, #tpu.memory_space<vmem_shared>>
    %dma_wait3A_428 = arith.constant 0 : i32
    %dma_wait3A_429 = tpu.memref_slice %arg5[%add3A_111, %dma_wait3A_428] : memref<10240x128xf32, #tpu.memory_space<vmem_shared>> -> memref<16x128xf32, #tpu.memory_space<vmem_shared>>
    tpu.wait_dma2 semaphore(%arg15 : memref<!tpu.dma_semaphore, #tpu.memory_space<semaphore_mem>>) src(%arg12 : memref<16x128xf32, #tpu.memory_space<vmem>>) dst(%dma_wait3A_429 : memref<16x128xf32, #tpu.memory_space<vmem_shared>>)
    %dma_wait3A_430 = arith.constant 0 : i32
    %dma_wait3A_431 = tpu.memref_slice %arg5[%add3A_115, %dma_wait3A_430] : memref<10240x128xf32, #tpu.memory_space<vmem_shared>> -> memref<16x128xf32, #tpu.memory_space<vmem_shared>>
    %dma_wait3A_432 = arith.constant 0 : i32
    %dma_wait3A_433 = tpu.memref_slice %arg5[%add3A_115, %dma_wait3A_432] : memref<10240x128xf32, #tpu.memory_space<vmem_shared>> -> memref<16x128xf32, #tpu.memory_space<vmem_shared>>
    tpu.wait_dma2 semaphore(%arg17 : memref<!tpu.dma_semaphore, #tpu.memory_space<semaphore_mem>>) src(%arg12 : memref<16x128xf32, #tpu.memory_space<vmem>>) dst(%dma_wait3A_433 : memref<16x128xf32, #tpu.memory_space<vmem_shared>>)
    %dma_wait3A_434 = arith.constant 0 : i32
    %dma_wait3A_435 = tpu.memref_slice %arg5[%add3A_119, %dma_wait3A_434] : memref<10240x128xf32, #tpu.memory_space<vmem_shared>> -> memref<16x128xf32, #tpu.memory_space<vmem_shared>>
    %dma_wait3A_436 = arith.constant 0 : i32
    %dma_wait3A_437 = tpu.memref_slice %arg5[%add3A_119, %dma_wait3A_436] : memref<10240x128xf32, #tpu.memory_space<vmem_shared>> -> memref<16x128xf32, #tpu.memory_space<vmem_shared>>
    tpu.wait_dma2 semaphore(%arg19 : memref<!tpu.dma_semaphore, #tpu.memory_space<semaphore_mem>>) src(%arg12 : memref<16x128xf32, #tpu.memory_space<vmem>>) dst(%dma_wait3A_437 : memref<16x128xf32, #tpu.memory_space<vmem_shared>>)
    %dma_wait3A_438 = arith.constant 0 : i32
    %dma_wait3A_439 = tpu.memref_slice %arg5[%add3A_123, %dma_wait3A_438] : memref<10240x128xf32, #tpu.memory_space<vmem_shared>> -> memref<16x128xf32, #tpu.memory_space<vmem_shared>>
    %dma_wait3A_440 = arith.constant 0 : i32
    %dma_wait3A_441 = tpu.memref_slice %arg5[%add3A_123, %dma_wait3A_440] : memref<10240x128xf32, #tpu.memory_space<vmem_shared>> -> memref<16x128xf32, #tpu.memory_space<vmem_shared>>
    tpu.wait_dma2 semaphore(%arg13 : memref<!tpu.dma_semaphore, #tpu.memory_space<semaphore_mem>>) src(%arg12 : memref<16x128xf32, #tpu.memory_space<vmem>>) dst(%dma_wait3A_441 : memref<16x128xf32, #tpu.memory_space<vmem_shared>>)
    %dma_wait3A_442 = arith.constant 0 : i32
    %dma_wait3A_443 = tpu.memref_slice %arg5[%add3A_127, %dma_wait3A_442] : memref<10240x128xf32, #tpu.memory_space<vmem_shared>> -> memref<16x128xf32, #tpu.memory_space<vmem_shared>>
    %dma_wait3A_444 = arith.constant 0 : i32
    %dma_wait3A_445 = tpu.memref_slice %arg5[%add3A_127, %dma_wait3A_444] : memref<10240x128xf32, #tpu.memory_space<vmem_shared>> -> memref<16x128xf32, #tpu.memory_space<vmem_shared>>
    tpu.wait_dma2 semaphore(%arg15 : memref<!tpu.dma_semaphore, #tpu.memory_space<semaphore_mem>>) src(%arg12 : memref<16x128xf32, #tpu.memory_space<vmem>>) dst(%dma_wait3A_445 : memref<16x128xf32, #tpu.memory_space<vmem_shared>>)
    %dma_wait3A_446 = arith.constant 0 : i32
    %dma_wait3A_447 = tpu.memref_slice %arg5[%add3A_131, %dma_wait3A_446] : memref<10240x128xf32, #tpu.memory_space<vmem_shared>> -> memref<16x128xf32, #tpu.memory_space<vmem_shared>>
    %dma_wait3A_448 = arith.constant 0 : i32
    %dma_wait3A_449 = tpu.memref_slice %arg5[%add3A_131, %dma_wait3A_448] : memref<10240x128xf32, #tpu.memory_space<vmem_shared>> -> memref<16x128xf32, #tpu.memory_space<vmem_shared>>
    tpu.wait_dma2 semaphore(%arg17 : memref<!tpu.dma_semaphore, #tpu.memory_space<semaphore_mem>>) src(%arg12 : memref<16x128xf32, #tpu.memory_space<vmem>>) dst(%dma_wait3A_449 : memref<16x128xf32, #tpu.memory_space<vmem_shared>>)
    %dma_wait3A_450 = arith.constant 0 : i32
    %dma_wait3A_451 = tpu.memref_slice %arg5[%add3A_135, %dma_wait3A_450] : memref<10240x128xf32, #tpu.memory_space<vmem_shared>> -> memref<16x128xf32, #tpu.memory_space<vmem_shared>>
    %dma_wait3A_452 = arith.constant 0 : i32
    %dma_wait3A_453 = tpu.memref_slice %arg5[%add3A_135, %dma_wait3A_452] : memref<10240x128xf32, #tpu.memory_space<vmem_shared>> -> memref<16x128xf32, #tpu.memory_space<vmem_shared>>
    tpu.wait_dma2 semaphore(%arg19 : memref<!tpu.dma_semaphore, #tpu.memory_space<semaphore_mem>>) src(%arg12 : memref<16x128xf32, #tpu.memory_space<vmem>>) dst(%dma_wait3A_453 : memref<16x128xf32, #tpu.memory_space<vmem_shared>>)
    %dma_wait3A_454 = arith.constant 0 : i32
    %dma_wait3A_455 = tpu.memref_slice %arg5[%add3A_139, %dma_wait3A_454] : memref<10240x128xf32, #tpu.memory_space<vmem_shared>> -> memref<16x128xf32, #tpu.memory_space<vmem_shared>>
    %dma_wait3A_456 = arith.constant 0 : i32
    %dma_wait3A_457 = tpu.memref_slice %arg5[%add3A_139, %dma_wait3A_456] : memref<10240x128xf32, #tpu.memory_space<vmem_shared>> -> memref<16x128xf32, #tpu.memory_space<vmem_shared>>
    tpu.wait_dma2 semaphore(%arg13 : memref<!tpu.dma_semaphore, #tpu.memory_space<semaphore_mem>>) src(%arg12 : memref<16x128xf32, #tpu.memory_space<vmem>>) dst(%dma_wait3A_457 : memref<16x128xf32, #tpu.memory_space<vmem_shared>>)
    %dma_wait3A_458 = arith.constant 0 : i32
    %dma_wait3A_459 = tpu.memref_slice %arg5[%add3A_143, %dma_wait3A_458] : memref<10240x128xf32, #tpu.memory_space<vmem_shared>> -> memref<16x128xf32, #tpu.memory_space<vmem_shared>>
    %dma_wait3A_460 = arith.constant 0 : i32
    %dma_wait3A_461 = tpu.memref_slice %arg5[%add3A_143, %dma_wait3A_460] : memref<10240x128xf32, #tpu.memory_space<vmem_shared>> -> memref<16x128xf32, #tpu.memory_space<vmem_shared>>
    tpu.wait_dma2 semaphore(%arg15 : memref<!tpu.dma_semaphore, #tpu.memory_space<semaphore_mem>>) src(%arg12 : memref<16x128xf32, #tpu.memory_space<vmem>>) dst(%dma_wait3A_461 : memref<16x128xf32, #tpu.memory_space<vmem_shared>>)
    %dma_wait3A_462 = arith.constant 0 : i32
    %dma_wait3A_463 = tpu.memref_slice %arg5[%add3A_147, %dma_wait3A_462] : memref<10240x128xf32, #tpu.memory_space<vmem_shared>> -> memref<16x128xf32, #tpu.memory_space<vmem_shared>>
    %dma_wait3A_464 = arith.constant 0 : i32
    %dma_wait3A_465 = tpu.memref_slice %arg5[%add3A_147, %dma_wait3A_464] : memref<10240x128xf32, #tpu.memory_space<vmem_shared>> -> memref<16x128xf32, #tpu.memory_space<vmem_shared>>
    tpu.wait_dma2 semaphore(%arg17 : memref<!tpu.dma_semaphore, #tpu.memory_space<semaphore_mem>>) src(%arg12 : memref<16x128xf32, #tpu.memory_space<vmem>>) dst(%dma_wait3A_465 : memref<16x128xf32, #tpu.memory_space<vmem_shared>>)
    %dma_wait3A_466 = arith.constant 0 : i32
    %dma_wait3A_467 = tpu.memref_slice %arg5[%add3A_151, %dma_wait3A_466] : memref<10240x128xf32, #tpu.memory_space<vmem_shared>> -> memref<16x128xf32, #tpu.memory_space<vmem_shared>>
    %dma_wait3A_468 = arith.constant 0 : i32
    %dma_wait3A_469 = tpu.memref_slice %arg5[%add3A_151, %dma_wait3A_468] : memref<10240x128xf32, #tpu.memory_space<vmem_shared>> -> memref<16x128xf32, #tpu.memory_space<vmem_shared>>
    tpu.wait_dma2 semaphore(%arg19 : memref<!tpu.dma_semaphore, #tpu.memory_space<semaphore_mem>>) src(%arg12 : memref<16x128xf32, #tpu.memory_space<vmem>>) dst(%dma_wait3A_469 : memref<16x128xf32, #tpu.memory_space<vmem_shared>>)
    %dma_wait3A_470 = arith.constant 0 : i32
    %dma_wait3A_471 = tpu.memref_slice %arg5[%add3A_155, %dma_wait3A_470] : memref<10240x128xf32, #tpu.memory_space<vmem_shared>> -> memref<16x128xf32, #tpu.memory_space<vmem_shared>>
    %dma_wait3A_472 = arith.constant 0 : i32
    %dma_wait3A_473 = tpu.memref_slice %arg5[%add3A_155, %dma_wait3A_472] : memref<10240x128xf32, #tpu.memory_space<vmem_shared>> -> memref<16x128xf32, #tpu.memory_space<vmem_shared>>
    tpu.wait_dma2 semaphore(%arg13 : memref<!tpu.dma_semaphore, #tpu.memory_space<semaphore_mem>>) src(%arg12 : memref<16x128xf32, #tpu.memory_space<vmem>>) dst(%dma_wait3A_473 : memref<16x128xf32, #tpu.memory_space<vmem_shared>>)
    %dma_wait3A_474 = arith.constant 0 : i32
    %dma_wait3A_475 = tpu.memref_slice %arg5[%add3A_159, %dma_wait3A_474] : memref<10240x128xf32, #tpu.memory_space<vmem_shared>> -> memref<16x128xf32, #tpu.memory_space<vmem_shared>>
    %dma_wait3A_476 = arith.constant 0 : i32
    %dma_wait3A_477 = tpu.memref_slice %arg5[%add3A_159, %dma_wait3A_476] : memref<10240x128xf32, #tpu.memory_space<vmem_shared>> -> memref<16x128xf32, #tpu.memory_space<vmem_shared>>
    tpu.wait_dma2 semaphore(%arg15 : memref<!tpu.dma_semaphore, #tpu.memory_space<semaphore_mem>>) src(%arg12 : memref<16x128xf32, #tpu.memory_space<vmem>>) dst(%dma_wait3A_477 : memref<16x128xf32, #tpu.memory_space<vmem_shared>>)
    %dma_wait3A_478 = arith.constant 0 : i32
    %dma_wait3A_479 = tpu.memref_slice %arg5[%add3A_163, %dma_wait3A_478] : memref<10240x128xf32, #tpu.memory_space<vmem_shared>> -> memref<16x128xf32, #tpu.memory_space<vmem_shared>>
    %dma_wait3A_480 = arith.constant 0 : i32
    %dma_wait3A_481 = tpu.memref_slice %arg5[%add3A_163, %dma_wait3A_480] : memref<10240x128xf32, #tpu.memory_space<vmem_shared>> -> memref<16x128xf32, #tpu.memory_space<vmem_shared>>
    tpu.wait_dma2 semaphore(%arg17 : memref<!tpu.dma_semaphore, #tpu.memory_space<semaphore_mem>>) src(%arg12 : memref<16x128xf32, #tpu.memory_space<vmem>>) dst(%dma_wait3A_481 : memref<16x128xf32, #tpu.memory_space<vmem_shared>>)
    %dma_wait3A_482 = arith.constant 0 : i32
    %dma_wait3A_483 = tpu.memref_slice %arg5[%add3A_167, %dma_wait3A_482] : memref<10240x128xf32, #tpu.memory_space<vmem_shared>> -> memref<16x128xf32, #tpu.memory_space<vmem_shared>>
    %dma_wait3A_484 = arith.constant 0 : i32
    %dma_wait3A_485 = tpu.memref_slice %arg5[%add3A_167, %dma_wait3A_484] : memref<10240x128xf32, #tpu.memory_space<vmem_shared>> -> memref<16x128xf32, #tpu.memory_space<vmem_shared>>
    tpu.wait_dma2 semaphore(%arg19 : memref<!tpu.dma_semaphore, #tpu.memory_space<semaphore_mem>>) src(%arg12 : memref<16x128xf32, #tpu.memory_space<vmem>>) dst(%dma_wait3A_485 : memref<16x128xf32, #tpu.memory_space<vmem_shared>>)
    %barrier3A = arith.constant 0 : index
    tpu.barrier barrier_id(%barrier3A)
    %mul3A_486 = arith.constant 80 : i32
    %mul3A_487 = arith.muli %add3A, %mul3A_486 : i32
    %add3A_488 = arith.constant 0 : i32
    %add3A_489 = arith.addi %mul3A_487, %add3A_488 : i32
    %dma_start3A_490 = arith.constant 0 : i32
    %dma_start3A_491 = arith.constant 0 : i32
    %dma_start3A_492 = arith.constant 0 : i32
    %dma_start3A_493 = tpu.memref_slice %arg6[%dma_start3A_491, %dma_start3A_492] : memref<2x125xi32, #tpu.memory_space<vmem>> -> memref<1x125xi32, #tpu.memory_space<vmem>>
    %dma_start3A_494 = tpu.memref_squeeze %dma_start3A_493 : memref<1x125xi32, #tpu.memory_space<vmem>> -> memref<125xi32, #tpu.memory_space<vmem>>
    %dma_start3A_495 = arith.constant 0 : i32
    %dma_start3A_496 = tpu.memref_slice %arg3[%dma_start3A_490, %add3A_489, %dma_start3A_495] : memref<2x2560x125xi32, #tpu.memory_space<hbm>> -> memref<1x1x125xi32, #tpu.memory_space<hbm>>
    %dma_start3A_497 = tpu.memref_squeeze %dma_start3A_496 : memref<1x1x125xi32, #tpu.memory_space<hbm>> -> memref<125xi32, #tpu.memory_space<hbm>>
    %dma_start3A_498 = arith.constant 0 : i32
    %dma_start3A_499 = tpu.memref_slice %arg6[%dma_start3A_491, %dma_start3A_498] : memref<2x125xi32, #tpu.memory_space<vmem>> -> memref<1x125xi32, #tpu.memory_space<vmem>>
    %dma_start3A_500 = tpu.memref_squeeze %dma_start3A_499 : memref<1x125xi32, #tpu.memory_space<vmem>> -> memref<125xi32, #tpu.memory_space<vmem>>
    %dma_start3A_501 = arith.constant 0 : i32
    %dma_start3A_502 = tpu.memref_slice %arg3[%dma_start3A_490, %add3A_489, %dma_start3A_501] : memref<2x2560x125xi32, #tpu.memory_space<hbm>> -> memref<1x1x125xi32, #tpu.memory_space<hbm>>
    %dma_start3A_503 = tpu.memref_squeeze %dma_start3A_502 : memref<1x1x125xi32, #tpu.memory_space<hbm>> -> memref<125xi32, #tpu.memory_space<hbm>>
    tpu.enqueue_dma source(%dma_start3A_503 : memref<125xi32, #tpu.memory_space<hbm>>) target(%dma_start3A_500 : memref<125xi32, #tpu.memory_space<vmem>>) target_semaphore(%arg13 : memref<!tpu.dma_semaphore, #tpu.memory_space<semaphore_mem>>)
    %dma_start3A_504 = arith.constant 1 : i32
    %dma_start3A_505 = arith.constant 1 : i32
    %dma_start3A_506 = arith.constant 0 : i32
    %dma_start3A_507 = tpu.memref_slice %arg6[%dma_start3A_505, %dma_start3A_506] : memref<2x125xi32, #tpu.memory_space<vmem>> -> memref<1x125xi32, #tpu.memory_space<vmem>>
    %dma_start3A_508 = tpu.memref_squeeze %dma_start3A_507 : memref<1x125xi32, #tpu.memory_space<vmem>> -> memref<125xi32, #tpu.memory_space<vmem>>
    %dma_start3A_509 = arith.constant 0 : i32
    %dma_start3A_510 = tpu.memref_slice %arg3[%dma_start3A_504, %add3A_489, %dma_start3A_509] : memref<2x2560x125xi32, #tpu.memory_space<hbm>> -> memref<1x1x125xi32, #tpu.memory_space<hbm>>
    %dma_start3A_511 = tpu.memref_squeeze %dma_start3A_510 : memref<1x1x125xi32, #tpu.memory_space<hbm>> -> memref<125xi32, #tpu.memory_space<hbm>>
    %dma_start3A_512 = arith.constant 0 : i32
    %dma_start3A_513 = tpu.memref_slice %arg6[%dma_start3A_505, %dma_start3A_512] : memref<2x125xi32, #tpu.memory_space<vmem>> -> memref<1x125xi32, #tpu.memory_space<vmem>>
    %dma_start3A_514 = tpu.memref_squeeze %dma_start3A_513 : memref<1x125xi32, #tpu.memory_space<vmem>> -> memref<125xi32, #tpu.memory_space<vmem>>
    %dma_start3A_515 = arith.constant 0 : i32
    %dma_start3A_516 = tpu.memref_slice %arg3[%dma_start3A_504, %add3A_489, %dma_start3A_515] : memref<2x2560x125xi32, #tpu.memory_space<hbm>> -> memref<1x1x125xi32, #tpu.memory_space<hbm>>
    %dma_start3A_517 = tpu.memref_squeeze %dma_start3A_516 : memref<1x1x125xi32, #tpu.memory_space<hbm>> -> memref<125xi32, #tpu.memory_space<hbm>>
    tpu.enqueue_dma source(%dma_start3A_517 : memref<125xi32, #tpu.memory_space<hbm>>) target(%dma_start3A_514 : memref<125xi32, #tpu.memory_space<vmem>>) target_semaphore(%arg14 : memref<!tpu.dma_semaphore, #tpu.memory_space<semaphore_mem>>)
    %add3A_518 = arith.constant 1 : i32
    %add3A_519 = arith.addi %mul3A_487, %add3A_518 : i32
    %dma_start3A_520 = arith.constant 0 : i32
    %dma_start3A_521 = arith.constant 0 : i32
    %dma_start3A_522 = arith.constant 0 : i32
    %dma_start3A_523 = tpu.memref_slice %arg7[%dma_start3A_521, %dma_start3A_522] : memref<2x125xi32, #tpu.memory_space<vmem>> -> memref<1x125xi32, #tpu.memory_space<vmem>>
    %dma_start3A_524 = tpu.memref_squeeze %dma_start3A_523 : memref<1x125xi32, #tpu.memory_space<vmem>> -> memref<125xi32, #tpu.memory_space<vmem>>
    %dma_start3A_525 = arith.constant 0 : i32
    %dma_start3A_526 = tpu.memref_slice %arg3[%dma_start3A_520, %add3A_519, %dma_start3A_525] : memref<2x2560x125xi32, #tpu.memory_space<hbm>> -> memref<1x1x125xi32, #tpu.memory_space<hbm>>
    %dma_start3A_527 = tpu.memref_squeeze %dma_start3A_526 : memref<1x1x125xi32, #tpu.memory_space<hbm>> -> memref<125xi32, #tpu.memory_space<hbm>>
    %dma_start3A_528 = arith.constant 0 : i32
    %dma_start3A_529 = tpu.memref_slice %arg7[%dma_start3A_521, %dma_start3A_528] : memref<2x125xi32, #tpu.memory_space<vmem>> -> memref<1x125xi32, #tpu.memory_space<vmem>>
    %dma_start3A_530 = tpu.memref_squeeze %dma_start3A_529 : memref<1x125xi32, #tpu.memory_space<vmem>> -> memref<125xi32, #tpu.memory_space<vmem>>
    %dma_start3A_531 = arith.constant 0 : i32
    %dma_start3A_532 = tpu.memref_slice %arg3[%dma_start3A_520, %add3A_519, %dma_start3A_531] : memref<2x2560x125xi32, #tpu.memory_space<hbm>> -> memref<1x1x125xi32, #tpu.memory_space<hbm>>
    %dma_start3A_533 = tpu.memref_squeeze %dma_start3A_532 : memref<1x1x125xi32, #tpu.memory_space<hbm>> -> memref<125xi32, #tpu.memory_space<hbm>>
    tpu.enqueue_dma source(%dma_start3A_533 : memref<125xi32, #tpu.memory_space<hbm>>) target(%dma_start3A_530 : memref<125xi32, #tpu.memory_space<vmem>>) target_semaphore(%arg15 : memref<!tpu.dma_semaphore, #tpu.memory_space<semaphore_mem>>)
    %dma_start3A_534 = arith.constant 1 : i32
    %dma_start3A_535 = arith.constant 1 : i32
    %dma_start3A_536 = arith.constant 0 : i32
    %dma_start3A_537 = tpu.memref_slice %arg7[%dma_start3A_535, %dma_start3A_536] : memref<2x125xi32, #tpu.memory_space<vmem>> -> memref<1x125xi32, #tpu.memory_space<vmem>>
    %dma_start3A_538 = tpu.memref_squeeze %dma_start3A_537 : memref<1x125xi32, #tpu.memory_space<vmem>> -> memref<125xi32, #tpu.memory_space<vmem>>
    %dma_start3A_539 = arith.constant 0 : i32
    %dma_start3A_540 = tpu.memref_slice %arg3[%dma_start3A_534, %add3A_519, %dma_start3A_539] : memref<2x2560x125xi32, #tpu.memory_space<hbm>> -> memref<1x1x125xi32, #tpu.memory_space<hbm>>
    %dma_start3A_541 = tpu.memref_squeeze %dma_start3A_540 : memref<1x1x125xi32, #tpu.memory_space<hbm>> -> memref<125xi32, #tpu.memory_space<hbm>>
    %dma_start3A_542 = arith.constant 0 : i32
    %dma_start3A_543 = tpu.memref_slice %arg7[%dma_start3A_535, %dma_start3A_542] : memref<2x125xi32, #tpu.memory_space<vmem>> -> memref<1x125xi32, #tpu.memory_space<vmem>>
    %dma_start3A_544 = tpu.memref_squeeze %dma_start3A_543 : memref<1x125xi32, #tpu.memory_space<vmem>> -> memref<125xi32, #tpu.memory_space<vmem>>
    %dma_start3A_545 = arith.constant 0 : i32
    %dma_start3A_546 = tpu.memref_slice %arg3[%dma_start3A_534, %add3A_519, %dma_start3A_545] : memref<2x2560x125xi32, #tpu.memory_space<hbm>> -> memref<1x1x125xi32, #tpu.memory_space<hbm>>
    %dma_start3A_547 = tpu.memref_squeeze %dma_start3A_546 : memref<1x1x125xi32, #tpu.memory_space<hbm>> -> memref<125xi32, #tpu.memory_space<hbm>>
    tpu.enqueue_dma source(%dma_start3A_547 : memref<125xi32, #tpu.memory_space<hbm>>) target(%dma_start3A_544 : memref<125xi32, #tpu.memory_space<vmem>>) target_semaphore(%arg16 : memref<!tpu.dma_semaphore, #tpu.memory_space<semaphore_mem>>)
    %add3A_548 = arith.constant 2 : i32
    %add3A_549 = arith.addi %mul3A_487, %add3A_548 : i32
    %dma_start3A_550 = arith.constant 0 : i32
    %dma_start3A_551 = arith.constant 0 : i32
    %dma_start3A_552 = arith.constant 0 : i32
    %dma_start3A_553 = tpu.memref_slice %arg8[%dma_start3A_551, %dma_start3A_552] : memref<2x125xi32, #tpu.memory_space<vmem>> -> memref<1x125xi32, #tpu.memory_space<vmem>>
    %dma_start3A_554 = tpu.memref_squeeze %dma_start3A_553 : memref<1x125xi32, #tpu.memory_space<vmem>> -> memref<125xi32, #tpu.memory_space<vmem>>
    %dma_start3A_555 = arith.constant 0 : i32
    %dma_start3A_556 = tpu.memref_slice %arg3[%dma_start3A_550, %add3A_549, %dma_start3A_555] : memref<2x2560x125xi32, #tpu.memory_space<hbm>> -> memref<1x1x125xi32, #tpu.memory_space<hbm>>
    %dma_start3A_557 = tpu.memref_squeeze %dma_start3A_556 : memref<1x1x125xi32, #tpu.memory_space<hbm>> -> memref<125xi32, #tpu.memory_space<hbm>>
    %dma_start3A_558 = arith.constant 0 : i32
    %dma_start3A_559 = tpu.memref_slice %arg8[%dma_start3A_551, %dma_start3A_558] : memref<2x125xi32, #tpu.memory_space<vmem>> -> memref<1x125xi32, #tpu.memory_space<vmem>>
    %dma_start3A_560 = tpu.memref_squeeze %dma_start3A_559 : memref<1x125xi32, #tpu.memory_space<vmem>> -> memref<125xi32, #tpu.memory_space<vmem>>
    %dma_start3A_561 = arith.constant 0 : i32
    %dma_start3A_562 = tpu.memref_slice %arg3[%dma_start3A_550, %add3A_549, %dma_start3A_561] : memref<2x2560x125xi32, #tpu.memory_space<hbm>> -> memref<1x1x125xi32, #tpu.memory_space<hbm>>
    %dma_start3A_563 = tpu.memref_squeeze %dma_start3A_562 : memref<1x1x125xi32, #tpu.memory_space<hbm>> -> memref<125xi32, #tpu.memory_space<hbm>>
    tpu.enqueue_dma source(%dma_start3A_563 : memref<125xi32, #tpu.memory_space<hbm>>) target(%dma_start3A_560 : memref<125xi32, #tpu.memory_space<vmem>>) target_semaphore(%arg17 : memref<!tpu.dma_semaphore, #tpu.memory_space<semaphore_mem>>)
    %dma_start3A_564 = arith.constant 1 : i32
    %dma_start3A_565 = arith.constant 1 : i32
    %dma_start3A_566 = arith.constant 0 : i32
    %dma_start3A_567 = tpu.memref_slice %arg8[%dma_start3A_565, %dma_start3A_566] : memref<2x125xi32, #tpu.memory_space<vmem>> -> memref<1x125xi32, #tpu.memory_space<vmem>>
    %dma_start3A_568 = tpu.memref_squeeze %dma_start3A_567 : memref<1x125xi32, #tpu.memory_space<vmem>> -> memref<125xi32, #tpu.memory_space<vmem>>
    %dma_start3A_569 = arith.constant 0 : i32
    %dma_start3A_570 = tpu.memref_slice %arg3[%dma_start3A_564, %add3A_549, %dma_start3A_569] : memref<2x2560x125xi32, #tpu.memory_space<hbm>> -> memref<1x1x125xi32, #tpu.memory_space<hbm>>
    %dma_start3A_571 = tpu.memref_squeeze %dma_start3A_570 : memref<1x1x125xi32, #tpu.memory_space<hbm>> -> memref<125xi32, #tpu.memory_space<hbm>>
    %dma_start3A_572 = arith.constant 0 : i32
    %dma_start3A_573 = tpu.memref_slice %arg8[%dma_start3A_565, %dma_start3A_572] : memref<2x125xi32, #tpu.memory_space<vmem>> -> memref<1x125xi32, #tpu.memory_space<vmem>>
    %dma_start3A_574 = tpu.memref_squeeze %dma_start3A_573 : memref<1x125xi32, #tpu.memory_space<vmem>> -> memref<125xi32, #tpu.memory_space<vmem>>
    %dma_start3A_575 = arith.constant 0 : i32
    %dma_start3A_576 = tpu.memref_slice %arg3[%dma_start3A_564, %add3A_549, %dma_start3A_575] : memref<2x2560x125xi32, #tpu.memory_space<hbm>> -> memref<1x1x125xi32, #tpu.memory_space<hbm>>
    %dma_start3A_577 = tpu.memref_squeeze %dma_start3A_576 : memref<1x1x125xi32, #tpu.memory_space<hbm>> -> memref<125xi32, #tpu.memory_space<hbm>>
    tpu.enqueue_dma source(%dma_start3A_577 : memref<125xi32, #tpu.memory_space<hbm>>) target(%dma_start3A_574 : memref<125xi32, #tpu.memory_space<vmem>>) target_semaphore(%arg18 : memref<!tpu.dma_semaphore, #tpu.memory_space<semaphore_mem>>)
    %add3A_578 = arith.constant 0 : i32
    %add3A_579 = arith.addi %mul3A_487, %add3A_578 : i32
    %dma_wait3A_580 = arith.constant 0 : i32
    %dma_wait3A_581 = arith.constant 0 : i32
    %dma_wait3A_582 = arith.constant 0 : i32
    %dma_wait3A_583 = tpu.memref_slice %arg6[%dma_wait3A_581, %dma_wait3A_582] : memref<2x125xi32, #tpu.memory_space<vmem>> -> memref<1x125xi32, #tpu.memory_space<vmem>>
    %dma_wait3A_584 = tpu.memref_squeeze %dma_wait3A_583 : memref<1x125xi32, #tpu.memory_space<vmem>> -> memref<125xi32, #tpu.memory_space<vmem>>
    %dma_wait3A_585 = arith.constant 0 : i32
    %dma_wait3A_586 = tpu.memref_slice %arg3[%dma_wait3A_580, %add3A_579, %dma_wait3A_585] : memref<2x2560x125xi32, #tpu.memory_space<hbm>> -> memref<1x1x125xi32, #tpu.memory_space<hbm>>
    %dma_wait3A_587 = tpu.memref_squeeze %dma_wait3A_586 : memref<1x1x125xi32, #tpu.memory_space<hbm>> -> memref<125xi32, #tpu.memory_space<hbm>>
    %dma_wait3A_588 = arith.constant 0 : i32
    %dma_wait3A_589 = tpu.memref_slice %arg6[%dma_wait3A_581, %dma_wait3A_588] : memref<2x125xi32, #tpu.memory_space<vmem>> -> memref<1x125xi32, #tpu.memory_space<vmem>>
    %dma_wait3A_590 = tpu.memref_squeeze %dma_wait3A_589 : memref<1x125xi32, #tpu.memory_space<vmem>> -> memref<125xi32, #tpu.memory_space<vmem>>
    %dma_wait3A_591 = arith.constant 0 : i32
    %dma_wait3A_592 = tpu.memref_slice %arg3[%dma_wait3A_580, %add3A_579, %dma_wait3A_591] : memref<2x2560x125xi32, #tpu.memory_space<hbm>> -> memref<1x1x125xi32, #tpu.memory_space<hbm>>
    %dma_wait3A_593 = tpu.memref_squeeze %dma_wait3A_592 : memref<1x1x125xi32, #tpu.memory_space<hbm>> -> memref<125xi32, #tpu.memory_space<hbm>>
    tpu.wait_dma2 semaphore(%arg13 : memref<!tpu.dma_semaphore, #tpu.memory_space<semaphore_mem>>) src(%dma_wait3A_593 : memref<125xi32, #tpu.memory_space<hbm>>) dst(%dma_wait3A_590 : memref<125xi32, #tpu.memory_space<vmem>>)
    %dma_wait3A_594 = arith.constant 1 : i32
    %dma_wait3A_595 = arith.constant 1 : i32
    %dma_wait3A_596 = arith.constant 0 : i32
    %dma_wait3A_597 = tpu.memref_slice %arg6[%dma_wait3A_595, %dma_wait3A_596] : memref<2x125xi32, #tpu.memory_space<vmem>> -> memref<1x125xi32, #tpu.memory_space<vmem>>
    %dma_wait3A_598 = tpu.memref_squeeze %dma_wait3A_597 : memref<1x125xi32, #tpu.memory_space<vmem>> -> memref<125xi32, #tpu.memory_space<vmem>>
    %dma_wait3A_599 = arith.constant 0 : i32
    %dma_wait3A_600 = tpu.memref_slice %arg3[%dma_wait3A_594, %add3A_579, %dma_wait3A_599] : memref<2x2560x125xi32, #tpu.memory_space<hbm>> -> memref<1x1x125xi32, #tpu.memory_space<hbm>>
    %dma_wait3A_601 = tpu.memref_squeeze %dma_wait3A_600 : memref<1x1x125xi32, #tpu.memory_space<hbm>> -> memref<125xi32, #tpu.memory_space<hbm>>
    %dma_wait3A_602 = arith.constant 0 : i32
    %dma_wait3A_603 = tpu.memref_slice %arg6[%dma_wait3A_595, %dma_wait3A_602] : memref<2x125xi32, #tpu.memory_space<vmem>> -> memref<1x125xi32, #tpu.memory_space<vmem>>
    %dma_wait3A_604 = tpu.memref_squeeze %dma_wait3A_603 : memref<1x125xi32, #tpu.memory_space<vmem>> -> memref<125xi32, #tpu.memory_space<vmem>>
    %dma_wait3A_605 = arith.constant 0 : i32
    %dma_wait3A_606 = tpu.memref_slice %arg3[%dma_wait3A_594, %add3A_579, %dma_wait3A_605] : memref<2x2560x125xi32, #tpu.memory_space<hbm>> -> memref<1x1x125xi32, #tpu.memory_space<hbm>>
    %dma_wait3A_607 = tpu.memref_squeeze %dma_wait3A_606 : memref<1x1x125xi32, #tpu.memory_space<hbm>> -> memref<125xi32, #tpu.memory_space<hbm>>
    tpu.wait_dma2 semaphore(%arg14 : memref<!tpu.dma_semaphore, #tpu.memory_space<semaphore_mem>>) src(%dma_wait3A_607 : memref<125xi32, #tpu.memory_space<hbm>>) dst(%dma_wait3A_604 : memref<125xi32, #tpu.memory_space<vmem>>)
    %dma_start3A_608 = arith.constant 0 : i32
    %dma_start3A_609 = arith.constant 0 : i32
    %dma_start3A_610 = tpu.memref_slice %arg6[%dma_start3A_608, %dma_start3A_609] : memref<2x125xi32, #tpu.memory_space<vmem>> -> memref<1x125xi32, #tpu.memory_space<vmem>>
    %dma_start3A_611 = tpu.memref_squeeze %dma_start3A_610 : memref<1x125xi32, #tpu.memory_space<vmem>> -> memref<125xi32, #tpu.memory_space<vmem>>
    %dma_start3A_612 = arith.constant 0 : i32
    %dma_start3A_613 = arith.constant 0 : i32
    %dma_start3A_614 = tpu.memref_slice %arg2[%dma_start3A_612, %dma_start3A_613] : memref<10000x128xf32, #tpu.memory_space<hbm>> -> memref<10000x128xf32, #tpu.memory_space<hbm>>
    tpu.enqueue_indirect_dma source(%dma_start3A_614 : memref<10000x128xf32, #tpu.memory_space<hbm>>) target(%arg10 : memref<125x128xf32, #tpu.memory_space<vmem>>) offsets(%dma_start3A_611 : memref<125xi32, #tpu.memory_space<vmem>>) semaphore(%arg21 : memref<!tpu.dma_semaphore, #tpu.memory_space<semaphore_mem>>)
    %scan3A_615 = arith.constant 0 : i32
    %scan3A_616 = arith.constant 0 : i32
    %scan3A_617 = arith.constant 20 : i32
    %scan3A_618 = arith.addi %scan3A_616, %scan3A_617 : i32
    %scan3A_619 = arith.constant 1 : i32
    %scan3A_620 = scf.for %scan3A_635 = %scan3A_616 to %scan3A_618 step %scan3A_619 iter_args(%scan3A_636 = %scan3A_615) -> (i32)  : i32 {
      %mul3A_637 = arith.constant 4 : i32
      %mul3A_638 = arith.muli %mul3A_637, %scan3A_635 : i32
      %add3A_639 = arith.constant 0 : i32
      %add3A_640 = arith.addi %mul3A_638, %add3A_639 : i32
      %add3A_641 = arith.addi %mul3A_487, %add3A_640 : i32
      %dma_wait3A_642 = arith.constant 0 : i32
      %dma_wait3A_643 = arith.constant 0 : i32
      %dma_wait3A_644 = tpu.memref_slice %arg6[%dma_wait3A_642, %dma_wait3A_643] : memref<2x125xi32, #tpu.memory_space<vmem>> -> memref<1x125xi32, #tpu.memory_space<vmem>>
      %dma_wait3A_645 = tpu.memref_squeeze %dma_wait3A_644 : memref<1x125xi32, #tpu.memory_space<vmem>> -> memref<125xi32, #tpu.memory_space<vmem>>
      %dma_wait3A_646 = arith.constant 0 : i32
      %dma_wait3A_647 = arith.constant 0 : i32
      %dma_wait3A_648 = tpu.memref_slice %arg2[%dma_wait3A_646, %dma_wait3A_647] : memref<10000x128xf32, #tpu.memory_space<hbm>> -> memref<10000x128xf32, #tpu.memory_space<hbm>>
      tpu.wait_indirect_dma semaphore(%arg21 : memref<!tpu.dma_semaphore, #tpu.memory_space<semaphore_mem>>) src(%dma_wait3A_648 : memref<10000x128xf32, #tpu.memory_space<hbm>>) dst(%arg10 : memref<125x128xf32, #tpu.memory_space<vmem>>)
      %add3A_649 = arith.constant 1 : i32
      %add3A_650 = arith.addi %add3A_641, %add3A_649 : i32
      %dma_wait3A_651 = arith.constant 0 : i32
      %dma_wait3A_652 = arith.constant 0 : i32
      %dma_wait3A_653 = arith.constant 0 : i32
      %dma_wait3A_654 = tpu.memref_slice %arg7[%dma_wait3A_652, %dma_wait3A_653] : memref<2x125xi32, #tpu.memory_space<vmem>> -> memref<1x125xi32, #tpu.memory_space<vmem>>
      %dma_wait3A_655 = tpu.memref_squeeze %dma_wait3A_654 : memref<1x125xi32, #tpu.memory_space<vmem>> -> memref<125xi32, #tpu.memory_space<vmem>>
      %dma_wait3A_656 = arith.constant 0 : i32
      %dma_wait3A_657 = tpu.memref_slice %arg3[%dma_wait3A_651, %add3A_650, %dma_wait3A_656] : memref<2x2560x125xi32, #tpu.memory_space<hbm>> -> memref<1x1x125xi32, #tpu.memory_space<hbm>>
      %dma_wait3A_658 = tpu.memref_squeeze %dma_wait3A_657 : memref<1x1x125xi32, #tpu.memory_space<hbm>> -> memref<125xi32, #tpu.memory_space<hbm>>
      %dma_wait3A_659 = arith.constant 0 : i32
      %dma_wait3A_660 = tpu.memref_slice %arg7[%dma_wait3A_652, %dma_wait3A_659] : memref<2x125xi32, #tpu.memory_space<vmem>> -> memref<1x125xi32, #tpu.memory_space<vmem>>
      %dma_wait3A_661 = tpu.memref_squeeze %dma_wait3A_660 : memref<1x125xi32, #tpu.memory_space<vmem>> -> memref<125xi32, #tpu.memory_space<vmem>>
      %dma_wait3A_662 = arith.constant 0 : i32
      %dma_wait3A_663 = tpu.memref_slice %arg3[%dma_wait3A_651, %add3A_650, %dma_wait3A_662] : memref<2x2560x125xi32, #tpu.memory_space<hbm>> -> memref<1x1x125xi32, #tpu.memory_space<hbm>>
      %dma_wait3A_664 = tpu.memref_squeeze %dma_wait3A_663 : memref<1x1x125xi32, #tpu.memory_space<hbm>> -> memref<125xi32, #tpu.memory_space<hbm>>
      tpu.wait_dma2 semaphore(%arg15 : memref<!tpu.dma_semaphore, #tpu.memory_space<semaphore_mem>>) src(%dma_wait3A_664 : memref<125xi32, #tpu.memory_space<hbm>>) dst(%dma_wait3A_661 : memref<125xi32, #tpu.memory_space<vmem>>)
      %dma_wait3A_665 = arith.constant 1 : i32
      %dma_wait3A_666 = arith.constant 1 : i32
      %dma_wait3A_667 = arith.constant 0 : i32
      %dma_wait3A_668 = tpu.memref_slice %arg7[%dma_wait3A_666, %dma_wait3A_667] : memref<2x125xi32, #tpu.memory_space<vmem>> -> memref<1x125xi32, #tpu.memory_space<vmem>>
      %dma_wait3A_669 = tpu.memref_squeeze %dma_wait3A_668 : memref<1x125xi32, #tpu.memory_space<vmem>> -> memref<125xi32, #tpu.memory_space<vmem>>
      %dma_wait3A_670 = arith.constant 0 : i32
      %dma_wait3A_671 = tpu.memref_slice %arg3[%dma_wait3A_665, %add3A_650, %dma_wait3A_670] : memref<2x2560x125xi32, #tpu.memory_space<hbm>> -> memref<1x1x125xi32, #tpu.memory_space<hbm>>
      %dma_wait3A_672 = tpu.memref_squeeze %dma_wait3A_671 : memref<1x1x125xi32, #tpu.memory_space<hbm>> -> memref<125xi32, #tpu.memory_space<hbm>>
      %dma_wait3A_673 = arith.constant 0 : i32
      %dma_wait3A_674 = tpu.memref_slice %arg7[%dma_wait3A_666, %dma_wait3A_673] : memref<2x125xi32, #tpu.memory_space<vmem>> -> memref<1x125xi32, #tpu.memory_space<vmem>>
      %dma_wait3A_675 = tpu.memref_squeeze %dma_wait3A_674 : memref<1x125xi32, #tpu.memory_space<vmem>> -> memref<125xi32, #tpu.memory_space<vmem>>
      %dma_wait3A_676 = arith.constant 0 : i32
      %dma_wait3A_677 = tpu.memref_slice %arg3[%dma_wait3A_665, %add3A_650, %dma_wait3A_676] : memref<2x2560x125xi32, #tpu.memory_space<hbm>> -> memref<1x1x125xi32, #tpu.memory_space<hbm>>
      %dma_wait3A_678 = tpu.memref_squeeze %dma_wait3A_677 : memref<1x1x125xi32, #tpu.memory_space<hbm>> -> memref<125xi32, #tpu.memory_space<hbm>>
      tpu.wait_dma2 semaphore(%arg16 : memref<!tpu.dma_semaphore, #tpu.memory_space<semaphore_mem>>) src(%dma_wait3A_678 : memref<125xi32, #tpu.memory_space<hbm>>) dst(%dma_wait3A_675 : memref<125xi32, #tpu.memory_space<vmem>>)
      %dma_start3A_679 = arith.constant 0 : i32
      %dma_start3A_680 = arith.constant 0 : i32
      %dma_start3A_681 = tpu.memref_slice %arg7[%dma_start3A_679, %dma_start3A_680] : memref<2x125xi32, #tpu.memory_space<vmem>> -> memref<1x125xi32, #tpu.memory_space<vmem>>
      %dma_start3A_682 = tpu.memref_squeeze %dma_start3A_681 : memref<1x125xi32, #tpu.memory_space<vmem>> -> memref<125xi32, #tpu.memory_space<vmem>>
      %dma_start3A_683 = arith.constant 0 : i32
      %dma_start3A_684 = arith.constant 0 : i32
      %dma_start3A_685 = tpu.memref_slice %arg2[%dma_start3A_683, %dma_start3A_684] : memref<10000x128xf32, #tpu.memory_space<hbm>> -> memref<10000x128xf32, #tpu.memory_space<hbm>>
      tpu.enqueue_indirect_dma source(%dma_start3A_685 : memref<10000x128xf32, #tpu.memory_space<hbm>>) target(%arg11 : memref<125x128xf32, #tpu.memory_space<vmem>>) offsets(%dma_start3A_682 : memref<125xi32, #tpu.memory_space<vmem>>) semaphore(%arg22 : memref<!tpu.dma_semaphore, #tpu.memory_space<semaphore_mem>>)
      %add3A_686 = arith.constant 3 : i32
      %add3A_687 = arith.addi %add3A_641, %add3A_686 : i32
      %dma_start3A_688 = arith.constant 0 : i32
      %dma_start3A_689 = arith.constant 0 : i32
      %dma_start3A_690 = arith.constant 0 : i32
      %dma_start3A_691 = tpu.memref_slice %arg9[%dma_start3A_689, %dma_start3A_690] : memref<2x125xi32, #tpu.memory_space<vmem>> -> memref<1x125xi32, #tpu.memory_space<vmem>>
      %dma_start3A_692 = tpu.memref_squeeze %dma_start3A_691 : memref<1x125xi32, #tpu.memory_space<vmem>> -> memref<125xi32, #tpu.memory_space<vmem>>
      %dma_start3A_693 = arith.constant 0 : i32
      %dma_start3A_694 = tpu.memref_slice %arg3[%dma_start3A_688, %add3A_687, %dma_start3A_693] : memref<2x2560x125xi32, #tpu.memory_space<hbm>> -> memref<1x1x125xi32, #tpu.memory_space<hbm>>
      %dma_start3A_695 = tpu.memref_squeeze %dma_start3A_694 : memref<1x1x125xi32, #tpu.memory_space<hbm>> -> memref<125xi32, #tpu.memory_space<hbm>>
      %dma_start3A_696 = arith.constant 0 : i32
      %dma_start3A_697 = tpu.memref_slice %arg9[%dma_start3A_689, %dma_start3A_696] : memref<2x125xi32, #tpu.memory_space<vmem>> -> memref<1x125xi32, #tpu.memory_space<vmem>>
      %dma_start3A_698 = tpu.memref_squeeze %dma_start3A_697 : memref<1x125xi32, #tpu.memory_space<vmem>> -> memref<125xi32, #tpu.memory_space<vmem>>
      %dma_start3A_699 = arith.constant 0 : i32
      %dma_start3A_700 = tpu.memref_slice %arg3[%dma_start3A_688, %add3A_687, %dma_start3A_699] : memref<2x2560x125xi32, #tpu.memory_space<hbm>> -> memref<1x1x125xi32, #tpu.memory_space<hbm>>
      %dma_start3A_701 = tpu.memref_squeeze %dma_start3A_700 : memref<1x1x125xi32, #tpu.memory_space<hbm>> -> memref<125xi32, #tpu.memory_space<hbm>>
      tpu.enqueue_dma source(%dma_start3A_701 : memref<125xi32, #tpu.memory_space<hbm>>) target(%dma_start3A_698 : memref<125xi32, #tpu.memory_space<vmem>>) target_semaphore(%arg19 : memref<!tpu.dma_semaphore, #tpu.memory_space<semaphore_mem>>)
      %dma_start3A_702 = arith.constant 1 : i32
      %dma_start3A_703 = arith.constant 1 : i32
      %dma_start3A_704 = arith.constant 0 : i32
      %dma_start3A_705 = tpu.memref_slice %arg9[%dma_start3A_703, %dma_start3A_704] : memref<2x125xi32, #tpu.memory_space<vmem>> -> memref<1x125xi32, #tpu.memory_space<vmem>>
      %dma_start3A_706 = tpu.memref_squeeze %dma_start3A_705 : memref<1x125xi32, #tpu.memory_space<vmem>> -> memref<125xi32, #tpu.memory_space<vmem>>
      %dma_start3A_707 = arith.constant 0 : i32
      %dma_start3A_708 = tpu.memref_slice %arg3[%dma_start3A_702, %add3A_687, %dma_start3A_707] : memref<2x2560x125xi32, #tpu.memory_space<hbm>> -> memref<1x1x125xi32, #tpu.memory_space<hbm>>
      %dma_start3A_709 = tpu.memref_squeeze %dma_start3A_708 : memref<1x1x125xi32, #tpu.memory_space<hbm>> -> memref<125xi32, #tpu.memory_space<hbm>>
      %dma_start3A_710 = arith.constant 0 : i32
      %dma_start3A_711 = tpu.memref_slice %arg9[%dma_start3A_703, %dma_start3A_710] : memref<2x125xi32, #tpu.memory_space<vmem>> -> memref<1x125xi32, #tpu.memory_space<vmem>>
      %dma_start3A_712 = tpu.memref_squeeze %dma_start3A_711 : memref<1x125xi32, #tpu.memory_space<vmem>> -> memref<125xi32, #tpu.memory_space<vmem>>
      %dma_start3A_713 = arith.constant 0 : i32
      %dma_start3A_714 = tpu.memref_slice %arg3[%dma_start3A_702, %add3A_687, %dma_start3A_713] : memref<2x2560x125xi32, #tpu.memory_space<hbm>> -> memref<1x1x125xi32, #tpu.memory_space<hbm>>
      %dma_start3A_715 = tpu.memref_squeeze %dma_start3A_714 : memref<1x1x125xi32, #tpu.memory_space<hbm>> -> memref<125xi32, #tpu.memory_space<hbm>>
      tpu.enqueue_dma source(%dma_start3A_715 : memref<125xi32, #tpu.memory_space<hbm>>) target(%dma_start3A_712 : memref<125xi32, #tpu.memory_space<vmem>>) target_semaphore(%arg20 : memref<!tpu.dma_semaphore, #tpu.memory_space<semaphore_mem>>)
      %run_scoped3A = arith.constant 1 : i32
      "tpu.region"() ({
        %run_scoped3A_841 = tpu.sem_alloc : memref<!tpu.dma_semaphore, #tpu.memory_space<semaphore_mem>>
        %dma_start3A_842 = arith.constant 0 : i32
        %dma_start3A_843 = tpu.memref_slice %arg6[%run_scoped3A, %dma_start3A_842] : memref<2x125xi32, #tpu.memory_space<vmem>> -> memref<1x125xi32, #tpu.memory_space<vmem>>
        %dma_start3A_844 = tpu.memref_squeeze %dma_start3A_843 : memref<1x125xi32, #tpu.memory_space<vmem>> -> memref<125xi32, #tpu.memory_space<vmem>>
        %dma_start3A_845 = arith.constant 0 : i32
        %dma_start3A_846 = arith.constant 0 : i32
        %dma_start3A_847 = tpu.memref_slice %arg5[%dma_start3A_845, %dma_start3A_846] : memref<10240x128xf32, #tpu.memory_space<vmem_shared>> -> memref<10240x128xf32, #tpu.memory_space<vmem_shared>>
        tpu.enqueue_indirect_dma source(%arg10 : memref<125x128xf32, #tpu.memory_space<vmem>>) target(%dma_start3A_847 : memref<10240x128xf32, #tpu.memory_space<vmem_shared>>) offsets(%dma_start3A_844 : memref<125xi32, #tpu.memory_space<vmem>>) semaphore(%run_scoped3A_841 : memref<!tpu.dma_semaphore, #tpu.memory_space<semaphore_mem>>) {add = true}
        %dma_wait3A_848 = arith.constant 0 : i32
        %dma_wait3A_849 = tpu.memref_slice %arg6[%run_scoped3A, %dma_wait3A_848] : memref<2x125xi32, #tpu.memory_space<vmem>> -> memref<1x125xi32, #tpu.memory_space<vmem>>
        %dma_wait3A_850 = tpu.memref_squeeze %dma_wait3A_849 : memref<1x125xi32, #tpu.memory_space<vmem>> -> memref<125xi32, #tpu.memory_space<vmem>>
        %dma_wait3A_851 = arith.constant 0 : i32
        %dma_wait3A_852 = arith.constant 0 : i32
        %dma_wait3A_853 = tpu.memref_slice %arg5[%dma_wait3A_851, %dma_wait3A_852] : memref<10240x128xf32, #tpu.memory_space<vmem_shared>> -> memref<10240x128xf32, #tpu.memory_space<vmem_shared>>
        tpu.wait_indirect_dma semaphore(%run_scoped3A_841 : memref<!tpu.dma_semaphore, #tpu.memory_space<semaphore_mem>>) src(%arg10 : memref<125x128xf32, #tpu.memory_space<vmem>>) dst(%dma_wait3A_853 : memref<10240x128xf32, #tpu.memory_space<vmem_shared>>)
        tpu.yield
      }) : () -> ()
      %add3A_716 = arith.constant 1 : i32
      %add3A_717 = arith.addi %mul3A_638, %add3A_716 : i32
      %add3A_718 = arith.addi %mul3A_487, %add3A_717 : i32
      %dma_wait3A_719 = arith.constant 0 : i32
      %dma_wait3A_720 = arith.constant 0 : i32
      %dma_wait3A_721 = tpu.memref_slice %arg7[%dma_wait3A_719, %dma_wait3A_720] : memref<2x125xi32, #tpu.memory_space<vmem>> -> memref<1x125xi32, #tpu.memory_space<vmem>>
      %dma_wait3A_722 = tpu.memref_squeeze %dma_wait3A_721 : memref<1x125xi32, #tpu.memory_space<vmem>> -> memref<125xi32, #tpu.memory_space<vmem>>
      %dma_wait3A_723 = arith.constant 0 : i32
      %dma_wait3A_724 = arith.constant 0 : i32
      %dma_wait3A_725 = tpu.memref_slice %arg2[%dma_wait3A_723, %dma_wait3A_724] : memref<10000x128xf32, #tpu.memory_space<hbm>> -> memref<10000x128xf32, #tpu.memory_space<hbm>>
      tpu.wait_indirect_dma semaphore(%arg22 : memref<!tpu.dma_semaphore, #tpu.memory_space<semaphore_mem>>) src(%dma_wait3A_725 : memref<10000x128xf32, #tpu.memory_space<hbm>>) dst(%arg11 : memref<125x128xf32, #tpu.memory_space<vmem>>)
      %add3A_726 = arith.constant 1 : i32
      %add3A_727 = arith.addi %add3A_718, %add3A_726 : i32
      %dma_wait3A_728 = arith.constant 0 : i32
      %dma_wait3A_729 = arith.constant 0 : i32
      %dma_wait3A_730 = arith.constant 0 : i32
      %dma_wait3A_731 = tpu.memref_slice %arg8[%dma_wait3A_729, %dma_wait3A_730] : memref<2x125xi32, #tpu.memory_space<vmem>> -> memref<1x125xi32, #tpu.memory_space<vmem>>
      %dma_wait3A_732 = tpu.memref_squeeze %dma_wait3A_731 : memref<1x125xi32, #tpu.memory_space<vmem>> -> memref<125xi32, #tpu.memory_space<vmem>>
      %dma_wait3A_733 = arith.constant 0 : i32
      %dma_wait3A_734 = tpu.memref_slice %arg3[%dma_wait3A_728, %add3A_727, %dma_wait3A_733] : memref<2x2560x125xi32, #tpu.memory_space<hbm>> -> memref<1x1x125xi32, #tpu.memory_space<hbm>>
      %dma_wait3A_735 = tpu.memref_squeeze %dma_wait3A_734 : memref<1x1x125xi32, #tpu.memory_space<hbm>> -> memref<125xi32, #tpu.memory_space<hbm>>
      %dma_wait3A_736 = arith.constant 0 : i32
      %dma_wait3A_737 = tpu.memref_slice %arg8[%dma_wait3A_729, %dma_wait3A_736] : memref<2x125xi32, #tpu.memory_space<vmem>> -> memref<1x125xi32, #tpu.memory_space<vmem>>
      %dma_wait3A_738 = tpu.memref_squeeze %dma_wait3A_737 : memref<1x125xi32, #tpu.memory_space<vmem>> -> memref<125xi32, #tpu.memory_space<vmem>>
      %dma_wait3A_739 = arith.constant 0 : i32
      %dma_wait3A_740 = tpu.memref_slice %arg3[%dma_wait3A_728, %add3A_727, %dma_wait3A_739] : memref<2x2560x125xi32, #tpu.memory_space<hbm>> -> memref<1x1x125xi32, #tpu.memory_space<hbm>>
      %dma_wait3A_741 = tpu.memref_squeeze %dma_wait3A_740 : memref<1x1x125xi32, #tpu.memory_space<hbm>> -> memref<125xi32, #tpu.memory_space<hbm>>
      tpu.wait_dma2 semaphore(%arg17 : memref<!tpu.dma_semaphore, #tpu.memory_space<semaphore_mem>>) src(%dma_wait3A_741 : memref<125xi32, #tpu.memory_space<hbm>>) dst(%dma_wait3A_738 : memref<125xi32, #tpu.memory_space<vmem>>)
      %dma_wait3A_742 = arith.constant 1 : i32
      %dma_wait3A_743 = arith.constant 1 : i32
      %dma_wait3A_744 = arith.constant 0 : i32
      %dma_wait3A_745 = tpu.memref_slice %arg8[%dma_wait3A_743, %dma_wait3A_744] : memref<2x125xi32, #tpu.memory_space<vmem>> -> memref<1x125xi32, #tpu.memory_space<vmem>>
      %dma_wait3A_746 = tpu.memref_squeeze %dma_wait3A_745 : memref<1x125xi32, #tpu.memory_space<vmem>> -> memref<125xi32, #tpu.memory_space<vmem>>
      %dma_wait3A_747 = arith.constant 0 : i32
      %dma_wait3A_748 = tpu.memref_slice %arg3[%dma_wait3A_742, %add3A_727, %dma_wait3A_747] : memref<2x2560x125xi32, #tpu.memory_space<hbm>> -> memref<1x1x125xi32, #tpu.memory_space<hbm>>
      %dma_wait3A_749 = tpu.memref_squeeze %dma_wait3A_748 : memref<1x1x125xi32, #tpu.memory_space<hbm>> -> memref<125xi32, #tpu.memory_space<hbm>>
      %dma_wait3A_750 = arith.constant 0 : i32
      %dma_wait3A_751 = tpu.memref_slice %arg8[%dma_wait3A_743, %dma_wait3A_750] : memref<2x125xi32, #tpu.memory_space<vmem>> -> memref<1x125xi32, #tpu.memory_space<vmem>>
      %dma_wait3A_752 = tpu.memref_squeeze %dma_wait3A_751 : memref<1x125xi32, #tpu.memory_space<vmem>> -> memref<125xi32, #tpu.memory_space<vmem>>
      %dma_wait3A_753 = arith.constant 0 : i32
      %dma_wait3A_754 = tpu.memref_slice %arg3[%dma_wait3A_742, %add3A_727, %dma_wait3A_753] : memref<2x2560x125xi32, #tpu.memory_space<hbm>> -> memref<1x1x125xi32, #tpu.memory_space<hbm>>
      %dma_wait3A_755 = tpu.memref_squeeze %dma_wait3A_754 : memref<1x1x125xi32, #tpu.memory_space<hbm>> -> memref<125xi32, #tpu.memory_space<hbm>>
      tpu.wait_dma2 semaphore(%arg18 : memref<!tpu.dma_semaphore, #tpu.memory_space<semaphore_mem>>) src(%dma_wait3A_755 : memref<125xi32, #tpu.memory_space<hbm>>) dst(%dma_wait3A_752 : memref<125xi32, #tpu.memory_space<vmem>>)
      %dma_start3A_756 = arith.constant 0 : i32
      %dma_start3A_757 = arith.constant 0 : i32
      %dma_start3A_758 = tpu.memref_slice %arg8[%dma_start3A_756, %dma_start3A_757] : memref<2x125xi32, #tpu.memory_space<vmem>> -> memref<1x125xi32, #tpu.memory_space<vmem>>
      %dma_start3A_759 = tpu.memref_squeeze %dma_start3A_758 : memref<1x125xi32, #tpu.memory_space<vmem>> -> memref<125xi32, #tpu.memory_space<vmem>>
      %dma_start3A_760 = arith.constant 0 : i32
      %dma_start3A_761 = arith.constant 0 : i32
      %dma_start3A_762 = tpu.memref_slice %arg2[%dma_start3A_760, %dma_start3A_761] : memref<10000x128xf32, #tpu.memory_space<hbm>> -> memref<10000x128xf32, #tpu.memory_space<hbm>>
      tpu.enqueue_indirect_dma source(%dma_start3A_762 : memref<10000x128xf32, #tpu.memory_space<hbm>>) target(%arg10 : memref<125x128xf32, #tpu.memory_space<vmem>>) offsets(%dma_start3A_759 : memref<125xi32, #tpu.memory_space<vmem>>) semaphore(%arg21 : memref<!tpu.dma_semaphore, #tpu.memory_space<semaphore_mem>>)
      %lt3A = arith.constant 19 : i32
      %lt3A_763 = arith.cmpi slt, %scan3A_635, %lt3A : i32
      %convert_element_type3A = arith.extui %lt3A_763 : i1 to i32
      %cond3A = arith.constant 0 : i32
      %cond3A_764 = arith.cmpi ne, %convert_element_type3A, %cond3A : i32
      scf.if %cond3A_764 {
        %add3A_841 = arith.constant 3 : i32
        %add3A_842 = arith.addi %add3A_718, %add3A_841 : i32
        %dma_start3A_843 = arith.constant 0 : i32
        %dma_start3A_844 = arith.constant 0 : i32
        %dma_start3A_845 = arith.constant 0 : i32
        %dma_start3A_846 = tpu.memref_slice %arg6[%dma_start3A_844, %dma_start3A_845] : memref<2x125xi32, #tpu.memory_space<vmem>> -> memref<1x125xi32, #tpu.memory_space<vmem>>
        %dma_start3A_847 = tpu.memref_squeeze %dma_start3A_846 : memref<1x125xi32, #tpu.memory_space<vmem>> -> memref<125xi32, #tpu.memory_space<vmem>>
        %dma_start3A_848 = arith.constant 0 : i32
        %dma_start3A_849 = tpu.memref_slice %arg3[%dma_start3A_843, %add3A_842, %dma_start3A_848] : memref<2x2560x125xi32, #tpu.memory_space<hbm>> -> memref<1x1x125xi32, #tpu.memory_space<hbm>>
        %dma_start3A_850 = tpu.memref_squeeze %dma_start3A_849 : memref<1x1x125xi32, #tpu.memory_space<hbm>> -> memref<125xi32, #tpu.memory_space<hbm>>
        %dma_start3A_851 = arith.constant 0 : i32
        %dma_start3A_852 = tpu.memref_slice %arg6[%dma_start3A_844, %dma_start3A_851] : memref<2x125xi32, #tpu.memory_space<vmem>> -> memref<1x125xi32, #tpu.memory_space<vmem>>
        %dma_start3A_853 = tpu.memref_squeeze %dma_start3A_852 : memref<1x125xi32, #tpu.memory_space<vmem>> -> memref<125xi32, #tpu.memory_space<vmem>>
        %dma_start3A_854 = arith.constant 0 : i32
        %dma_start3A_855 = tpu.memref_slice %arg3[%dma_start3A_843, %add3A_842, %dma_start3A_854] : memref<2x2560x125xi32, #tpu.memory_space<hbm>> -> memref<1x1x125xi32, #tpu.memory_space<hbm>>
        %dma_start3A_856 = tpu.memref_squeeze %dma_start3A_855 : memref<1x1x125xi32, #tpu.memory_space<hbm>> -> memref<125xi32, #tpu.memory_space<hbm>>
        tpu.enqueue_dma source(%dma_start3A_856 : memref<125xi32, #tpu.memory_space<hbm>>) target(%dma_start3A_853 : memref<125xi32, #tpu.memory_space<vmem>>) target_semaphore(%arg13 : memref<!tpu.dma_semaphore, #tpu.memory_space<semaphore_mem>>)
        %dma_start3A_857 = arith.constant 1 : i32
        %dma_start3A_858 = arith.constant 1 : i32
        %dma_start3A_859 = arith.constant 0 : i32
        %dma_start3A_860 = tpu.memref_slice %arg6[%dma_start3A_858, %dma_start3A_859] : memref<2x125xi32, #tpu.memory_space<vmem>> -> memref<1x125xi32, #tpu.memory_space<vmem>>
        %dma_start3A_861 = tpu.memref_squeeze %dma_start3A_860 : memref<1x125xi32, #tpu.memory_space<vmem>> -> memref<125xi32, #tpu.memory_space<vmem>>
        %dma_start3A_862 = arith.constant 0 : i32
        %dma_start3A_863 = tpu.memref_slice %arg3[%dma_start3A_857, %add3A_842, %dma_start3A_862] : memref<2x2560x125xi32, #tpu.memory_space<hbm>> -> memref<1x1x125xi32, #tpu.memory_space<hbm>>
        %dma_start3A_864 = tpu.memref_squeeze %dma_start3A_863 : memref<1x1x125xi32, #tpu.memory_space<hbm>> -> memref<125xi32, #tpu.memory_space<hbm>>
        %dma_start3A_865 = arith.constant 0 : i32
        %dma_start3A_866 = tpu.memref_slice %arg6[%dma_start3A_858, %dma_start3A_865] : memref<2x125xi32, #tpu.memory_space<vmem>> -> memref<1x125xi32, #tpu.memory_space<vmem>>
        %dma_start3A_867 = tpu.memref_squeeze %dma_start3A_866 : memref<1x125xi32, #tpu.memory_space<vmem>> -> memref<125xi32, #tpu.memory_space<vmem>>
        %dma_start3A_868 = arith.constant 0 : i32
        %dma_start3A_869 = tpu.memref_slice %arg3[%dma_start3A_857, %add3A_842, %dma_start3A_868] : memref<2x2560x125xi32, #tpu.memory_space<hbm>> -> memref<1x1x125xi32, #tpu.memory_space<hbm>>
        %dma_start3A_870 = tpu.memref_squeeze %dma_start3A_869 : memref<1x1x125xi32, #tpu.memory_space<hbm>> -> memref<125xi32, #tpu.memory_space<hbm>>
        tpu.enqueue_dma source(%dma_start3A_870 : memref<125xi32, #tpu.memory_space<hbm>>) target(%dma_start3A_867 : memref<125xi32, #tpu.memory_space<vmem>>) target_semaphore(%arg14 : memref<!tpu.dma_semaphore, #tpu.memory_space<semaphore_mem>>)
      } else {
      }
      %run_scoped3A_765 = arith.constant 1 : i32
      "tpu.region"() ({
        %run_scoped3A_841 = tpu.sem_alloc : memref<!tpu.dma_semaphore, #tpu.memory_space<semaphore_mem>>
        %dma_start3A_842 = arith.constant 0 : i32
        %dma_start3A_843 = tpu.memref_slice %arg7[%run_scoped3A_765, %dma_start3A_842] : memref<2x125xi32, #tpu.memory_space<vmem>> -> memref<1x125xi32, #tpu.memory_space<vmem>>
        %dma_start3A_844 = tpu.memref_squeeze %dma_start3A_843 : memref<1x125xi32, #tpu.memory_space<vmem>> -> memref<125xi32, #tpu.memory_space<vmem>>
        %dma_start3A_845 = arith.constant 0 : i32
        %dma_start3A_846 = arith.constant 0 : i32
        %dma_start3A_847 = tpu.memref_slice %arg5[%dma_start3A_845, %dma_start3A_846] : memref<10240x128xf32, #tpu.memory_space<vmem_shared>> -> memref<10240x128xf32, #tpu.memory_space<vmem_shared>>
        tpu.enqueue_indirect_dma source(%arg11 : memref<125x128xf32, #tpu.memory_space<vmem>>) target(%dma_start3A_847 : memref<10240x128xf32, #tpu.memory_space<vmem_shared>>) offsets(%dma_start3A_844 : memref<125xi32, #tpu.memory_space<vmem>>) semaphore(%run_scoped3A_841 : memref<!tpu.dma_semaphore, #tpu.memory_space<semaphore_mem>>) {add = true}
        %dma_wait3A_848 = arith.constant 0 : i32
        %dma_wait3A_849 = tpu.memref_slice %arg7[%run_scoped3A_765, %dma_wait3A_848] : memref<2x125xi32, #tpu.memory_space<vmem>> -> memref<1x125xi32, #tpu.memory_space<vmem>>
        %dma_wait3A_850 = tpu.memref_squeeze %dma_wait3A_849 : memref<1x125xi32, #tpu.memory_space<vmem>> -> memref<125xi32, #tpu.memory_space<vmem>>
        %dma_wait3A_851 = arith.constant 0 : i32
        %dma_wait3A_852 = arith.constant 0 : i32
        %dma_wait3A_853 = tpu.memref_slice %arg5[%dma_wait3A_851, %dma_wait3A_852] : memref<10240x128xf32, #tpu.memory_space<vmem_shared>> -> memref<10240x128xf32, #tpu.memory_space<vmem_shared>>
        tpu.wait_indirect_dma semaphore(%run_scoped3A_841 : memref<!tpu.dma_semaphore, #tpu.memory_space<semaphore_mem>>) src(%arg11 : memref<125x128xf32, #tpu.memory_space<vmem>>) dst(%dma_wait3A_853 : memref<10240x128xf32, #tpu.memory_space<vmem_shared>>)
        tpu.yield
      }) : () -> ()
      %add3A_766 = arith.constant 2 : i32
      %add3A_767 = arith.addi %mul3A_638, %add3A_766 : i32
      %add3A_768 = arith.addi %mul3A_487, %add3A_767 : i32
      %dma_wait3A_769 = arith.constant 0 : i32
      %dma_wait3A_770 = arith.constant 0 : i32
      %dma_wait3A_771 = tpu.memref_slice %arg8[%dma_wait3A_769, %dma_wait3A_770] : memref<2x125xi32, #tpu.memory_space<vmem>> -> memref<1x125xi32, #tpu.memory_space<vmem>>
      %dma_wait3A_772 = tpu.memref_squeeze %dma_wait3A_771 : memref<1x125xi32, #tpu.memory_space<vmem>> -> memref<125xi32, #tpu.memory_space<vmem>>
      %dma_wait3A_773 = arith.constant 0 : i32
      %dma_wait3A_774 = arith.constant 0 : i32
      %dma_wait3A_775 = tpu.memref_slice %arg2[%dma_wait3A_773, %dma_wait3A_774] : memref<10000x128xf32, #tpu.memory_space<hbm>> -> memref<10000x128xf32, #tpu.memory_space<hbm>>
      tpu.wait_indirect_dma semaphore(%arg21 : memref<!tpu.dma_semaphore, #tpu.memory_space<semaphore_mem>>) src(%dma_wait3A_775 : memref<10000x128xf32, #tpu.memory_space<hbm>>) dst(%arg10 : memref<125x128xf32, #tpu.memory_space<vmem>>)
      %add3A_776 = arith.constant 1 : i32
      %add3A_777 = arith.addi %add3A_768, %add3A_776 : i32
      %dma_wait3A_778 = arith.constant 0 : i32
      %dma_wait3A_779 = arith.constant 0 : i32
      %dma_wait3A_780 = arith.constant 0 : i32
      %dma_wait3A_781 = tpu.memref_slice %arg9[%dma_wait3A_779, %dma_wait3A_780] : memref<2x125xi32, #tpu.memory_space<vmem>> -> memref<1x125xi32, #tpu.memory_space<vmem>>
      %dma_wait3A_782 = tpu.memref_squeeze %dma_wait3A_781 : memref<1x125xi32, #tpu.memory_space<vmem>> -> memref<125xi32, #tpu.memory_space<vmem>>
      %dma_wait3A_783 = arith.constant 0 : i32
      %dma_wait3A_784 = tpu.memref_slice %arg3[%dma_wait3A_778, %add3A_777, %dma_wait3A_783] : memref<2x2560x125xi32, #tpu.memory_space<hbm>> -> memref<1x1x125xi32, #tpu.memory_space<hbm>>
      %dma_wait3A_785 = tpu.memref_squeeze %dma_wait3A_784 : memref<1x1x125xi32, #tpu.memory_space<hbm>> -> memref<125xi32, #tpu.memory_space<hbm>>
      %dma_wait3A_786 = arith.constant 0 : i32
      %dma_wait3A_787 = tpu.memref_slice %arg9[%dma_wait3A_779, %dma_wait3A_786] : memref<2x125xi32, #tpu.memory_space<vmem>> -> memref<1x125xi32, #tpu.memory_space<vmem>>
      %dma_wait3A_788 = tpu.memref_squeeze %dma_wait3A_787 : memref<1x125xi32, #tpu.memory_space<vmem>> -> memref<125xi32, #tpu.memory_space<vmem>>
      %dma_wait3A_789 = arith.constant 0 : i32
      %dma_wait3A_790 = tpu.memref_slice %arg3[%dma_wait3A_778, %add3A_777, %dma_wait3A_789] : memref<2x2560x125xi32, #tpu.memory_space<hbm>> -> memref<1x1x125xi32, #tpu.memory_space<hbm>>
      %dma_wait3A_791 = tpu.memref_squeeze %dma_wait3A_790 : memref<1x1x125xi32, #tpu.memory_space<hbm>> -> memref<125xi32, #tpu.memory_space<hbm>>
      tpu.wait_dma2 semaphore(%arg19 : memref<!tpu.dma_semaphore, #tpu.memory_space<semaphore_mem>>) src(%dma_wait3A_791 : memref<125xi32, #tpu.memory_space<hbm>>) dst(%dma_wait3A_788 : memref<125xi32, #tpu.memory_space<vmem>>)
      %dma_wait3A_792 = arith.constant 1 : i32
      %dma_wait3A_793 = arith.constant 1 : i32
      %dma_wait3A_794 = arith.constant 0 : i32
      %dma_wait3A_795 = tpu.memref_slice %arg9[%dma_wait3A_793, %dma_wait3A_794] : memref<2x125xi32, #tpu.memory_space<vmem>> -> memref<1x125xi32, #tpu.memory_space<vmem>>
      %dma_wait3A_796 = tpu.memref_squeeze %dma_wait3A_795 : memref<1x125xi32, #tpu.memory_space<vmem>> -> memref<125xi32, #tpu.memory_space<vmem>>
      %dma_wait3A_797 = arith.constant 0 : i32
      %dma_wait3A_798 = tpu.memref_slice %arg3[%dma_wait3A_792, %add3A_777, %dma_wait3A_797] : memref<2x2560x125xi32, #tpu.memory_space<hbm>> -> memref<1x1x125xi32, #tpu.memory_space<hbm>>
      %dma_wait3A_799 = tpu.memref_squeeze %dma_wait3A_798 : memref<1x1x125xi32, #tpu.memory_space<hbm>> -> memref<125xi32, #tpu.memory_space<hbm>>
      %dma_wait3A_800 = arith.constant 0 : i32
      %dma_wait3A_801 = tpu.memref_slice %arg9[%dma_wait3A_793, %dma_wait3A_800] : memref<2x125xi32, #tpu.memory_space<vmem>> -> memref<1x125xi32, #tpu.memory_space<vmem>>
      %dma_wait3A_802 = tpu.memref_squeeze %dma_wait3A_801 : memref<1x125xi32, #tpu.memory_space<vmem>> -> memref<125xi32, #tpu.memory_space<vmem>>
      %dma_wait3A_803 = arith.constant 0 : i32
      %dma_wait3A_804 = tpu.memref_slice %arg3[%dma_wait3A_792, %add3A_777, %dma_wait3A_803] : memref<2x2560x125xi32, #tpu.memory_space<hbm>> -> memref<1x1x125xi32, #tpu.memory_space<hbm>>
      %dma_wait3A_805 = tpu.memref_squeeze %dma_wait3A_804 : memref<1x1x125xi32, #tpu.memory_space<hbm>> -> memref<125xi32, #tpu.memory_space<hbm>>
      tpu.wait_dma2 semaphore(%arg20 : memref<!tpu.dma_semaphore, #tpu.memory_space<semaphore_mem>>) src(%dma_wait3A_805 : memref<125xi32, #tpu.memory_space<hbm>>) dst(%dma_wait3A_802 : memref<125xi32, #tpu.memory_space<vmem>>)
      %dma_start3A_806 = arith.constant 0 : i32
      %dma_start3A_807 = arith.constant 0 : i32
      %dma_start3A_808 = tpu.memref_slice %arg9[%dma_start3A_806, %dma_start3A_807] : memref<2x125xi32, #tpu.memory_space<vmem>> -> memref<1x125xi32, #tpu.memory_space<vmem>>
      %dma_start3A_809 = tpu.memref_squeeze %dma_start3A_808 : memref<1x125xi32, #tpu.memory_space<vmem>> -> memref<125xi32, #tpu.memory_space<vmem>>
      %dma_start3A_810 = arith.constant 0 : i32
      %dma_start3A_811 = arith.constant 0 : i32
      %dma_start3A_812 = tpu.memref_slice %arg2[%dma_start3A_810, %dma_start3A_811] : memref<10000x128xf32, #tpu.memory_space<hbm>> -> memref<10000x128xf32, #tpu.memory_space<hbm>>
      tpu.enqueue_indirect_dma source(%dma_start3A_812 : memref<10000x128xf32, #tpu.memory_space<hbm>>) target(%arg11 : memref<125x128xf32, #tpu.memory_space<vmem>>) offsets(%dma_start3A_809 : memref<125xi32, #tpu.memory_space<vmem>>) semaphore(%arg22 : memref<!tpu.dma_semaphore, #tpu.memory_space<semaphore_mem>>)
      %lt3A_813 = arith.constant 19 : i32
      %lt3A_814 = arith.cmpi slt, %scan3A_635, %lt3A_813 : i32
      %convert_element_type3A_815 = arith.extui %lt3A_814 : i1 to i32
      %cond3A_816 = arith.constant 0 : i32
      %cond3A_817 = arith.cmpi ne, %convert_element_type3A_815, %cond3A_816 : i32
      scf.if %cond3A_817 {
        %add3A_841 = arith.constant 3 : i32
        %add3A_842 = arith.addi %add3A_768, %add3A_841 : i32
        %dma_start3A_843 = arith.constant 0 : i32
        %dma_start3A_844 = arith.constant 0 : i32
        %dma_start3A_845 = arith.constant 0 : i32
        %dma_start3A_846 = tpu.memref_slice %arg7[%dma_start3A_844, %dma_start3A_845] : memref<2x125xi32, #tpu.memory_space<vmem>> -> memref<1x125xi32, #tpu.memory_space<vmem>>
        %dma_start3A_847 = tpu.memref_squeeze %dma_start3A_846 : memref<1x125xi32, #tpu.memory_space<vmem>> -> memref<125xi32, #tpu.memory_space<vmem>>
        %dma_start3A_848 = arith.constant 0 : i32
        %dma_start3A_849 = tpu.memref_slice %arg3[%dma_start3A_843, %add3A_842, %dma_start3A_848] : memref<2x2560x125xi32, #tpu.memory_space<hbm>> -> memref<1x1x125xi32, #tpu.memory_space<hbm>>
        %dma_start3A_850 = tpu.memref_squeeze %dma_start3A_849 : memref<1x1x125xi32, #tpu.memory_space<hbm>> -> memref<125xi32, #tpu.memory_space<hbm>>
        %dma_start3A_851 = arith.constant 0 : i32
        %dma_start3A_852 = tpu.memref_slice %arg7[%dma_start3A_844, %dma_start3A_851] : memref<2x125xi32, #tpu.memory_space<vmem>> -> memref<1x125xi32, #tpu.memory_space<vmem>>
        %dma_start3A_853 = tpu.memref_squeeze %dma_start3A_852 : memref<1x125xi32, #tpu.memory_space<vmem>> -> memref<125xi32, #tpu.memory_space<vmem>>
        %dma_start3A_854 = arith.constant 0 : i32
        %dma_start3A_855 = tpu.memref_slice %arg3[%dma_start3A_843, %add3A_842, %dma_start3A_854] : memref<2x2560x125xi32, #tpu.memory_space<hbm>> -> memref<1x1x125xi32, #tpu.memory_space<hbm>>
        %dma_start3A_856 = tpu.memref_squeeze %dma_start3A_855 : memref<1x1x125xi32, #tpu.memory_space<hbm>> -> memref<125xi32, #tpu.memory_space<hbm>>
        tpu.enqueue_dma source(%dma_start3A_856 : memref<125xi32, #tpu.memory_space<hbm>>) target(%dma_start3A_853 : memref<125xi32, #tpu.memory_space<vmem>>) target_semaphore(%arg15 : memref<!tpu.dma_semaphore, #tpu.memory_space<semaphore_mem>>)
        %dma_start3A_857 = arith.constant 1 : i32
        %dma_start3A_858 = arith.constant 1 : i32
        %dma_start3A_859 = arith.constant 0 : i32
        %dma_start3A_860 = tpu.memref_slice %arg7[%dma_start3A_858, %dma_start3A_859] : memref<2x125xi32, #tpu.memory_space<vmem>> -> memref<1x125xi32, #tpu.memory_space<vmem>>
        %dma_start3A_861 = tpu.memref_squeeze %dma_start3A_860 : memref<1x125xi32, #tpu.memory_space<vmem>> -> memref<125xi32, #tpu.memory_space<vmem>>
        %dma_start3A_862 = arith.constant 0 : i32
        %dma_start3A_863 = tpu.memref_slice %arg3[%dma_start3A_857, %add3A_842, %dma_start3A_862] : memref<2x2560x125xi32, #tpu.memory_space<hbm>> -> memref<1x1x125xi32, #tpu.memory_space<hbm>>
        %dma_start3A_864 = tpu.memref_squeeze %dma_start3A_863 : memref<1x1x125xi32, #tpu.memory_space<hbm>> -> memref<125xi32, #tpu.memory_space<hbm>>
        %dma_start3A_865 = arith.constant 0 : i32
        %dma_start3A_866 = tpu.memref_slice %arg7[%dma_start3A_858, %dma_start3A_865] : memref<2x125xi32, #tpu.memory_space<vmem>> -> memref<1x125xi32, #tpu.memory_space<vmem>>
        %dma_start3A_867 = tpu.memref_squeeze %dma_start3A_866 : memref<1x125xi32, #tpu.memory_space<vmem>> -> memref<125xi32, #tpu.memory_space<vmem>>
        %dma_start3A_868 = arith.constant 0 : i32
        %dma_start3A_869 = tpu.memref_slice %arg3[%dma_start3A_857, %add3A_842, %dma_start3A_868] : memref<2x2560x125xi32, #tpu.memory_space<hbm>> -> memref<1x1x125xi32, #tpu.memory_space<hbm>>
        %dma_start3A_870 = tpu.memref_squeeze %dma_start3A_869 : memref<1x1x125xi32, #tpu.memory_space<hbm>> -> memref<125xi32, #tpu.memory_space<hbm>>
        tpu.enqueue_dma source(%dma_start3A_870 : memref<125xi32, #tpu.memory_space<hbm>>) target(%dma_start3A_867 : memref<125xi32, #tpu.memory_space<vmem>>) target_semaphore(%arg16 : memref<!tpu.dma_semaphore, #tpu.memory_space<semaphore_mem>>)
      } else {
      }
      %run_scoped3A_818 = arith.constant 1 : i32
      "tpu.region"() ({
        %run_scoped3A_841 = tpu.sem_alloc : memref<!tpu.dma_semaphore, #tpu.memory_space<semaphore_mem>>
        %dma_start3A_842 = arith.constant 0 : i32
        %dma_start3A_843 = tpu.memref_slice %arg8[%run_scoped3A_818, %dma_start3A_842] : memref<2x125xi32, #tpu.memory_space<vmem>> -> memref<1x125xi32, #tpu.memory_space<vmem>>
        %dma_start3A_844 = tpu.memref_squeeze %dma_start3A_843 : memref<1x125xi32, #tpu.memory_space<vmem>> -> memref<125xi32, #tpu.memory_space<vmem>>
        %dma_start3A_845 = arith.constant 0 : i32
        %dma_start3A_846 = arith.constant 0 : i32
        %dma_start3A_847 = tpu.memref_slice %arg5[%dma_start3A_845, %dma_start3A_846] : memref<10240x128xf32, #tpu.memory_space<vmem_shared>> -> memref<10240x128xf32, #tpu.memory_space<vmem_shared>>
        tpu.enqueue_indirect_dma source(%arg10 : memref<125x128xf32, #tpu.memory_space<vmem>>) target(%dma_start3A_847 : memref<10240x128xf32, #tpu.memory_space<vmem_shared>>) offsets(%dma_start3A_844 : memref<125xi32, #tpu.memory_space<vmem>>) semaphore(%run_scoped3A_841 : memref<!tpu.dma_semaphore, #tpu.memory_space<semaphore_mem>>) {add = true}
        %dma_wait3A_848 = arith.constant 0 : i32
        %dma_wait3A_849 = tpu.memref_slice %arg8[%run_scoped3A_818, %dma_wait3A_848] : memref<2x125xi32, #tpu.memory_space<vmem>> -> memref<1x125xi32, #tpu.memory_space<vmem>>
        %dma_wait3A_850 = tpu.memref_squeeze %dma_wait3A_849 : memref<1x125xi32, #tpu.memory_space<vmem>> -> memref<125xi32, #tpu.memory_space<vmem>>
        %dma_wait3A_851 = arith.constant 0 : i32
        %dma_wait3A_852 = arith.constant 0 : i32
        %dma_wait3A_853 = tpu.memref_slice %arg5[%dma_wait3A_851, %dma_wait3A_852] : memref<10240x128xf32, #tpu.memory_space<vmem_shared>> -> memref<10240x128xf32, #tpu.memory_space<vmem_shared>>
        tpu.wait_indirect_dma semaphore(%run_scoped3A_841 : memref<!tpu.dma_semaphore, #tpu.memory_space<semaphore_mem>>) src(%arg10 : memref<125x128xf32, #tpu.memory_space<vmem>>) dst(%dma_wait3A_853 : memref<10240x128xf32, #tpu.memory_space<vmem_shared>>)
        tpu.yield
      }) : () -> ()
      %add3A_819 = arith.constant 3 : i32
      %add3A_820 = arith.addi %mul3A_638, %add3A_819 : i32
      %add3A_821 = arith.addi %mul3A_487, %add3A_820 : i32
      %dma_wait3A_822 = arith.constant 0 : i32
      %dma_wait3A_823 = arith.constant 0 : i32
      %dma_wait3A_824 = tpu.memref_slice %arg9[%dma_wait3A_822, %dma_wait3A_823] : memref<2x125xi32, #tpu.memory_space<vmem>> -> memref<1x125xi32, #tpu.memory_space<vmem>>
      %dma_wait3A_825 = tpu.memref_squeeze %dma_wait3A_824 : memref<1x125xi32, #tpu.memory_space<vmem>> -> memref<125xi32, #tpu.memory_space<vmem>>
      %dma_wait3A_826 = arith.constant 0 : i32
      %dma_wait3A_827 = arith.constant 0 : i32
      %dma_wait3A_828 = tpu.memref_slice %arg2[%dma_wait3A_826, %dma_wait3A_827] : memref<10000x128xf32, #tpu.memory_space<hbm>> -> memref<10000x128xf32, #tpu.memory_space<hbm>>
      tpu.wait_indirect_dma semaphore(%arg22 : memref<!tpu.dma_semaphore, #tpu.memory_space<semaphore_mem>>) src(%dma_wait3A_828 : memref<10000x128xf32, #tpu.memory_space<hbm>>) dst(%arg11 : memref<125x128xf32, #tpu.memory_space<vmem>>)
      %lt3A_829 = arith.constant 19 : i32
      %lt3A_830 = arith.cmpi slt, %scan3A_635, %lt3A_829 : i32
      %convert_element_type3A_831 = arith.extui %lt3A_830 : i1 to i32
      %cond3A_832 = arith.constant 0 : i32
      %cond3A_833 = arith.cmpi ne, %convert_element_type3A_831, %cond3A_832 : i32
      scf.if %cond3A_833 {
        %add3A_841 = arith.constant 1 : i32
        %add3A_842 = arith.addi %add3A_821, %add3A_841 : i32
        %dma_wait3A_843 = arith.constant 0 : i32
        %dma_wait3A_844 = arith.constant 0 : i32
        %dma_wait3A_845 = arith.constant 0 : i32
        %dma_wait3A_846 = tpu.memref_slice %arg6[%dma_wait3A_844, %dma_wait3A_845] : memref<2x125xi32, #tpu.memory_space<vmem>> -> memref<1x125xi32, #tpu.memory_space<vmem>>
        %dma_wait3A_847 = tpu.memref_squeeze %dma_wait3A_846 : memref<1x125xi32, #tpu.memory_space<vmem>> -> memref<125xi32, #tpu.memory_space<vmem>>
        %dma_wait3A_848 = arith.constant 0 : i32
        %dma_wait3A_849 = tpu.memref_slice %arg3[%dma_wait3A_843, %add3A_842, %dma_wait3A_848] : memref<2x2560x125xi32, #tpu.memory_space<hbm>> -> memref<1x1x125xi32, #tpu.memory_space<hbm>>
        %dma_wait3A_850 = tpu.memref_squeeze %dma_wait3A_849 : memref<1x1x125xi32, #tpu.memory_space<hbm>> -> memref<125xi32, #tpu.memory_space<hbm>>
        %dma_wait3A_851 = arith.constant 0 : i32
        %dma_wait3A_852 = tpu.memref_slice %arg6[%dma_wait3A_844, %dma_wait3A_851] : memref<2x125xi32, #tpu.memory_space<vmem>> -> memref<1x125xi32, #tpu.memory_space<vmem>>
        %dma_wait3A_853 = tpu.memref_squeeze %dma_wait3A_852 : memref<1x125xi32, #tpu.memory_space<vmem>> -> memref<125xi32, #tpu.memory_space<vmem>>
        %dma_wait3A_854 = arith.constant 0 : i32
        %dma_wait3A_855 = tpu.memref_slice %arg3[%dma_wait3A_843, %add3A_842, %dma_wait3A_854] : memref<2x2560x125xi32, #tpu.memory_space<hbm>> -> memref<1x1x125xi32, #tpu.memory_space<hbm>>
        %dma_wait3A_856 = tpu.memref_squeeze %dma_wait3A_855 : memref<1x1x125xi32, #tpu.memory_space<hbm>> -> memref<125xi32, #tpu.memory_space<hbm>>
        tpu.wait_dma2 semaphore(%arg13 : memref<!tpu.dma_semaphore, #tpu.memory_space<semaphore_mem>>) src(%dma_wait3A_856 : memref<125xi32, #tpu.memory_space<hbm>>) dst(%dma_wait3A_853 : memref<125xi32, #tpu.memory_space<vmem>>)
        %dma_wait3A_857 = arith.constant 1 : i32
        %dma_wait3A_858 = arith.constant 1 : i32
        %dma_wait3A_859 = arith.constant 0 : i32
        %dma_wait3A_860 = tpu.memref_slice %arg6[%dma_wait3A_858, %dma_wait3A_859] : memref<2x125xi32, #tpu.memory_space<vmem>> -> memref<1x125xi32, #tpu.memory_space<vmem>>
        %dma_wait3A_861 = tpu.memref_squeeze %dma_wait3A_860 : memref<1x125xi32, #tpu.memory_space<vmem>> -> memref<125xi32, #tpu.memory_space<vmem>>
        %dma_wait3A_862 = arith.constant 0 : i32
        %dma_wait3A_863 = tpu.memref_slice %arg3[%dma_wait3A_857, %add3A_842, %dma_wait3A_862] : memref<2x2560x125xi32, #tpu.memory_space<hbm>> -> memref<1x1x125xi32, #tpu.memory_space<hbm>>
        %dma_wait3A_864 = tpu.memref_squeeze %dma_wait3A_863 : memref<1x1x125xi32, #tpu.memory_space<hbm>> -> memref<125xi32, #tpu.memory_space<hbm>>
        %dma_wait3A_865 = arith.constant 0 : i32
        %dma_wait3A_866 = tpu.memref_slice %arg6[%dma_wait3A_858, %dma_wait3A_865] : memref<2x125xi32, #tpu.memory_space<vmem>> -> memref<1x125xi32, #tpu.memory_space<vmem>>
        %dma_wait3A_867 = tpu.memref_squeeze %dma_wait3A_866 : memref<1x125xi32, #tpu.memory_space<vmem>> -> memref<125xi32, #tpu.memory_space<vmem>>
        %dma_wait3A_868 = arith.constant 0 : i32
        %dma_wait3A_869 = tpu.memref_slice %arg3[%dma_wait3A_857, %add3A_842, %dma_wait3A_868] : memref<2x2560x125xi32, #tpu.memory_space<hbm>> -> memref<1x1x125xi32, #tpu.memory_space<hbm>>
        %dma_wait3A_870 = tpu.memref_squeeze %dma_wait3A_869 : memref<1x1x125xi32, #tpu.memory_space<hbm>> -> memref<125xi32, #tpu.memory_space<hbm>>
        tpu.wait_dma2 semaphore(%arg14 : memref<!tpu.dma_semaphore, #tpu.memory_space<semaphore_mem>>) src(%dma_wait3A_870 : memref<125xi32, #tpu.memory_space<hbm>>) dst(%dma_wait3A_867 : memref<125xi32, #tpu.memory_space<vmem>>)
        %dma_start3A_871 = arith.constant 0 : i32
        %dma_start3A_872 = arith.constant 0 : i32
        %dma_start3A_873 = tpu.memref_slice %arg6[%dma_start3A_871, %dma_start3A_872] : memref<2x125xi32, #tpu.memory_space<vmem>> -> memref<1x125xi32, #tpu.memory_space<vmem>>
        %dma_start3A_874 = tpu.memref_squeeze %dma_start3A_873 : memref<1x125xi32, #tpu.memory_space<vmem>> -> memref<125xi32, #tpu.memory_space<vmem>>
        %dma_start3A_875 = arith.constant 0 : i32
        %dma_start3A_876 = arith.constant 0 : i32
        %dma_start3A_877 = tpu.memref_slice %arg2[%dma_start3A_875, %dma_start3A_876] : memref<10000x128xf32, #tpu.memory_space<hbm>> -> memref<10000x128xf32, #tpu.memory_space<hbm>>
        tpu.enqueue_indirect_dma source(%dma_start3A_877 : memref<10000x128xf32, #tpu.memory_space<hbm>>) target(%arg10 : memref<125x128xf32, #tpu.memory_space<vmem>>) offsets(%dma_start3A_874 : memref<125xi32, #tpu.memory_space<vmem>>) semaphore(%arg21 : memref<!tpu.dma_semaphore, #tpu.memory_space<semaphore_mem>>)
      } else {
      }
      %lt3A_834 = arith.constant 19 : i32
      %lt3A_835 = arith.cmpi slt, %scan3A_635, %lt3A_834 : i32
      %convert_element_type3A_836 = arith.extui %lt3A_835 : i1 to i32
      %cond3A_837 = arith.constant 0 : i32
      %cond3A_838 = arith.cmpi ne, %convert_element_type3A_836, %cond3A_837 : i32
      scf.if %cond3A_838 {
        %add3A_841 = arith.constant 3 : i32
        %add3A_842 = arith.addi %add3A_821, %add3A_841 : i32
        %dma_start3A_843 = arith.constant 0 : i32
        %dma_start3A_844 = arith.constant 0 : i32
        %dma_start3A_845 = arith.constant 0 : i32
        %dma_start3A_846 = tpu.memref_slice %arg8[%dma_start3A_844, %dma_start3A_845] : memref<2x125xi32, #tpu.memory_space<vmem>> -> memref<1x125xi32, #tpu.memory_space<vmem>>
        %dma_start3A_847 = tpu.memref_squeeze %dma_start3A_846 : memref<1x125xi32, #tpu.memory_space<vmem>> -> memref<125xi32, #tpu.memory_space<vmem>>
        %dma_start3A_848 = arith.constant 0 : i32
        %dma_start3A_849 = tpu.memref_slice %arg3[%dma_start3A_843, %add3A_842, %dma_start3A_848] : memref<2x2560x125xi32, #tpu.memory_space<hbm>> -> memref<1x1x125xi32, #tpu.memory_space<hbm>>
        %dma_start3A_850 = tpu.memref_squeeze %dma_start3A_849 : memref<1x1x125xi32, #tpu.memory_space<hbm>> -> memref<125xi32, #tpu.memory_space<hbm>>
        %dma_start3A_851 = arith.constant 0 : i32
        %dma_start3A_852 = tpu.memref_slice %arg8[%dma_start3A_844, %dma_start3A_851] : memref<2x125xi32, #tpu.memory_space<vmem>> -> memref<1x125xi32, #tpu.memory_space<vmem>>
        %dma_start3A_853 = tpu.memref_squeeze %dma_start3A_852 : memref<1x125xi32, #tpu.memory_space<vmem>> -> memref<125xi32, #tpu.memory_space<vmem>>
        %dma_start3A_854 = arith.constant 0 : i32
        %dma_start3A_855 = tpu.memref_slice %arg3[%dma_start3A_843, %add3A_842, %dma_start3A_854] : memref<2x2560x125xi32, #tpu.memory_space<hbm>> -> memref<1x1x125xi32, #tpu.memory_space<hbm>>
        %dma_start3A_856 = tpu.memref_squeeze %dma_start3A_855 : memref<1x1x125xi32, #tpu.memory_space<hbm>> -> memref<125xi32, #tpu.memory_space<hbm>>
        tpu.enqueue_dma source(%dma_start3A_856 : memref<125xi32, #tpu.memory_space<hbm>>) target(%dma_start3A_853 : memref<125xi32, #tpu.memory_space<vmem>>) target_semaphore(%arg17 : memref<!tpu.dma_semaphore, #tpu.memory_space<semaphore_mem>>)
        %dma_start3A_857 = arith.constant 1 : i32
        %dma_start3A_858 = arith.constant 1 : i32
        %dma_start3A_859 = arith.constant 0 : i32
        %dma_start3A_860 = tpu.memref_slice %arg8[%dma_start3A_858, %dma_start3A_859] : memref<2x125xi32, #tpu.memory_space<vmem>> -> memref<1x125xi32, #tpu.memory_space<vmem>>
        %dma_start3A_861 = tpu.memref_squeeze %dma_start3A_860 : memref<1x125xi32, #tpu.memory_space<vmem>> -> memref<125xi32, #tpu.memory_space<vmem>>
        %dma_start3A_862 = arith.constant 0 : i32
        %dma_start3A_863 = tpu.memref_slice %arg3[%dma_start3A_857, %add3A_842, %dma_start3A_862] : memref<2x2560x125xi32, #tpu.memory_space<hbm>> -> memref<1x1x125xi32, #tpu.memory_space<hbm>>
        %dma_start3A_864 = tpu.memref_squeeze %dma_start3A_863 : memref<1x1x125xi32, #tpu.memory_space<hbm>> -> memref<125xi32, #tpu.memory_space<hbm>>
        %dma_start3A_865 = arith.constant 0 : i32
        %dma_start3A_866 = tpu.memref_slice %arg8[%dma_start3A_858, %dma_start3A_865] : memref<2x125xi32, #tpu.memory_space<vmem>> -> memref<1x125xi32, #tpu.memory_space<vmem>>
        %dma_start3A_867 = tpu.memref_squeeze %dma_start3A_866 : memref<1x125xi32, #tpu.memory_space<vmem>> -> memref<125xi32, #tpu.memory_space<vmem>>
        %dma_start3A_868 = arith.constant 0 : i32
        %dma_start3A_869 = tpu.memref_slice %arg3[%dma_start3A_857, %add3A_842, %dma_start3A_868] : memref<2x2560x125xi32, #tpu.memory_space<hbm>> -> memref<1x1x125xi32, #tpu.memory_space<hbm>>
        %dma_start3A_870 = tpu.memref_squeeze %dma_start3A_869 : memref<1x1x125xi32, #tpu.memory_space<hbm>> -> memref<125xi32, #tpu.memory_space<hbm>>
        tpu.enqueue_dma source(%dma_start3A_870 : memref<125xi32, #tpu.memory_space<hbm>>) target(%dma_start3A_867 : memref<125xi32, #tpu.memory_space<vmem>>) target_semaphore(%arg18 : memref<!tpu.dma_semaphore, #tpu.memory_space<semaphore_mem>>)
      } else {
      }
      %run_scoped3A_839 = arith.constant 1 : i32
      "tpu.region"() ({
        %run_scoped3A_841 = tpu.sem_alloc : memref<!tpu.dma_semaphore, #tpu.memory_space<semaphore_mem>>
        %dma_start3A_842 = arith.constant 0 : i32
        %dma_start3A_843 = tpu.memref_slice %arg9[%run_scoped3A_839, %dma_start3A_842] : memref<2x125xi32, #tpu.memory_space<vmem>> -> memref<1x125xi32, #tpu.memory_space<vmem>>
        %dma_start3A_844 = tpu.memref_squeeze %dma_start3A_843 : memref<1x125xi32, #tpu.memory_space<vmem>> -> memref<125xi32, #tpu.memory_space<vmem>>
        %dma_start3A_845 = arith.constant 0 : i32
        %dma_start3A_846 = arith.constant 0 : i32
        %dma_start3A_847 = tpu.memref_slice %arg5[%dma_start3A_845, %dma_start3A_846] : memref<10240x128xf32, #tpu.memory_space<vmem_shared>> -> memref<10240x128xf32, #tpu.memory_space<vmem_shared>>
        tpu.enqueue_indirect_dma source(%arg11 : memref<125x128xf32, #tpu.memory_space<vmem>>) target(%dma_start3A_847 : memref<10240x128xf32, #tpu.memory_space<vmem_shared>>) offsets(%dma_start3A_844 : memref<125xi32, #tpu.memory_space<vmem>>) semaphore(%run_scoped3A_841 : memref<!tpu.dma_semaphore, #tpu.memory_space<semaphore_mem>>) {add = true}
        %dma_wait3A_848 = arith.constant 0 : i32
        %dma_wait3A_849 = tpu.memref_slice %arg9[%run_scoped3A_839, %dma_wait3A_848] : memref<2x125xi32, #tpu.memory_space<vmem>> -> memref<1x125xi32, #tpu.memory_space<vmem>>
        %dma_wait3A_850 = tpu.memref_squeeze %dma_wait3A_849 : memref<1x125xi32, #tpu.memory_space<vmem>> -> memref<125xi32, #tpu.memory_space<vmem>>
        %dma_wait3A_851 = arith.constant 0 : i32
        %dma_wait3A_852 = arith.constant 0 : i32
        %dma_wait3A_853 = tpu.memref_slice %arg5[%dma_wait3A_851, %dma_wait3A_852] : memref<10240x128xf32, #tpu.memory_space<vmem_shared>> -> memref<10240x128xf32, #tpu.memory_space<vmem_shared>>
        tpu.wait_indirect_dma semaphore(%run_scoped3A_841 : memref<!tpu.dma_semaphore, #tpu.memory_space<semaphore_mem>>) src(%arg11 : memref<125x128xf32, #tpu.memory_space<vmem>>) dst(%dma_wait3A_853 : memref<10240x128xf32, #tpu.memory_space<vmem_shared>>)
        tpu.yield
      }) : () -> ()
      %scan3A_840 = arith.constant 0 : i32
      scf.yield %scan3A_840 : i32
    }
    %scan3A_621 = arith.constant 20 : i32
    %barrier3A_622 = arith.constant 0 : index
    tpu.barrier barrier_id(%barrier3A_622)
    %mul3A_623 = arith.constant 640 : i32
    %mul3A_624 = arith.muli %arg1, %mul3A_623 : i32
    %dma_start3A_625 = arith.constant 0 : i32
    %dma_start3A_626 = tpu.memref_slice %arg4[%arg0, %mul3A_624, %dma_start3A_625] : memref<2x10240x128xf32, #tpu.memory_space<hbm>> -> memref<1x640x128xf32, #tpu.memory_space<hbm>>
    %dma_start3A_627 = tpu.memref_squeeze %dma_start3A_626 : memref<1x640x128xf32, #tpu.memory_space<hbm>> -> memref<640x128xf32, #tpu.memory_space<hbm>>
    %dma_start3A_628 = arith.constant 0 : i32
    %dma_start3A_629 = tpu.memref_slice %arg5[%mul3A_624, %dma_start3A_628] : memref<10240x128xf32, #tpu.memory_space<vmem_shared>> -> memref<640x128xf32, #tpu.memory_space<vmem_shared>>
    tpu.enqueue_dma source(%dma_start3A_629 : memref<640x128xf32, #tpu.memory_space<vmem_shared>>) target(%dma_start3A_627 : memref<640x128xf32, #tpu.memory_space<hbm>>) target_semaphore(%arg21 : memref<!tpu.dma_semaphore, #tpu.memory_space<semaphore_mem>>)
    %dma_wait3A_630 = arith.constant 0 : i32
    %dma_wait3A_631 = tpu.memref_slice %arg4[%arg0, %mul3A_624, %dma_wait3A_630] : memref<2x10240x128xf32, #tpu.memory_space<hbm>> -> memref<1x640x128xf32, #tpu.memory_space<hbm>>
    %dma_wait3A_632 = tpu.memref_squeeze %dma_wait3A_631 : memref<1x640x128xf32, #tpu.memory_space<hbm>> -> memref<640x128xf32, #tpu.memory_space<hbm>>
    %dma_wait3A_633 = arith.constant 0 : i32
    %dma_wait3A_634 = tpu.memref_slice %arg5[%mul3A_624, %dma_wait3A_633] : memref<10240x128xf32, #tpu.memory_space<vmem_shared>> -> memref<640x128xf32, #tpu.memory_space<vmem_shared>>
    tpu.wait_dma2 semaphore(%arg21 : memref<!tpu.dma_semaphore, #tpu.memory_space<semaphore_mem>>) src(%dma_wait3A_634 : memref<640x128xf32, #tpu.memory_space<vmem_shared>>) dst(%dma_wait3A_632 : memref<640x128xf32, #tpu.memory_space<hbm>>)
    return
  }
}

#map = affine_map<(d0, d1) -> (0, 0)>
#map1 = affine_map<(d0, d1) -> (0, 0, 0)>
module attributes {stable_mosaic.version = 14 : i64} {
  func.func @body(%arg0: i32, %arg1: i32, %arg2: memref<10000x128xf32, #tpu.memory_space<hbm>>, %arg3: memref<2x2560x125xi32, #tpu.memory_space<hbm>>, %arg4: memref<2x10240x128xf32, #tpu.memory_space<hbm>>, %arg5: memref<2x10240x16xf32, #tpu.memory_space<hbm>>, %arg6: memref<10240x128xf32, #tpu.memory_space<vmem_shared>>, %arg7: memref<2x125xi32, #tpu.memory_space<vmem>>, %arg8: memref<2x125xi32, #tpu.memory_space<vmem>>, %arg9: memref<2x125xi32, #tpu.memory_space<vmem>>, %arg10: memref<2x125xi32, #tpu.memory_space<vmem>>, %arg11: memref<125x128xf32, #tpu.memory_space<vmem>>, %arg12: memref<125x128xf32, #tpu.memory_space<vmem>>, %arg13: memref<16x128xf32, #tpu.memory_space<vmem>>, %arg14: memref<!tpu.dma_semaphore, #tpu.memory_space<semaphore_mem>>, %arg15: memref<!tpu.dma_semaphore, #tpu.memory_space<semaphore_mem>>, %arg16: memref<!tpu.dma_semaphore, #tpu.memory_space<semaphore_mem>>, %arg17: memref<!tpu.dma_semaphore, #tpu.memory_space<semaphore_mem>>, %arg18: memref<!tpu.dma_semaphore, #tpu.memory_space<semaphore_mem>>, %arg19: memref<!tpu.dma_semaphore, #tpu.memory_space<semaphore_mem>>, %arg20: memref<!tpu.dma_semaphore, #tpu.memory_space<semaphore_mem>>, %arg21: memref<!tpu.dma_semaphore, #tpu.memory_space<semaphore_mem>>, %arg22: memref<!tpu.dma_semaphore, #tpu.memory_space<semaphore_mem>>, %arg23: memref<!tpu.dma_semaphore, #tpu.memory_space<semaphore_mem>>, %arg24: memref<10240x16xf32, #tpu.memory_space<vmem_shared>>, %arg25: memref<125x16xf32, #tpu.memory_space<vmem>>, %arg26: memref<16x16xf32, #tpu.memory_space<vmem>>) attributes {dimension_semantics = [#tpu.dimension_semantics<core_parallel>, #tpu.dimension_semantics<subcore_parallel>], iteration_bounds = array<i64: 2, 16>, scalar_prefetch = 0 : i64, scratch_operands = 21 : i64, tpu.core_type = #tpu.core_type<sc_vector_subcore>, window_params = [{transform_indices = #map}, {transform_indices = #map1}, {transform_indices = #map1}, {transform_indices = #map1}]} {
    %mul3A = arith.constant 16 : i32
    %mul3A_0 = arith.muli %arg0, %mul3A : i32
    %add3A = arith.addi %mul3A_0, %arg1 : i32
    %broadcast_in_dim3A = arith.constant 0.000000e+00 : f32
    %broadcast_in_dim3A_1 = vector.broadcast %broadcast_in_dim3A : f32 to vector<16xf32>
    %scan3A = arith.constant 0 : i32
    %scan3A_2 = arith.constant 0 : i32
    %scan3A_3 = arith.constant 128 : i32
    %scan3A_4 = arith.addi %scan3A_2, %scan3A_3 : i32
    %scan3A_5 = arith.constant 1 : i32
    %scan3A_6 = scf.for %scan3A_1143 = %scan3A_2 to %scan3A_4 step %scan3A_5 iter_args(%scan3A_1144 = %scan3A) -> (i32)  : i32 {
      %jit3A = arith.constant 8 : i32
      %div3A = arith.divsi %scan3A_1143, %jit3A : i32
      %sign3A = arith.constant 0 : i32
      %sign3A_1145 = arith.cmpi sgt, %scan3A_1143, %sign3A : i32
      %sign3A_1146 = arith.extui %sign3A_1145 : i1 to i32
      %sign3A_1147 = arith.constant 0 : i32
      %sign3A_1148 = arith.cmpi slt, %scan3A_1143, %sign3A_1147 : i32
      %sign3A_1149 = arith.extui %sign3A_1148 : i1 to i32
      %sign3A_1150 = arith.subi %sign3A_1146, %sign3A_1149 : i32
      %sign3A_1151 = arith.constant 0 : i32
      %sign3A_1152 = arith.cmpi sgt, %jit3A, %sign3A_1151 : i32
      %sign3A_1153 = arith.extui %sign3A_1152 : i1 to i32
      %sign3A_1154 = arith.constant 0 : i32
      %sign3A_1155 = arith.cmpi slt, %jit3A, %sign3A_1154 : i32
      %sign3A_1156 = arith.extui %sign3A_1155 : i1 to i32
      %sign3A_1157 = arith.subi %sign3A_1153, %sign3A_1156 : i32
      %ne3A = arith.cmpi ne, %sign3A_1150, %sign3A_1157 : i32
      %rem3A = arith.remsi %scan3A_1143, %jit3A : i32
      %ne3A_1158 = arith.constant 0 : i32
      %ne3A_1159 = arith.cmpi ne, %rem3A, %ne3A_1158 : i32
      %and3A = arith.andi %ne3A, %ne3A_1159 : i1
      %sub3A = arith.constant 1 : i32
      %sub3A_1160 = arith.subi %div3A, %sub3A : i32
      %select_n3A = arith.select %and3A, %sub3A_1160, %div3A : i32
      %jit3A_1161 = arith.constant 8 : i32
      %eq3A = arith.constant 0 : i32
      %eq3A_1162 = arith.cmpi eq, %jit3A_1161, %eq3A : i32
      %jit3A_1163 = arith.constant 1 : i32
      %select_n3A_1164 = arith.select %eq3A_1162, %jit3A_1163, %jit3A_1161 : i32
      %rem3A_1165 = arith.remsi %scan3A_1143, %select_n3A_1164 : i32
      %ne3A_1166 = arith.constant 0 : i32
      %ne3A_1167 = arith.cmpi ne, %rem3A_1165, %ne3A_1166 : i32
      %lt3A = arith.constant 0 : i32
      %lt3A_1168 = arith.cmpi slt, %rem3A_1165, %lt3A : i32
      %lt3A_1169 = arith.constant 0 : i32
      %lt3A_1170 = arith.cmpi slt, %select_n3A_1164, %lt3A_1169 : i32
      %ne3A_1171 = arith.xori %lt3A_1168, %lt3A_1170 : i1
      %and3A_1172 = arith.andi %ne3A_1171, %ne3A_1167 : i1
      %add3A_1173 = arith.addi %rem3A_1165, %select_n3A_1164 : i32
      %select_n3A_1174 = arith.select %and3A_1172, %add3A_1173, %rem3A_1165 : i32
      %mul3A_1175 = arith.constant 16 : i32
      %mul3A_1176 = arith.muli %select_n3A_1174, %mul3A_1175 : i32
      %swap3A = arith.index_cast %select_n3A : i32 to index
      %swap3A_1177 = arith.index_cast %mul3A_1176 : i32 to index
      %swap3A_1178 = tpu.vector_load %arg13[%swap3A, %swap3A_1177] {strides = array<i32>} : memref<16x128xf32, #tpu.memory_space<vmem>>, vector<1x16xf32>,
      %swap3A_1179 = vector.shape_cast %swap3A_1178 : vector<1x16xf32> to vector<16xf32>
      %swap3A_1180 = vector.shape_cast %broadcast_in_dim3A_1 : vector<16xf32> to vector<1x16xf32>
      tpu.vector_store %arg13[%swap3A, %swap3A_1177], %swap3A_1180 {strides = array<i32>} : memref<16x128xf32, #tpu.memory_space<vmem>>, vector<1x16xf32>,
      %scan3A_1181 = arith.constant 0 : i32
      scf.yield %scan3A_1181 : i32
    }
    %scan3A_7 = arith.constant 128 : i32
    %broadcast_in_dim3A_8 = arith.constant 1.000000e+00 : f32
    %broadcast_in_dim3A_9 = vector.broadcast %broadcast_in_dim3A_8 : f32 to vector<16xf32>
    %scan3A_10 = arith.constant 0 : i32
    %scan3A_11 = arith.constant 0 : i32
    %scan3A_12 = arith.constant 125 : i32
    %scan3A_13 = arith.addi %scan3A_11, %scan3A_12 : i32
    %scan3A_14 = arith.constant 1 : i32
    %scan3A_15 = scf.for %scan3A_1143 = %scan3A_11 to %scan3A_13 step %scan3A_14 iter_args(%scan3A_1144 = %scan3A_10) -> (i32)  : i32 {
      %jit3A = arith.constant 1 : i32
      %div3A = arith.divsi %scan3A_1143, %jit3A : i32
      %sign3A = arith.constant 0 : i32
      %sign3A_1145 = arith.cmpi sgt, %scan3A_1143, %sign3A : i32
      %sign3A_1146 = arith.extui %sign3A_1145 : i1 to i32
      %sign3A_1147 = arith.constant 0 : i32
      %sign3A_1148 = arith.cmpi slt, %scan3A_1143, %sign3A_1147 : i32
      %sign3A_1149 = arith.extui %sign3A_1148 : i1 to i32
      %sign3A_1150 = arith.subi %sign3A_1146, %sign3A_1149 : i32
      %sign3A_1151 = arith.constant 0 : i32
      %sign3A_1152 = arith.cmpi sgt, %jit3A, %sign3A_1151 : i32
      %sign3A_1153 = arith.extui %sign3A_1152 : i1 to i32
      %sign3A_1154 = arith.constant 0 : i32
      %sign3A_1155 = arith.cmpi slt, %jit3A, %sign3A_1154 : i32
      %sign3A_1156 = arith.extui %sign3A_1155 : i1 to i32
      %sign3A_1157 = arith.subi %sign3A_1153, %sign3A_1156 : i32
      %ne3A = arith.cmpi ne, %sign3A_1150, %sign3A_1157 : i32
      %rem3A = arith.remsi %scan3A_1143, %jit3A : i32
      %ne3A_1158 = arith.constant 0 : i32
      %ne3A_1159 = arith.cmpi ne, %rem3A, %ne3A_1158 : i32
      %and3A = arith.andi %ne3A, %ne3A_1159 : i1
      %sub3A = arith.constant 1 : i32
      %sub3A_1160 = arith.subi %div3A, %sub3A : i32
      %select_n3A = arith.select %and3A, %sub3A_1160, %div3A : i32
      %jit3A_1161 = arith.constant 1 : i32
      %eq3A = arith.constant 0 : i32
      %eq3A_1162 = arith.cmpi eq, %jit3A_1161, %eq3A : i32
      %jit3A_1163 = arith.constant 1 : i32
      %select_n3A_1164 = arith.select %eq3A_1162, %jit3A_1163, %jit3A_1161 : i32
      %rem3A_1165 = arith.remsi %scan3A_1143, %select_n3A_1164 : i32
      %ne3A_1166 = arith.constant 0 : i32
      %ne3A_1167 = arith.cmpi ne, %rem3A_1165, %ne3A_1166 : i32
      %lt3A = arith.constant 0 : i32
      %lt3A_1168 = arith.cmpi slt, %rem3A_1165, %lt3A : i32
      %lt3A_1169 = arith.constant 0 : i32
      %lt3A_1170 = arith.cmpi slt, %select_n3A_1164, %lt3A_1169 : i32
      %ne3A_1171 = arith.xori %lt3A_1168, %lt3A_1170 : i1
      %and3A_1172 = arith.andi %ne3A_1171, %ne3A_1167 : i1
      %add3A_1173 = arith.addi %rem3A_1165, %select_n3A_1164 : i32
      %select_n3A_1174 = arith.select %and3A_1172, %add3A_1173, %rem3A_1165 : i32
      %mul3A_1175 = arith.constant 16 : i32
      %mul3A_1176 = arith.muli %select_n3A_1174, %mul3A_1175 : i32
      %swap3A = arith.index_cast %select_n3A : i32 to index
      %swap3A_1177 = arith.index_cast %mul3A_1176 : i32 to index
      %swap3A_1178 = tpu.vector_load %arg25[%swap3A, %swap3A_1177] {strides = array<i32>} : memref<125x16xf32, #tpu.memory_space<vmem>>, vector<1x16xf32>,
      %swap3A_1179 = vector.shape_cast %swap3A_1178 : vector<1x16xf32> to vector<16xf32>
      %swap3A_1180 = vector.shape_cast %broadcast_in_dim3A_9 : vector<16xf32> to vector<1x16xf32>
      tpu.vector_store %arg25[%swap3A, %swap3A_1177], %swap3A_1180 {strides = array<i32>} : memref<125x16xf32, #tpu.memory_space<vmem>>, vector<1x16xf32>,
      %scan3A_1181 = arith.constant 0 : i32
      scf.yield %scan3A_1181 : i32
    }
    %scan3A_16 = arith.constant 125 : i32
    %broadcast_in_dim3A_17 = arith.constant 0.000000e+00 : f32
    %broadcast_in_dim3A_18 = vector.broadcast %broadcast_in_dim3A_17 : f32 to vector<16xf32>
    %scan3A_19 = arith.constant 0 : i32
    %scan3A_20 = arith.constant 0 : i32
    %scan3A_21 = arith.constant 16 : i32
    %scan3A_22 = arith.addi %scan3A_20, %scan3A_21 : i32
    %scan3A_23 = arith.constant 1 : i32
    %scan3A_24 = scf.for %scan3A_1143 = %scan3A_20 to %scan3A_22 step %scan3A_23 iter_args(%scan3A_1144 = %scan3A_19) -> (i32)  : i32 {
      %jit3A = arith.constant 1 : i32
      %div3A = arith.divsi %scan3A_1143, %jit3A : i32
      %sign3A = arith.constant 0 : i32
      %sign3A_1145 = arith.cmpi sgt, %scan3A_1143, %sign3A : i32
      %sign3A_1146 = arith.extui %sign3A_1145 : i1 to i32
      %sign3A_1147 = arith.constant 0 : i32
      %sign3A_1148 = arith.cmpi slt, %scan3A_1143, %sign3A_1147 : i32
      %sign3A_1149 = arith.extui %sign3A_1148 : i1 to i32
      %sign3A_1150 = arith.subi %sign3A_1146, %sign3A_1149 : i32
      %sign3A_1151 = arith.constant 0 : i32
      %sign3A_1152 = arith.cmpi sgt, %jit3A, %sign3A_1151 : i32
      %sign3A_1153 = arith.extui %sign3A_1152 : i1 to i32
      %sign3A_1154 = arith.constant 0 : i32
      %sign3A_1155 = arith.cmpi slt, %jit3A, %sign3A_1154 : i32
      %sign3A_1156 = arith.extui %sign3A_1155 : i1 to i32
      %sign3A_1157 = arith.subi %sign3A_1153, %sign3A_1156 : i32
      %ne3A = arith.cmpi ne, %sign3A_1150, %sign3A_1157 : i32
      %rem3A = arith.remsi %scan3A_1143, %jit3A : i32
      %ne3A_1158 = arith.constant 0 : i32
      %ne3A_1159 = arith.cmpi ne, %rem3A, %ne3A_1158 : i32
      %and3A = arith.andi %ne3A, %ne3A_1159 : i1
      %sub3A = arith.constant 1 : i32
      %sub3A_1160 = arith.subi %div3A, %sub3A : i32
      %select_n3A = arith.select %and3A, %sub3A_1160, %div3A : i32
      %jit3A_1161 = arith.constant 1 : i32
      %eq3A = arith.constant 0 : i32
      %eq3A_1162 = arith.cmpi eq, %jit3A_1161, %eq3A : i32
      %jit3A_1163 = arith.constant 1 : i32
      %select_n3A_1164 = arith.select %eq3A_1162, %jit3A_1163, %jit3A_1161 : i32
      %rem3A_1165 = arith.remsi %scan3A_1143, %select_n3A_1164 : i32
      %ne3A_1166 = arith.constant 0 : i32
      %ne3A_1167 = arith.cmpi ne, %rem3A_1165, %ne3A_1166 : i32
      %lt3A = arith.constant 0 : i32
      %lt3A_1168 = arith.cmpi slt, %rem3A_1165, %lt3A : i32
      %lt3A_1169 = arith.constant 0 : i32
      %lt3A_1170 = arith.cmpi slt, %select_n3A_1164, %lt3A_1169 : i32
      %ne3A_1171 = arith.xori %lt3A_1168, %lt3A_1170 : i1
      %and3A_1172 = arith.andi %ne3A_1171, %ne3A_1167 : i1
      %add3A_1173 = arith.addi %rem3A_1165, %select_n3A_1164 : i32
      %select_n3A_1174 = arith.select %and3A_1172, %add3A_1173, %rem3A_1165 : i32
      %mul3A_1175 = arith.constant 16 : i32
      %mul3A_1176 = arith.muli %select_n3A_1174, %mul3A_1175 : i32
      %swap3A = arith.index_cast %select_n3A : i32 to index
      %swap3A_1177 = arith.index_cast %mul3A_1176 : i32 to index
      %swap3A_1178 = tpu.vector_load %arg26[%swap3A, %swap3A_1177] {strides = array<i32>} : memref<16x16xf32, #tpu.memory_space<vmem>>, vector<1x16xf32>,
      %swap3A_1179 = vector.shape_cast %swap3A_1178 : vector<1x16xf32> to vector<16xf32>
      %swap3A_1180 = vector.shape_cast %broadcast_in_dim3A_18 : vector<16xf32> to vector<1x16xf32>
      tpu.vector_store %arg26[%swap3A, %swap3A_1177], %swap3A_1180 {strides = array<i32>} : memref<16x16xf32, #tpu.memory_space<vmem>>, vector<1x16xf32>,
      %scan3A_1181 = arith.constant 0 : i32
      scf.yield %scan3A_1181 : i32
    }
    %scan3A_25 = arith.constant 16 : i32
    %mul3A_26 = arith.constant 640 : i32
    %mul3A_27 = arith.muli %arg1, %mul3A_26 : i32
    %add3A_28 = arith.constant 0 : i32
    %add3A_29 = arith.addi %mul3A_27, %add3A_28 : i32
    %mul3A_30 = arith.constant 640 : i32
    %mul3A_31 = arith.muli %arg1, %mul3A_30 : i32
    %add3A_32 = arith.constant 16 : i32
    %add3A_33 = arith.addi %mul3A_31, %add3A_32 : i32
    %mul3A_34 = arith.constant 640 : i32
    %mul3A_35 = arith.muli %arg1, %mul3A_34 : i32
    %add3A_36 = arith.constant 32 : i32
    %add3A_37 = arith.addi %mul3A_35, %add3A_36 : i32
    %mul3A_38 = arith.constant 640 : i32
    %mul3A_39 = arith.muli %arg1, %mul3A_38 : i32
    %add3A_40 = arith.constant 48 : i32
    %add3A_41 = arith.addi %mul3A_39, %add3A_40 : i32
    %mul3A_42 = arith.constant 640 : i32
    %mul3A_43 = arith.muli %arg1, %mul3A_42 : i32
    %add3A_44 = arith.constant 64 : i32
    %add3A_45 = arith.addi %mul3A_43, %add3A_44 : i32
    %mul3A_46 = arith.constant 640 : i32
    %mul3A_47 = arith.muli %arg1, %mul3A_46 : i32
    %add3A_48 = arith.constant 80 : i32
    %add3A_49 = arith.addi %mul3A_47, %add3A_48 : i32
    %mul3A_50 = arith.constant 640 : i32
    %mul3A_51 = arith.muli %arg1, %mul3A_50 : i32
    %add3A_52 = arith.constant 96 : i32
    %add3A_53 = arith.addi %mul3A_51, %add3A_52 : i32
    %mul3A_54 = arith.constant 640 : i32
    %mul3A_55 = arith.muli %arg1, %mul3A_54 : i32
    %add3A_56 = arith.constant 112 : i32
    %add3A_57 = arith.addi %mul3A_55, %add3A_56 : i32
    %mul3A_58 = arith.constant 640 : i32
    %mul3A_59 = arith.muli %arg1, %mul3A_58 : i32
    %add3A_60 = arith.constant 128 : i32
    %add3A_61 = arith.addi %mul3A_59, %add3A_60 : i32
    %mul3A_62 = arith.constant 640 : i32
    %mul3A_63 = arith.muli %arg1, %mul3A_62 : i32
    %add3A_64 = arith.constant 144 : i32
    %add3A_65 = arith.addi %mul3A_63, %add3A_64 : i32
    %mul3A_66 = arith.constant 640 : i32
    %mul3A_67 = arith.muli %arg1, %mul3A_66 : i32
    %add3A_68 = arith.constant 160 : i32
    %add3A_69 = arith.addi %mul3A_67, %add3A_68 : i32
    %mul3A_70 = arith.constant 640 : i32
    %mul3A_71 = arith.muli %arg1, %mul3A_70 : i32
    %add3A_72 = arith.constant 176 : i32
    %add3A_73 = arith.addi %mul3A_71, %add3A_72 : i32
    %mul3A_74 = arith.constant 640 : i32
    %mul3A_75 = arith.muli %arg1, %mul3A_74 : i32
    %add3A_76 = arith.constant 192 : i32
    %add3A_77 = arith.addi %mul3A_75, %add3A_76 : i32
    %mul3A_78 = arith.constant 640 : i32
    %mul3A_79 = arith.muli %arg1, %mul3A_78 : i32
    %add3A_80 = arith.constant 208 : i32
    %add3A_81 = arith.addi %mul3A_79, %add3A_80 : i32
    %mul3A_82 = arith.constant 640 : i32
    %mul3A_83 = arith.muli %arg1, %mul3A_82 : i32
    %add3A_84 = arith.constant 224 : i32
    %add3A_85 = arith.addi %mul3A_83, %add3A_84 : i32
    %mul3A_86 = arith.constant 640 : i32
    %mul3A_87 = arith.muli %arg1, %mul3A_86 : i32
    %add3A_88 = arith.constant 240 : i32
    %add3A_89 = arith.addi %mul3A_87, %add3A_88 : i32
    %mul3A_90 = arith.constant 640 : i32
    %mul3A_91 = arith.muli %arg1, %mul3A_90 : i32
    %add3A_92 = arith.constant 256 : i32
    %add3A_93 = arith.addi %mul3A_91, %add3A_92 : i32
    %mul3A_94 = arith.constant 640 : i32
    %mul3A_95 = arith.muli %arg1, %mul3A_94 : i32
    %add3A_96 = arith.constant 272 : i32
    %add3A_97 = arith.addi %mul3A_95, %add3A_96 : i32
    %mul3A_98 = arith.constant 640 : i32
    %mul3A_99 = arith.muli %arg1, %mul3A_98 : i32
    %add3A_100 = arith.constant 288 : i32
    %add3A_101 = arith.addi %mul3A_99, %add3A_100 : i32
    %mul3A_102 = arith.constant 640 : i32
    %mul3A_103 = arith.muli %arg1, %mul3A_102 : i32
    %add3A_104 = arith.constant 304 : i32
    %add3A_105 = arith.addi %mul3A_103, %add3A_104 : i32
    %mul3A_106 = arith.constant 640 : i32
    %mul3A_107 = arith.muli %arg1, %mul3A_106 : i32
    %add3A_108 = arith.constant 320 : i32
    %add3A_109 = arith.addi %mul3A_107, %add3A_108 : i32
    %mul3A_110 = arith.constant 640 : i32
    %mul3A_111 = arith.muli %arg1, %mul3A_110 : i32
    %add3A_112 = arith.constant 336 : i32
    %add3A_113 = arith.addi %mul3A_111, %add3A_112 : i32
    %mul3A_114 = arith.constant 640 : i32
    %mul3A_115 = arith.muli %arg1, %mul3A_114 : i32
    %add3A_116 = arith.constant 352 : i32
    %add3A_117 = arith.addi %mul3A_115, %add3A_116 : i32
    %mul3A_118 = arith.constant 640 : i32
    %mul3A_119 = arith.muli %arg1, %mul3A_118 : i32
    %add3A_120 = arith.constant 368 : i32
    %add3A_121 = arith.addi %mul3A_119, %add3A_120 : i32
    %mul3A_122 = arith.constant 640 : i32
    %mul3A_123 = arith.muli %arg1, %mul3A_122 : i32
    %add3A_124 = arith.constant 384 : i32
    %add3A_125 = arith.addi %mul3A_123, %add3A_124 : i32
    %mul3A_126 = arith.constant 640 : i32
    %mul3A_127 = arith.muli %arg1, %mul3A_126 : i32
    %add3A_128 = arith.constant 400 : i32
    %add3A_129 = arith.addi %mul3A_127, %add3A_128 : i32
    %mul3A_130 = arith.constant 640 : i32
    %mul3A_131 = arith.muli %arg1, %mul3A_130 : i32
    %add3A_132 = arith.constant 416 : i32
    %add3A_133 = arith.addi %mul3A_131, %add3A_132 : i32
    %mul3A_134 = arith.constant 640 : i32
    %mul3A_135 = arith.muli %arg1, %mul3A_134 : i32
    %add3A_136 = arith.constant 432 : i32
    %add3A_137 = arith.addi %mul3A_135, %add3A_136 : i32
    %mul3A_138 = arith.constant 640 : i32
    %mul3A_139 = arith.muli %arg1, %mul3A_138 : i32
    %add3A_140 = arith.constant 448 : i32
    %add3A_141 = arith.addi %mul3A_139, %add3A_140 : i32
    %mul3A_142 = arith.constant 640 : i32
    %mul3A_143 = arith.muli %arg1, %mul3A_142 : i32
    %add3A_144 = arith.constant 464 : i32
    %add3A_145 = arith.addi %mul3A_143, %add3A_144 : i32
    %mul3A_146 = arith.constant 640 : i32
    %mul3A_147 = arith.muli %arg1, %mul3A_146 : i32
    %add3A_148 = arith.constant 480 : i32
    %add3A_149 = arith.addi %mul3A_147, %add3A_148 : i32
    %mul3A_150 = arith.constant 640 : i32
    %mul3A_151 = arith.muli %arg1, %mul3A_150 : i32
    %add3A_152 = arith.constant 496 : i32
    %add3A_153 = arith.addi %mul3A_151, %add3A_152 : i32
    %mul3A_154 = arith.constant 640 : i32
    %mul3A_155 = arith.muli %arg1, %mul3A_154 : i32
    %add3A_156 = arith.constant 512 : i32
    %add3A_157 = arith.addi %mul3A_155, %add3A_156 : i32
    %mul3A_158 = arith.constant 640 : i32
    %mul3A_159 = arith.muli %arg1, %mul3A_158 : i32
    %add3A_160 = arith.constant 528 : i32
    %add3A_161 = arith.addi %mul3A_159, %add3A_160 : i32
    %mul3A_162 = arith.constant 640 : i32
    %mul3A_163 = arith.muli %arg1, %mul3A_162 : i32
    %add3A_164 = arith.constant 544 : i32
    %add3A_165 = arith.addi %mul3A_163, %add3A_164 : i32
    %mul3A_166 = arith.constant 640 : i32
    %mul3A_167 = arith.muli %arg1, %mul3A_166 : i32
    %add3A_168 = arith.constant 560 : i32
    %add3A_169 = arith.addi %mul3A_167, %add3A_168 : i32
    %mul3A_170 = arith.constant 640 : i32
    %mul3A_171 = arith.muli %arg1, %mul3A_170 : i32
    %add3A_172 = arith.constant 576 : i32
    %add3A_173 = arith.addi %mul3A_171, %add3A_172 : i32
    %mul3A_174 = arith.constant 640 : i32
    %mul3A_175 = arith.muli %arg1, %mul3A_174 : i32
    %add3A_176 = arith.constant 592 : i32
    %add3A_177 = arith.addi %mul3A_175, %add3A_176 : i32
    %mul3A_178 = arith.constant 640 : i32
    %mul3A_179 = arith.muli %arg1, %mul3A_178 : i32
    %add3A_180 = arith.constant 608 : i32
    %add3A_181 = arith.addi %mul3A_179, %add3A_180 : i32
    %mul3A_182 = arith.constant 640 : i32
    %mul3A_183 = arith.muli %arg1, %mul3A_182 : i32
    %add3A_184 = arith.constant 624 : i32
    %add3A_185 = arith.addi %mul3A_183, %add3A_184 : i32
    %mul3A_186 = arith.constant 640 : i32
    %mul3A_187 = arith.muli %arg1, %mul3A_186 : i32
    %add3A_188 = arith.constant 0 : i32
    %add3A_189 = arith.addi %mul3A_187, %add3A_188 : i32
    %mul3A_190 = arith.constant 640 : i32
    %mul3A_191 = arith.muli %arg1, %mul3A_190 : i32
    %add3A_192 = arith.constant 16 : i32
    %add3A_193 = arith.addi %mul3A_191, %add3A_192 : i32
    %mul3A_194 = arith.constant 640 : i32
    %mul3A_195 = arith.muli %arg1, %mul3A_194 : i32
    %add3A_196 = arith.constant 32 : i32
    %add3A_197 = arith.addi %mul3A_195, %add3A_196 : i32
    %mul3A_198 = arith.constant 640 : i32
    %mul3A_199 = arith.muli %arg1, %mul3A_198 : i32
    %add3A_200 = arith.constant 48 : i32
    %add3A_201 = arith.addi %mul3A_199, %add3A_200 : i32
    %mul3A_202 = arith.constant 640 : i32
    %mul3A_203 = arith.muli %arg1, %mul3A_202 : i32
    %add3A_204 = arith.constant 64 : i32
    %add3A_205 = arith.addi %mul3A_203, %add3A_204 : i32
    %mul3A_206 = arith.constant 640 : i32
    %mul3A_207 = arith.muli %arg1, %mul3A_206 : i32
    %add3A_208 = arith.constant 80 : i32
    %add3A_209 = arith.addi %mul3A_207, %add3A_208 : i32
    %mul3A_210 = arith.constant 640 : i32
    %mul3A_211 = arith.muli %arg1, %mul3A_210 : i32
    %add3A_212 = arith.constant 96 : i32
    %add3A_213 = arith.addi %mul3A_211, %add3A_212 : i32
    %mul3A_214 = arith.constant 640 : i32
    %mul3A_215 = arith.muli %arg1, %mul3A_214 : i32
    %add3A_216 = arith.constant 112 : i32
    %add3A_217 = arith.addi %mul3A_215, %add3A_216 : i32
    %mul3A_218 = arith.constant 640 : i32
    %mul3A_219 = arith.muli %arg1, %mul3A_218 : i32
    %add3A_220 = arith.constant 128 : i32
    %add3A_221 = arith.addi %mul3A_219, %add3A_220 : i32
    %mul3A_222 = arith.constant 640 : i32
    %mul3A_223 = arith.muli %arg1, %mul3A_222 : i32
    %add3A_224 = arith.constant 144 : i32
    %add3A_225 = arith.addi %mul3A_223, %add3A_224 : i32
    %mul3A_226 = arith.constant 640 : i32
    %mul3A_227 = arith.muli %arg1, %mul3A_226 : i32
    %add3A_228 = arith.constant 160 : i32
    %add3A_229 = arith.addi %mul3A_227, %add3A_228 : i32
    %mul3A_230 = arith.constant 640 : i32
    %mul3A_231 = arith.muli %arg1, %mul3A_230 : i32
    %add3A_232 = arith.constant 176 : i32
    %add3A_233 = arith.addi %mul3A_231, %add3A_232 : i32
    %mul3A_234 = arith.constant 640 : i32
    %mul3A_235 = arith.muli %arg1, %mul3A_234 : i32
    %add3A_236 = arith.constant 192 : i32
    %add3A_237 = arith.addi %mul3A_235, %add3A_236 : i32
    %mul3A_238 = arith.constant 640 : i32
    %mul3A_239 = arith.muli %arg1, %mul3A_238 : i32
    %add3A_240 = arith.constant 208 : i32
    %add3A_241 = arith.addi %mul3A_239, %add3A_240 : i32
    %mul3A_242 = arith.constant 640 : i32
    %mul3A_243 = arith.muli %arg1, %mul3A_242 : i32
    %add3A_244 = arith.constant 224 : i32
    %add3A_245 = arith.addi %mul3A_243, %add3A_244 : i32
    %mul3A_246 = arith.constant 640 : i32
    %mul3A_247 = arith.muli %arg1, %mul3A_246 : i32
    %add3A_248 = arith.constant 240 : i32
    %add3A_249 = arith.addi %mul3A_247, %add3A_248 : i32
    %mul3A_250 = arith.constant 640 : i32
    %mul3A_251 = arith.muli %arg1, %mul3A_250 : i32
    %add3A_252 = arith.constant 256 : i32
    %add3A_253 = arith.addi %mul3A_251, %add3A_252 : i32
    %mul3A_254 = arith.constant 640 : i32
    %mul3A_255 = arith.muli %arg1, %mul3A_254 : i32
    %add3A_256 = arith.constant 272 : i32
    %add3A_257 = arith.addi %mul3A_255, %add3A_256 : i32
    %mul3A_258 = arith.constant 640 : i32
    %mul3A_259 = arith.muli %arg1, %mul3A_258 : i32
    %add3A_260 = arith.constant 288 : i32
    %add3A_261 = arith.addi %mul3A_259, %add3A_260 : i32
    %mul3A_262 = arith.constant 640 : i32
    %mul3A_263 = arith.muli %arg1, %mul3A_262 : i32
    %add3A_264 = arith.constant 304 : i32
    %add3A_265 = arith.addi %mul3A_263, %add3A_264 : i32
    %mul3A_266 = arith.constant 640 : i32
    %mul3A_267 = arith.muli %arg1, %mul3A_266 : i32
    %add3A_268 = arith.constant 320 : i32
    %add3A_269 = arith.addi %mul3A_267, %add3A_268 : i32
    %mul3A_270 = arith.constant 640 : i32
    %mul3A_271 = arith.muli %arg1, %mul3A_270 : i32
    %add3A_272 = arith.constant 336 : i32
    %add3A_273 = arith.addi %mul3A_271, %add3A_272 : i32
    %mul3A_274 = arith.constant 640 : i32
    %mul3A_275 = arith.muli %arg1, %mul3A_274 : i32
    %add3A_276 = arith.constant 352 : i32
    %add3A_277 = arith.addi %mul3A_275, %add3A_276 : i32
    %mul3A_278 = arith.constant 640 : i32
    %mul3A_279 = arith.muli %arg1, %mul3A_278 : i32
    %add3A_280 = arith.constant 368 : i32
    %add3A_281 = arith.addi %mul3A_279, %add3A_280 : i32
    %mul3A_282 = arith.constant 640 : i32
    %mul3A_283 = arith.muli %arg1, %mul3A_282 : i32
    %add3A_284 = arith.constant 384 : i32
    %add3A_285 = arith.addi %mul3A_283, %add3A_284 : i32
    %mul3A_286 = arith.constant 640 : i32
    %mul3A_287 = arith.muli %arg1, %mul3A_286 : i32
    %add3A_288 = arith.constant 400 : i32
    %add3A_289 = arith.addi %mul3A_287, %add3A_288 : i32
    %mul3A_290 = arith.constant 640 : i32
    %mul3A_291 = arith.muli %arg1, %mul3A_290 : i32
    %add3A_292 = arith.constant 416 : i32
    %add3A_293 = arith.addi %mul3A_291, %add3A_292 : i32
    %mul3A_294 = arith.constant 640 : i32
    %mul3A_295 = arith.muli %arg1, %mul3A_294 : i32
    %add3A_296 = arith.constant 432 : i32
    %add3A_297 = arith.addi %mul3A_295, %add3A_296 : i32
    %mul3A_298 = arith.constant 640 : i32
    %mul3A_299 = arith.muli %arg1, %mul3A_298 : i32
    %add3A_300 = arith.constant 448 : i32
    %add3A_301 = arith.addi %mul3A_299, %add3A_300 : i32
    %mul3A_302 = arith.constant 640 : i32
    %mul3A_303 = arith.muli %arg1, %mul3A_302 : i32
    %add3A_304 = arith.constant 464 : i32
    %add3A_305 = arith.addi %mul3A_303, %add3A_304 : i32
    %mul3A_306 = arith.constant 640 : i32
    %mul3A_307 = arith.muli %arg1, %mul3A_306 : i32
    %add3A_308 = arith.constant 480 : i32
    %add3A_309 = arith.addi %mul3A_307, %add3A_308 : i32
    %mul3A_310 = arith.constant 640 : i32
    %mul3A_311 = arith.muli %arg1, %mul3A_310 : i32
    %add3A_312 = arith.constant 496 : i32
    %add3A_313 = arith.addi %mul3A_311, %add3A_312 : i32
    %mul3A_314 = arith.constant 640 : i32
    %mul3A_315 = arith.muli %arg1, %mul3A_314 : i32
    %add3A_316 = arith.constant 512 : i32
    %add3A_317 = arith.addi %mul3A_315, %add3A_316 : i32
    %mul3A_318 = arith.constant 640 : i32
    %mul3A_319 = arith.muli %arg1, %mul3A_318 : i32
    %add3A_320 = arith.constant 528 : i32
    %add3A_321 = arith.addi %mul3A_319, %add3A_320 : i32
    %mul3A_322 = arith.constant 640 : i32
    %mul3A_323 = arith.muli %arg1, %mul3A_322 : i32
    %add3A_324 = arith.constant 544 : i32
    %add3A_325 = arith.addi %mul3A_323, %add3A_324 : i32
    %mul3A_326 = arith.constant 640 : i32
    %mul3A_327 = arith.muli %arg1, %mul3A_326 : i32
    %add3A_328 = arith.constant 560 : i32
    %add3A_329 = arith.addi %mul3A_327, %add3A_328 : i32
    %mul3A_330 = arith.constant 640 : i32
    %mul3A_331 = arith.muli %arg1, %mul3A_330 : i32
    %add3A_332 = arith.constant 576 : i32
    %add3A_333 = arith.addi %mul3A_331, %add3A_332 : i32
    %mul3A_334 = arith.constant 640 : i32
    %mul3A_335 = arith.muli %arg1, %mul3A_334 : i32
    %add3A_336 = arith.constant 592 : i32
    %add3A_337 = arith.addi %mul3A_335, %add3A_336 : i32
    %mul3A_338 = arith.constant 640 : i32
    %mul3A_339 = arith.muli %arg1, %mul3A_338 : i32
    %add3A_340 = arith.constant 608 : i32
    %add3A_341 = arith.addi %mul3A_339, %add3A_340 : i32
    %mul3A_342 = arith.constant 640 : i32
    %mul3A_343 = arith.muli %arg1, %mul3A_342 : i32
    %add3A_344 = arith.constant 624 : i32
    %add3A_345 = arith.addi %mul3A_343, %add3A_344 : i32
    %dma_start3A = arith.constant 0 : i32
    %dma_start3A_346 = tpu.memref_slice %arg6[%add3A_29, %dma_start3A] : memref<10240x128xf32, #tpu.memory_space<vmem_shared>> -> memref<16x128xf32, #tpu.memory_space<vmem_shared>>
    %dma_start3A_347 = arith.constant 0 : i32
    %dma_start3A_348 = tpu.memref_slice %arg6[%add3A_29, %dma_start3A_347] : memref<10240x128xf32, #tpu.memory_space<vmem_shared>> -> memref<16x128xf32, #tpu.memory_space<vmem_shared>>
    tpu.enqueue_dma source(%arg13 : memref<16x128xf32, #tpu.memory_space<vmem>>) target(%dma_start3A_348 : memref<16x128xf32, #tpu.memory_space<vmem_shared>>) target_semaphore(%arg14 : memref<!tpu.dma_semaphore, #tpu.memory_space<semaphore_mem>>)
    %dma_start3A_349 = arith.constant 0 : i32
    %dma_start3A_350 = tpu.memref_slice %arg6[%add3A_33, %dma_start3A_349] : memref<10240x128xf32, #tpu.memory_space<vmem_shared>> -> memref<16x128xf32, #tpu.memory_space<vmem_shared>>
    %dma_start3A_351 = arith.constant 0 : i32
    %dma_start3A_352 = tpu.memref_slice %arg6[%add3A_33, %dma_start3A_351] : memref<10240x128xf32, #tpu.memory_space<vmem_shared>> -> memref<16x128xf32, #tpu.memory_space<vmem_shared>>
    tpu.enqueue_dma source(%arg13 : memref<16x128xf32, #tpu.memory_space<vmem>>) target(%dma_start3A_352 : memref<16x128xf32, #tpu.memory_space<vmem_shared>>) target_semaphore(%arg16 : memref<!tpu.dma_semaphore, #tpu.memory_space<semaphore_mem>>)
    %dma_start3A_353 = arith.constant 0 : i32
    %dma_start3A_354 = tpu.memref_slice %arg6[%add3A_37, %dma_start3A_353] : memref<10240x128xf32, #tpu.memory_space<vmem_shared>> -> memref<16x128xf32, #tpu.memory_space<vmem_shared>>
    %dma_start3A_355 = arith.constant 0 : i32
    %dma_start3A_356 = tpu.memref_slice %arg6[%add3A_37, %dma_start3A_355] : memref<10240x128xf32, #tpu.memory_space<vmem_shared>> -> memref<16x128xf32, #tpu.memory_space<vmem_shared>>
    tpu.enqueue_dma source(%arg13 : memref<16x128xf32, #tpu.memory_space<vmem>>) target(%dma_start3A_356 : memref<16x128xf32, #tpu.memory_space<vmem_shared>>) target_semaphore(%arg18 : memref<!tpu.dma_semaphore, #tpu.memory_space<semaphore_mem>>)
    %dma_start3A_357 = arith.constant 0 : i32
    %dma_start3A_358 = tpu.memref_slice %arg6[%add3A_41, %dma_start3A_357] : memref<10240x128xf32, #tpu.memory_space<vmem_shared>> -> memref<16x128xf32, #tpu.memory_space<vmem_shared>>
    %dma_start3A_359 = arith.constant 0 : i32
    %dma_start3A_360 = tpu.memref_slice %arg6[%add3A_41, %dma_start3A_359] : memref<10240x128xf32, #tpu.memory_space<vmem_shared>> -> memref<16x128xf32, #tpu.memory_space<vmem_shared>>
    tpu.enqueue_dma source(%arg13 : memref<16x128xf32, #tpu.memory_space<vmem>>) target(%dma_start3A_360 : memref<16x128xf32, #tpu.memory_space<vmem_shared>>) target_semaphore(%arg20 : memref<!tpu.dma_semaphore, #tpu.memory_space<semaphore_mem>>)
    %dma_start3A_361 = arith.constant 0 : i32
    %dma_start3A_362 = tpu.memref_slice %arg6[%add3A_45, %dma_start3A_361] : memref<10240x128xf32, #tpu.memory_space<vmem_shared>> -> memref<16x128xf32, #tpu.memory_space<vmem_shared>>
    %dma_start3A_363 = arith.constant 0 : i32
    %dma_start3A_364 = tpu.memref_slice %arg6[%add3A_45, %dma_start3A_363] : memref<10240x128xf32, #tpu.memory_space<vmem_shared>> -> memref<16x128xf32, #tpu.memory_space<vmem_shared>>
    tpu.enqueue_dma source(%arg13 : memref<16x128xf32, #tpu.memory_space<vmem>>) target(%dma_start3A_364 : memref<16x128xf32, #tpu.memory_space<vmem_shared>>) target_semaphore(%arg14 : memref<!tpu.dma_semaphore, #tpu.memory_space<semaphore_mem>>)
    %dma_start3A_365 = arith.constant 0 : i32
    %dma_start3A_366 = tpu.memref_slice %arg6[%add3A_49, %dma_start3A_365] : memref<10240x128xf32, #tpu.memory_space<vmem_shared>> -> memref<16x128xf32, #tpu.memory_space<vmem_shared>>
    %dma_start3A_367 = arith.constant 0 : i32
    %dma_start3A_368 = tpu.memref_slice %arg6[%add3A_49, %dma_start3A_367] : memref<10240x128xf32, #tpu.memory_space<vmem_shared>> -> memref<16x128xf32, #tpu.memory_space<vmem_shared>>
    tpu.enqueue_dma source(%arg13 : memref<16x128xf32, #tpu.memory_space<vmem>>) target(%dma_start3A_368 : memref<16x128xf32, #tpu.memory_space<vmem_shared>>) target_semaphore(%arg16 : memref<!tpu.dma_semaphore, #tpu.memory_space<semaphore_mem>>)
    %dma_start3A_369 = arith.constant 0 : i32
    %dma_start3A_370 = tpu.memref_slice %arg6[%add3A_53, %dma_start3A_369] : memref<10240x128xf32, #tpu.memory_space<vmem_shared>> -> memref<16x128xf32, #tpu.memory_space<vmem_shared>>
    %dma_start3A_371 = arith.constant 0 : i32
    %dma_start3A_372 = tpu.memref_slice %arg6[%add3A_53, %dma_start3A_371] : memref<10240x128xf32, #tpu.memory_space<vmem_shared>> -> memref<16x128xf32, #tpu.memory_space<vmem_shared>>
    tpu.enqueue_dma source(%arg13 : memref<16x128xf32, #tpu.memory_space<vmem>>) target(%dma_start3A_372 : memref<16x128xf32, #tpu.memory_space<vmem_shared>>) target_semaphore(%arg18 : memref<!tpu.dma_semaphore, #tpu.memory_space<semaphore_mem>>)
    %dma_start3A_373 = arith.constant 0 : i32
    %dma_start3A_374 = tpu.memref_slice %arg6[%add3A_57, %dma_start3A_373] : memref<10240x128xf32, #tpu.memory_space<vmem_shared>> -> memref<16x128xf32, #tpu.memory_space<vmem_shared>>
    %dma_start3A_375 = arith.constant 0 : i32
    %dma_start3A_376 = tpu.memref_slice %arg6[%add3A_57, %dma_start3A_375] : memref<10240x128xf32, #tpu.memory_space<vmem_shared>> -> memref<16x128xf32, #tpu.memory_space<vmem_shared>>
    tpu.enqueue_dma source(%arg13 : memref<16x128xf32, #tpu.memory_space<vmem>>) target(%dma_start3A_376 : memref<16x128xf32, #tpu.memory_space<vmem_shared>>) target_semaphore(%arg20 : memref<!tpu.dma_semaphore, #tpu.memory_space<semaphore_mem>>)
    %dma_start3A_377 = arith.constant 0 : i32
    %dma_start3A_378 = tpu.memref_slice %arg6[%add3A_61, %dma_start3A_377] : memref<10240x128xf32, #tpu.memory_space<vmem_shared>> -> memref<16x128xf32, #tpu.memory_space<vmem_shared>>
    %dma_start3A_379 = arith.constant 0 : i32
    %dma_start3A_380 = tpu.memref_slice %arg6[%add3A_61, %dma_start3A_379] : memref<10240x128xf32, #tpu.memory_space<vmem_shared>> -> memref<16x128xf32, #tpu.memory_space<vmem_shared>>
    tpu.enqueue_dma source(%arg13 : memref<16x128xf32, #tpu.memory_space<vmem>>) target(%dma_start3A_380 : memref<16x128xf32, #tpu.memory_space<vmem_shared>>) target_semaphore(%arg14 : memref<!tpu.dma_semaphore, #tpu.memory_space<semaphore_mem>>)
    %dma_start3A_381 = arith.constant 0 : i32
    %dma_start3A_382 = tpu.memref_slice %arg6[%add3A_65, %dma_start3A_381] : memref<10240x128xf32, #tpu.memory_space<vmem_shared>> -> memref<16x128xf32, #tpu.memory_space<vmem_shared>>
    %dma_start3A_383 = arith.constant 0 : i32
    %dma_start3A_384 = tpu.memref_slice %arg6[%add3A_65, %dma_start3A_383] : memref<10240x128xf32, #tpu.memory_space<vmem_shared>> -> memref<16x128xf32, #tpu.memory_space<vmem_shared>>
    tpu.enqueue_dma source(%arg13 : memref<16x128xf32, #tpu.memory_space<vmem>>) target(%dma_start3A_384 : memref<16x128xf32, #tpu.memory_space<vmem_shared>>) target_semaphore(%arg16 : memref<!tpu.dma_semaphore, #tpu.memory_space<semaphore_mem>>)
    %dma_start3A_385 = arith.constant 0 : i32
    %dma_start3A_386 = tpu.memref_slice %arg6[%add3A_69, %dma_start3A_385] : memref<10240x128xf32, #tpu.memory_space<vmem_shared>> -> memref<16x128xf32, #tpu.memory_space<vmem_shared>>
    %dma_start3A_387 = arith.constant 0 : i32
    %dma_start3A_388 = tpu.memref_slice %arg6[%add3A_69, %dma_start3A_387] : memref<10240x128xf32, #tpu.memory_space<vmem_shared>> -> memref<16x128xf32, #tpu.memory_space<vmem_shared>>
    tpu.enqueue_dma source(%arg13 : memref<16x128xf32, #tpu.memory_space<vmem>>) target(%dma_start3A_388 : memref<16x128xf32, #tpu.memory_space<vmem_shared>>) target_semaphore(%arg18 : memref<!tpu.dma_semaphore, #tpu.memory_space<semaphore_mem>>)
    %dma_start3A_389 = arith.constant 0 : i32
    %dma_start3A_390 = tpu.memref_slice %arg6[%add3A_73, %dma_start3A_389] : memref<10240x128xf32, #tpu.memory_space<vmem_shared>> -> memref<16x128xf32, #tpu.memory_space<vmem_shared>>
    %dma_start3A_391 = arith.constant 0 : i32
    %dma_start3A_392 = tpu.memref_slice %arg6[%add3A_73, %dma_start3A_391] : memref<10240x128xf32, #tpu.memory_space<vmem_shared>> -> memref<16x128xf32, #tpu.memory_space<vmem_shared>>
    tpu.enqueue_dma source(%arg13 : memref<16x128xf32, #tpu.memory_space<vmem>>) target(%dma_start3A_392 : memref<16x128xf32, #tpu.memory_space<vmem_shared>>) target_semaphore(%arg20 : memref<!tpu.dma_semaphore, #tpu.memory_space<semaphore_mem>>)
    %dma_start3A_393 = arith.constant 0 : i32
    %dma_start3A_394 = tpu.memref_slice %arg6[%add3A_77, %dma_start3A_393] : memref<10240x128xf32, #tpu.memory_space<vmem_shared>> -> memref<16x128xf32, #tpu.memory_space<vmem_shared>>
    %dma_start3A_395 = arith.constant 0 : i32
    %dma_start3A_396 = tpu.memref_slice %arg6[%add3A_77, %dma_start3A_395] : memref<10240x128xf32, #tpu.memory_space<vmem_shared>> -> memref<16x128xf32, #tpu.memory_space<vmem_shared>>
    tpu.enqueue_dma source(%arg13 : memref<16x128xf32, #tpu.memory_space<vmem>>) target(%dma_start3A_396 : memref<16x128xf32, #tpu.memory_space<vmem_shared>>) target_semaphore(%arg14 : memref<!tpu.dma_semaphore, #tpu.memory_space<semaphore_mem>>)
    %dma_start3A_397 = arith.constant 0 : i32
    %dma_start3A_398 = tpu.memref_slice %arg6[%add3A_81, %dma_start3A_397] : memref<10240x128xf32, #tpu.memory_space<vmem_shared>> -> memref<16x128xf32, #tpu.memory_space<vmem_shared>>
    %dma_start3A_399 = arith.constant 0 : i32
    %dma_start3A_400 = tpu.memref_slice %arg6[%add3A_81, %dma_start3A_399] : memref<10240x128xf32, #tpu.memory_space<vmem_shared>> -> memref<16x128xf32, #tpu.memory_space<vmem_shared>>
    tpu.enqueue_dma source(%arg13 : memref<16x128xf32, #tpu.memory_space<vmem>>) target(%dma_start3A_400 : memref<16x128xf32, #tpu.memory_space<vmem_shared>>) target_semaphore(%arg16 : memref<!tpu.dma_semaphore, #tpu.memory_space<semaphore_mem>>)
    %dma_start3A_401 = arith.constant 0 : i32
    %dma_start3A_402 = tpu.memref_slice %arg6[%add3A_85, %dma_start3A_401] : memref<10240x128xf32, #tpu.memory_space<vmem_shared>> -> memref<16x128xf32, #tpu.memory_space<vmem_shared>>
    %dma_start3A_403 = arith.constant 0 : i32
    %dma_start3A_404 = tpu.memref_slice %arg6[%add3A_85, %dma_start3A_403] : memref<10240x128xf32, #tpu.memory_space<vmem_shared>> -> memref<16x128xf32, #tpu.memory_space<vmem_shared>>
    tpu.enqueue_dma source(%arg13 : memref<16x128xf32, #tpu.memory_space<vmem>>) target(%dma_start3A_404 : memref<16x128xf32, #tpu.memory_space<vmem_shared>>) target_semaphore(%arg18 : memref<!tpu.dma_semaphore, #tpu.memory_space<semaphore_mem>>)
    %dma_start3A_405 = arith.constant 0 : i32
    %dma_start3A_406 = tpu.memref_slice %arg6[%add3A_89, %dma_start3A_405] : memref<10240x128xf32, #tpu.memory_space<vmem_shared>> -> memref<16x128xf32, #tpu.memory_space<vmem_shared>>
    %dma_start3A_407 = arith.constant 0 : i32
    %dma_start3A_408 = tpu.memref_slice %arg6[%add3A_89, %dma_start3A_407] : memref<10240x128xf32, #tpu.memory_space<vmem_shared>> -> memref<16x128xf32, #tpu.memory_space<vmem_shared>>
    tpu.enqueue_dma source(%arg13 : memref<16x128xf32, #tpu.memory_space<vmem>>) target(%dma_start3A_408 : memref<16x128xf32, #tpu.memory_space<vmem_shared>>) target_semaphore(%arg20 : memref<!tpu.dma_semaphore, #tpu.memory_space<semaphore_mem>>)
    %dma_start3A_409 = arith.constant 0 : i32
    %dma_start3A_410 = tpu.memref_slice %arg6[%add3A_93, %dma_start3A_409] : memref<10240x128xf32, #tpu.memory_space<vmem_shared>> -> memref<16x128xf32, #tpu.memory_space<vmem_shared>>
    %dma_start3A_411 = arith.constant 0 : i32
    %dma_start3A_412 = tpu.memref_slice %arg6[%add3A_93, %dma_start3A_411] : memref<10240x128xf32, #tpu.memory_space<vmem_shared>> -> memref<16x128xf32, #tpu.memory_space<vmem_shared>>
    tpu.enqueue_dma source(%arg13 : memref<16x128xf32, #tpu.memory_space<vmem>>) target(%dma_start3A_412 : memref<16x128xf32, #tpu.memory_space<vmem_shared>>) target_semaphore(%arg14 : memref<!tpu.dma_semaphore, #tpu.memory_space<semaphore_mem>>)
    %dma_start3A_413 = arith.constant 0 : i32
    %dma_start3A_414 = tpu.memref_slice %arg6[%add3A_97, %dma_start3A_413] : memref<10240x128xf32, #tpu.memory_space<vmem_shared>> -> memref<16x128xf32, #tpu.memory_space<vmem_shared>>
    %dma_start3A_415 = arith.constant 0 : i32
    %dma_start3A_416 = tpu.memref_slice %arg6[%add3A_97, %dma_start3A_415] : memref<10240x128xf32, #tpu.memory_space<vmem_shared>> -> memref<16x128xf32, #tpu.memory_space<vmem_shared>>
    tpu.enqueue_dma source(%arg13 : memref<16x128xf32, #tpu.memory_space<vmem>>) target(%dma_start3A_416 : memref<16x128xf32, #tpu.memory_space<vmem_shared>>) target_semaphore(%arg16 : memref<!tpu.dma_semaphore, #tpu.memory_space<semaphore_mem>>)
    %dma_start3A_417 = arith.constant 0 : i32
    %dma_start3A_418 = tpu.memref_slice %arg6[%add3A_101, %dma_start3A_417] : memref<10240x128xf32, #tpu.memory_space<vmem_shared>> -> memref<16x128xf32, #tpu.memory_space<vmem_shared>>
    %dma_start3A_419 = arith.constant 0 : i32
    %dma_start3A_420 = tpu.memref_slice %arg6[%add3A_101, %dma_start3A_419] : memref<10240x128xf32, #tpu.memory_space<vmem_shared>> -> memref<16x128xf32, #tpu.memory_space<vmem_shared>>
    tpu.enqueue_dma source(%arg13 : memref<16x128xf32, #tpu.memory_space<vmem>>) target(%dma_start3A_420 : memref<16x128xf32, #tpu.memory_space<vmem_shared>>) target_semaphore(%arg18 : memref<!tpu.dma_semaphore, #tpu.memory_space<semaphore_mem>>)
    %dma_start3A_421 = arith.constant 0 : i32
    %dma_start3A_422 = tpu.memref_slice %arg6[%add3A_105, %dma_start3A_421] : memref<10240x128xf32, #tpu.memory_space<vmem_shared>> -> memref<16x128xf32, #tpu.memory_space<vmem_shared>>
    %dma_start3A_423 = arith.constant 0 : i32
    %dma_start3A_424 = tpu.memref_slice %arg6[%add3A_105, %dma_start3A_423] : memref<10240x128xf32, #tpu.memory_space<vmem_shared>> -> memref<16x128xf32, #tpu.memory_space<vmem_shared>>
    tpu.enqueue_dma source(%arg13 : memref<16x128xf32, #tpu.memory_space<vmem>>) target(%dma_start3A_424 : memref<16x128xf32, #tpu.memory_space<vmem_shared>>) target_semaphore(%arg20 : memref<!tpu.dma_semaphore, #tpu.memory_space<semaphore_mem>>)
    %dma_start3A_425 = arith.constant 0 : i32
    %dma_start3A_426 = tpu.memref_slice %arg6[%add3A_109, %dma_start3A_425] : memref<10240x128xf32, #tpu.memory_space<vmem_shared>> -> memref<16x128xf32, #tpu.memory_space<vmem_shared>>
    %dma_start3A_427 = arith.constant 0 : i32
    %dma_start3A_428 = tpu.memref_slice %arg6[%add3A_109, %dma_start3A_427] : memref<10240x128xf32, #tpu.memory_space<vmem_shared>> -> memref<16x128xf32, #tpu.memory_space<vmem_shared>>
    tpu.enqueue_dma source(%arg13 : memref<16x128xf32, #tpu.memory_space<vmem>>) target(%dma_start3A_428 : memref<16x128xf32, #tpu.memory_space<vmem_shared>>) target_semaphore(%arg14 : memref<!tpu.dma_semaphore, #tpu.memory_space<semaphore_mem>>)
    %dma_start3A_429 = arith.constant 0 : i32
    %dma_start3A_430 = tpu.memref_slice %arg6[%add3A_113, %dma_start3A_429] : memref<10240x128xf32, #tpu.memory_space<vmem_shared>> -> memref<16x128xf32, #tpu.memory_space<vmem_shared>>
    %dma_start3A_431 = arith.constant 0 : i32
    %dma_start3A_432 = tpu.memref_slice %arg6[%add3A_113, %dma_start3A_431] : memref<10240x128xf32, #tpu.memory_space<vmem_shared>> -> memref<16x128xf32, #tpu.memory_space<vmem_shared>>
    tpu.enqueue_dma source(%arg13 : memref<16x128xf32, #tpu.memory_space<vmem>>) target(%dma_start3A_432 : memref<16x128xf32, #tpu.memory_space<vmem_shared>>) target_semaphore(%arg16 : memref<!tpu.dma_semaphore, #tpu.memory_space<semaphore_mem>>)
    %dma_start3A_433 = arith.constant 0 : i32
    %dma_start3A_434 = tpu.memref_slice %arg6[%add3A_117, %dma_start3A_433] : memref<10240x128xf32, #tpu.memory_space<vmem_shared>> -> memref<16x128xf32, #tpu.memory_space<vmem_shared>>
    %dma_start3A_435 = arith.constant 0 : i32
    %dma_start3A_436 = tpu.memref_slice %arg6[%add3A_117, %dma_start3A_435] : memref<10240x128xf32, #tpu.memory_space<vmem_shared>> -> memref<16x128xf32, #tpu.memory_space<vmem_shared>>
    tpu.enqueue_dma source(%arg13 : memref<16x128xf32, #tpu.memory_space<vmem>>) target(%dma_start3A_436 : memref<16x128xf32, #tpu.memory_space<vmem_shared>>) target_semaphore(%arg18 : memref<!tpu.dma_semaphore, #tpu.memory_space<semaphore_mem>>)
    %dma_start3A_437 = arith.constant 0 : i32
    %dma_start3A_438 = tpu.memref_slice %arg6[%add3A_121, %dma_start3A_437] : memref<10240x128xf32, #tpu.memory_space<vmem_shared>> -> memref<16x128xf32, #tpu.memory_space<vmem_shared>>
    %dma_start3A_439 = arith.constant 0 : i32
    %dma_start3A_440 = tpu.memref_slice %arg6[%add3A_121, %dma_start3A_439] : memref<10240x128xf32, #tpu.memory_space<vmem_shared>> -> memref<16x128xf32, #tpu.memory_space<vmem_shared>>
    tpu.enqueue_dma source(%arg13 : memref<16x128xf32, #tpu.memory_space<vmem>>) target(%dma_start3A_440 : memref<16x128xf32, #tpu.memory_space<vmem_shared>>) target_semaphore(%arg20 : memref<!tpu.dma_semaphore, #tpu.memory_space<semaphore_mem>>)
    %dma_start3A_441 = arith.constant 0 : i32
    %dma_start3A_442 = tpu.memref_slice %arg6[%add3A_125, %dma_start3A_441] : memref<10240x128xf32, #tpu.memory_space<vmem_shared>> -> memref<16x128xf32, #tpu.memory_space<vmem_shared>>
    %dma_start3A_443 = arith.constant 0 : i32
    %dma_start3A_444 = tpu.memref_slice %arg6[%add3A_125, %dma_start3A_443] : memref<10240x128xf32, #tpu.memory_space<vmem_shared>> -> memref<16x128xf32, #tpu.memory_space<vmem_shared>>
    tpu.enqueue_dma source(%arg13 : memref<16x128xf32, #tpu.memory_space<vmem>>) target(%dma_start3A_444 : memref<16x128xf32, #tpu.memory_space<vmem_shared>>) target_semaphore(%arg14 : memref<!tpu.dma_semaphore, #tpu.memory_space<semaphore_mem>>)
    %dma_start3A_445 = arith.constant 0 : i32
    %dma_start3A_446 = tpu.memref_slice %arg6[%add3A_129, %dma_start3A_445] : memref<10240x128xf32, #tpu.memory_space<vmem_shared>> -> memref<16x128xf32, #tpu.memory_space<vmem_shared>>
    %dma_start3A_447 = arith.constant 0 : i32
    %dma_start3A_448 = tpu.memref_slice %arg6[%add3A_129, %dma_start3A_447] : memref<10240x128xf32, #tpu.memory_space<vmem_shared>> -> memref<16x128xf32, #tpu.memory_space<vmem_shared>>
    tpu.enqueue_dma source(%arg13 : memref<16x128xf32, #tpu.memory_space<vmem>>) target(%dma_start3A_448 : memref<16x128xf32, #tpu.memory_space<vmem_shared>>) target_semaphore(%arg16 : memref<!tpu.dma_semaphore, #tpu.memory_space<semaphore_mem>>)
    %dma_start3A_449 = arith.constant 0 : i32
    %dma_start3A_450 = tpu.memref_slice %arg6[%add3A_133, %dma_start3A_449] : memref<10240x128xf32, #tpu.memory_space<vmem_shared>> -> memref<16x128xf32, #tpu.memory_space<vmem_shared>>
    %dma_start3A_451 = arith.constant 0 : i32
    %dma_start3A_452 = tpu.memref_slice %arg6[%add3A_133, %dma_start3A_451] : memref<10240x128xf32, #tpu.memory_space<vmem_shared>> -> memref<16x128xf32, #tpu.memory_space<vmem_shared>>
    tpu.enqueue_dma source(%arg13 : memref<16x128xf32, #tpu.memory_space<vmem>>) target(%dma_start3A_452 : memref<16x128xf32, #tpu.memory_space<vmem_shared>>) target_semaphore(%arg18 : memref<!tpu.dma_semaphore, #tpu.memory_space<semaphore_mem>>)
    %dma_start3A_453 = arith.constant 0 : i32
    %dma_start3A_454 = tpu.memref_slice %arg6[%add3A_137, %dma_start3A_453] : memref<10240x128xf32, #tpu.memory_space<vmem_shared>> -> memref<16x128xf32, #tpu.memory_space<vmem_shared>>
    %dma_start3A_455 = arith.constant 0 : i32
    %dma_start3A_456 = tpu.memref_slice %arg6[%add3A_137, %dma_start3A_455] : memref<10240x128xf32, #tpu.memory_space<vmem_shared>> -> memref<16x128xf32, #tpu.memory_space<vmem_shared>>
    tpu.enqueue_dma source(%arg13 : memref<16x128xf32, #tpu.memory_space<vmem>>) target(%dma_start3A_456 : memref<16x128xf32, #tpu.memory_space<vmem_shared>>) target_semaphore(%arg20 : memref<!tpu.dma_semaphore, #tpu.memory_space<semaphore_mem>>)
    %dma_start3A_457 = arith.constant 0 : i32
    %dma_start3A_458 = tpu.memref_slice %arg6[%add3A_141, %dma_start3A_457] : memref<10240x128xf32, #tpu.memory_space<vmem_shared>> -> memref<16x128xf32, #tpu.memory_space<vmem_shared>>
    %dma_start3A_459 = arith.constant 0 : i32
    %dma_start3A_460 = tpu.memref_slice %arg6[%add3A_141, %dma_start3A_459] : memref<10240x128xf32, #tpu.memory_space<vmem_shared>> -> memref<16x128xf32, #tpu.memory_space<vmem_shared>>
    tpu.enqueue_dma source(%arg13 : memref<16x128xf32, #tpu.memory_space<vmem>>) target(%dma_start3A_460 : memref<16x128xf32, #tpu.memory_space<vmem_shared>>) target_semaphore(%arg14 : memref<!tpu.dma_semaphore, #tpu.memory_space<semaphore_mem>>)
    %dma_start3A_461 = arith.constant 0 : i32
    %dma_start3A_462 = tpu.memref_slice %arg6[%add3A_145, %dma_start3A_461] : memref<10240x128xf32, #tpu.memory_space<vmem_shared>> -> memref<16x128xf32, #tpu.memory_space<vmem_shared>>
    %dma_start3A_463 = arith.constant 0 : i32
    %dma_start3A_464 = tpu.memref_slice %arg6[%add3A_145, %dma_start3A_463] : memref<10240x128xf32, #tpu.memory_space<vmem_shared>> -> memref<16x128xf32, #tpu.memory_space<vmem_shared>>
    tpu.enqueue_dma source(%arg13 : memref<16x128xf32, #tpu.memory_space<vmem>>) target(%dma_start3A_464 : memref<16x128xf32, #tpu.memory_space<vmem_shared>>) target_semaphore(%arg16 : memref<!tpu.dma_semaphore, #tpu.memory_space<semaphore_mem>>)
    %dma_start3A_465 = arith.constant 0 : i32
    %dma_start3A_466 = tpu.memref_slice %arg6[%add3A_149, %dma_start3A_465] : memref<10240x128xf32, #tpu.memory_space<vmem_shared>> -> memref<16x128xf32, #tpu.memory_space<vmem_shared>>
    %dma_start3A_467 = arith.constant 0 : i32
    %dma_start3A_468 = tpu.memref_slice %arg6[%add3A_149, %dma_start3A_467] : memref<10240x128xf32, #tpu.memory_space<vmem_shared>> -> memref<16x128xf32, #tpu.memory_space<vmem_shared>>
    tpu.enqueue_dma source(%arg13 : memref<16x128xf32, #tpu.memory_space<vmem>>) target(%dma_start3A_468 : memref<16x128xf32, #tpu.memory_space<vmem_shared>>) target_semaphore(%arg18 : memref<!tpu.dma_semaphore, #tpu.memory_space<semaphore_mem>>)
    %dma_start3A_469 = arith.constant 0 : i32
    %dma_start3A_470 = tpu.memref_slice %arg6[%add3A_153, %dma_start3A_469] : memref<10240x128xf32, #tpu.memory_space<vmem_shared>> -> memref<16x128xf32, #tpu.memory_space<vmem_shared>>
    %dma_start3A_471 = arith.constant 0 : i32
    %dma_start3A_472 = tpu.memref_slice %arg6[%add3A_153, %dma_start3A_471] : memref<10240x128xf32, #tpu.memory_space<vmem_shared>> -> memref<16x128xf32, #tpu.memory_space<vmem_shared>>
    tpu.enqueue_dma source(%arg13 : memref<16x128xf32, #tpu.memory_space<vmem>>) target(%dma_start3A_472 : memref<16x128xf32, #tpu.memory_space<vmem_shared>>) target_semaphore(%arg20 : memref<!tpu.dma_semaphore, #tpu.memory_space<semaphore_mem>>)
    %dma_start3A_473 = arith.constant 0 : i32
    %dma_start3A_474 = tpu.memref_slice %arg6[%add3A_157, %dma_start3A_473] : memref<10240x128xf32, #tpu.memory_space<vmem_shared>> -> memref<16x128xf32, #tpu.memory_space<vmem_shared>>
    %dma_start3A_475 = arith.constant 0 : i32
    %dma_start3A_476 = tpu.memref_slice %arg6[%add3A_157, %dma_start3A_475] : memref<10240x128xf32, #tpu.memory_space<vmem_shared>> -> memref<16x128xf32, #tpu.memory_space<vmem_shared>>
    tpu.enqueue_dma source(%arg13 : memref<16x128xf32, #tpu.memory_space<vmem>>) target(%dma_start3A_476 : memref<16x128xf32, #tpu.memory_space<vmem_shared>>) target_semaphore(%arg14 : memref<!tpu.dma_semaphore, #tpu.memory_space<semaphore_mem>>)
    %dma_start3A_477 = arith.constant 0 : i32
    %dma_start3A_478 = tpu.memref_slice %arg6[%add3A_161, %dma_start3A_477] : memref<10240x128xf32, #tpu.memory_space<vmem_shared>> -> memref<16x128xf32, #tpu.memory_space<vmem_shared>>
    %dma_start3A_479 = arith.constant 0 : i32
    %dma_start3A_480 = tpu.memref_slice %arg6[%add3A_161, %dma_start3A_479] : memref<10240x128xf32, #tpu.memory_space<vmem_shared>> -> memref<16x128xf32, #tpu.memory_space<vmem_shared>>
    tpu.enqueue_dma source(%arg13 : memref<16x128xf32, #tpu.memory_space<vmem>>) target(%dma_start3A_480 : memref<16x128xf32, #tpu.memory_space<vmem_shared>>) target_semaphore(%arg16 : memref<!tpu.dma_semaphore, #tpu.memory_space<semaphore_mem>>)
    %dma_start3A_481 = arith.constant 0 : i32
    %dma_start3A_482 = tpu.memref_slice %arg6[%add3A_165, %dma_start3A_481] : memref<10240x128xf32, #tpu.memory_space<vmem_shared>> -> memref<16x128xf32, #tpu.memory_space<vmem_shared>>
    %dma_start3A_483 = arith.constant 0 : i32
    %dma_start3A_484 = tpu.memref_slice %arg6[%add3A_165, %dma_start3A_483] : memref<10240x128xf32, #tpu.memory_space<vmem_shared>> -> memref<16x128xf32, #tpu.memory_space<vmem_shared>>
    tpu.enqueue_dma source(%arg13 : memref<16x128xf32, #tpu.memory_space<vmem>>) target(%dma_start3A_484 : memref<16x128xf32, #tpu.memory_space<vmem_shared>>) target_semaphore(%arg18 : memref<!tpu.dma_semaphore, #tpu.memory_space<semaphore_mem>>)
    %dma_start3A_485 = arith.constant 0 : i32
    %dma_start3A_486 = tpu.memref_slice %arg6[%add3A_169, %dma_start3A_485] : memref<10240x128xf32, #tpu.memory_space<vmem_shared>> -> memref<16x128xf32, #tpu.memory_space<vmem_shared>>
    %dma_start3A_487 = arith.constant 0 : i32
    %dma_start3A_488 = tpu.memref_slice %arg6[%add3A_169, %dma_start3A_487] : memref<10240x128xf32, #tpu.memory_space<vmem_shared>> -> memref<16x128xf32, #tpu.memory_space<vmem_shared>>
    tpu.enqueue_dma source(%arg13 : memref<16x128xf32, #tpu.memory_space<vmem>>) target(%dma_start3A_488 : memref<16x128xf32, #tpu.memory_space<vmem_shared>>) target_semaphore(%arg20 : memref<!tpu.dma_semaphore, #tpu.memory_space<semaphore_mem>>)
    %dma_start3A_489 = arith.constant 0 : i32
    %dma_start3A_490 = tpu.memref_slice %arg6[%add3A_173, %dma_start3A_489] : memref<10240x128xf32, #tpu.memory_space<vmem_shared>> -> memref<16x128xf32, #tpu.memory_space<vmem_shared>>
    %dma_start3A_491 = arith.constant 0 : i32
    %dma_start3A_492 = tpu.memref_slice %arg6[%add3A_173, %dma_start3A_491] : memref<10240x128xf32, #tpu.memory_space<vmem_shared>> -> memref<16x128xf32, #tpu.memory_space<vmem_shared>>
    tpu.enqueue_dma source(%arg13 : memref<16x128xf32, #tpu.memory_space<vmem>>) target(%dma_start3A_492 : memref<16x128xf32, #tpu.memory_space<vmem_shared>>) target_semaphore(%arg14 : memref<!tpu.dma_semaphore, #tpu.memory_space<semaphore_mem>>)
    %dma_start3A_493 = arith.constant 0 : i32
    %dma_start3A_494 = tpu.memref_slice %arg6[%add3A_177, %dma_start3A_493] : memref<10240x128xf32, #tpu.memory_space<vmem_shared>> -> memref<16x128xf32, #tpu.memory_space<vmem_shared>>
    %dma_start3A_495 = arith.constant 0 : i32
    %dma_start3A_496 = tpu.memref_slice %arg6[%add3A_177, %dma_start3A_495] : memref<10240x128xf32, #tpu.memory_space<vmem_shared>> -> memref<16x128xf32, #tpu.memory_space<vmem_shared>>
    tpu.enqueue_dma source(%arg13 : memref<16x128xf32, #tpu.memory_space<vmem>>) target(%dma_start3A_496 : memref<16x128xf32, #tpu.memory_space<vmem_shared>>) target_semaphore(%arg16 : memref<!tpu.dma_semaphore, #tpu.memory_space<semaphore_mem>>)
    %dma_start3A_497 = arith.constant 0 : i32
    %dma_start3A_498 = tpu.memref_slice %arg6[%add3A_181, %dma_start3A_497] : memref<10240x128xf32, #tpu.memory_space<vmem_shared>> -> memref<16x128xf32, #tpu.memory_space<vmem_shared>>
    %dma_start3A_499 = arith.constant 0 : i32
    %dma_start3A_500 = tpu.memref_slice %arg6[%add3A_181, %dma_start3A_499] : memref<10240x128xf32, #tpu.memory_space<vmem_shared>> -> memref<16x128xf32, #tpu.memory_space<vmem_shared>>
    tpu.enqueue_dma source(%arg13 : memref<16x128xf32, #tpu.memory_space<vmem>>) target(%dma_start3A_500 : memref<16x128xf32, #tpu.memory_space<vmem_shared>>) target_semaphore(%arg18 : memref<!tpu.dma_semaphore, #tpu.memory_space<semaphore_mem>>)
    %dma_start3A_501 = arith.constant 0 : i32
    %dma_start3A_502 = tpu.memref_slice %arg6[%add3A_185, %dma_start3A_501] : memref<10240x128xf32, #tpu.memory_space<vmem_shared>> -> memref<16x128xf32, #tpu.memory_space<vmem_shared>>
    %dma_start3A_503 = arith.constant 0 : i32
    %dma_start3A_504 = tpu.memref_slice %arg6[%add3A_185, %dma_start3A_503] : memref<10240x128xf32, #tpu.memory_space<vmem_shared>> -> memref<16x128xf32, #tpu.memory_space<vmem_shared>>
    tpu.enqueue_dma source(%arg13 : memref<16x128xf32, #tpu.memory_space<vmem>>) target(%dma_start3A_504 : memref<16x128xf32, #tpu.memory_space<vmem_shared>>) target_semaphore(%arg20 : memref<!tpu.dma_semaphore, #tpu.memory_space<semaphore_mem>>)
    %dma_start3A_505 = arith.constant 0 : i32
    %dma_start3A_506 = tpu.memref_slice %arg24[%add3A_189, %dma_start3A_505] : memref<10240x16xf32, #tpu.memory_space<vmem_shared>> -> memref<16x16xf32, #tpu.memory_space<vmem_shared>>
    %dma_start3A_507 = arith.constant 0 : i32
    %dma_start3A_508 = tpu.memref_slice %arg24[%add3A_189, %dma_start3A_507] : memref<10240x16xf32, #tpu.memory_space<vmem_shared>> -> memref<16x16xf32, #tpu.memory_space<vmem_shared>>
    tpu.enqueue_dma source(%arg26 : memref<16x16xf32, #tpu.memory_space<vmem>>) target(%dma_start3A_508 : memref<16x16xf32, #tpu.memory_space<vmem_shared>>) target_semaphore(%arg15 : memref<!tpu.dma_semaphore, #tpu.memory_space<semaphore_mem>>)
    %dma_start3A_509 = arith.constant 0 : i32
    %dma_start3A_510 = tpu.memref_slice %arg24[%add3A_193, %dma_start3A_509] : memref<10240x16xf32, #tpu.memory_space<vmem_shared>> -> memref<16x16xf32, #tpu.memory_space<vmem_shared>>
    %dma_start3A_511 = arith.constant 0 : i32
    %dma_start3A_512 = tpu.memref_slice %arg24[%add3A_193, %dma_start3A_511] : memref<10240x16xf32, #tpu.memory_space<vmem_shared>> -> memref<16x16xf32, #tpu.memory_space<vmem_shared>>
    tpu.enqueue_dma source(%arg26 : memref<16x16xf32, #tpu.memory_space<vmem>>) target(%dma_start3A_512 : memref<16x16xf32, #tpu.memory_space<vmem_shared>>) target_semaphore(%arg17 : memref<!tpu.dma_semaphore, #tpu.memory_space<semaphore_mem>>)
    %dma_start3A_513 = arith.constant 0 : i32
    %dma_start3A_514 = tpu.memref_slice %arg24[%add3A_197, %dma_start3A_513] : memref<10240x16xf32, #tpu.memory_space<vmem_shared>> -> memref<16x16xf32, #tpu.memory_space<vmem_shared>>
    %dma_start3A_515 = arith.constant 0 : i32
    %dma_start3A_516 = tpu.memref_slice %arg24[%add3A_197, %dma_start3A_515] : memref<10240x16xf32, #tpu.memory_space<vmem_shared>> -> memref<16x16xf32, #tpu.memory_space<vmem_shared>>
    tpu.enqueue_dma source(%arg26 : memref<16x16xf32, #tpu.memory_space<vmem>>) target(%dma_start3A_516 : memref<16x16xf32, #tpu.memory_space<vmem_shared>>) target_semaphore(%arg19 : memref<!tpu.dma_semaphore, #tpu.memory_space<semaphore_mem>>)
    %dma_start3A_517 = arith.constant 0 : i32
    %dma_start3A_518 = tpu.memref_slice %arg24[%add3A_201, %dma_start3A_517] : memref<10240x16xf32, #tpu.memory_space<vmem_shared>> -> memref<16x16xf32, #tpu.memory_space<vmem_shared>>
    %dma_start3A_519 = arith.constant 0 : i32
    %dma_start3A_520 = tpu.memref_slice %arg24[%add3A_201, %dma_start3A_519] : memref<10240x16xf32, #tpu.memory_space<vmem_shared>> -> memref<16x16xf32, #tpu.memory_space<vmem_shared>>
    tpu.enqueue_dma source(%arg26 : memref<16x16xf32, #tpu.memory_space<vmem>>) target(%dma_start3A_520 : memref<16x16xf32, #tpu.memory_space<vmem_shared>>) target_semaphore(%arg21 : memref<!tpu.dma_semaphore, #tpu.memory_space<semaphore_mem>>)
    %dma_start3A_521 = arith.constant 0 : i32
    %dma_start3A_522 = tpu.memref_slice %arg24[%add3A_205, %dma_start3A_521] : memref<10240x16xf32, #tpu.memory_space<vmem_shared>> -> memref<16x16xf32, #tpu.memory_space<vmem_shared>>
    %dma_start3A_523 = arith.constant 0 : i32
    %dma_start3A_524 = tpu.memref_slice %arg24[%add3A_205, %dma_start3A_523] : memref<10240x16xf32, #tpu.memory_space<vmem_shared>> -> memref<16x16xf32, #tpu.memory_space<vmem_shared>>
    tpu.enqueue_dma source(%arg26 : memref<16x16xf32, #tpu.memory_space<vmem>>) target(%dma_start3A_524 : memref<16x16xf32, #tpu.memory_space<vmem_shared>>) target_semaphore(%arg15 : memref<!tpu.dma_semaphore, #tpu.memory_space<semaphore_mem>>)
    %dma_start3A_525 = arith.constant 0 : i32
    %dma_start3A_526 = tpu.memref_slice %arg24[%add3A_209, %dma_start3A_525] : memref<10240x16xf32, #tpu.memory_space<vmem_shared>> -> memref<16x16xf32, #tpu.memory_space<vmem_shared>>
    %dma_start3A_527 = arith.constant 0 : i32
    %dma_start3A_528 = tpu.memref_slice %arg24[%add3A_209, %dma_start3A_527] : memref<10240x16xf32, #tpu.memory_space<vmem_shared>> -> memref<16x16xf32, #tpu.memory_space<vmem_shared>>
    tpu.enqueue_dma source(%arg26 : memref<16x16xf32, #tpu.memory_space<vmem>>) target(%dma_start3A_528 : memref<16x16xf32, #tpu.memory_space<vmem_shared>>) target_semaphore(%arg17 : memref<!tpu.dma_semaphore, #tpu.memory_space<semaphore_mem>>)
    %dma_start3A_529 = arith.constant 0 : i32
    %dma_start3A_530 = tpu.memref_slice %arg24[%add3A_213, %dma_start3A_529] : memref<10240x16xf32, #tpu.memory_space<vmem_shared>> -> memref<16x16xf32, #tpu.memory_space<vmem_shared>>
    %dma_start3A_531 = arith.constant 0 : i32
    %dma_start3A_532 = tpu.memref_slice %arg24[%add3A_213, %dma_start3A_531] : memref<10240x16xf32, #tpu.memory_space<vmem_shared>> -> memref<16x16xf32, #tpu.memory_space<vmem_shared>>
    tpu.enqueue_dma source(%arg26 : memref<16x16xf32, #tpu.memory_space<vmem>>) target(%dma_start3A_532 : memref<16x16xf32, #tpu.memory_space<vmem_shared>>) target_semaphore(%arg19 : memref<!tpu.dma_semaphore, #tpu.memory_space<semaphore_mem>>)
    %dma_start3A_533 = arith.constant 0 : i32
    %dma_start3A_534 = tpu.memref_slice %arg24[%add3A_217, %dma_start3A_533] : memref<10240x16xf32, #tpu.memory_space<vmem_shared>> -> memref<16x16xf32, #tpu.memory_space<vmem_shared>>
    %dma_start3A_535 = arith.constant 0 : i32
    %dma_start3A_536 = tpu.memref_slice %arg24[%add3A_217, %dma_start3A_535] : memref<10240x16xf32, #tpu.memory_space<vmem_shared>> -> memref<16x16xf32, #tpu.memory_space<vmem_shared>>
    tpu.enqueue_dma source(%arg26 : memref<16x16xf32, #tpu.memory_space<vmem>>) target(%dma_start3A_536 : memref<16x16xf32, #tpu.memory_space<vmem_shared>>) target_semaphore(%arg21 : memref<!tpu.dma_semaphore, #tpu.memory_space<semaphore_mem>>)
    %dma_start3A_537 = arith.constant 0 : i32
    %dma_start3A_538 = tpu.memref_slice %arg24[%add3A_221, %dma_start3A_537] : memref<10240x16xf32, #tpu.memory_space<vmem_shared>> -> memref<16x16xf32, #tpu.memory_space<vmem_shared>>
    %dma_start3A_539 = arith.constant 0 : i32
    %dma_start3A_540 = tpu.memref_slice %arg24[%add3A_221, %dma_start3A_539] : memref<10240x16xf32, #tpu.memory_space<vmem_shared>> -> memref<16x16xf32, #tpu.memory_space<vmem_shared>>
    tpu.enqueue_dma source(%arg26 : memref<16x16xf32, #tpu.memory_space<vmem>>) target(%dma_start3A_540 : memref<16x16xf32, #tpu.memory_space<vmem_shared>>) target_semaphore(%arg15 : memref<!tpu.dma_semaphore, #tpu.memory_space<semaphore_mem>>)
    %dma_start3A_541 = arith.constant 0 : i32
    %dma_start3A_542 = tpu.memref_slice %arg24[%add3A_225, %dma_start3A_541] : memref<10240x16xf32, #tpu.memory_space<vmem_shared>> -> memref<16x16xf32, #tpu.memory_space<vmem_shared>>
    %dma_start3A_543 = arith.constant 0 : i32
    %dma_start3A_544 = tpu.memref_slice %arg24[%add3A_225, %dma_start3A_543] : memref<10240x16xf32, #tpu.memory_space<vmem_shared>> -> memref<16x16xf32, #tpu.memory_space<vmem_shared>>
    tpu.enqueue_dma source(%arg26 : memref<16x16xf32, #tpu.memory_space<vmem>>) target(%dma_start3A_544 : memref<16x16xf32, #tpu.memory_space<vmem_shared>>) target_semaphore(%arg17 : memref<!tpu.dma_semaphore, #tpu.memory_space<semaphore_mem>>)
    %dma_start3A_545 = arith.constant 0 : i32
    %dma_start3A_546 = tpu.memref_slice %arg24[%add3A_229, %dma_start3A_545] : memref<10240x16xf32, #tpu.memory_space<vmem_shared>> -> memref<16x16xf32, #tpu.memory_space<vmem_shared>>
    %dma_start3A_547 = arith.constant 0 : i32
    %dma_start3A_548 = tpu.memref_slice %arg24[%add3A_229, %dma_start3A_547] : memref<10240x16xf32, #tpu.memory_space<vmem_shared>> -> memref<16x16xf32, #tpu.memory_space<vmem_shared>>
    tpu.enqueue_dma source(%arg26 : memref<16x16xf32, #tpu.memory_space<vmem>>) target(%dma_start3A_548 : memref<16x16xf32, #tpu.memory_space<vmem_shared>>) target_semaphore(%arg19 : memref<!tpu.dma_semaphore, #tpu.memory_space<semaphore_mem>>)
    %dma_start3A_549 = arith.constant 0 : i32
    %dma_start3A_550 = tpu.memref_slice %arg24[%add3A_233, %dma_start3A_549] : memref<10240x16xf32, #tpu.memory_space<vmem_shared>> -> memref<16x16xf32, #tpu.memory_space<vmem_shared>>
    %dma_start3A_551 = arith.constant 0 : i32
    %dma_start3A_552 = tpu.memref_slice %arg24[%add3A_233, %dma_start3A_551] : memref<10240x16xf32, #tpu.memory_space<vmem_shared>> -> memref<16x16xf32, #tpu.memory_space<vmem_shared>>
    tpu.enqueue_dma source(%arg26 : memref<16x16xf32, #tpu.memory_space<vmem>>) target(%dma_start3A_552 : memref<16x16xf32, #tpu.memory_space<vmem_shared>>) target_semaphore(%arg21 : memref<!tpu.dma_semaphore, #tpu.memory_space<semaphore_mem>>)
    %dma_start3A_553 = arith.constant 0 : i32
    %dma_start3A_554 = tpu.memref_slice %arg24[%add3A_237, %dma_start3A_553] : memref<10240x16xf32, #tpu.memory_space<vmem_shared>> -> memref<16x16xf32, #tpu.memory_space<vmem_shared>>
    %dma_start3A_555 = arith.constant 0 : i32
    %dma_start3A_556 = tpu.memref_slice %arg24[%add3A_237, %dma_start3A_555] : memref<10240x16xf32, #tpu.memory_space<vmem_shared>> -> memref<16x16xf32, #tpu.memory_space<vmem_shared>>
    tpu.enqueue_dma source(%arg26 : memref<16x16xf32, #tpu.memory_space<vmem>>) target(%dma_start3A_556 : memref<16x16xf32, #tpu.memory_space<vmem_shared>>) target_semaphore(%arg15 : memref<!tpu.dma_semaphore, #tpu.memory_space<semaphore_mem>>)
    %dma_start3A_557 = arith.constant 0 : i32
    %dma_start3A_558 = tpu.memref_slice %arg24[%add3A_241, %dma_start3A_557] : memref<10240x16xf32, #tpu.memory_space<vmem_shared>> -> memref<16x16xf32, #tpu.memory_space<vmem_shared>>
    %dma_start3A_559 = arith.constant 0 : i32
    %dma_start3A_560 = tpu.memref_slice %arg24[%add3A_241, %dma_start3A_559] : memref<10240x16xf32, #tpu.memory_space<vmem_shared>> -> memref<16x16xf32, #tpu.memory_space<vmem_shared>>
    tpu.enqueue_dma source(%arg26 : memref<16x16xf32, #tpu.memory_space<vmem>>) target(%dma_start3A_560 : memref<16x16xf32, #tpu.memory_space<vmem_shared>>) target_semaphore(%arg17 : memref<!tpu.dma_semaphore, #tpu.memory_space<semaphore_mem>>)
    %dma_start3A_561 = arith.constant 0 : i32
    %dma_start3A_562 = tpu.memref_slice %arg24[%add3A_245, %dma_start3A_561] : memref<10240x16xf32, #tpu.memory_space<vmem_shared>> -> memref<16x16xf32, #tpu.memory_space<vmem_shared>>
    %dma_start3A_563 = arith.constant 0 : i32
    %dma_start3A_564 = tpu.memref_slice %arg24[%add3A_245, %dma_start3A_563] : memref<10240x16xf32, #tpu.memory_space<vmem_shared>> -> memref<16x16xf32, #tpu.memory_space<vmem_shared>>
    tpu.enqueue_dma source(%arg26 : memref<16x16xf32, #tpu.memory_space<vmem>>) target(%dma_start3A_564 : memref<16x16xf32, #tpu.memory_space<vmem_shared>>) target_semaphore(%arg19 : memref<!tpu.dma_semaphore, #tpu.memory_space<semaphore_mem>>)
    %dma_start3A_565 = arith.constant 0 : i32
    %dma_start3A_566 = tpu.memref_slice %arg24[%add3A_249, %dma_start3A_565] : memref<10240x16xf32, #tpu.memory_space<vmem_shared>> -> memref<16x16xf32, #tpu.memory_space<vmem_shared>>
    %dma_start3A_567 = arith.constant 0 : i32
    %dma_start3A_568 = tpu.memref_slice %arg24[%add3A_249, %dma_start3A_567] : memref<10240x16xf32, #tpu.memory_space<vmem_shared>> -> memref<16x16xf32, #tpu.memory_space<vmem_shared>>
    tpu.enqueue_dma source(%arg26 : memref<16x16xf32, #tpu.memory_space<vmem>>) target(%dma_start3A_568 : memref<16x16xf32, #tpu.memory_space<vmem_shared>>) target_semaphore(%arg21 : memref<!tpu.dma_semaphore, #tpu.memory_space<semaphore_mem>>)
    %dma_start3A_569 = arith.constant 0 : i32
    %dma_start3A_570 = tpu.memref_slice %arg24[%add3A_253, %dma_start3A_569] : memref<10240x16xf32, #tpu.memory_space<vmem_shared>> -> memref<16x16xf32, #tpu.memory_space<vmem_shared>>
    %dma_start3A_571 = arith.constant 0 : i32
    %dma_start3A_572 = tpu.memref_slice %arg24[%add3A_253, %dma_start3A_571] : memref<10240x16xf32, #tpu.memory_space<vmem_shared>> -> memref<16x16xf32, #tpu.memory_space<vmem_shared>>
    tpu.enqueue_dma source(%arg26 : memref<16x16xf32, #tpu.memory_space<vmem>>) target(%dma_start3A_572 : memref<16x16xf32, #tpu.memory_space<vmem_shared>>) target_semaphore(%arg15 : memref<!tpu.dma_semaphore, #tpu.memory_space<semaphore_mem>>)
    %dma_start3A_573 = arith.constant 0 : i32
    %dma_start3A_574 = tpu.memref_slice %arg24[%add3A_257, %dma_start3A_573] : memref<10240x16xf32, #tpu.memory_space<vmem_shared>> -> memref<16x16xf32, #tpu.memory_space<vmem_shared>>
    %dma_start3A_575 = arith.constant 0 : i32
    %dma_start3A_576 = tpu.memref_slice %arg24[%add3A_257, %dma_start3A_575] : memref<10240x16xf32, #tpu.memory_space<vmem_shared>> -> memref<16x16xf32, #tpu.memory_space<vmem_shared>>
    tpu.enqueue_dma source(%arg26 : memref<16x16xf32, #tpu.memory_space<vmem>>) target(%dma_start3A_576 : memref<16x16xf32, #tpu.memory_space<vmem_shared>>) target_semaphore(%arg17 : memref<!tpu.dma_semaphore, #tpu.memory_space<semaphore_mem>>)
    %dma_start3A_577 = arith.constant 0 : i32
    %dma_start3A_578 = tpu.memref_slice %arg24[%add3A_261, %dma_start3A_577] : memref<10240x16xf32, #tpu.memory_space<vmem_shared>> -> memref<16x16xf32, #tpu.memory_space<vmem_shared>>
    %dma_start3A_579 = arith.constant 0 : i32
    %dma_start3A_580 = tpu.memref_slice %arg24[%add3A_261, %dma_start3A_579] : memref<10240x16xf32, #tpu.memory_space<vmem_shared>> -> memref<16x16xf32, #tpu.memory_space<vmem_shared>>
    tpu.enqueue_dma source(%arg26 : memref<16x16xf32, #tpu.memory_space<vmem>>) target(%dma_start3A_580 : memref<16x16xf32, #tpu.memory_space<vmem_shared>>) target_semaphore(%arg19 : memref<!tpu.dma_semaphore, #tpu.memory_space<semaphore_mem>>)
    %dma_start3A_581 = arith.constant 0 : i32
    %dma_start3A_582 = tpu.memref_slice %arg24[%add3A_265, %dma_start3A_581] : memref<10240x16xf32, #tpu.memory_space<vmem_shared>> -> memref<16x16xf32, #tpu.memory_space<vmem_shared>>
    %dma_start3A_583 = arith.constant 0 : i32
    %dma_start3A_584 = tpu.memref_slice %arg24[%add3A_265, %dma_start3A_583] : memref<10240x16xf32, #tpu.memory_space<vmem_shared>> -> memref<16x16xf32, #tpu.memory_space<vmem_shared>>
    tpu.enqueue_dma source(%arg26 : memref<16x16xf32, #tpu.memory_space<vmem>>) target(%dma_start3A_584 : memref<16x16xf32, #tpu.memory_space<vmem_shared>>) target_semaphore(%arg21 : memref<!tpu.dma_semaphore, #tpu.memory_space<semaphore_mem>>)
    %dma_start3A_585 = arith.constant 0 : i32
    %dma_start3A_586 = tpu.memref_slice %arg24[%add3A_269, %dma_start3A_585] : memref<10240x16xf32, #tpu.memory_space<vmem_shared>> -> memref<16x16xf32, #tpu.memory_space<vmem_shared>>
    %dma_start3A_587 = arith.constant 0 : i32
    %dma_start3A_588 = tpu.memref_slice %arg24[%add3A_269, %dma_start3A_587] : memref<10240x16xf32, #tpu.memory_space<vmem_shared>> -> memref<16x16xf32, #tpu.memory_space<vmem_shared>>
    tpu.enqueue_dma source(%arg26 : memref<16x16xf32, #tpu.memory_space<vmem>>) target(%dma_start3A_588 : memref<16x16xf32, #tpu.memory_space<vmem_shared>>) target_semaphore(%arg15 : memref<!tpu.dma_semaphore, #tpu.memory_space<semaphore_mem>>)
    %dma_start3A_589 = arith.constant 0 : i32
    %dma_start3A_590 = tpu.memref_slice %arg24[%add3A_273, %dma_start3A_589] : memref<10240x16xf32, #tpu.memory_space<vmem_shared>> -> memref<16x16xf32, #tpu.memory_space<vmem_shared>>
    %dma_start3A_591 = arith.constant 0 : i32
    %dma_start3A_592 = tpu.memref_slice %arg24[%add3A_273, %dma_start3A_591] : memref<10240x16xf32, #tpu.memory_space<vmem_shared>> -> memref<16x16xf32, #tpu.memory_space<vmem_shared>>
    tpu.enqueue_dma source(%arg26 : memref<16x16xf32, #tpu.memory_space<vmem>>) target(%dma_start3A_592 : memref<16x16xf32, #tpu.memory_space<vmem_shared>>) target_semaphore(%arg17 : memref<!tpu.dma_semaphore, #tpu.memory_space<semaphore_mem>>)
    %dma_start3A_593 = arith.constant 0 : i32
    %dma_start3A_594 = tpu.memref_slice %arg24[%add3A_277, %dma_start3A_593] : memref<10240x16xf32, #tpu.memory_space<vmem_shared>> -> memref<16x16xf32, #tpu.memory_space<vmem_shared>>
    %dma_start3A_595 = arith.constant 0 : i32
    %dma_start3A_596 = tpu.memref_slice %arg24[%add3A_277, %dma_start3A_595] : memref<10240x16xf32, #tpu.memory_space<vmem_shared>> -> memref<16x16xf32, #tpu.memory_space<vmem_shared>>
    tpu.enqueue_dma source(%arg26 : memref<16x16xf32, #tpu.memory_space<vmem>>) target(%dma_start3A_596 : memref<16x16xf32, #tpu.memory_space<vmem_shared>>) target_semaphore(%arg19 : memref<!tpu.dma_semaphore, #tpu.memory_space<semaphore_mem>>)
    %dma_start3A_597 = arith.constant 0 : i32
    %dma_start3A_598 = tpu.memref_slice %arg24[%add3A_281, %dma_start3A_597] : memref<10240x16xf32, #tpu.memory_space<vmem_shared>> -> memref<16x16xf32, #tpu.memory_space<vmem_shared>>
    %dma_start3A_599 = arith.constant 0 : i32
    %dma_start3A_600 = tpu.memref_slice %arg24[%add3A_281, %dma_start3A_599] : memref<10240x16xf32, #tpu.memory_space<vmem_shared>> -> memref<16x16xf32, #tpu.memory_space<vmem_shared>>
    tpu.enqueue_dma source(%arg26 : memref<16x16xf32, #tpu.memory_space<vmem>>) target(%dma_start3A_600 : memref<16x16xf32, #tpu.memory_space<vmem_shared>>) target_semaphore(%arg21 : memref<!tpu.dma_semaphore, #tpu.memory_space<semaphore_mem>>)
    %dma_start3A_601 = arith.constant 0 : i32
    %dma_start3A_602 = tpu.memref_slice %arg24[%add3A_285, %dma_start3A_601] : memref<10240x16xf32, #tpu.memory_space<vmem_shared>> -> memref<16x16xf32, #tpu.memory_space<vmem_shared>>
    %dma_start3A_603 = arith.constant 0 : i32
    %dma_start3A_604 = tpu.memref_slice %arg24[%add3A_285, %dma_start3A_603] : memref<10240x16xf32, #tpu.memory_space<vmem_shared>> -> memref<16x16xf32, #tpu.memory_space<vmem_shared>>
    tpu.enqueue_dma source(%arg26 : memref<16x16xf32, #tpu.memory_space<vmem>>) target(%dma_start3A_604 : memref<16x16xf32, #tpu.memory_space<vmem_shared>>) target_semaphore(%arg15 : memref<!tpu.dma_semaphore, #tpu.memory_space<semaphore_mem>>)
    %dma_start3A_605 = arith.constant 0 : i32
    %dma_start3A_606 = tpu.memref_slice %arg24[%add3A_289, %dma_start3A_605] : memref<10240x16xf32, #tpu.memory_space<vmem_shared>> -> memref<16x16xf32, #tpu.memory_space<vmem_shared>>
    %dma_start3A_607 = arith.constant 0 : i32
    %dma_start3A_608 = tpu.memref_slice %arg24[%add3A_289, %dma_start3A_607] : memref<10240x16xf32, #tpu.memory_space<vmem_shared>> -> memref<16x16xf32, #tpu.memory_space<vmem_shared>>
    tpu.enqueue_dma source(%arg26 : memref<16x16xf32, #tpu.memory_space<vmem>>) target(%dma_start3A_608 : memref<16x16xf32, #tpu.memory_space<vmem_shared>>) target_semaphore(%arg17 : memref<!tpu.dma_semaphore, #tpu.memory_space<semaphore_mem>>)
    %dma_start3A_609 = arith.constant 0 : i32
    %dma_start3A_610 = tpu.memref_slice %arg24[%add3A_293, %dma_start3A_609] : memref<10240x16xf32, #tpu.memory_space<vmem_shared>> -> memref<16x16xf32, #tpu.memory_space<vmem_shared>>
    %dma_start3A_611 = arith.constant 0 : i32
    %dma_start3A_612 = tpu.memref_slice %arg24[%add3A_293, %dma_start3A_611] : memref<10240x16xf32, #tpu.memory_space<vmem_shared>> -> memref<16x16xf32, #tpu.memory_space<vmem_shared>>
    tpu.enqueue_dma source(%arg26 : memref<16x16xf32, #tpu.memory_space<vmem>>) target(%dma_start3A_612 : memref<16x16xf32, #tpu.memory_space<vmem_shared>>) target_semaphore(%arg19 : memref<!tpu.dma_semaphore, #tpu.memory_space<semaphore_mem>>)
    %dma_start3A_613 = arith.constant 0 : i32
    %dma_start3A_614 = tpu.memref_slice %arg24[%add3A_297, %dma_start3A_613] : memref<10240x16xf32, #tpu.memory_space<vmem_shared>> -> memref<16x16xf32, #tpu.memory_space<vmem_shared>>
    %dma_start3A_615 = arith.constant 0 : i32
    %dma_start3A_616 = tpu.memref_slice %arg24[%add3A_297, %dma_start3A_615] : memref<10240x16xf32, #tpu.memory_space<vmem_shared>> -> memref<16x16xf32, #tpu.memory_space<vmem_shared>>
    tpu.enqueue_dma source(%arg26 : memref<16x16xf32, #tpu.memory_space<vmem>>) target(%dma_start3A_616 : memref<16x16xf32, #tpu.memory_space<vmem_shared>>) target_semaphore(%arg21 : memref<!tpu.dma_semaphore, #tpu.memory_space<semaphore_mem>>)
    %dma_start3A_617 = arith.constant 0 : i32
    %dma_start3A_618 = tpu.memref_slice %arg24[%add3A_301, %dma_start3A_617] : memref<10240x16xf32, #tpu.memory_space<vmem_shared>> -> memref<16x16xf32, #tpu.memory_space<vmem_shared>>
    %dma_start3A_619 = arith.constant 0 : i32
    %dma_start3A_620 = tpu.memref_slice %arg24[%add3A_301, %dma_start3A_619] : memref<10240x16xf32, #tpu.memory_space<vmem_shared>> -> memref<16x16xf32, #tpu.memory_space<vmem_shared>>
    tpu.enqueue_dma source(%arg26 : memref<16x16xf32, #tpu.memory_space<vmem>>) target(%dma_start3A_620 : memref<16x16xf32, #tpu.memory_space<vmem_shared>>) target_semaphore(%arg15 : memref<!tpu.dma_semaphore, #tpu.memory_space<semaphore_mem>>)
    %dma_start3A_621 = arith.constant 0 : i32
    %dma_start3A_622 = tpu.memref_slice %arg24[%add3A_305, %dma_start3A_621] : memref<10240x16xf32, #tpu.memory_space<vmem_shared>> -> memref<16x16xf32, #tpu.memory_space<vmem_shared>>
    %dma_start3A_623 = arith.constant 0 : i32
    %dma_start3A_624 = tpu.memref_slice %arg24[%add3A_305, %dma_start3A_623] : memref<10240x16xf32, #tpu.memory_space<vmem_shared>> -> memref<16x16xf32, #tpu.memory_space<vmem_shared>>
    tpu.enqueue_dma source(%arg26 : memref<16x16xf32, #tpu.memory_space<vmem>>) target(%dma_start3A_624 : memref<16x16xf32, #tpu.memory_space<vmem_shared>>) target_semaphore(%arg17 : memref<!tpu.dma_semaphore, #tpu.memory_space<semaphore_mem>>)
    %dma_start3A_625 = arith.constant 0 : i32
    %dma_start3A_626 = tpu.memref_slice %arg24[%add3A_309, %dma_start3A_625] : memref<10240x16xf32, #tpu.memory_space<vmem_shared>> -> memref<16x16xf32, #tpu.memory_space<vmem_shared>>
    %dma_start3A_627 = arith.constant 0 : i32
    %dma_start3A_628 = tpu.memref_slice %arg24[%add3A_309, %dma_start3A_627] : memref<10240x16xf32, #tpu.memory_space<vmem_shared>> -> memref<16x16xf32, #tpu.memory_space<vmem_shared>>
    tpu.enqueue_dma source(%arg26 : memref<16x16xf32, #tpu.memory_space<vmem>>) target(%dma_start3A_628 : memref<16x16xf32, #tpu.memory_space<vmem_shared>>) target_semaphore(%arg19 : memref<!tpu.dma_semaphore, #tpu.memory_space<semaphore_mem>>)
    %dma_start3A_629 = arith.constant 0 : i32
    %dma_start3A_630 = tpu.memref_slice %arg24[%add3A_313, %dma_start3A_629] : memref<10240x16xf32, #tpu.memory_space<vmem_shared>> -> memref<16x16xf32, #tpu.memory_space<vmem_shared>>
    %dma_start3A_631 = arith.constant 0 : i32
    %dma_start3A_632 = tpu.memref_slice %arg24[%add3A_313, %dma_start3A_631] : memref<10240x16xf32, #tpu.memory_space<vmem_shared>> -> memref<16x16xf32, #tpu.memory_space<vmem_shared>>
    tpu.enqueue_dma source(%arg26 : memref<16x16xf32, #tpu.memory_space<vmem>>) target(%dma_start3A_632 : memref<16x16xf32, #tpu.memory_space<vmem_shared>>) target_semaphore(%arg21 : memref<!tpu.dma_semaphore, #tpu.memory_space<semaphore_mem>>)
    %dma_start3A_633 = arith.constant 0 : i32
    %dma_start3A_634 = tpu.memref_slice %arg24[%add3A_317, %dma_start3A_633] : memref<10240x16xf32, #tpu.memory_space<vmem_shared>> -> memref<16x16xf32, #tpu.memory_space<vmem_shared>>
    %dma_start3A_635 = arith.constant 0 : i32
    %dma_start3A_636 = tpu.memref_slice %arg24[%add3A_317, %dma_start3A_635] : memref<10240x16xf32, #tpu.memory_space<vmem_shared>> -> memref<16x16xf32, #tpu.memory_space<vmem_shared>>
    tpu.enqueue_dma source(%arg26 : memref<16x16xf32, #tpu.memory_space<vmem>>) target(%dma_start3A_636 : memref<16x16xf32, #tpu.memory_space<vmem_shared>>) target_semaphore(%arg15 : memref<!tpu.dma_semaphore, #tpu.memory_space<semaphore_mem>>)
    %dma_start3A_637 = arith.constant 0 : i32
    %dma_start3A_638 = tpu.memref_slice %arg24[%add3A_321, %dma_start3A_637] : memref<10240x16xf32, #tpu.memory_space<vmem_shared>> -> memref<16x16xf32, #tpu.memory_space<vmem_shared>>
    %dma_start3A_639 = arith.constant 0 : i32
    %dma_start3A_640 = tpu.memref_slice %arg24[%add3A_321, %dma_start3A_639] : memref<10240x16xf32, #tpu.memory_space<vmem_shared>> -> memref<16x16xf32, #tpu.memory_space<vmem_shared>>
    tpu.enqueue_dma source(%arg26 : memref<16x16xf32, #tpu.memory_space<vmem>>) target(%dma_start3A_640 : memref<16x16xf32, #tpu.memory_space<vmem_shared>>) target_semaphore(%arg17 : memref<!tpu.dma_semaphore, #tpu.memory_space<semaphore_mem>>)
    %dma_start3A_641 = arith.constant 0 : i32
    %dma_start3A_642 = tpu.memref_slice %arg24[%add3A_325, %dma_start3A_641] : memref<10240x16xf32, #tpu.memory_space<vmem_shared>> -> memref<16x16xf32, #tpu.memory_space<vmem_shared>>
    %dma_start3A_643 = arith.constant 0 : i32
    %dma_start3A_644 = tpu.memref_slice %arg24[%add3A_325, %dma_start3A_643] : memref<10240x16xf32, #tpu.memory_space<vmem_shared>> -> memref<16x16xf32, #tpu.memory_space<vmem_shared>>
    tpu.enqueue_dma source(%arg26 : memref<16x16xf32, #tpu.memory_space<vmem>>) target(%dma_start3A_644 : memref<16x16xf32, #tpu.memory_space<vmem_shared>>) target_semaphore(%arg19 : memref<!tpu.dma_semaphore, #tpu.memory_space<semaphore_mem>>)
    %dma_start3A_645 = arith.constant 0 : i32
    %dma_start3A_646 = tpu.memref_slice %arg24[%add3A_329, %dma_start3A_645] : memref<10240x16xf32, #tpu.memory_space<vmem_shared>> -> memref<16x16xf32, #tpu.memory_space<vmem_shared>>
    %dma_start3A_647 = arith.constant 0 : i32
    %dma_start3A_648 = tpu.memref_slice %arg24[%add3A_329, %dma_start3A_647] : memref<10240x16xf32, #tpu.memory_space<vmem_shared>> -> memref<16x16xf32, #tpu.memory_space<vmem_shared>>
    tpu.enqueue_dma source(%arg26 : memref<16x16xf32, #tpu.memory_space<vmem>>) target(%dma_start3A_648 : memref<16x16xf32, #tpu.memory_space<vmem_shared>>) target_semaphore(%arg21 : memref<!tpu.dma_semaphore, #tpu.memory_space<semaphore_mem>>)
    %dma_start3A_649 = arith.constant 0 : i32
    %dma_start3A_650 = tpu.memref_slice %arg24[%add3A_333, %dma_start3A_649] : memref<10240x16xf32, #tpu.memory_space<vmem_shared>> -> memref<16x16xf32, #tpu.memory_space<vmem_shared>>
    %dma_start3A_651 = arith.constant 0 : i32
    %dma_start3A_652 = tpu.memref_slice %arg24[%add3A_333, %dma_start3A_651] : memref<10240x16xf32, #tpu.memory_space<vmem_shared>> -> memref<16x16xf32, #tpu.memory_space<vmem_shared>>
    tpu.enqueue_dma source(%arg26 : memref<16x16xf32, #tpu.memory_space<vmem>>) target(%dma_start3A_652 : memref<16x16xf32, #tpu.memory_space<vmem_shared>>) target_semaphore(%arg15 : memref<!tpu.dma_semaphore, #tpu.memory_space<semaphore_mem>>)
    %dma_start3A_653 = arith.constant 0 : i32
    %dma_start3A_654 = tpu.memref_slice %arg24[%add3A_337, %dma_start3A_653] : memref<10240x16xf32, #tpu.memory_space<vmem_shared>> -> memref<16x16xf32, #tpu.memory_space<vmem_shared>>
    %dma_start3A_655 = arith.constant 0 : i32
    %dma_start3A_656 = tpu.memref_slice %arg24[%add3A_337, %dma_start3A_655] : memref<10240x16xf32, #tpu.memory_space<vmem_shared>> -> memref<16x16xf32, #tpu.memory_space<vmem_shared>>
    tpu.enqueue_dma source(%arg26 : memref<16x16xf32, #tpu.memory_space<vmem>>) target(%dma_start3A_656 : memref<16x16xf32, #tpu.memory_space<vmem_shared>>) target_semaphore(%arg17 : memref<!tpu.dma_semaphore, #tpu.memory_space<semaphore_mem>>)
    %dma_start3A_657 = arith.constant 0 : i32
    %dma_start3A_658 = tpu.memref_slice %arg24[%add3A_341, %dma_start3A_657] : memref<10240x16xf32, #tpu.memory_space<vmem_shared>> -> memref<16x16xf32, #tpu.memory_space<vmem_shared>>
    %dma_start3A_659 = arith.constant 0 : i32
    %dma_start3A_660 = tpu.memref_slice %arg24[%add3A_341, %dma_start3A_659] : memref<10240x16xf32, #tpu.memory_space<vmem_shared>> -> memref<16x16xf32, #tpu.memory_space<vmem_shared>>
    tpu.enqueue_dma source(%arg26 : memref<16x16xf32, #tpu.memory_space<vmem>>) target(%dma_start3A_660 : memref<16x16xf32, #tpu.memory_space<vmem_shared>>) target_semaphore(%arg19 : memref<!tpu.dma_semaphore, #tpu.memory_space<semaphore_mem>>)
    %dma_start3A_661 = arith.constant 0 : i32
    %dma_start3A_662 = tpu.memref_slice %arg24[%add3A_345, %dma_start3A_661] : memref<10240x16xf32, #tpu.memory_space<vmem_shared>> -> memref<16x16xf32, #tpu.memory_space<vmem_shared>>
    %dma_start3A_663 = arith.constant 0 : i32
    %dma_start3A_664 = tpu.memref_slice %arg24[%add3A_345, %dma_start3A_663] : memref<10240x16xf32, #tpu.memory_space<vmem_shared>> -> memref<16x16xf32, #tpu.memory_space<vmem_shared>>
    tpu.enqueue_dma source(%arg26 : memref<16x16xf32, #tpu.memory_space<vmem>>) target(%dma_start3A_664 : memref<16x16xf32, #tpu.memory_space<vmem_shared>>) target_semaphore(%arg21 : memref<!tpu.dma_semaphore, #tpu.memory_space<semaphore_mem>>)
    %dma_wait3A = arith.constant 0 : i32
    %dma_wait3A_665 = tpu.memref_slice %arg6[%add3A_29, %dma_wait3A] : memref<10240x128xf32, #tpu.memory_space<vmem_shared>> -> memref<16x128xf32, #tpu.memory_space<vmem_shared>>
    %dma_wait3A_666 = arith.constant 0 : i32
    %dma_wait3A_667 = tpu.memref_slice %arg6[%add3A_29, %dma_wait3A_666] : memref<10240x128xf32, #tpu.memory_space<vmem_shared>> -> memref<16x128xf32, #tpu.memory_space<vmem_shared>>
    tpu.wait_dma2 semaphore(%arg14 : memref<!tpu.dma_semaphore, #tpu.memory_space<semaphore_mem>>) src(%arg13 : memref<16x128xf32, #tpu.memory_space<vmem>>) dst(%dma_wait3A_667 : memref<16x128xf32, #tpu.memory_space<vmem_shared>>)
    %dma_wait3A_668 = arith.constant 0 : i32
    %dma_wait3A_669 = tpu.memref_slice %arg6[%add3A_33, %dma_wait3A_668] : memref<10240x128xf32, #tpu.memory_space<vmem_shared>> -> memref<16x128xf32, #tpu.memory_space<vmem_shared>>
    %dma_wait3A_670 = arith.constant 0 : i32
    %dma_wait3A_671 = tpu.memref_slice %arg6[%add3A_33, %dma_wait3A_670] : memref<10240x128xf32, #tpu.memory_space<vmem_shared>> -> memref<16x128xf32, #tpu.memory_space<vmem_shared>>
    tpu.wait_dma2 semaphore(%arg16 : memref<!tpu.dma_semaphore, #tpu.memory_space<semaphore_mem>>) src(%arg13 : memref<16x128xf32, #tpu.memory_space<vmem>>) dst(%dma_wait3A_671 : memref<16x128xf32, #tpu.memory_space<vmem_shared>>)
    %dma_wait3A_672 = arith.constant 0 : i32
    %dma_wait3A_673 = tpu.memref_slice %arg6[%add3A_37, %dma_wait3A_672] : memref<10240x128xf32, #tpu.memory_space<vmem_shared>> -> memref<16x128xf32, #tpu.memory_space<vmem_shared>>
    %dma_wait3A_674 = arith.constant 0 : i32
    %dma_wait3A_675 = tpu.memref_slice %arg6[%add3A_37, %dma_wait3A_674] : memref<10240x128xf32, #tpu.memory_space<vmem_shared>> -> memref<16x128xf32, #tpu.memory_space<vmem_shared>>
    tpu.wait_dma2 semaphore(%arg18 : memref<!tpu.dma_semaphore, #tpu.memory_space<semaphore_mem>>) src(%arg13 : memref<16x128xf32, #tpu.memory_space<vmem>>) dst(%dma_wait3A_675 : memref<16x128xf32, #tpu.memory_space<vmem_shared>>)
    %dma_wait3A_676 = arith.constant 0 : i32
    %dma_wait3A_677 = tpu.memref_slice %arg6[%add3A_41, %dma_wait3A_676] : memref<10240x128xf32, #tpu.memory_space<vmem_shared>> -> memref<16x128xf32, #tpu.memory_space<vmem_shared>>
    %dma_wait3A_678 = arith.constant 0 : i32
    %dma_wait3A_679 = tpu.memref_slice %arg6[%add3A_41, %dma_wait3A_678] : memref<10240x128xf32, #tpu.memory_space<vmem_shared>> -> memref<16x128xf32, #tpu.memory_space<vmem_shared>>
    tpu.wait_dma2 semaphore(%arg20 : memref<!tpu.dma_semaphore, #tpu.memory_space<semaphore_mem>>) src(%arg13 : memref<16x128xf32, #tpu.memory_space<vmem>>) dst(%dma_wait3A_679 : memref<16x128xf32, #tpu.memory_space<vmem_shared>>)
    %dma_wait3A_680 = arith.constant 0 : i32
    %dma_wait3A_681 = tpu.memref_slice %arg6[%add3A_45, %dma_wait3A_680] : memref<10240x128xf32, #tpu.memory_space<vmem_shared>> -> memref<16x128xf32, #tpu.memory_space<vmem_shared>>
    %dma_wait3A_682 = arith.constant 0 : i32
    %dma_wait3A_683 = tpu.memref_slice %arg6[%add3A_45, %dma_wait3A_682] : memref<10240x128xf32, #tpu.memory_space<vmem_shared>> -> memref<16x128xf32, #tpu.memory_space<vmem_shared>>
    tpu.wait_dma2 semaphore(%arg14 : memref<!tpu.dma_semaphore, #tpu.memory_space<semaphore_mem>>) src(%arg13 : memref<16x128xf32, #tpu.memory_space<vmem>>) dst(%dma_wait3A_683 : memref<16x128xf32, #tpu.memory_space<vmem_shared>>)
    %dma_wait3A_684 = arith.constant 0 : i32
    %dma_wait3A_685 = tpu.memref_slice %arg6[%add3A_49, %dma_wait3A_684] : memref<10240x128xf32, #tpu.memory_space<vmem_shared>> -> memref<16x128xf32, #tpu.memory_space<vmem_shared>>
    %dma_wait3A_686 = arith.constant 0 : i32
    %dma_wait3A_687 = tpu.memref_slice %arg6[%add3A_49, %dma_wait3A_686] : memref<10240x128xf32, #tpu.memory_space<vmem_shared>> -> memref<16x128xf32, #tpu.memory_space<vmem_shared>>
    tpu.wait_dma2 semaphore(%arg16 : memref<!tpu.dma_semaphore, #tpu.memory_space<semaphore_mem>>) src(%arg13 : memref<16x128xf32, #tpu.memory_space<vmem>>) dst(%dma_wait3A_687 : memref<16x128xf32, #tpu.memory_space<vmem_shared>>)
    %dma_wait3A_688 = arith.constant 0 : i32
    %dma_wait3A_689 = tpu.memref_slice %arg6[%add3A_53, %dma_wait3A_688] : memref<10240x128xf32, #tpu.memory_space<vmem_shared>> -> memref<16x128xf32, #tpu.memory_space<vmem_shared>>
    %dma_wait3A_690 = arith.constant 0 : i32
    %dma_wait3A_691 = tpu.memref_slice %arg6[%add3A_53, %dma_wait3A_690] : memref<10240x128xf32, #tpu.memory_space<vmem_shared>> -> memref<16x128xf32, #tpu.memory_space<vmem_shared>>
    tpu.wait_dma2 semaphore(%arg18 : memref<!tpu.dma_semaphore, #tpu.memory_space<semaphore_mem>>) src(%arg13 : memref<16x128xf32, #tpu.memory_space<vmem>>) dst(%dma_wait3A_691 : memref<16x128xf32, #tpu.memory_space<vmem_shared>>)
    %dma_wait3A_692 = arith.constant 0 : i32
    %dma_wait3A_693 = tpu.memref_slice %arg6[%add3A_57, %dma_wait3A_692] : memref<10240x128xf32, #tpu.memory_space<vmem_shared>> -> memref<16x128xf32, #tpu.memory_space<vmem_shared>>
    %dma_wait3A_694 = arith.constant 0 : i32
    %dma_wait3A_695 = tpu.memref_slice %arg6[%add3A_57, %dma_wait3A_694] : memref<10240x128xf32, #tpu.memory_space<vmem_shared>> -> memref<16x128xf32, #tpu.memory_space<vmem_shared>>
    tpu.wait_dma2 semaphore(%arg20 : memref<!tpu.dma_semaphore, #tpu.memory_space<semaphore_mem>>) src(%arg13 : memref<16x128xf32, #tpu.memory_space<vmem>>) dst(%dma_wait3A_695 : memref<16x128xf32, #tpu.memory_space<vmem_shared>>)
    %dma_wait3A_696 = arith.constant 0 : i32
    %dma_wait3A_697 = tpu.memref_slice %arg6[%add3A_61, %dma_wait3A_696] : memref<10240x128xf32, #tpu.memory_space<vmem_shared>> -> memref<16x128xf32, #tpu.memory_space<vmem_shared>>
    %dma_wait3A_698 = arith.constant 0 : i32
    %dma_wait3A_699 = tpu.memref_slice %arg6[%add3A_61, %dma_wait3A_698] : memref<10240x128xf32, #tpu.memory_space<vmem_shared>> -> memref<16x128xf32, #tpu.memory_space<vmem_shared>>
    tpu.wait_dma2 semaphore(%arg14 : memref<!tpu.dma_semaphore, #tpu.memory_space<semaphore_mem>>) src(%arg13 : memref<16x128xf32, #tpu.memory_space<vmem>>) dst(%dma_wait3A_699 : memref<16x128xf32, #tpu.memory_space<vmem_shared>>)
    %dma_wait3A_700 = arith.constant 0 : i32
    %dma_wait3A_701 = tpu.memref_slice %arg6[%add3A_65, %dma_wait3A_700] : memref<10240x128xf32, #tpu.memory_space<vmem_shared>> -> memref<16x128xf32, #tpu.memory_space<vmem_shared>>
    %dma_wait3A_702 = arith.constant 0 : i32
    %dma_wait3A_703 = tpu.memref_slice %arg6[%add3A_65, %dma_wait3A_702] : memref<10240x128xf32, #tpu.memory_space<vmem_shared>> -> memref<16x128xf32, #tpu.memory_space<vmem_shared>>
    tpu.wait_dma2 semaphore(%arg16 : memref<!tpu.dma_semaphore, #tpu.memory_space<semaphore_mem>>) src(%arg13 : memref<16x128xf32, #tpu.memory_space<vmem>>) dst(%dma_wait3A_703 : memref<16x128xf32, #tpu.memory_space<vmem_shared>>)
    %dma_wait3A_704 = arith.constant 0 : i32
    %dma_wait3A_705 = tpu.memref_slice %arg6[%add3A_69, %dma_wait3A_704] : memref<10240x128xf32, #tpu.memory_space<vmem_shared>> -> memref<16x128xf32, #tpu.memory_space<vmem_shared>>
    %dma_wait3A_706 = arith.constant 0 : i32
    %dma_wait3A_707 = tpu.memref_slice %arg6[%add3A_69, %dma_wait3A_706] : memref<10240x128xf32, #tpu.memory_space<vmem_shared>> -> memref<16x128xf32, #tpu.memory_space<vmem_shared>>
    tpu.wait_dma2 semaphore(%arg18 : memref<!tpu.dma_semaphore, #tpu.memory_space<semaphore_mem>>) src(%arg13 : memref<16x128xf32, #tpu.memory_space<vmem>>) dst(%dma_wait3A_707 : memref<16x128xf32, #tpu.memory_space<vmem_shared>>)
    %dma_wait3A_708 = arith.constant 0 : i32
    %dma_wait3A_709 = tpu.memref_slice %arg6[%add3A_73, %dma_wait3A_708] : memref<10240x128xf32, #tpu.memory_space<vmem_shared>> -> memref<16x128xf32, #tpu.memory_space<vmem_shared>>
    %dma_wait3A_710 = arith.constant 0 : i32
    %dma_wait3A_711 = tpu.memref_slice %arg6[%add3A_73, %dma_wait3A_710] : memref<10240x128xf32, #tpu.memory_space<vmem_shared>> -> memref<16x128xf32, #tpu.memory_space<vmem_shared>>
    tpu.wait_dma2 semaphore(%arg20 : memref<!tpu.dma_semaphore, #tpu.memory_space<semaphore_mem>>) src(%arg13 : memref<16x128xf32, #tpu.memory_space<vmem>>) dst(%dma_wait3A_711 : memref<16x128xf32, #tpu.memory_space<vmem_shared>>)
    %dma_wait3A_712 = arith.constant 0 : i32
    %dma_wait3A_713 = tpu.memref_slice %arg6[%add3A_77, %dma_wait3A_712] : memref<10240x128xf32, #tpu.memory_space<vmem_shared>> -> memref<16x128xf32, #tpu.memory_space<vmem_shared>>
    %dma_wait3A_714 = arith.constant 0 : i32
    %dma_wait3A_715 = tpu.memref_slice %arg6[%add3A_77, %dma_wait3A_714] : memref<10240x128xf32, #tpu.memory_space<vmem_shared>> -> memref<16x128xf32, #tpu.memory_space<vmem_shared>>
    tpu.wait_dma2 semaphore(%arg14 : memref<!tpu.dma_semaphore, #tpu.memory_space<semaphore_mem>>) src(%arg13 : memref<16x128xf32, #tpu.memory_space<vmem>>) dst(%dma_wait3A_715 : memref<16x128xf32, #tpu.memory_space<vmem_shared>>)
    %dma_wait3A_716 = arith.constant 0 : i32
    %dma_wait3A_717 = tpu.memref_slice %arg6[%add3A_81, %dma_wait3A_716] : memref<10240x128xf32, #tpu.memory_space<vmem_shared>> -> memref<16x128xf32, #tpu.memory_space<vmem_shared>>
    %dma_wait3A_718 = arith.constant 0 : i32
    %dma_wait3A_719 = tpu.memref_slice %arg6[%add3A_81, %dma_wait3A_718] : memref<10240x128xf32, #tpu.memory_space<vmem_shared>> -> memref<16x128xf32, #tpu.memory_space<vmem_shared>>
    tpu.wait_dma2 semaphore(%arg16 : memref<!tpu.dma_semaphore, #tpu.memory_space<semaphore_mem>>) src(%arg13 : memref<16x128xf32, #tpu.memory_space<vmem>>) dst(%dma_wait3A_719 : memref<16x128xf32, #tpu.memory_space<vmem_shared>>)
    %dma_wait3A_720 = arith.constant 0 : i32
    %dma_wait3A_721 = tpu.memref_slice %arg6[%add3A_85, %dma_wait3A_720] : memref<10240x128xf32, #tpu.memory_space<vmem_shared>> -> memref<16x128xf32, #tpu.memory_space<vmem_shared>>
    %dma_wait3A_722 = arith.constant 0 : i32
    %dma_wait3A_723 = tpu.memref_slice %arg6[%add3A_85, %dma_wait3A_722] : memref<10240x128xf32, #tpu.memory_space<vmem_shared>> -> memref<16x128xf32, #tpu.memory_space<vmem_shared>>
    tpu.wait_dma2 semaphore(%arg18 : memref<!tpu.dma_semaphore, #tpu.memory_space<semaphore_mem>>) src(%arg13 : memref<16x128xf32, #tpu.memory_space<vmem>>) dst(%dma_wait3A_723 : memref<16x128xf32, #tpu.memory_space<vmem_shared>>)
    %dma_wait3A_724 = arith.constant 0 : i32
    %dma_wait3A_725 = tpu.memref_slice %arg6[%add3A_89, %dma_wait3A_724] : memref<10240x128xf32, #tpu.memory_space<vmem_shared>> -> memref<16x128xf32, #tpu.memory_space<vmem_shared>>
    %dma_wait3A_726 = arith.constant 0 : i32
    %dma_wait3A_727 = tpu.memref_slice %arg6[%add3A_89, %dma_wait3A_726] : memref<10240x128xf32, #tpu.memory_space<vmem_shared>> -> memref<16x128xf32, #tpu.memory_space<vmem_shared>>
    tpu.wait_dma2 semaphore(%arg20 : memref<!tpu.dma_semaphore, #tpu.memory_space<semaphore_mem>>) src(%arg13 : memref<16x128xf32, #tpu.memory_space<vmem>>) dst(%dma_wait3A_727 : memref<16x128xf32, #tpu.memory_space<vmem_shared>>)
    %dma_wait3A_728 = arith.constant 0 : i32
    %dma_wait3A_729 = tpu.memref_slice %arg6[%add3A_93, %dma_wait3A_728] : memref<10240x128xf32, #tpu.memory_space<vmem_shared>> -> memref<16x128xf32, #tpu.memory_space<vmem_shared>>
    %dma_wait3A_730 = arith.constant 0 : i32
    %dma_wait3A_731 = tpu.memref_slice %arg6[%add3A_93, %dma_wait3A_730] : memref<10240x128xf32, #tpu.memory_space<vmem_shared>> -> memref<16x128xf32, #tpu.memory_space<vmem_shared>>
    tpu.wait_dma2 semaphore(%arg14 : memref<!tpu.dma_semaphore, #tpu.memory_space<semaphore_mem>>) src(%arg13 : memref<16x128xf32, #tpu.memory_space<vmem>>) dst(%dma_wait3A_731 : memref<16x128xf32, #tpu.memory_space<vmem_shared>>)
    %dma_wait3A_732 = arith.constant 0 : i32
    %dma_wait3A_733 = tpu.memref_slice %arg6[%add3A_97, %dma_wait3A_732] : memref<10240x128xf32, #tpu.memory_space<vmem_shared>> -> memref<16x128xf32, #tpu.memory_space<vmem_shared>>
    %dma_wait3A_734 = arith.constant 0 : i32
    %dma_wait3A_735 = tpu.memref_slice %arg6[%add3A_97, %dma_wait3A_734] : memref<10240x128xf32, #tpu.memory_space<vmem_shared>> -> memref<16x128xf32, #tpu.memory_space<vmem_shared>>
    tpu.wait_dma2 semaphore(%arg16 : memref<!tpu.dma_semaphore, #tpu.memory_space<semaphore_mem>>) src(%arg13 : memref<16x128xf32, #tpu.memory_space<vmem>>) dst(%dma_wait3A_735 : memref<16x128xf32, #tpu.memory_space<vmem_shared>>)
    %dma_wait3A_736 = arith.constant 0 : i32
    %dma_wait3A_737 = tpu.memref_slice %arg6[%add3A_101, %dma_wait3A_736] : memref<10240x128xf32, #tpu.memory_space<vmem_shared>> -> memref<16x128xf32, #tpu.memory_space<vmem_shared>>
    %dma_wait3A_738 = arith.constant 0 : i32
    %dma_wait3A_739 = tpu.memref_slice %arg6[%add3A_101, %dma_wait3A_738] : memref<10240x128xf32, #tpu.memory_space<vmem_shared>> -> memref<16x128xf32, #tpu.memory_space<vmem_shared>>
    tpu.wait_dma2 semaphore(%arg18 : memref<!tpu.dma_semaphore, #tpu.memory_space<semaphore_mem>>) src(%arg13 : memref<16x128xf32, #tpu.memory_space<vmem>>) dst(%dma_wait3A_739 : memref<16x128xf32, #tpu.memory_space<vmem_shared>>)
    %dma_wait3A_740 = arith.constant 0 : i32
    %dma_wait3A_741 = tpu.memref_slice %arg6[%add3A_105, %dma_wait3A_740] : memref<10240x128xf32, #tpu.memory_space<vmem_shared>> -> memref<16x128xf32, #tpu.memory_space<vmem_shared>>
    %dma_wait3A_742 = arith.constant 0 : i32
    %dma_wait3A_743 = tpu.memref_slice %arg6[%add3A_105, %dma_wait3A_742] : memref<10240x128xf32, #tpu.memory_space<vmem_shared>> -> memref<16x128xf32, #tpu.memory_space<vmem_shared>>
    tpu.wait_dma2 semaphore(%arg20 : memref<!tpu.dma_semaphore, #tpu.memory_space<semaphore_mem>>) src(%arg13 : memref<16x128xf32, #tpu.memory_space<vmem>>) dst(%dma_wait3A_743 : memref<16x128xf32, #tpu.memory_space<vmem_shared>>)
    %dma_wait3A_744 = arith.constant 0 : i32
    %dma_wait3A_745 = tpu.memref_slice %arg6[%add3A_109, %dma_wait3A_744] : memref<10240x128xf32, #tpu.memory_space<vmem_shared>> -> memref<16x128xf32, #tpu.memory_space<vmem_shared>>
    %dma_wait3A_746 = arith.constant 0 : i32
    %dma_wait3A_747 = tpu.memref_slice %arg6[%add3A_109, %dma_wait3A_746] : memref<10240x128xf32, #tpu.memory_space<vmem_shared>> -> memref<16x128xf32, #tpu.memory_space<vmem_shared>>
    tpu.wait_dma2 semaphore(%arg14 : memref<!tpu.dma_semaphore, #tpu.memory_space<semaphore_mem>>) src(%arg13 : memref<16x128xf32, #tpu.memory_space<vmem>>) dst(%dma_wait3A_747 : memref<16x128xf32, #tpu.memory_space<vmem_shared>>)
    %dma_wait3A_748 = arith.constant 0 : i32
    %dma_wait3A_749 = tpu.memref_slice %arg6[%add3A_113, %dma_wait3A_748] : memref<10240x128xf32, #tpu.memory_space<vmem_shared>> -> memref<16x128xf32, #tpu.memory_space<vmem_shared>>
    %dma_wait3A_750 = arith.constant 0 : i32
    %dma_wait3A_751 = tpu.memref_slice %arg6[%add3A_113, %dma_wait3A_750] : memref<10240x128xf32, #tpu.memory_space<vmem_shared>> -> memref<16x128xf32, #tpu.memory_space<vmem_shared>>
    tpu.wait_dma2 semaphore(%arg16 : memref<!tpu.dma_semaphore, #tpu.memory_space<semaphore_mem>>) src(%arg13 : memref<16x128xf32, #tpu.memory_space<vmem>>) dst(%dma_wait3A_751 : memref<16x128xf32, #tpu.memory_space<vmem_shared>>)
    %dma_wait3A_752 = arith.constant 0 : i32
    %dma_wait3A_753 = tpu.memref_slice %arg6[%add3A_117, %dma_wait3A_752] : memref<10240x128xf32, #tpu.memory_space<vmem_shared>> -> memref<16x128xf32, #tpu.memory_space<vmem_shared>>
    %dma_wait3A_754 = arith.constant 0 : i32
    %dma_wait3A_755 = tpu.memref_slice %arg6[%add3A_117, %dma_wait3A_754] : memref<10240x128xf32, #tpu.memory_space<vmem_shared>> -> memref<16x128xf32, #tpu.memory_space<vmem_shared>>
    tpu.wait_dma2 semaphore(%arg18 : memref<!tpu.dma_semaphore, #tpu.memory_space<semaphore_mem>>) src(%arg13 : memref<16x128xf32, #tpu.memory_space<vmem>>) dst(%dma_wait3A_755 : memref<16x128xf32, #tpu.memory_space<vmem_shared>>)
    %dma_wait3A_756 = arith.constant 0 : i32
    %dma_wait3A_757 = tpu.memref_slice %arg6[%add3A_121, %dma_wait3A_756] : memref<10240x128xf32, #tpu.memory_space<vmem_shared>> -> memref<16x128xf32, #tpu.memory_space<vmem_shared>>
    %dma_wait3A_758 = arith.constant 0 : i32
    %dma_wait3A_759 = tpu.memref_slice %arg6[%add3A_121, %dma_wait3A_758] : memref<10240x128xf32, #tpu.memory_space<vmem_shared>> -> memref<16x128xf32, #tpu.memory_space<vmem_shared>>
    tpu.wait_dma2 semaphore(%arg20 : memref<!tpu.dma_semaphore, #tpu.memory_space<semaphore_mem>>) src(%arg13 : memref<16x128xf32, #tpu.memory_space<vmem>>) dst(%dma_wait3A_759 : memref<16x128xf32, #tpu.memory_space<vmem_shared>>)
    %dma_wait3A_760 = arith.constant 0 : i32
    %dma_wait3A_761 = tpu.memref_slice %arg6[%add3A_125, %dma_wait3A_760] : memref<10240x128xf32, #tpu.memory_space<vmem_shared>> -> memref<16x128xf32, #tpu.memory_space<vmem_shared>>
    %dma_wait3A_762 = arith.constant 0 : i32
    %dma_wait3A_763 = tpu.memref_slice %arg6[%add3A_125, %dma_wait3A_762] : memref<10240x128xf32, #tpu.memory_space<vmem_shared>> -> memref<16x128xf32, #tpu.memory_space<vmem_shared>>
    tpu.wait_dma2 semaphore(%arg14 : memref<!tpu.dma_semaphore, #tpu.memory_space<semaphore_mem>>) src(%arg13 : memref<16x128xf32, #tpu.memory_space<vmem>>) dst(%dma_wait3A_763 : memref<16x128xf32, #tpu.memory_space<vmem_shared>>)
    %dma_wait3A_764 = arith.constant 0 : i32
    %dma_wait3A_765 = tpu.memref_slice %arg6[%add3A_129, %dma_wait3A_764] : memref<10240x128xf32, #tpu.memory_space<vmem_shared>> -> memref<16x128xf32, #tpu.memory_space<vmem_shared>>
    %dma_wait3A_766 = arith.constant 0 : i32
    %dma_wait3A_767 = tpu.memref_slice %arg6[%add3A_129, %dma_wait3A_766] : memref<10240x128xf32, #tpu.memory_space<vmem_shared>> -> memref<16x128xf32, #tpu.memory_space<vmem_shared>>
    tpu.wait_dma2 semaphore(%arg16 : memref<!tpu.dma_semaphore, #tpu.memory_space<semaphore_mem>>) src(%arg13 : memref<16x128xf32, #tpu.memory_space<vmem>>) dst(%dma_wait3A_767 : memref<16x128xf32, #tpu.memory_space<vmem_shared>>)
    %dma_wait3A_768 = arith.constant 0 : i32
    %dma_wait3A_769 = tpu.memref_slice %arg6[%add3A_133, %dma_wait3A_768] : memref<10240x128xf32, #tpu.memory_space<vmem_shared>> -> memref<16x128xf32, #tpu.memory_space<vmem_shared>>
    %dma_wait3A_770 = arith.constant 0 : i32
    %dma_wait3A_771 = tpu.memref_slice %arg6[%add3A_133, %dma_wait3A_770] : memref<10240x128xf32, #tpu.memory_space<vmem_shared>> -> memref<16x128xf32, #tpu.memory_space<vmem_shared>>
    tpu.wait_dma2 semaphore(%arg18 : memref<!tpu.dma_semaphore, #tpu.memory_space<semaphore_mem>>) src(%arg13 : memref<16x128xf32, #tpu.memory_space<vmem>>) dst(%dma_wait3A_771 : memref<16x128xf32, #tpu.memory_space<vmem_shared>>)
    %dma_wait3A_772 = arith.constant 0 : i32
    %dma_wait3A_773 = tpu.memref_slice %arg6[%add3A_137, %dma_wait3A_772] : memref<10240x128xf32, #tpu.memory_space<vmem_shared>> -> memref<16x128xf32, #tpu.memory_space<vmem_shared>>
    %dma_wait3A_774 = arith.constant 0 : i32
    %dma_wait3A_775 = tpu.memref_slice %arg6[%add3A_137, %dma_wait3A_774] : memref<10240x128xf32, #tpu.memory_space<vmem_shared>> -> memref<16x128xf32, #tpu.memory_space<vmem_shared>>
    tpu.wait_dma2 semaphore(%arg20 : memref<!tpu.dma_semaphore, #tpu.memory_space<semaphore_mem>>) src(%arg13 : memref<16x128xf32, #tpu.memory_space<vmem>>) dst(%dma_wait3A_775 : memref<16x128xf32, #tpu.memory_space<vmem_shared>>)
    %dma_wait3A_776 = arith.constant 0 : i32
    %dma_wait3A_777 = tpu.memref_slice %arg6[%add3A_141, %dma_wait3A_776] : memref<10240x128xf32, #tpu.memory_space<vmem_shared>> -> memref<16x128xf32, #tpu.memory_space<vmem_shared>>
    %dma_wait3A_778 = arith.constant 0 : i32
    %dma_wait3A_779 = tpu.memref_slice %arg6[%add3A_141, %dma_wait3A_778] : memref<10240x128xf32, #tpu.memory_space<vmem_shared>> -> memref<16x128xf32, #tpu.memory_space<vmem_shared>>
    tpu.wait_dma2 semaphore(%arg14 : memref<!tpu.dma_semaphore, #tpu.memory_space<semaphore_mem>>) src(%arg13 : memref<16x128xf32, #tpu.memory_space<vmem>>) dst(%dma_wait3A_779 : memref<16x128xf32, #tpu.memory_space<vmem_shared>>)
    %dma_wait3A_780 = arith.constant 0 : i32
    %dma_wait3A_781 = tpu.memref_slice %arg6[%add3A_145, %dma_wait3A_780] : memref<10240x128xf32, #tpu.memory_space<vmem_shared>> -> memref<16x128xf32, #tpu.memory_space<vmem_shared>>
    %dma_wait3A_782 = arith.constant 0 : i32
    %dma_wait3A_783 = tpu.memref_slice %arg6[%add3A_145, %dma_wait3A_782] : memref<10240x128xf32, #tpu.memory_space<vmem_shared>> -> memref<16x128xf32, #tpu.memory_space<vmem_shared>>
    tpu.wait_dma2 semaphore(%arg16 : memref<!tpu.dma_semaphore, #tpu.memory_space<semaphore_mem>>) src(%arg13 : memref<16x128xf32, #tpu.memory_space<vmem>>) dst(%dma_wait3A_783 : memref<16x128xf32, #tpu.memory_space<vmem_shared>>)
    %dma_wait3A_784 = arith.constant 0 : i32
    %dma_wait3A_785 = tpu.memref_slice %arg6[%add3A_149, %dma_wait3A_784] : memref<10240x128xf32, #tpu.memory_space<vmem_shared>> -> memref<16x128xf32, #tpu.memory_space<vmem_shared>>
    %dma_wait3A_786 = arith.constant 0 : i32
    %dma_wait3A_787 = tpu.memref_slice %arg6[%add3A_149, %dma_wait3A_786] : memref<10240x128xf32, #tpu.memory_space<vmem_shared>> -> memref<16x128xf32, #tpu.memory_space<vmem_shared>>
    tpu.wait_dma2 semaphore(%arg18 : memref<!tpu.dma_semaphore, #tpu.memory_space<semaphore_mem>>) src(%arg13 : memref<16x128xf32, #tpu.memory_space<vmem>>) dst(%dma_wait3A_787 : memref<16x128xf32, #tpu.memory_space<vmem_shared>>)
    %dma_wait3A_788 = arith.constant 0 : i32
    %dma_wait3A_789 = tpu.memref_slice %arg6[%add3A_153, %dma_wait3A_788] : memref<10240x128xf32, #tpu.memory_space<vmem_shared>> -> memref<16x128xf32, #tpu.memory_space<vmem_shared>>
    %dma_wait3A_790 = arith.constant 0 : i32
    %dma_wait3A_791 = tpu.memref_slice %arg6[%add3A_153, %dma_wait3A_790] : memref<10240x128xf32, #tpu.memory_space<vmem_shared>> -> memref<16x128xf32, #tpu.memory_space<vmem_shared>>
    tpu.wait_dma2 semaphore(%arg20 : memref<!tpu.dma_semaphore, #tpu.memory_space<semaphore_mem>>) src(%arg13 : memref<16x128xf32, #tpu.memory_space<vmem>>) dst(%dma_wait3A_791 : memref<16x128xf32, #tpu.memory_space<vmem_shared>>)
    %dma_wait3A_792 = arith.constant 0 : i32
    %dma_wait3A_793 = tpu.memref_slice %arg6[%add3A_157, %dma_wait3A_792] : memref<10240x128xf32, #tpu.memory_space<vmem_shared>> -> memref<16x128xf32, #tpu.memory_space<vmem_shared>>
    %dma_wait3A_794 = arith.constant 0 : i32
    %dma_wait3A_795 = tpu.memref_slice %arg6[%add3A_157, %dma_wait3A_794] : memref<10240x128xf32, #tpu.memory_space<vmem_shared>> -> memref<16x128xf32, #tpu.memory_space<vmem_shared>>
    tpu.wait_dma2 semaphore(%arg14 : memref<!tpu.dma_semaphore, #tpu.memory_space<semaphore_mem>>) src(%arg13 : memref<16x128xf32, #tpu.memory_space<vmem>>) dst(%dma_wait3A_795 : memref<16x128xf32, #tpu.memory_space<vmem_shared>>)
    %dma_wait3A_796 = arith.constant 0 : i32
    %dma_wait3A_797 = tpu.memref_slice %arg6[%add3A_161, %dma_wait3A_796] : memref<10240x128xf32, #tpu.memory_space<vmem_shared>> -> memref<16x128xf32, #tpu.memory_space<vmem_shared>>
    %dma_wait3A_798 = arith.constant 0 : i32
    %dma_wait3A_799 = tpu.memref_slice %arg6[%add3A_161, %dma_wait3A_798] : memref<10240x128xf32, #tpu.memory_space<vmem_shared>> -> memref<16x128xf32, #tpu.memory_space<vmem_shared>>
    tpu.wait_dma2 semaphore(%arg16 : memref<!tpu.dma_semaphore, #tpu.memory_space<semaphore_mem>>) src(%arg13 : memref<16x128xf32, #tpu.memory_space<vmem>>) dst(%dma_wait3A_799 : memref<16x128xf32, #tpu.memory_space<vmem_shared>>)
    %dma_wait3A_800 = arith.constant 0 : i32
    %dma_wait3A_801 = tpu.memref_slice %arg6[%add3A_165, %dma_wait3A_800] : memref<10240x128xf32, #tpu.memory_space<vmem_shared>> -> memref<16x128xf32, #tpu.memory_space<vmem_shared>>
    %dma_wait3A_802 = arith.constant 0 : i32
    %dma_wait3A_803 = tpu.memref_slice %arg6[%add3A_165, %dma_wait3A_802] : memref<10240x128xf32, #tpu.memory_space<vmem_shared>> -> memref<16x128xf32, #tpu.memory_space<vmem_shared>>
    tpu.wait_dma2 semaphore(%arg18 : memref<!tpu.dma_semaphore, #tpu.memory_space<semaphore_mem>>) src(%arg13 : memref<16x128xf32, #tpu.memory_space<vmem>>) dst(%dma_wait3A_803 : memref<16x128xf32, #tpu.memory_space<vmem_shared>>)
    %dma_wait3A_804 = arith.constant 0 : i32
    %dma_wait3A_805 = tpu.memref_slice %arg6[%add3A_169, %dma_wait3A_804] : memref<10240x128xf32, #tpu.memory_space<vmem_shared>> -> memref<16x128xf32, #tpu.memory_space<vmem_shared>>
    %dma_wait3A_806 = arith.constant 0 : i32
    %dma_wait3A_807 = tpu.memref_slice %arg6[%add3A_169, %dma_wait3A_806] : memref<10240x128xf32, #tpu.memory_space<vmem_shared>> -> memref<16x128xf32, #tpu.memory_space<vmem_shared>>
    tpu.wait_dma2 semaphore(%arg20 : memref<!tpu.dma_semaphore, #tpu.memory_space<semaphore_mem>>) src(%arg13 : memref<16x128xf32, #tpu.memory_space<vmem>>) dst(%dma_wait3A_807 : memref<16x128xf32, #tpu.memory_space<vmem_shared>>)
    %dma_wait3A_808 = arith.constant 0 : i32
    %dma_wait3A_809 = tpu.memref_slice %arg6[%add3A_173, %dma_wait3A_808] : memref<10240x128xf32, #tpu.memory_space<vmem_shared>> -> memref<16x128xf32, #tpu.memory_space<vmem_shared>>
    %dma_wait3A_810 = arith.constant 0 : i32
    %dma_wait3A_811 = tpu.memref_slice %arg6[%add3A_173, %dma_wait3A_810] : memref<10240x128xf32, #tpu.memory_space<vmem_shared>> -> memref<16x128xf32, #tpu.memory_space<vmem_shared>>
    tpu.wait_dma2 semaphore(%arg14 : memref<!tpu.dma_semaphore, #tpu.memory_space<semaphore_mem>>) src(%arg13 : memref<16x128xf32, #tpu.memory_space<vmem>>) dst(%dma_wait3A_811 : memref<16x128xf32, #tpu.memory_space<vmem_shared>>)
    %dma_wait3A_812 = arith.constant 0 : i32
    %dma_wait3A_813 = tpu.memref_slice %arg6[%add3A_177, %dma_wait3A_812] : memref<10240x128xf32, #tpu.memory_space<vmem_shared>> -> memref<16x128xf32, #tpu.memory_space<vmem_shared>>
    %dma_wait3A_814 = arith.constant 0 : i32
    %dma_wait3A_815 = tpu.memref_slice %arg6[%add3A_177, %dma_wait3A_814] : memref<10240x128xf32, #tpu.memory_space<vmem_shared>> -> memref<16x128xf32, #tpu.memory_space<vmem_shared>>
    tpu.wait_dma2 semaphore(%arg16 : memref<!tpu.dma_semaphore, #tpu.memory_space<semaphore_mem>>) src(%arg13 : memref<16x128xf32, #tpu.memory_space<vmem>>) dst(%dma_wait3A_815 : memref<16x128xf32, #tpu.memory_space<vmem_shared>>)
    %dma_wait3A_816 = arith.constant 0 : i32
    %dma_wait3A_817 = tpu.memref_slice %arg6[%add3A_181, %dma_wait3A_816] : memref<10240x128xf32, #tpu.memory_space<vmem_shared>> -> memref<16x128xf32, #tpu.memory_space<vmem_shared>>
    %dma_wait3A_818 = arith.constant 0 : i32
    %dma_wait3A_819 = tpu.memref_slice %arg6[%add3A_181, %dma_wait3A_818] : memref<10240x128xf32, #tpu.memory_space<vmem_shared>> -> memref<16x128xf32, #tpu.memory_space<vmem_shared>>
    tpu.wait_dma2 semaphore(%arg18 : memref<!tpu.dma_semaphore, #tpu.memory_space<semaphore_mem>>) src(%arg13 : memref<16x128xf32, #tpu.memory_space<vmem>>) dst(%dma_wait3A_819 : memref<16x128xf32, #tpu.memory_space<vmem_shared>>)
    %dma_wait3A_820 = arith.constant 0 : i32
    %dma_wait3A_821 = tpu.memref_slice %arg6[%add3A_185, %dma_wait3A_820] : memref<10240x128xf32, #tpu.memory_space<vmem_shared>> -> memref<16x128xf32, #tpu.memory_space<vmem_shared>>
    %dma_wait3A_822 = arith.constant 0 : i32
    %dma_wait3A_823 = tpu.memref_slice %arg6[%add3A_185, %dma_wait3A_822] : memref<10240x128xf32, #tpu.memory_space<vmem_shared>> -> memref<16x128xf32, #tpu.memory_space<vmem_shared>>
    tpu.wait_dma2 semaphore(%arg20 : memref<!tpu.dma_semaphore, #tpu.memory_space<semaphore_mem>>) src(%arg13 : memref<16x128xf32, #tpu.memory_space<vmem>>) dst(%dma_wait3A_823 : memref<16x128xf32, #tpu.memory_space<vmem_shared>>)
    %dma_wait3A_824 = arith.constant 0 : i32
    %dma_wait3A_825 = tpu.memref_slice %arg24[%add3A_189, %dma_wait3A_824] : memref<10240x16xf32, #tpu.memory_space<vmem_shared>> -> memref<16x16xf32, #tpu.memory_space<vmem_shared>>
    %dma_wait3A_826 = arith.constant 0 : i32
    %dma_wait3A_827 = tpu.memref_slice %arg24[%add3A_189, %dma_wait3A_826] : memref<10240x16xf32, #tpu.memory_space<vmem_shared>> -> memref<16x16xf32, #tpu.memory_space<vmem_shared>>
    tpu.wait_dma2 semaphore(%arg15 : memref<!tpu.dma_semaphore, #tpu.memory_space<semaphore_mem>>) src(%arg26 : memref<16x16xf32, #tpu.memory_space<vmem>>) dst(%dma_wait3A_827 : memref<16x16xf32, #tpu.memory_space<vmem_shared>>)
    %dma_wait3A_828 = arith.constant 0 : i32
    %dma_wait3A_829 = tpu.memref_slice %arg24[%add3A_193, %dma_wait3A_828] : memref<10240x16xf32, #tpu.memory_space<vmem_shared>> -> memref<16x16xf32, #tpu.memory_space<vmem_shared>>
    %dma_wait3A_830 = arith.constant 0 : i32
    %dma_wait3A_831 = tpu.memref_slice %arg24[%add3A_193, %dma_wait3A_830] : memref<10240x16xf32, #tpu.memory_space<vmem_shared>> -> memref<16x16xf32, #tpu.memory_space<vmem_shared>>
    tpu.wait_dma2 semaphore(%arg17 : memref<!tpu.dma_semaphore, #tpu.memory_space<semaphore_mem>>) src(%arg26 : memref<16x16xf32, #tpu.memory_space<vmem>>) dst(%dma_wait3A_831 : memref<16x16xf32, #tpu.memory_space<vmem_shared>>)
    %dma_wait3A_832 = arith.constant 0 : i32
    %dma_wait3A_833 = tpu.memref_slice %arg24[%add3A_197, %dma_wait3A_832] : memref<10240x16xf32, #tpu.memory_space<vmem_shared>> -> memref<16x16xf32, #tpu.memory_space<vmem_shared>>
    %dma_wait3A_834 = arith.constant 0 : i32
    %dma_wait3A_835 = tpu.memref_slice %arg24[%add3A_197, %dma_wait3A_834] : memref<10240x16xf32, #tpu.memory_space<vmem_shared>> -> memref<16x16xf32, #tpu.memory_space<vmem_shared>>
    tpu.wait_dma2 semaphore(%arg19 : memref<!tpu.dma_semaphore, #tpu.memory_space<semaphore_mem>>) src(%arg26 : memref<16x16xf32, #tpu.memory_space<vmem>>) dst(%dma_wait3A_835 : memref<16x16xf32, #tpu.memory_space<vmem_shared>>)
    %dma_wait3A_836 = arith.constant 0 : i32
    %dma_wait3A_837 = tpu.memref_slice %arg24[%add3A_201, %dma_wait3A_836] : memref<10240x16xf32, #tpu.memory_space<vmem_shared>> -> memref<16x16xf32, #tpu.memory_space<vmem_shared>>
    %dma_wait3A_838 = arith.constant 0 : i32
    %dma_wait3A_839 = tpu.memref_slice %arg24[%add3A_201, %dma_wait3A_838] : memref<10240x16xf32, #tpu.memory_space<vmem_shared>> -> memref<16x16xf32, #tpu.memory_space<vmem_shared>>
    tpu.wait_dma2 semaphore(%arg21 : memref<!tpu.dma_semaphore, #tpu.memory_space<semaphore_mem>>) src(%arg26 : memref<16x16xf32, #tpu.memory_space<vmem>>) dst(%dma_wait3A_839 : memref<16x16xf32, #tpu.memory_space<vmem_shared>>)
    %dma_wait3A_840 = arith.constant 0 : i32
    %dma_wait3A_841 = tpu.memref_slice %arg24[%add3A_205, %dma_wait3A_840] : memref<10240x16xf32, #tpu.memory_space<vmem_shared>> -> memref<16x16xf32, #tpu.memory_space<vmem_shared>>
    %dma_wait3A_842 = arith.constant 0 : i32
    %dma_wait3A_843 = tpu.memref_slice %arg24[%add3A_205, %dma_wait3A_842] : memref<10240x16xf32, #tpu.memory_space<vmem_shared>> -> memref<16x16xf32, #tpu.memory_space<vmem_shared>>
    tpu.wait_dma2 semaphore(%arg15 : memref<!tpu.dma_semaphore, #tpu.memory_space<semaphore_mem>>) src(%arg26 : memref<16x16xf32, #tpu.memory_space<vmem>>) dst(%dma_wait3A_843 : memref<16x16xf32, #tpu.memory_space<vmem_shared>>)
    %dma_wait3A_844 = arith.constant 0 : i32
    %dma_wait3A_845 = tpu.memref_slice %arg24[%add3A_209, %dma_wait3A_844] : memref<10240x16xf32, #tpu.memory_space<vmem_shared>> -> memref<16x16xf32, #tpu.memory_space<vmem_shared>>
    %dma_wait3A_846 = arith.constant 0 : i32
    %dma_wait3A_847 = tpu.memref_slice %arg24[%add3A_209, %dma_wait3A_846] : memref<10240x16xf32, #tpu.memory_space<vmem_shared>> -> memref<16x16xf32, #tpu.memory_space<vmem_shared>>
    tpu.wait_dma2 semaphore(%arg17 : memref<!tpu.dma_semaphore, #tpu.memory_space<semaphore_mem>>) src(%arg26 : memref<16x16xf32, #tpu.memory_space<vmem>>) dst(%dma_wait3A_847 : memref<16x16xf32, #tpu.memory_space<vmem_shared>>)
    %dma_wait3A_848 = arith.constant 0 : i32
    %dma_wait3A_849 = tpu.memref_slice %arg24[%add3A_213, %dma_wait3A_848] : memref<10240x16xf32, #tpu.memory_space<vmem_shared>> -> memref<16x16xf32, #tpu.memory_space<vmem_shared>>
    %dma_wait3A_850 = arith.constant 0 : i32
    %dma_wait3A_851 = tpu.memref_slice %arg24[%add3A_213, %dma_wait3A_850] : memref<10240x16xf32, #tpu.memory_space<vmem_shared>> -> memref<16x16xf32, #tpu.memory_space<vmem_shared>>
    tpu.wait_dma2 semaphore(%arg19 : memref<!tpu.dma_semaphore, #tpu.memory_space<semaphore_mem>>) src(%arg26 : memref<16x16xf32, #tpu.memory_space<vmem>>) dst(%dma_wait3A_851 : memref<16x16xf32, #tpu.memory_space<vmem_shared>>)
    %dma_wait3A_852 = arith.constant 0 : i32
    %dma_wait3A_853 = tpu.memref_slice %arg24[%add3A_217, %dma_wait3A_852] : memref<10240x16xf32, #tpu.memory_space<vmem_shared>> -> memref<16x16xf32, #tpu.memory_space<vmem_shared>>
    %dma_wait3A_854 = arith.constant 0 : i32
    %dma_wait3A_855 = tpu.memref_slice %arg24[%add3A_217, %dma_wait3A_854] : memref<10240x16xf32, #tpu.memory_space<vmem_shared>> -> memref<16x16xf32, #tpu.memory_space<vmem_shared>>
    tpu.wait_dma2 semaphore(%arg21 : memref<!tpu.dma_semaphore, #tpu.memory_space<semaphore_mem>>) src(%arg26 : memref<16x16xf32, #tpu.memory_space<vmem>>) dst(%dma_wait3A_855 : memref<16x16xf32, #tpu.memory_space<vmem_shared>>)
    %dma_wait3A_856 = arith.constant 0 : i32
    %dma_wait3A_857 = tpu.memref_slice %arg24[%add3A_221, %dma_wait3A_856] : memref<10240x16xf32, #tpu.memory_space<vmem_shared>> -> memref<16x16xf32, #tpu.memory_space<vmem_shared>>
    %dma_wait3A_858 = arith.constant 0 : i32
    %dma_wait3A_859 = tpu.memref_slice %arg24[%add3A_221, %dma_wait3A_858] : memref<10240x16xf32, #tpu.memory_space<vmem_shared>> -> memref<16x16xf32, #tpu.memory_space<vmem_shared>>
    tpu.wait_dma2 semaphore(%arg15 : memref<!tpu.dma_semaphore, #tpu.memory_space<semaphore_mem>>) src(%arg26 : memref<16x16xf32, #tpu.memory_space<vmem>>) dst(%dma_wait3A_859 : memref<16x16xf32, #tpu.memory_space<vmem_shared>>)
    %dma_wait3A_860 = arith.constant 0 : i32
    %dma_wait3A_861 = tpu.memref_slice %arg24[%add3A_225, %dma_wait3A_860] : memref<10240x16xf32, #tpu.memory_space<vmem_shared>> -> memref<16x16xf32, #tpu.memory_space<vmem_shared>>
    %dma_wait3A_862 = arith.constant 0 : i32
    %dma_wait3A_863 = tpu.memref_slice %arg24[%add3A_225, %dma_wait3A_862] : memref<10240x16xf32, #tpu.memory_space<vmem_shared>> -> memref<16x16xf32, #tpu.memory_space<vmem_shared>>
    tpu.wait_dma2 semaphore(%arg17 : memref<!tpu.dma_semaphore, #tpu.memory_space<semaphore_mem>>) src(%arg26 : memref<16x16xf32, #tpu.memory_space<vmem>>) dst(%dma_wait3A_863 : memref<16x16xf32, #tpu.memory_space<vmem_shared>>)
    %dma_wait3A_864 = arith.constant 0 : i32
    %dma_wait3A_865 = tpu.memref_slice %arg24[%add3A_229, %dma_wait3A_864] : memref<10240x16xf32, #tpu.memory_space<vmem_shared>> -> memref<16x16xf32, #tpu.memory_space<vmem_shared>>
    %dma_wait3A_866 = arith.constant 0 : i32
    %dma_wait3A_867 = tpu.memref_slice %arg24[%add3A_229, %dma_wait3A_866] : memref<10240x16xf32, #tpu.memory_space<vmem_shared>> -> memref<16x16xf32, #tpu.memory_space<vmem_shared>>
    tpu.wait_dma2 semaphore(%arg19 : memref<!tpu.dma_semaphore, #tpu.memory_space<semaphore_mem>>) src(%arg26 : memref<16x16xf32, #tpu.memory_space<vmem>>) dst(%dma_wait3A_867 : memref<16x16xf32, #tpu.memory_space<vmem_shared>>)
    %dma_wait3A_868 = arith.constant 0 : i32
    %dma_wait3A_869 = tpu.memref_slice %arg24[%add3A_233, %dma_wait3A_868] : memref<10240x16xf32, #tpu.memory_space<vmem_shared>> -> memref<16x16xf32, #tpu.memory_space<vmem_shared>>
    %dma_wait3A_870 = arith.constant 0 : i32
    %dma_wait3A_871 = tpu.memref_slice %arg24[%add3A_233, %dma_wait3A_870] : memref<10240x16xf32, #tpu.memory_space<vmem_shared>> -> memref<16x16xf32, #tpu.memory_space<vmem_shared>>
    tpu.wait_dma2 semaphore(%arg21 : memref<!tpu.dma_semaphore, #tpu.memory_space<semaphore_mem>>) src(%arg26 : memref<16x16xf32, #tpu.memory_space<vmem>>) dst(%dma_wait3A_871 : memref<16x16xf32, #tpu.memory_space<vmem_shared>>)
    %dma_wait3A_872 = arith.constant 0 : i32
    %dma_wait3A_873 = tpu.memref_slice %arg24[%add3A_237, %dma_wait3A_872] : memref<10240x16xf32, #tpu.memory_space<vmem_shared>> -> memref<16x16xf32, #tpu.memory_space<vmem_shared>>
    %dma_wait3A_874 = arith.constant 0 : i32
    %dma_wait3A_875 = tpu.memref_slice %arg24[%add3A_237, %dma_wait3A_874] : memref<10240x16xf32, #tpu.memory_space<vmem_shared>> -> memref<16x16xf32, #tpu.memory_space<vmem_shared>>
    tpu.wait_dma2 semaphore(%arg15 : memref<!tpu.dma_semaphore, #tpu.memory_space<semaphore_mem>>) src(%arg26 : memref<16x16xf32, #tpu.memory_space<vmem>>) dst(%dma_wait3A_875 : memref<16x16xf32, #tpu.memory_space<vmem_shared>>)
    %dma_wait3A_876 = arith.constant 0 : i32
    %dma_wait3A_877 = tpu.memref_slice %arg24[%add3A_241, %dma_wait3A_876] : memref<10240x16xf32, #tpu.memory_space<vmem_shared>> -> memref<16x16xf32, #tpu.memory_space<vmem_shared>>
    %dma_wait3A_878 = arith.constant 0 : i32
    %dma_wait3A_879 = tpu.memref_slice %arg24[%add3A_241, %dma_wait3A_878] : memref<10240x16xf32, #tpu.memory_space<vmem_shared>> -> memref<16x16xf32, #tpu.memory_space<vmem_shared>>
    tpu.wait_dma2 semaphore(%arg17 : memref<!tpu.dma_semaphore, #tpu.memory_space<semaphore_mem>>) src(%arg26 : memref<16x16xf32, #tpu.memory_space<vmem>>) dst(%dma_wait3A_879 : memref<16x16xf32, #tpu.memory_space<vmem_shared>>)
    %dma_wait3A_880 = arith.constant 0 : i32
    %dma_wait3A_881 = tpu.memref_slice %arg24[%add3A_245, %dma_wait3A_880] : memref<10240x16xf32, #tpu.memory_space<vmem_shared>> -> memref<16x16xf32, #tpu.memory_space<vmem_shared>>
    %dma_wait3A_882 = arith.constant 0 : i32
    %dma_wait3A_883 = tpu.memref_slice %arg24[%add3A_245, %dma_wait3A_882] : memref<10240x16xf32, #tpu.memory_space<vmem_shared>> -> memref<16x16xf32, #tpu.memory_space<vmem_shared>>
    tpu.wait_dma2 semaphore(%arg19 : memref<!tpu.dma_semaphore, #tpu.memory_space<semaphore_mem>>) src(%arg26 : memref<16x16xf32, #tpu.memory_space<vmem>>) dst(%dma_wait3A_883 : memref<16x16xf32, #tpu.memory_space<vmem_shared>>)
    %dma_wait3A_884 = arith.constant 0 : i32
    %dma_wait3A_885 = tpu.memref_slice %arg24[%add3A_249, %dma_wait3A_884] : memref<10240x16xf32, #tpu.memory_space<vmem_shared>> -> memref<16x16xf32, #tpu.memory_space<vmem_shared>>
    %dma_wait3A_886 = arith.constant 0 : i32
    %dma_wait3A_887 = tpu.memref_slice %arg24[%add3A_249, %dma_wait3A_886] : memref<10240x16xf32, #tpu.memory_space<vmem_shared>> -> memref<16x16xf32, #tpu.memory_space<vmem_shared>>
    tpu.wait_dma2 semaphore(%arg21 : memref<!tpu.dma_semaphore, #tpu.memory_space<semaphore_mem>>) src(%arg26 : memref<16x16xf32, #tpu.memory_space<vmem>>) dst(%dma_wait3A_887 : memref<16x16xf32, #tpu.memory_space<vmem_shared>>)
    %dma_wait3A_888 = arith.constant 0 : i32
    %dma_wait3A_889 = tpu.memref_slice %arg24[%add3A_253, %dma_wait3A_888] : memref<10240x16xf32, #tpu.memory_space<vmem_shared>> -> memref<16x16xf32, #tpu.memory_space<vmem_shared>>
    %dma_wait3A_890 = arith.constant 0 : i32
    %dma_wait3A_891 = tpu.memref_slice %arg24[%add3A_253, %dma_wait3A_890] : memref<10240x16xf32, #tpu.memory_space<vmem_shared>> -> memref<16x16xf32, #tpu.memory_space<vmem_shared>>
    tpu.wait_dma2 semaphore(%arg15 : memref<!tpu.dma_semaphore, #tpu.memory_space<semaphore_mem>>) src(%arg26 : memref<16x16xf32, #tpu.memory_space<vmem>>) dst(%dma_wait3A_891 : memref<16x16xf32, #tpu.memory_space<vmem_shared>>)
    %dma_wait3A_892 = arith.constant 0 : i32
    %dma_wait3A_893 = tpu.memref_slice %arg24[%add3A_257, %dma_wait3A_892] : memref<10240x16xf32, #tpu.memory_space<vmem_shared>> -> memref<16x16xf32, #tpu.memory_space<vmem_shared>>
    %dma_wait3A_894 = arith.constant 0 : i32
    %dma_wait3A_895 = tpu.memref_slice %arg24[%add3A_257, %dma_wait3A_894] : memref<10240x16xf32, #tpu.memory_space<vmem_shared>> -> memref<16x16xf32, #tpu.memory_space<vmem_shared>>
    tpu.wait_dma2 semaphore(%arg17 : memref<!tpu.dma_semaphore, #tpu.memory_space<semaphore_mem>>) src(%arg26 : memref<16x16xf32, #tpu.memory_space<vmem>>) dst(%dma_wait3A_895 : memref<16x16xf32, #tpu.memory_space<vmem_shared>>)
    %dma_wait3A_896 = arith.constant 0 : i32
    %dma_wait3A_897 = tpu.memref_slice %arg24[%add3A_261, %dma_wait3A_896] : memref<10240x16xf32, #tpu.memory_space<vmem_shared>> -> memref<16x16xf32, #tpu.memory_space<vmem_shared>>
    %dma_wait3A_898 = arith.constant 0 : i32
    %dma_wait3A_899 = tpu.memref_slice %arg24[%add3A_261, %dma_wait3A_898] : memref<10240x16xf32, #tpu.memory_space<vmem_shared>> -> memref<16x16xf32, #tpu.memory_space<vmem_shared>>
    tpu.wait_dma2 semaphore(%arg19 : memref<!tpu.dma_semaphore, #tpu.memory_space<semaphore_mem>>) src(%arg26 : memref<16x16xf32, #tpu.memory_space<vmem>>) dst(%dma_wait3A_899 : memref<16x16xf32, #tpu.memory_space<vmem_shared>>)
    %dma_wait3A_900 = arith.constant 0 : i32
    %dma_wait3A_901 = tpu.memref_slice %arg24[%add3A_265, %dma_wait3A_900] : memref<10240x16xf32, #tpu.memory_space<vmem_shared>> -> memref<16x16xf32, #tpu.memory_space<vmem_shared>>
    %dma_wait3A_902 = arith.constant 0 : i32
    %dma_wait3A_903 = tpu.memref_slice %arg24[%add3A_265, %dma_wait3A_902] : memref<10240x16xf32, #tpu.memory_space<vmem_shared>> -> memref<16x16xf32, #tpu.memory_space<vmem_shared>>
    tpu.wait_dma2 semaphore(%arg21 : memref<!tpu.dma_semaphore, #tpu.memory_space<semaphore_mem>>) src(%arg26 : memref<16x16xf32, #tpu.memory_space<vmem>>) dst(%dma_wait3A_903 : memref<16x16xf32, #tpu.memory_space<vmem_shared>>)
    %dma_wait3A_904 = arith.constant 0 : i32
    %dma_wait3A_905 = tpu.memref_slice %arg24[%add3A_269, %dma_wait3A_904] : memref<10240x16xf32, #tpu.memory_space<vmem_shared>> -> memref<16x16xf32, #tpu.memory_space<vmem_shared>>
    %dma_wait3A_906 = arith.constant 0 : i32
    %dma_wait3A_907 = tpu.memref_slice %arg24[%add3A_269, %dma_wait3A_906] : memref<10240x16xf32, #tpu.memory_space<vmem_shared>> -> memref<16x16xf32, #tpu.memory_space<vmem_shared>>
    tpu.wait_dma2 semaphore(%arg15 : memref<!tpu.dma_semaphore, #tpu.memory_space<semaphore_mem>>) src(%arg26 : memref<16x16xf32, #tpu.memory_space<vmem>>) dst(%dma_wait3A_907 : memref<16x16xf32, #tpu.memory_space<vmem_shared>>)
    %dma_wait3A_908 = arith.constant 0 : i32
    %dma_wait3A_909 = tpu.memref_slice %arg24[%add3A_273, %dma_wait3A_908] : memref<10240x16xf32, #tpu.memory_space<vmem_shared>> -> memref<16x16xf32, #tpu.memory_space<vmem_shared>>
    %dma_wait3A_910 = arith.constant 0 : i32
    %dma_wait3A_911 = tpu.memref_slice %arg24[%add3A_273, %dma_wait3A_910] : memref<10240x16xf32, #tpu.memory_space<vmem_shared>> -> memref<16x16xf32, #tpu.memory_space<vmem_shared>>
    tpu.wait_dma2 semaphore(%arg17 : memref<!tpu.dma_semaphore, #tpu.memory_space<semaphore_mem>>) src(%arg26 : memref<16x16xf32, #tpu.memory_space<vmem>>) dst(%dma_wait3A_911 : memref<16x16xf32, #tpu.memory_space<vmem_shared>>)
    %dma_wait3A_912 = arith.constant 0 : i32
    %dma_wait3A_913 = tpu.memref_slice %arg24[%add3A_277, %dma_wait3A_912] : memref<10240x16xf32, #tpu.memory_space<vmem_shared>> -> memref<16x16xf32, #tpu.memory_space<vmem_shared>>
    %dma_wait3A_914 = arith.constant 0 : i32
    %dma_wait3A_915 = tpu.memref_slice %arg24[%add3A_277, %dma_wait3A_914] : memref<10240x16xf32, #tpu.memory_space<vmem_shared>> -> memref<16x16xf32, #tpu.memory_space<vmem_shared>>
    tpu.wait_dma2 semaphore(%arg19 : memref<!tpu.dma_semaphore, #tpu.memory_space<semaphore_mem>>) src(%arg26 : memref<16x16xf32, #tpu.memory_space<vmem>>) dst(%dma_wait3A_915 : memref<16x16xf32, #tpu.memory_space<vmem_shared>>)
    %dma_wait3A_916 = arith.constant 0 : i32
    %dma_wait3A_917 = tpu.memref_slice %arg24[%add3A_281, %dma_wait3A_916] : memref<10240x16xf32, #tpu.memory_space<vmem_shared>> -> memref<16x16xf32, #tpu.memory_space<vmem_shared>>
    %dma_wait3A_918 = arith.constant 0 : i32
    %dma_wait3A_919 = tpu.memref_slice %arg24[%add3A_281, %dma_wait3A_918] : memref<10240x16xf32, #tpu.memory_space<vmem_shared>> -> memref<16x16xf32, #tpu.memory_space<vmem_shared>>
    tpu.wait_dma2 semaphore(%arg21 : memref<!tpu.dma_semaphore, #tpu.memory_space<semaphore_mem>>) src(%arg26 : memref<16x16xf32, #tpu.memory_space<vmem>>) dst(%dma_wait3A_919 : memref<16x16xf32, #tpu.memory_space<vmem_shared>>)
    %dma_wait3A_920 = arith.constant 0 : i32
    %dma_wait3A_921 = tpu.memref_slice %arg24[%add3A_285, %dma_wait3A_920] : memref<10240x16xf32, #tpu.memory_space<vmem_shared>> -> memref<16x16xf32, #tpu.memory_space<vmem_shared>>
    %dma_wait3A_922 = arith.constant 0 : i32
    %dma_wait3A_923 = tpu.memref_slice %arg24[%add3A_285, %dma_wait3A_922] : memref<10240x16xf32, #tpu.memory_space<vmem_shared>> -> memref<16x16xf32, #tpu.memory_space<vmem_shared>>
    tpu.wait_dma2 semaphore(%arg15 : memref<!tpu.dma_semaphore, #tpu.memory_space<semaphore_mem>>) src(%arg26 : memref<16x16xf32, #tpu.memory_space<vmem>>) dst(%dma_wait3A_923 : memref<16x16xf32, #tpu.memory_space<vmem_shared>>)
    %dma_wait3A_924 = arith.constant 0 : i32
    %dma_wait3A_925 = tpu.memref_slice %arg24[%add3A_289, %dma_wait3A_924] : memref<10240x16xf32, #tpu.memory_space<vmem_shared>> -> memref<16x16xf32, #tpu.memory_space<vmem_shared>>
    %dma_wait3A_926 = arith.constant 0 : i32
    %dma_wait3A_927 = tpu.memref_slice %arg24[%add3A_289, %dma_wait3A_926] : memref<10240x16xf32, #tpu.memory_space<vmem_shared>> -> memref<16x16xf32, #tpu.memory_space<vmem_shared>>
    tpu.wait_dma2 semaphore(%arg17 : memref<!tpu.dma_semaphore, #tpu.memory_space<semaphore_mem>>) src(%arg26 : memref<16x16xf32, #tpu.memory_space<vmem>>) dst(%dma_wait3A_927 : memref<16x16xf32, #tpu.memory_space<vmem_shared>>)
    %dma_wait3A_928 = arith.constant 0 : i32
    %dma_wait3A_929 = tpu.memref_slice %arg24[%add3A_293, %dma_wait3A_928] : memref<10240x16xf32, #tpu.memory_space<vmem_shared>> -> memref<16x16xf32, #tpu.memory_space<vmem_shared>>
    %dma_wait3A_930 = arith.constant 0 : i32
    %dma_wait3A_931 = tpu.memref_slice %arg24[%add3A_293, %dma_wait3A_930] : memref<10240x16xf32, #tpu.memory_space<vmem_shared>> -> memref<16x16xf32, #tpu.memory_space<vmem_shared>>
    tpu.wait_dma2 semaphore(%arg19 : memref<!tpu.dma_semaphore, #tpu.memory_space<semaphore_mem>>) src(%arg26 : memref<16x16xf32, #tpu.memory_space<vmem>>) dst(%dma_wait3A_931 : memref<16x16xf32, #tpu.memory_space<vmem_shared>>)
    %dma_wait3A_932 = arith.constant 0 : i32
    %dma_wait3A_933 = tpu.memref_slice %arg24[%add3A_297, %dma_wait3A_932] : memref<10240x16xf32, #tpu.memory_space<vmem_shared>> -> memref<16x16xf32, #tpu.memory_space<vmem_shared>>
    %dma_wait3A_934 = arith.constant 0 : i32
    %dma_wait3A_935 = tpu.memref_slice %arg24[%add3A_297, %dma_wait3A_934] : memref<10240x16xf32, #tpu.memory_space<vmem_shared>> -> memref<16x16xf32, #tpu.memory_space<vmem_shared>>
    tpu.wait_dma2 semaphore(%arg21 : memref<!tpu.dma_semaphore, #tpu.memory_space<semaphore_mem>>) src(%arg26 : memref<16x16xf32, #tpu.memory_space<vmem>>) dst(%dma_wait3A_935 : memref<16x16xf32, #tpu.memory_space<vmem_shared>>)
    %dma_wait3A_936 = arith.constant 0 : i32
    %dma_wait3A_937 = tpu.memref_slice %arg24[%add3A_301, %dma_wait3A_936] : memref<10240x16xf32, #tpu.memory_space<vmem_shared>> -> memref<16x16xf32, #tpu.memory_space<vmem_shared>>
    %dma_wait3A_938 = arith.constant 0 : i32
    %dma_wait3A_939 = tpu.memref_slice %arg24[%add3A_301, %dma_wait3A_938] : memref<10240x16xf32, #tpu.memory_space<vmem_shared>> -> memref<16x16xf32, #tpu.memory_space<vmem_shared>>
    tpu.wait_dma2 semaphore(%arg15 : memref<!tpu.dma_semaphore, #tpu.memory_space<semaphore_mem>>) src(%arg26 : memref<16x16xf32, #tpu.memory_space<vmem>>) dst(%dma_wait3A_939 : memref<16x16xf32, #tpu.memory_space<vmem_shared>>)
    %dma_wait3A_940 = arith.constant 0 : i32
    %dma_wait3A_941 = tpu.memref_slice %arg24[%add3A_305, %dma_wait3A_940] : memref<10240x16xf32, #tpu.memory_space<vmem_shared>> -> memref<16x16xf32, #tpu.memory_space<vmem_shared>>
    %dma_wait3A_942 = arith.constant 0 : i32
    %dma_wait3A_943 = tpu.memref_slice %arg24[%add3A_305, %dma_wait3A_942] : memref<10240x16xf32, #tpu.memory_space<vmem_shared>> -> memref<16x16xf32, #tpu.memory_space<vmem_shared>>
    tpu.wait_dma2 semaphore(%arg17 : memref<!tpu.dma_semaphore, #tpu.memory_space<semaphore_mem>>) src(%arg26 : memref<16x16xf32, #tpu.memory_space<vmem>>) dst(%dma_wait3A_943 : memref<16x16xf32, #tpu.memory_space<vmem_shared>>)
    %dma_wait3A_944 = arith.constant 0 : i32
    %dma_wait3A_945 = tpu.memref_slice %arg24[%add3A_309, %dma_wait3A_944] : memref<10240x16xf32, #tpu.memory_space<vmem_shared>> -> memref<16x16xf32, #tpu.memory_space<vmem_shared>>
    %dma_wait3A_946 = arith.constant 0 : i32
    %dma_wait3A_947 = tpu.memref_slice %arg24[%add3A_309, %dma_wait3A_946] : memref<10240x16xf32, #tpu.memory_space<vmem_shared>> -> memref<16x16xf32, #tpu.memory_space<vmem_shared>>
    tpu.wait_dma2 semaphore(%arg19 : memref<!tpu.dma_semaphore, #tpu.memory_space<semaphore_mem>>) src(%arg26 : memref<16x16xf32, #tpu.memory_space<vmem>>) dst(%dma_wait3A_947 : memref<16x16xf32, #tpu.memory_space<vmem_shared>>)
    %dma_wait3A_948 = arith.constant 0 : i32
    %dma_wait3A_949 = tpu.memref_slice %arg24[%add3A_313, %dma_wait3A_948] : memref<10240x16xf32, #tpu.memory_space<vmem_shared>> -> memref<16x16xf32, #tpu.memory_space<vmem_shared>>
    %dma_wait3A_950 = arith.constant 0 : i32
    %dma_wait3A_951 = tpu.memref_slice %arg24[%add3A_313, %dma_wait3A_950] : memref<10240x16xf32, #tpu.memory_space<vmem_shared>> -> memref<16x16xf32, #tpu.memory_space<vmem_shared>>
    tpu.wait_dma2 semaphore(%arg21 : memref<!tpu.dma_semaphore, #tpu.memory_space<semaphore_mem>>) src(%arg26 : memref<16x16xf32, #tpu.memory_space<vmem>>) dst(%dma_wait3A_951 : memref<16x16xf32, #tpu.memory_space<vmem_shared>>)
    %dma_wait3A_952 = arith.constant 0 : i32
    %dma_wait3A_953 = tpu.memref_slice %arg24[%add3A_317, %dma_wait3A_952] : memref<10240x16xf32, #tpu.memory_space<vmem_shared>> -> memref<16x16xf32, #tpu.memory_space<vmem_shared>>
    %dma_wait3A_954 = arith.constant 0 : i32
    %dma_wait3A_955 = tpu.memref_slice %arg24[%add3A_317, %dma_wait3A_954] : memref<10240x16xf32, #tpu.memory_space<vmem_shared>> -> memref<16x16xf32, #tpu.memory_space<vmem_shared>>
    tpu.wait_dma2 semaphore(%arg15 : memref<!tpu.dma_semaphore, #tpu.memory_space<semaphore_mem>>) src(%arg26 : memref<16x16xf32, #tpu.memory_space<vmem>>) dst(%dma_wait3A_955 : memref<16x16xf32, #tpu.memory_space<vmem_shared>>)
    %dma_wait3A_956 = arith.constant 0 : i32
    %dma_wait3A_957 = tpu.memref_slice %arg24[%add3A_321, %dma_wait3A_956] : memref<10240x16xf32, #tpu.memory_space<vmem_shared>> -> memref<16x16xf32, #tpu.memory_space<vmem_shared>>
    %dma_wait3A_958 = arith.constant 0 : i32
    %dma_wait3A_959 = tpu.memref_slice %arg24[%add3A_321, %dma_wait3A_958] : memref<10240x16xf32, #tpu.memory_space<vmem_shared>> -> memref<16x16xf32, #tpu.memory_space<vmem_shared>>
    tpu.wait_dma2 semaphore(%arg17 : memref<!tpu.dma_semaphore, #tpu.memory_space<semaphore_mem>>) src(%arg26 : memref<16x16xf32, #tpu.memory_space<vmem>>) dst(%dma_wait3A_959 : memref<16x16xf32, #tpu.memory_space<vmem_shared>>)
    %dma_wait3A_960 = arith.constant 0 : i32
    %dma_wait3A_961 = tpu.memref_slice %arg24[%add3A_325, %dma_wait3A_960] : memref<10240x16xf32, #tpu.memory_space<vmem_shared>> -> memref<16x16xf32, #tpu.memory_space<vmem_shared>>
    %dma_wait3A_962 = arith.constant 0 : i32
    %dma_wait3A_963 = tpu.memref_slice %arg24[%add3A_325, %dma_wait3A_962] : memref<10240x16xf32, #tpu.memory_space<vmem_shared>> -> memref<16x16xf32, #tpu.memory_space<vmem_shared>>
    tpu.wait_dma2 semaphore(%arg19 : memref<!tpu.dma_semaphore, #tpu.memory_space<semaphore_mem>>) src(%arg26 : memref<16x16xf32, #tpu.memory_space<vmem>>) dst(%dma_wait3A_963 : memref<16x16xf32, #tpu.memory_space<vmem_shared>>)
    %dma_wait3A_964 = arith.constant 0 : i32
    %dma_wait3A_965 = tpu.memref_slice %arg24[%add3A_329, %dma_wait3A_964] : memref<10240x16xf32, #tpu.memory_space<vmem_shared>> -> memref<16x16xf32, #tpu.memory_space<vmem_shared>>
    %dma_wait3A_966 = arith.constant 0 : i32
    %dma_wait3A_967 = tpu.memref_slice %arg24[%add3A_329, %dma_wait3A_966] : memref<10240x16xf32, #tpu.memory_space<vmem_shared>> -> memref<16x16xf32, #tpu.memory_space<vmem_shared>>
    tpu.wait_dma2 semaphore(%arg21 : memref<!tpu.dma_semaphore, #tpu.memory_space<semaphore_mem>>) src(%arg26 : memref<16x16xf32, #tpu.memory_space<vmem>>) dst(%dma_wait3A_967 : memref<16x16xf32, #tpu.memory_space<vmem_shared>>)
    %dma_wait3A_968 = arith.constant 0 : i32
    %dma_wait3A_969 = tpu.memref_slice %arg24[%add3A_333, %dma_wait3A_968] : memref<10240x16xf32, #tpu.memory_space<vmem_shared>> -> memref<16x16xf32, #tpu.memory_space<vmem_shared>>
    %dma_wait3A_970 = arith.constant 0 : i32
    %dma_wait3A_971 = tpu.memref_slice %arg24[%add3A_333, %dma_wait3A_970] : memref<10240x16xf32, #tpu.memory_space<vmem_shared>> -> memref<16x16xf32, #tpu.memory_space<vmem_shared>>
    tpu.wait_dma2 semaphore(%arg15 : memref<!tpu.dma_semaphore, #tpu.memory_space<semaphore_mem>>) src(%arg26 : memref<16x16xf32, #tpu.memory_space<vmem>>) dst(%dma_wait3A_971 : memref<16x16xf32, #tpu.memory_space<vmem_shared>>)
    %dma_wait3A_972 = arith.constant 0 : i32
    %dma_wait3A_973 = tpu.memref_slice %arg24[%add3A_337, %dma_wait3A_972] : memref<10240x16xf32, #tpu.memory_space<vmem_shared>> -> memref<16x16xf32, #tpu.memory_space<vmem_shared>>
    %dma_wait3A_974 = arith.constant 0 : i32
    %dma_wait3A_975 = tpu.memref_slice %arg24[%add3A_337, %dma_wait3A_974] : memref<10240x16xf32, #tpu.memory_space<vmem_shared>> -> memref<16x16xf32, #tpu.memory_space<vmem_shared>>
    tpu.wait_dma2 semaphore(%arg17 : memref<!tpu.dma_semaphore, #tpu.memory_space<semaphore_mem>>) src(%arg26 : memref<16x16xf32, #tpu.memory_space<vmem>>) dst(%dma_wait3A_975 : memref<16x16xf32, #tpu.memory_space<vmem_shared>>)
    %dma_wait3A_976 = arith.constant 0 : i32
    %dma_wait3A_977 = tpu.memref_slice %arg24[%add3A_341, %dma_wait3A_976] : memref<10240x16xf32, #tpu.memory_space<vmem_shared>> -> memref<16x16xf32, #tpu.memory_space<vmem_shared>>
    %dma_wait3A_978 = arith.constant 0 : i32
    %dma_wait3A_979 = tpu.memref_slice %arg24[%add3A_341, %dma_wait3A_978] : memref<10240x16xf32, #tpu.memory_space<vmem_shared>> -> memref<16x16xf32, #tpu.memory_space<vmem_shared>>
    tpu.wait_dma2 semaphore(%arg19 : memref<!tpu.dma_semaphore, #tpu.memory_space<semaphore_mem>>) src(%arg26 : memref<16x16xf32, #tpu.memory_space<vmem>>) dst(%dma_wait3A_979 : memref<16x16xf32, #tpu.memory_space<vmem_shared>>)
    %dma_wait3A_980 = arith.constant 0 : i32
    %dma_wait3A_981 = tpu.memref_slice %arg24[%add3A_345, %dma_wait3A_980] : memref<10240x16xf32, #tpu.memory_space<vmem_shared>> -> memref<16x16xf32, #tpu.memory_space<vmem_shared>>
    %dma_wait3A_982 = arith.constant 0 : i32
    %dma_wait3A_983 = tpu.memref_slice %arg24[%add3A_345, %dma_wait3A_982] : memref<10240x16xf32, #tpu.memory_space<vmem_shared>> -> memref<16x16xf32, #tpu.memory_space<vmem_shared>>
    tpu.wait_dma2 semaphore(%arg21 : memref<!tpu.dma_semaphore, #tpu.memory_space<semaphore_mem>>) src(%arg26 : memref<16x16xf32, #tpu.memory_space<vmem>>) dst(%dma_wait3A_983 : memref<16x16xf32, #tpu.memory_space<vmem_shared>>)
    %barrier3A = arith.constant 0 : index
    tpu.barrier barrier_id(%barrier3A)
    %mul3A_984 = arith.constant 80 : i32
    %mul3A_985 = arith.muli %add3A, %mul3A_984 : i32
    %add3A_986 = arith.constant 0 : i32
    %add3A_987 = arith.addi %mul3A_985, %add3A_986 : i32
    %dma_start3A_988 = arith.constant 0 : i32
    %dma_start3A_989 = arith.constant 0 : i32
    %dma_start3A_990 = arith.constant 0 : i32
    %dma_start3A_991 = tpu.memref_slice %arg7[%dma_start3A_989, %dma_start3A_990] : memref<2x125xi32, #tpu.memory_space<vmem>> -> memref<1x125xi32, #tpu.memory_space<vmem>>
    %dma_start3A_992 = tpu.memref_squeeze %dma_start3A_991 : memref<1x125xi32, #tpu.memory_space<vmem>> -> memref<125xi32, #tpu.memory_space<vmem>>
    %dma_start3A_993 = arith.constant 0 : i32
    %dma_start3A_994 = tpu.memref_slice %arg3[%dma_start3A_988, %add3A_987, %dma_start3A_993] : memref<2x2560x125xi32, #tpu.memory_space<hbm>> -> memref<1x1x125xi32, #tpu.memory_space<hbm>>
    %dma_start3A_995 = tpu.memref_squeeze %dma_start3A_994 : memref<1x1x125xi32, #tpu.memory_space<hbm>> -> memref<125xi32, #tpu.memory_space<hbm>>
    %dma_start3A_996 = arith.constant 0 : i32
    %dma_start3A_997 = tpu.memref_slice %arg7[%dma_start3A_989, %dma_start3A_996] : memref<2x125xi32, #tpu.memory_space<vmem>> -> memref<1x125xi32, #tpu.memory_space<vmem>>
    %dma_start3A_998 = tpu.memref_squeeze %dma_start3A_997 : memref<1x125xi32, #tpu.memory_space<vmem>> -> memref<125xi32, #tpu.memory_space<vmem>>
    %dma_start3A_999 = arith.constant 0 : i32
    %dma_start3A_1000 = tpu.memref_slice %arg3[%dma_start3A_988, %add3A_987, %dma_start3A_999] : memref<2x2560x125xi32, #tpu.memory_space<hbm>> -> memref<1x1x125xi32, #tpu.memory_space<hbm>>
    %dma_start3A_1001 = tpu.memref_squeeze %dma_start3A_1000 : memref<1x1x125xi32, #tpu.memory_space<hbm>> -> memref<125xi32, #tpu.memory_space<hbm>>
    tpu.enqueue_dma source(%dma_start3A_1001 : memref<125xi32, #tpu.memory_space<hbm>>) target(%dma_start3A_998 : memref<125xi32, #tpu.memory_space<vmem>>) target_semaphore(%arg14 : memref<!tpu.dma_semaphore, #tpu.memory_space<semaphore_mem>>)
    %dma_start3A_1002 = arith.constant 1 : i32
    %dma_start3A_1003 = arith.constant 1 : i32
    %dma_start3A_1004 = arith.constant 0 : i32
    %dma_start3A_1005 = tpu.memref_slice %arg7[%dma_start3A_1003, %dma_start3A_1004] : memref<2x125xi32, #tpu.memory_space<vmem>> -> memref<1x125xi32, #tpu.memory_space<vmem>>
    %dma_start3A_1006 = tpu.memref_squeeze %dma_start3A_1005 : memref<1x125xi32, #tpu.memory_space<vmem>> -> memref<125xi32, #tpu.memory_space<vmem>>
    %dma_start3A_1007 = arith.constant 0 : i32
    %dma_start3A_1008 = tpu.memref_slice %arg3[%dma_start3A_1002, %add3A_987, %dma_start3A_1007] : memref<2x2560x125xi32, #tpu.memory_space<hbm>> -> memref<1x1x125xi32, #tpu.memory_space<hbm>>
    %dma_start3A_1009 = tpu.memref_squeeze %dma_start3A_1008 : memref<1x1x125xi32, #tpu.memory_space<hbm>> -> memref<125xi32, #tpu.memory_space<hbm>>
    %dma_start3A_1010 = arith.constant 0 : i32
    %dma_start3A_1011 = tpu.memref_slice %arg7[%dma_start3A_1003, %dma_start3A_1010] : memref<2x125xi32, #tpu.memory_space<vmem>> -> memref<1x125xi32, #tpu.memory_space<vmem>>
    %dma_start3A_1012 = tpu.memref_squeeze %dma_start3A_1011 : memref<1x125xi32, #tpu.memory_space<vmem>> -> memref<125xi32, #tpu.memory_space<vmem>>
    %dma_start3A_1013 = arith.constant 0 : i32
    %dma_start3A_1014 = tpu.memref_slice %arg3[%dma_start3A_1002, %add3A_987, %dma_start3A_1013] : memref<2x2560x125xi32, #tpu.memory_space<hbm>> -> memref<1x1x125xi32, #tpu.memory_space<hbm>>
    %dma_start3A_1015 = tpu.memref_squeeze %dma_start3A_1014 : memref<1x1x125xi32, #tpu.memory_space<hbm>> -> memref<125xi32, #tpu.memory_space<hbm>>
    tpu.enqueue_dma source(%dma_start3A_1015 : memref<125xi32, #tpu.memory_space<hbm>>) target(%dma_start3A_1012 : memref<125xi32, #tpu.memory_space<vmem>>) target_semaphore(%arg15 : memref<!tpu.dma_semaphore, #tpu.memory_space<semaphore_mem>>)
    %add3A_1016 = arith.constant 1 : i32
    %add3A_1017 = arith.addi %mul3A_985, %add3A_1016 : i32
    %dma_start3A_1018 = arith.constant 0 : i32
    %dma_start3A_1019 = arith.constant 0 : i32
    %dma_start3A_1020 = arith.constant 0 : i32
    %dma_start3A_1021 = tpu.memref_slice %arg8[%dma_start3A_1019, %dma_start3A_1020] : memref<2x125xi32, #tpu.memory_space<vmem>> -> memref<1x125xi32, #tpu.memory_space<vmem>>
    %dma_start3A_1022 = tpu.memref_squeeze %dma_start3A_1021 : memref<1x125xi32, #tpu.memory_space<vmem>> -> memref<125xi32, #tpu.memory_space<vmem>>
    %dma_start3A_1023 = arith.constant 0 : i32
    %dma_start3A_1024 = tpu.memref_slice %arg3[%dma_start3A_1018, %add3A_1017, %dma_start3A_1023] : memref<2x2560x125xi32, #tpu.memory_space<hbm>> -> memref<1x1x125xi32, #tpu.memory_space<hbm>>
    %dma_start3A_1025 = tpu.memref_squeeze %dma_start3A_1024 : memref<1x1x125xi32, #tpu.memory_space<hbm>> -> memref<125xi32, #tpu.memory_space<hbm>>
    %dma_start3A_1026 = arith.constant 0 : i32
    %dma_start3A_1027 = tpu.memref_slice %arg8[%dma_start3A_1019, %dma_start3A_1026] : memref<2x125xi32, #tpu.memory_space<vmem>> -> memref<1x125xi32, #tpu.memory_space<vmem>>
    %dma_start3A_1028 = tpu.memref_squeeze %dma_start3A_1027 : memref<1x125xi32, #tpu.memory_space<vmem>> -> memref<125xi32, #tpu.memory_space<vmem>>
    %dma_start3A_1029 = arith.constant 0 : i32
    %dma_start3A_1030 = tpu.memref_slice %arg3[%dma_start3A_1018, %add3A_1017, %dma_start3A_1029] : memref<2x2560x125xi32, #tpu.memory_space<hbm>> -> memref<1x1x125xi32, #tpu.memory_space<hbm>>
    %dma_start3A_1031 = tpu.memref_squeeze %dma_start3A_1030 : memref<1x1x125xi32, #tpu.memory_space<hbm>> -> memref<125xi32, #tpu.memory_space<hbm>>
    tpu.enqueue_dma source(%dma_start3A_1031 : memref<125xi32, #tpu.memory_space<hbm>>) target(%dma_start3A_1028 : memref<125xi32, #tpu.memory_space<vmem>>) target_semaphore(%arg16 : memref<!tpu.dma_semaphore, #tpu.memory_space<semaphore_mem>>)
    %dma_start3A_1032 = arith.constant 1 : i32
    %dma_start3A_1033 = arith.constant 1 : i32
    %dma_start3A_1034 = arith.constant 0 : i32
    %dma_start3A_1035 = tpu.memref_slice %arg8[%dma_start3A_1033, %dma_start3A_1034] : memref<2x125xi32, #tpu.memory_space<vmem>> -> memref<1x125xi32, #tpu.memory_space<vmem>>
    %dma_start3A_1036 = tpu.memref_squeeze %dma_start3A_1035 : memref<1x125xi32, #tpu.memory_space<vmem>> -> memref<125xi32, #tpu.memory_space<vmem>>
    %dma_start3A_1037 = arith.constant 0 : i32
    %dma_start3A_1038 = tpu.memref_slice %arg3[%dma_start3A_1032, %add3A_1017, %dma_start3A_1037] : memref<2x2560x125xi32, #tpu.memory_space<hbm>> -> memref<1x1x125xi32, #tpu.memory_space<hbm>>
    %dma_start3A_1039 = tpu.memref_squeeze %dma_start3A_1038 : memref<1x1x125xi32, #tpu.memory_space<hbm>> -> memref<125xi32, #tpu.memory_space<hbm>>
    %dma_start3A_1040 = arith.constant 0 : i32
    %dma_start3A_1041 = tpu.memref_slice %arg8[%dma_start3A_1033, %dma_start3A_1040] : memref<2x125xi32, #tpu.memory_space<vmem>> -> memref<1x125xi32, #tpu.memory_space<vmem>>
    %dma_start3A_1042 = tpu.memref_squeeze %dma_start3A_1041 : memref<1x125xi32, #tpu.memory_space<vmem>> -> memref<125xi32, #tpu.memory_space<vmem>>
    %dma_start3A_1043 = arith.constant 0 : i32
    %dma_start3A_1044 = tpu.memref_slice %arg3[%dma_start3A_1032, %add3A_1017, %dma_start3A_1043] : memref<2x2560x125xi32, #tpu.memory_space<hbm>> -> memref<1x1x125xi32, #tpu.memory_space<hbm>>
    %dma_start3A_1045 = tpu.memref_squeeze %dma_start3A_1044 : memref<1x1x125xi32, #tpu.memory_space<hbm>> -> memref<125xi32, #tpu.memory_space<hbm>>
    tpu.enqueue_dma source(%dma_start3A_1045 : memref<125xi32, #tpu.memory_space<hbm>>) target(%dma_start3A_1042 : memref<125xi32, #tpu.memory_space<vmem>>) target_semaphore(%arg17 : memref<!tpu.dma_semaphore, #tpu.memory_space<semaphore_mem>>)
    %add3A_1046 = arith.constant 2 : i32
    %add3A_1047 = arith.addi %mul3A_985, %add3A_1046 : i32
    %dma_start3A_1048 = arith.constant 0 : i32
    %dma_start3A_1049 = arith.constant 0 : i32
    %dma_start3A_1050 = arith.constant 0 : i32
    %dma_start3A_1051 = tpu.memref_slice %arg9[%dma_start3A_1049, %dma_start3A_1050] : memref<2x125xi32, #tpu.memory_space<vmem>> -> memref<1x125xi32, #tpu.memory_space<vmem>>
    %dma_start3A_1052 = tpu.memref_squeeze %dma_start3A_1051 : memref<1x125xi32, #tpu.memory_space<vmem>> -> memref<125xi32, #tpu.memory_space<vmem>>
    %dma_start3A_1053 = arith.constant 0 : i32
    %dma_start3A_1054 = tpu.memref_slice %arg3[%dma_start3A_1048, %add3A_1047, %dma_start3A_1053] : memref<2x2560x125xi32, #tpu.memory_space<hbm>> -> memref<1x1x125xi32, #tpu.memory_space<hbm>>
    %dma_start3A_1055 = tpu.memref_squeeze %dma_start3A_1054 : memref<1x1x125xi32, #tpu.memory_space<hbm>> -> memref<125xi32, #tpu.memory_space<hbm>>
    %dma_start3A_1056 = arith.constant 0 : i32
    %dma_start3A_1057 = tpu.memref_slice %arg9[%dma_start3A_1049, %dma_start3A_1056] : memref<2x125xi32, #tpu.memory_space<vmem>> -> memref<1x125xi32, #tpu.memory_space<vmem>>
    %dma_start3A_1058 = tpu.memref_squeeze %dma_start3A_1057 : memref<1x125xi32, #tpu.memory_space<vmem>> -> memref<125xi32, #tpu.memory_space<vmem>>
    %dma_start3A_1059 = arith.constant 0 : i32
    %dma_start3A_1060 = tpu.memref_slice %arg3[%dma_start3A_1048, %add3A_1047, %dma_start3A_1059] : memref<2x2560x125xi32, #tpu.memory_space<hbm>> -> memref<1x1x125xi32, #tpu.memory_space<hbm>>
    %dma_start3A_1061 = tpu.memref_squeeze %dma_start3A_1060 : memref<1x1x125xi32, #tpu.memory_space<hbm>> -> memref<125xi32, #tpu.memory_space<hbm>>
    tpu.enqueue_dma source(%dma_start3A_1061 : memref<125xi32, #tpu.memory_space<hbm>>) target(%dma_start3A_1058 : memref<125xi32, #tpu.memory_space<vmem>>) target_semaphore(%arg18 : memref<!tpu.dma_semaphore, #tpu.memory_space<semaphore_mem>>)
    %dma_start3A_1062 = arith.constant 1 : i32
    %dma_start3A_1063 = arith.constant 1 : i32
    %dma_start3A_1064 = arith.constant 0 : i32
    %dma_start3A_1065 = tpu.memref_slice %arg9[%dma_start3A_1063, %dma_start3A_1064] : memref<2x125xi32, #tpu.memory_space<vmem>> -> memref<1x125xi32, #tpu.memory_space<vmem>>
    %dma_start3A_1066 = tpu.memref_squeeze %dma_start3A_1065 : memref<1x125xi32, #tpu.memory_space<vmem>> -> memref<125xi32, #tpu.memory_space<vmem>>
    %dma_start3A_1067 = arith.constant 0 : i32
    %dma_start3A_1068 = tpu.memref_slice %arg3[%dma_start3A_1062, %add3A_1047, %dma_start3A_1067] : memref<2x2560x125xi32, #tpu.memory_space<hbm>> -> memref<1x1x125xi32, #tpu.memory_space<hbm>>
    %dma_start3A_1069 = tpu.memref_squeeze %dma_start3A_1068 : memref<1x1x125xi32, #tpu.memory_space<hbm>> -> memref<125xi32, #tpu.memory_space<hbm>>
    %dma_start3A_1070 = arith.constant 0 : i32
    %dma_start3A_1071 = tpu.memref_slice %arg9[%dma_start3A_1063, %dma_start3A_1070] : memref<2x125xi32, #tpu.memory_space<vmem>> -> memref<1x125xi32, #tpu.memory_space<vmem>>
    %dma_start3A_1072 = tpu.memref_squeeze %dma_start3A_1071 : memref<1x125xi32, #tpu.memory_space<vmem>> -> memref<125xi32, #tpu.memory_space<vmem>>
    %dma_start3A_1073 = arith.constant 0 : i32
    %dma_start3A_1074 = tpu.memref_slice %arg3[%dma_start3A_1062, %add3A_1047, %dma_start3A_1073] : memref<2x2560x125xi32, #tpu.memory_space<hbm>> -> memref<1x1x125xi32, #tpu.memory_space<hbm>>
    %dma_start3A_1075 = tpu.memref_squeeze %dma_start3A_1074 : memref<1x1x125xi32, #tpu.memory_space<hbm>> -> memref<125xi32, #tpu.memory_space<hbm>>
    tpu.enqueue_dma source(%dma_start3A_1075 : memref<125xi32, #tpu.memory_space<hbm>>) target(%dma_start3A_1072 : memref<125xi32, #tpu.memory_space<vmem>>) target_semaphore(%arg19 : memref<!tpu.dma_semaphore, #tpu.memory_space<semaphore_mem>>)
    %add3A_1076 = arith.constant 0 : i32
    %add3A_1077 = arith.addi %mul3A_985, %add3A_1076 : i32
    %dma_wait3A_1078 = arith.constant 0 : i32
    %dma_wait3A_1079 = arith.constant 0 : i32
    %dma_wait3A_1080 = arith.constant 0 : i32
    %dma_wait3A_1081 = tpu.memref_slice %arg7[%dma_wait3A_1079, %dma_wait3A_1080] : memref<2x125xi32, #tpu.memory_space<vmem>> -> memref<1x125xi32, #tpu.memory_space<vmem>>
    %dma_wait3A_1082 = tpu.memref_squeeze %dma_wait3A_1081 : memref<1x125xi32, #tpu.memory_space<vmem>> -> memref<125xi32, #tpu.memory_space<vmem>>
    %dma_wait3A_1083 = arith.constant 0 : i32
    %dma_wait3A_1084 = tpu.memref_slice %arg3[%dma_wait3A_1078, %add3A_1077, %dma_wait3A_1083] : memref<2x2560x125xi32, #tpu.memory_space<hbm>> -> memref<1x1x125xi32, #tpu.memory_space<hbm>>
    %dma_wait3A_1085 = tpu.memref_squeeze %dma_wait3A_1084 : memref<1x1x125xi32, #tpu.memory_space<hbm>> -> memref<125xi32, #tpu.memory_space<hbm>>
    %dma_wait3A_1086 = arith.constant 0 : i32
    %dma_wait3A_1087 = tpu.memref_slice %arg7[%dma_wait3A_1079, %dma_wait3A_1086] : memref<2x125xi32, #tpu.memory_space<vmem>> -> memref<1x125xi32, #tpu.memory_space<vmem>>
    %dma_wait3A_1088 = tpu.memref_squeeze %dma_wait3A_1087 : memref<1x125xi32, #tpu.memory_space<vmem>> -> memref<125xi32, #tpu.memory_space<vmem>>
    %dma_wait3A_1089 = arith.constant 0 : i32
    %dma_wait3A_1090 = tpu.memref_slice %arg3[%dma_wait3A_1078, %add3A_1077, %dma_wait3A_1089] : memref<2x2560x125xi32, #tpu.memory_space<hbm>> -> memref<1x1x125xi32, #tpu.memory_space<hbm>>
    %dma_wait3A_1091 = tpu.memref_squeeze %dma_wait3A_1090 : memref<1x1x125xi32, #tpu.memory_space<hbm>> -> memref<125xi32, #tpu.memory_space<hbm>>
    tpu.wait_dma2 semaphore(%arg14 : memref<!tpu.dma_semaphore, #tpu.memory_space<semaphore_mem>>) src(%dma_wait3A_1091 : memref<125xi32, #tpu.memory_space<hbm>>) dst(%dma_wait3A_1088 : memref<125xi32, #tpu.memory_space<vmem>>)
    %dma_wait3A_1092 = arith.constant 1 : i32
    %dma_wait3A_1093 = arith.constant 1 : i32
    %dma_wait3A_1094 = arith.constant 0 : i32
    %dma_wait3A_1095 = tpu.memref_slice %arg7[%dma_wait3A_1093, %dma_wait3A_1094] : memref<2x125xi32, #tpu.memory_space<vmem>> -> memref<1x125xi32, #tpu.memory_space<vmem>>
    %dma_wait3A_1096 = tpu.memref_squeeze %dma_wait3A_1095 : memref<1x125xi32, #tpu.memory_space<vmem>> -> memref<125xi32, #tpu.memory_space<vmem>>
    %dma_wait3A_1097 = arith.constant 0 : i32
    %dma_wait3A_1098 = tpu.memref_slice %arg3[%dma_wait3A_1092, %add3A_1077, %dma_wait3A_1097] : memref<2x2560x125xi32, #tpu.memory_space<hbm>> -> memref<1x1x125xi32, #tpu.memory_space<hbm>>
    %dma_wait3A_1099 = tpu.memref_squeeze %dma_wait3A_1098 : memref<1x1x125xi32, #tpu.memory_space<hbm>> -> memref<125xi32, #tpu.memory_space<hbm>>
    %dma_wait3A_1100 = arith.constant 0 : i32
    %dma_wait3A_1101 = tpu.memref_slice %arg7[%dma_wait3A_1093, %dma_wait3A_1100] : memref<2x125xi32, #tpu.memory_space<vmem>> -> memref<1x125xi32, #tpu.memory_space<vmem>>
    %dma_wait3A_1102 = tpu.memref_squeeze %dma_wait3A_1101 : memref<1x125xi32, #tpu.memory_space<vmem>> -> memref<125xi32, #tpu.memory_space<vmem>>
    %dma_wait3A_1103 = arith.constant 0 : i32
    %dma_wait3A_1104 = tpu.memref_slice %arg3[%dma_wait3A_1092, %add3A_1077, %dma_wait3A_1103] : memref<2x2560x125xi32, #tpu.memory_space<hbm>> -> memref<1x1x125xi32, #tpu.memory_space<hbm>>
    %dma_wait3A_1105 = tpu.memref_squeeze %dma_wait3A_1104 : memref<1x1x125xi32, #tpu.memory_space<hbm>> -> memref<125xi32, #tpu.memory_space<hbm>>
    tpu.wait_dma2 semaphore(%arg15 : memref<!tpu.dma_semaphore, #tpu.memory_space<semaphore_mem>>) src(%dma_wait3A_1105 : memref<125xi32, #tpu.memory_space<hbm>>) dst(%dma_wait3A_1102 : memref<125xi32, #tpu.memory_space<vmem>>)
    %dma_start3A_1106 = arith.constant 0 : i32
    %dma_start3A_1107 = arith.constant 0 : i32
    %dma_start3A_1108 = tpu.memref_slice %arg7[%dma_start3A_1106, %dma_start3A_1107] : memref<2x125xi32, #tpu.memory_space<vmem>> -> memref<1x125xi32, #tpu.memory_space<vmem>>
    %dma_start3A_1109 = tpu.memref_squeeze %dma_start3A_1108 : memref<1x125xi32, #tpu.memory_space<vmem>> -> memref<125xi32, #tpu.memory_space<vmem>>
    %dma_start3A_1110 = arith.constant 0 : i32
    %dma_start3A_1111 = arith.constant 0 : i32
    %dma_start3A_1112 = tpu.memref_slice %arg2[%dma_start3A_1110, %dma_start3A_1111] : memref<10000x128xf32, #tpu.memory_space<hbm>> -> memref<10000x128xf32, #tpu.memory_space<hbm>>
    tpu.enqueue_indirect_dma source(%dma_start3A_1112 : memref<10000x128xf32, #tpu.memory_space<hbm>>) target(%arg11 : memref<125x128xf32, #tpu.memory_space<vmem>>) offsets(%dma_start3A_1109 : memref<125xi32, #tpu.memory_space<vmem>>) semaphore(%arg22 : memref<!tpu.dma_semaphore, #tpu.memory_space<semaphore_mem>>)
    %scan3A_1113 = arith.constant 0 : i32
    %scan3A_1114 = arith.constant 0 : i32
    %scan3A_1115 = arith.constant 20 : i32
    %scan3A_1116 = arith.addi %scan3A_1114, %scan3A_1115 : i32
    %scan3A_1117 = arith.constant 1 : i32
    %scan3A_1118 = scf.for %scan3A_1143 = %scan3A_1114 to %scan3A_1116 step %scan3A_1117 iter_args(%scan3A_1144 = %scan3A_1113) -> (i32)  : i32 {
      %mul3A_1145 = arith.constant 4 : i32
      %mul3A_1146 = arith.muli %mul3A_1145, %scan3A_1143 : i32
      %add3A_1147 = arith.constant 0 : i32
      %add3A_1148 = arith.addi %mul3A_1146, %add3A_1147 : i32
      %add3A_1149 = arith.addi %mul3A_985, %add3A_1148 : i32
      %dma_wait3A_1150 = arith.constant 0 : i32
      %dma_wait3A_1151 = arith.constant 0 : i32
      %dma_wait3A_1152 = tpu.memref_slice %arg7[%dma_wait3A_1150, %dma_wait3A_1151] : memref<2x125xi32, #tpu.memory_space<vmem>> -> memref<1x125xi32, #tpu.memory_space<vmem>>
      %dma_wait3A_1153 = tpu.memref_squeeze %dma_wait3A_1152 : memref<1x125xi32, #tpu.memory_space<vmem>> -> memref<125xi32, #tpu.memory_space<vmem>>
      %dma_wait3A_1154 = arith.constant 0 : i32
      %dma_wait3A_1155 = arith.constant 0 : i32
      %dma_wait3A_1156 = tpu.memref_slice %arg2[%dma_wait3A_1154, %dma_wait3A_1155] : memref<10000x128xf32, #tpu.memory_space<hbm>> -> memref<10000x128xf32, #tpu.memory_space<hbm>>
      tpu.wait_indirect_dma semaphore(%arg22 : memref<!tpu.dma_semaphore, #tpu.memory_space<semaphore_mem>>) src(%dma_wait3A_1156 : memref<10000x128xf32, #tpu.memory_space<hbm>>) dst(%arg11 : memref<125x128xf32, #tpu.memory_space<vmem>>)
      %add3A_1157 = arith.constant 1 : i32
      %add3A_1158 = arith.addi %add3A_1149, %add3A_1157 : i32
      %dma_wait3A_1159 = arith.constant 0 : i32
      %dma_wait3A_1160 = arith.constant 0 : i32
      %dma_wait3A_1161 = arith.constant 0 : i32
      %dma_wait3A_1162 = tpu.memref_slice %arg8[%dma_wait3A_1160, %dma_wait3A_1161] : memref<2x125xi32, #tpu.memory_space<vmem>> -> memref<1x125xi32, #tpu.memory_space<vmem>>
      %dma_wait3A_1163 = tpu.memref_squeeze %dma_wait3A_1162 : memref<1x125xi32, #tpu.memory_space<vmem>> -> memref<125xi32, #tpu.memory_space<vmem>>
      %dma_wait3A_1164 = arith.constant 0 : i32
      %dma_wait3A_1165 = tpu.memref_slice %arg3[%dma_wait3A_1159, %add3A_1158, %dma_wait3A_1164] : memref<2x2560x125xi32, #tpu.memory_space<hbm>> -> memref<1x1x125xi32, #tpu.memory_space<hbm>>
      %dma_wait3A_1166 = tpu.memref_squeeze %dma_wait3A_1165 : memref<1x1x125xi32, #tpu.memory_space<hbm>> -> memref<125xi32, #tpu.memory_space<hbm>>
      %dma_wait3A_1167 = arith.constant 0 : i32
      %dma_wait3A_1168 = tpu.memref_slice %arg8[%dma_wait3A_1160, %dma_wait3A_1167] : memref<2x125xi32, #tpu.memory_space<vmem>> -> memref<1x125xi32, #tpu.memory_space<vmem>>
      %dma_wait3A_1169 = tpu.memref_squeeze %dma_wait3A_1168 : memref<1x125xi32, #tpu.memory_space<vmem>> -> memref<125xi32, #tpu.memory_space<vmem>>
      %dma_wait3A_1170 = arith.constant 0 : i32
      %dma_wait3A_1171 = tpu.memref_slice %arg3[%dma_wait3A_1159, %add3A_1158, %dma_wait3A_1170] : memref<2x2560x125xi32, #tpu.memory_space<hbm>> -> memref<1x1x125xi32, #tpu.memory_space<hbm>>
      %dma_wait3A_1172 = tpu.memref_squeeze %dma_wait3A_1171 : memref<1x1x125xi32, #tpu.memory_space<hbm>> -> memref<125xi32, #tpu.memory_space<hbm>>
      tpu.wait_dma2 semaphore(%arg16 : memref<!tpu.dma_semaphore, #tpu.memory_space<semaphore_mem>>) src(%dma_wait3A_1172 : memref<125xi32, #tpu.memory_space<hbm>>) dst(%dma_wait3A_1169 : memref<125xi32, #tpu.memory_space<vmem>>)
      %dma_wait3A_1173 = arith.constant 1 : i32
      %dma_wait3A_1174 = arith.constant 1 : i32
      %dma_wait3A_1175 = arith.constant 0 : i32
      %dma_wait3A_1176 = tpu.memref_slice %arg8[%dma_wait3A_1174, %dma_wait3A_1175] : memref<2x125xi32, #tpu.memory_space<vmem>> -> memref<1x125xi32, #tpu.memory_space<vmem>>
      %dma_wait3A_1177 = tpu.memref_squeeze %dma_wait3A_1176 : memref<1x125xi32, #tpu.memory_space<vmem>> -> memref<125xi32, #tpu.memory_space<vmem>>
      %dma_wait3A_1178 = arith.constant 0 : i32
      %dma_wait3A_1179 = tpu.memref_slice %arg3[%dma_wait3A_1173, %add3A_1158, %dma_wait3A_1178] : memref<2x2560x125xi32, #tpu.memory_space<hbm>> -> memref<1x1x125xi32, #tpu.memory_space<hbm>>
      %dma_wait3A_1180 = tpu.memref_squeeze %dma_wait3A_1179 : memref<1x1x125xi32, #tpu.memory_space<hbm>> -> memref<125xi32, #tpu.memory_space<hbm>>
      %dma_wait3A_1181 = arith.constant 0 : i32
      %dma_wait3A_1182 = tpu.memref_slice %arg8[%dma_wait3A_1174, %dma_wait3A_1181] : memref<2x125xi32, #tpu.memory_space<vmem>> -> memref<1x125xi32, #tpu.memory_space<vmem>>
      %dma_wait3A_1183 = tpu.memref_squeeze %dma_wait3A_1182 : memref<1x125xi32, #tpu.memory_space<vmem>> -> memref<125xi32, #tpu.memory_space<vmem>>
      %dma_wait3A_1184 = arith.constant 0 : i32
      %dma_wait3A_1185 = tpu.memref_slice %arg3[%dma_wait3A_1173, %add3A_1158, %dma_wait3A_1184] : memref<2x2560x125xi32, #tpu.memory_space<hbm>> -> memref<1x1x125xi32, #tpu.memory_space<hbm>>
      %dma_wait3A_1186 = tpu.memref_squeeze %dma_wait3A_1185 : memref<1x1x125xi32, #tpu.memory_space<hbm>> -> memref<125xi32, #tpu.memory_space<hbm>>
      tpu.wait_dma2 semaphore(%arg17 : memref<!tpu.dma_semaphore, #tpu.memory_space<semaphore_mem>>) src(%dma_wait3A_1186 : memref<125xi32, #tpu.memory_space<hbm>>) dst(%dma_wait3A_1183 : memref<125xi32, #tpu.memory_space<vmem>>)
      %dma_start3A_1187 = arith.constant 0 : i32
      %dma_start3A_1188 = arith.constant 0 : i32
      %dma_start3A_1189 = tpu.memref_slice %arg8[%dma_start3A_1187, %dma_start3A_1188] : memref<2x125xi32, #tpu.memory_space<vmem>> -> memref<1x125xi32, #tpu.memory_space<vmem>>
      %dma_start3A_1190 = tpu.memref_squeeze %dma_start3A_1189 : memref<1x125xi32, #tpu.memory_space<vmem>> -> memref<125xi32, #tpu.memory_space<vmem>>
      %dma_start3A_1191 = arith.constant 0 : i32
      %dma_start3A_1192 = arith.constant 0 : i32
      %dma_start3A_1193 = tpu.memref_slice %arg2[%dma_start3A_1191, %dma_start3A_1192] : memref<10000x128xf32, #tpu.memory_space<hbm>> -> memref<10000x128xf32, #tpu.memory_space<hbm>>
      tpu.enqueue_indirect_dma source(%dma_start3A_1193 : memref<10000x128xf32, #tpu.memory_space<hbm>>) target(%arg12 : memref<125x128xf32, #tpu.memory_space<vmem>>) offsets(%dma_start3A_1190 : memref<125xi32, #tpu.memory_space<vmem>>) semaphore(%arg23 : memref<!tpu.dma_semaphore, #tpu.memory_space<semaphore_mem>>)
      %add3A_1194 = arith.constant 3 : i32
      %add3A_1195 = arith.addi %add3A_1149, %add3A_1194 : i32
      %dma_start3A_1196 = arith.constant 0 : i32
      %dma_start3A_1197 = arith.constant 0 : i32
      %dma_start3A_1198 = arith.constant 0 : i32
      %dma_start3A_1199 = tpu.memref_slice %arg10[%dma_start3A_1197, %dma_start3A_1198] : memref<2x125xi32, #tpu.memory_space<vmem>> -> memref<1x125xi32, #tpu.memory_space<vmem>>
      %dma_start3A_1200 = tpu.memref_squeeze %dma_start3A_1199 : memref<1x125xi32, #tpu.memory_space<vmem>> -> memref<125xi32, #tpu.memory_space<vmem>>
      %dma_start3A_1201 = arith.constant 0 : i32
      %dma_start3A_1202 = tpu.memref_slice %arg3[%dma_start3A_1196, %add3A_1195, %dma_start3A_1201] : memref<2x2560x125xi32, #tpu.memory_space<hbm>> -> memref<1x1x125xi32, #tpu.memory_space<hbm>>
      %dma_start3A_1203 = tpu.memref_squeeze %dma_start3A_1202 : memref<1x1x125xi32, #tpu.memory_space<hbm>> -> memref<125xi32, #tpu.memory_space<hbm>>
      %dma_start3A_1204 = arith.constant 0 : i32
      %dma_start3A_1205 = tpu.memref_slice %arg10[%dma_start3A_1197, %dma_start3A_1204] : memref<2x125xi32, #tpu.memory_space<vmem>> -> memref<1x125xi32, #tpu.memory_space<vmem>>
      %dma_start3A_1206 = tpu.memref_squeeze %dma_start3A_1205 : memref<1x125xi32, #tpu.memory_space<vmem>> -> memref<125xi32, #tpu.memory_space<vmem>>
      %dma_start3A_1207 = arith.constant 0 : i32
      %dma_start3A_1208 = tpu.memref_slice %arg3[%dma_start3A_1196, %add3A_1195, %dma_start3A_1207] : memref<2x2560x125xi32, #tpu.memory_space<hbm>> -> memref<1x1x125xi32, #tpu.memory_space<hbm>>
      %dma_start3A_1209 = tpu.memref_squeeze %dma_start3A_1208 : memref<1x1x125xi32, #tpu.memory_space<hbm>> -> memref<125xi32, #tpu.memory_space<hbm>>
      tpu.enqueue_dma source(%dma_start3A_1209 : memref<125xi32, #tpu.memory_space<hbm>>) target(%dma_start3A_1206 : memref<125xi32, #tpu.memory_space<vmem>>) target_semaphore(%arg20 : memref<!tpu.dma_semaphore, #tpu.memory_space<semaphore_mem>>)
      %dma_start3A_1210 = arith.constant 1 : i32
      %dma_start3A_1211 = arith.constant 1 : i32
      %dma_start3A_1212 = arith.constant 0 : i32
      %dma_start3A_1213 = tpu.memref_slice %arg10[%dma_start3A_1211, %dma_start3A_1212] : memref<2x125xi32, #tpu.memory_space<vmem>> -> memref<1x125xi32, #tpu.memory_space<vmem>>
      %dma_start3A_1214 = tpu.memref_squeeze %dma_start3A_1213 : memref<1x125xi32, #tpu.memory_space<vmem>> -> memref<125xi32, #tpu.memory_space<vmem>>
      %dma_start3A_1215 = arith.constant 0 : i32
      %dma_start3A_1216 = tpu.memref_slice %arg3[%dma_start3A_1210, %add3A_1195, %dma_start3A_1215] : memref<2x2560x125xi32, #tpu.memory_space<hbm>> -> memref<1x1x125xi32, #tpu.memory_space<hbm>>
      %dma_start3A_1217 = tpu.memref_squeeze %dma_start3A_1216 : memref<1x1x125xi32, #tpu.memory_space<hbm>> -> memref<125xi32, #tpu.memory_space<hbm>>
      %dma_start3A_1218 = arith.constant 0 : i32
      %dma_start3A_1219 = tpu.memref_slice %arg10[%dma_start3A_1211, %dma_start3A_1218] : memref<2x125xi32, #tpu.memory_space<vmem>> -> memref<1x125xi32, #tpu.memory_space<vmem>>
      %dma_start3A_1220 = tpu.memref_squeeze %dma_start3A_1219 : memref<1x125xi32, #tpu.memory_space<vmem>> -> memref<125xi32, #tpu.memory_space<vmem>>
      %dma_start3A_1221 = arith.constant 0 : i32
      %dma_start3A_1222 = tpu.memref_slice %arg3[%dma_start3A_1210, %add3A_1195, %dma_start3A_1221] : memref<2x2560x125xi32, #tpu.memory_space<hbm>> -> memref<1x1x125xi32, #tpu.memory_space<hbm>>
      %dma_start3A_1223 = tpu.memref_squeeze %dma_start3A_1222 : memref<1x1x125xi32, #tpu.memory_space<hbm>> -> memref<125xi32, #tpu.memory_space<hbm>>
      tpu.enqueue_dma source(%dma_start3A_1223 : memref<125xi32, #tpu.memory_space<hbm>>) target(%dma_start3A_1220 : memref<125xi32, #tpu.memory_space<vmem>>) target_semaphore(%arg21 : memref<!tpu.dma_semaphore, #tpu.memory_space<semaphore_mem>>)
      %run_scoped3A = arith.constant 1 : i32
      "tpu.region"() ({
        %run_scoped3A_1353 = tpu.sem_alloc : memref<!tpu.dma_semaphore, #tpu.memory_space<semaphore_mem>>
        %dma_start3A_1354 = arith.constant 0 : i32
        %dma_start3A_1355 = tpu.memref_slice %arg7[%run_scoped3A, %dma_start3A_1354] : memref<2x125xi32, #tpu.memory_space<vmem>> -> memref<1x125xi32, #tpu.memory_space<vmem>>
        %dma_start3A_1356 = tpu.memref_squeeze %dma_start3A_1355 : memref<1x125xi32, #tpu.memory_space<vmem>> -> memref<125xi32, #tpu.memory_space<vmem>>
        %dma_start3A_1357 = arith.constant 0 : i32
        %dma_start3A_1358 = arith.constant 0 : i32
        %dma_start3A_1359 = tpu.memref_slice %arg6[%dma_start3A_1357, %dma_start3A_1358] : memref<10240x128xf32, #tpu.memory_space<vmem_shared>> -> memref<10240x128xf32, #tpu.memory_space<vmem_shared>>
        tpu.enqueue_indirect_dma source(%arg11 : memref<125x128xf32, #tpu.memory_space<vmem>>) target(%dma_start3A_1359 : memref<10240x128xf32, #tpu.memory_space<vmem_shared>>) offsets(%dma_start3A_1356 : memref<125xi32, #tpu.memory_space<vmem>>) semaphore(%run_scoped3A_1353 : memref<!tpu.dma_semaphore, #tpu.memory_space<semaphore_mem>>) {add = true}
        %dma_wait3A_1360 = arith.constant 0 : i32
        %dma_wait3A_1361 = tpu.memref_slice %arg7[%run_scoped3A, %dma_wait3A_1360] : memref<2x125xi32, #tpu.memory_space<vmem>> -> memref<1x125xi32, #tpu.memory_space<vmem>>
        %dma_wait3A_1362 = tpu.memref_squeeze %dma_wait3A_1361 : memref<1x125xi32, #tpu.memory_space<vmem>> -> memref<125xi32, #tpu.memory_space<vmem>>
        %dma_wait3A_1363 = arith.constant 0 : i32
        %dma_wait3A_1364 = arith.constant 0 : i32
        %dma_wait3A_1365 = tpu.memref_slice %arg6[%dma_wait3A_1363, %dma_wait3A_1364] : memref<10240x128xf32, #tpu.memory_space<vmem_shared>> -> memref<10240x128xf32, #tpu.memory_space<vmem_shared>>
        tpu.wait_indirect_dma semaphore(%run_scoped3A_1353 : memref<!tpu.dma_semaphore, #tpu.memory_space<semaphore_mem>>) src(%arg11 : memref<125x128xf32, #tpu.memory_space<vmem>>) dst(%dma_wait3A_1365 : memref<10240x128xf32, #tpu.memory_space<vmem_shared>>)
        tpu.yield
      }) : () -> ()
      %run_scoped3A_1224 = arith.constant 1 : i32
      "tpu.region"() ({
        %run_scoped3A_1353 = tpu.sem_alloc : memref<!tpu.dma_semaphore, #tpu.memory_space<semaphore_mem>>
        %dma_start3A_1354 = arith.constant 0 : i32
        %dma_start3A_1355 = tpu.memref_slice %arg7[%run_scoped3A_1224, %dma_start3A_1354] : memref<2x125xi32, #tpu.memory_space<vmem>> -> memref<1x125xi32, #tpu.memory_space<vmem>>
        %dma_start3A_1356 = tpu.memref_squeeze %dma_start3A_1355 : memref<1x125xi32, #tpu.memory_space<vmem>> -> memref<125xi32, #tpu.memory_space<vmem>>
        %dma_start3A_1357 = arith.constant 0 : i32
        %dma_start3A_1358 = arith.constant 0 : i32
        %dma_start3A_1359 = tpu.memref_slice %arg24[%dma_start3A_1357, %dma_start3A_1358] : memref<10240x16xf32, #tpu.memory_space<vmem_shared>> -> memref<10240x16xf32, #tpu.memory_space<vmem_shared>>
        tpu.enqueue_indirect_dma source(%arg25 : memref<125x16xf32, #tpu.memory_space<vmem>>) target(%dma_start3A_1359 : memref<10240x16xf32, #tpu.memory_space<vmem_shared>>) offsets(%dma_start3A_1356 : memref<125xi32, #tpu.memory_space<vmem>>) semaphore(%run_scoped3A_1353 : memref<!tpu.dma_semaphore, #tpu.memory_space<semaphore_mem>>) {add = true}
        %dma_wait3A_1360 = arith.constant 0 : i32
        %dma_wait3A_1361 = tpu.memref_slice %arg7[%run_scoped3A_1224, %dma_wait3A_1360] : memref<2x125xi32, #tpu.memory_space<vmem>> -> memref<1x125xi32, #tpu.memory_space<vmem>>
        %dma_wait3A_1362 = tpu.memref_squeeze %dma_wait3A_1361 : memref<1x125xi32, #tpu.memory_space<vmem>> -> memref<125xi32, #tpu.memory_space<vmem>>
        %dma_wait3A_1363 = arith.constant 0 : i32
        %dma_wait3A_1364 = arith.constant 0 : i32
        %dma_wait3A_1365 = tpu.memref_slice %arg24[%dma_wait3A_1363, %dma_wait3A_1364] : memref<10240x16xf32, #tpu.memory_space<vmem_shared>> -> memref<10240x16xf32, #tpu.memory_space<vmem_shared>>
        tpu.wait_indirect_dma semaphore(%run_scoped3A_1353 : memref<!tpu.dma_semaphore, #tpu.memory_space<semaphore_mem>>) src(%arg25 : memref<125x16xf32, #tpu.memory_space<vmem>>) dst(%dma_wait3A_1365 : memref<10240x16xf32, #tpu.memory_space<vmem_shared>>)
        tpu.yield
      }) : () -> ()
      %add3A_1225 = arith.constant 1 : i32
      %add3A_1226 = arith.addi %mul3A_1146, %add3A_1225 : i32
      %add3A_1227 = arith.addi %mul3A_985, %add3A_1226 : i32
      %dma_wait3A_1228 = arith.constant 0 : i32
      %dma_wait3A_1229 = arith.constant 0 : i32
      %dma_wait3A_1230 = tpu.memref_slice %arg8[%dma_wait3A_1228, %dma_wait3A_1229] : memref<2x125xi32, #tpu.memory_space<vmem>> -> memref<1x125xi32, #tpu.memory_space<vmem>>
      %dma_wait3A_1231 = tpu.memref_squeeze %dma_wait3A_1230 : memref<1x125xi32, #tpu.memory_space<vmem>> -> memref<125xi32, #tpu.memory_space<vmem>>
      %dma_wait3A_1232 = arith.constant 0 : i32
      %dma_wait3A_1233 = arith.constant 0 : i32
      %dma_wait3A_1234 = tpu.memref_slice %arg2[%dma_wait3A_1232, %dma_wait3A_1233] : memref<10000x128xf32, #tpu.memory_space<hbm>> -> memref<10000x128xf32, #tpu.memory_space<hbm>>
      tpu.wait_indirect_dma semaphore(%arg23 : memref<!tpu.dma_semaphore, #tpu.memory_space<semaphore_mem>>) src(%dma_wait3A_1234 : memref<10000x128xf32, #tpu.memory_space<hbm>>) dst(%arg12 : memref<125x128xf32, #tpu.memory_space<vmem>>)
      %add3A_1235 = arith.constant 1 : i32
      %add3A_1236 = arith.addi %add3A_1227, %add3A_1235 : i32
      %dma_wait3A_1237 = arith.constant 0 : i32
      %dma_wait3A_1238 = arith.constant 0 : i32
      %dma_wait3A_1239 = arith.constant 0 : i32
      %dma_wait3A_1240 = tpu.memref_slice %arg9[%dma_wait3A_1238, %dma_wait3A_1239] : memref<2x125xi32, #tpu.memory_space<vmem>> -> memref<1x125xi32, #tpu.memory_space<vmem>>
      %dma_wait3A_1241 = tpu.memref_squeeze %dma_wait3A_1240 : memref<1x125xi32, #tpu.memory_space<vmem>> -> memref<125xi32, #tpu.memory_space<vmem>>
      %dma_wait3A_1242 = arith.constant 0 : i32
      %dma_wait3A_1243 = tpu.memref_slice %arg3[%dma_wait3A_1237, %add3A_1236, %dma_wait3A_1242] : memref<2x2560x125xi32, #tpu.memory_space<hbm>> -> memref<1x1x125xi32, #tpu.memory_space<hbm>>
      %dma_wait3A_1244 = tpu.memref_squeeze %dma_wait3A_1243 : memref<1x1x125xi32, #tpu.memory_space<hbm>> -> memref<125xi32, #tpu.memory_space<hbm>>
      %dma_wait3A_1245 = arith.constant 0 : i32
      %dma_wait3A_1246 = tpu.memref_slice %arg9[%dma_wait3A_1238, %dma_wait3A_1245] : memref<2x125xi32, #tpu.memory_space<vmem>> -> memref<1x125xi32, #tpu.memory_space<vmem>>
      %dma_wait3A_1247 = tpu.memref_squeeze %dma_wait3A_1246 : memref<1x125xi32, #tpu.memory_space<vmem>> -> memref<125xi32, #tpu.memory_space<vmem>>
      %dma_wait3A_1248 = arith.constant 0 : i32
      %dma_wait3A_1249 = tpu.memref_slice %arg3[%dma_wait3A_1237, %add3A_1236, %dma_wait3A_1248] : memref<2x2560x125xi32, #tpu.memory_space<hbm>> -> memref<1x1x125xi32, #tpu.memory_space<hbm>>
      %dma_wait3A_1250 = tpu.memref_squeeze %dma_wait3A_1249 : memref<1x1x125xi32, #tpu.memory_space<hbm>> -> memref<125xi32, #tpu.memory_space<hbm>>
      tpu.wait_dma2 semaphore(%arg18 : memref<!tpu.dma_semaphore, #tpu.memory_space<semaphore_mem>>) src(%dma_wait3A_1250 : memref<125xi32, #tpu.memory_space<hbm>>) dst(%dma_wait3A_1247 : memref<125xi32, #tpu.memory_space<vmem>>)
      %dma_wait3A_1251 = arith.constant 1 : i32
      %dma_wait3A_1252 = arith.constant 1 : i32
      %dma_wait3A_1253 = arith.constant 0 : i32
      %dma_wait3A_1254 = tpu.memref_slice %arg9[%dma_wait3A_1252, %dma_wait3A_1253] : memref<2x125xi32, #tpu.memory_space<vmem>> -> memref<1x125xi32, #tpu.memory_space<vmem>>
      %dma_wait3A_1255 = tpu.memref_squeeze %dma_wait3A_1254 : memref<1x125xi32, #tpu.memory_space<vmem>> -> memref<125xi32, #tpu.memory_space<vmem>>
      %dma_wait3A_1256 = arith.constant 0 : i32
      %dma_wait3A_1257 = tpu.memref_slice %arg3[%dma_wait3A_1251, %add3A_1236, %dma_wait3A_1256] : memref<2x2560x125xi32, #tpu.memory_space<hbm>> -> memref<1x1x125xi32, #tpu.memory_space<hbm>>
      %dma_wait3A_1258 = tpu.memref_squeeze %dma_wait3A_1257 : memref<1x1x125xi32, #tpu.memory_space<hbm>> -> memref<125xi32, #tpu.memory_space<hbm>>
      %dma_wait3A_1259 = arith.constant 0 : i32
      %dma_wait3A_1260 = tpu.memref_slice %arg9[%dma_wait3A_1252, %dma_wait3A_1259] : memref<2x125xi32, #tpu.memory_space<vmem>> -> memref<1x125xi32, #tpu.memory_space<vmem>>
      %dma_wait3A_1261 = tpu.memref_squeeze %dma_wait3A_1260 : memref<1x125xi32, #tpu.memory_space<vmem>> -> memref<125xi32, #tpu.memory_space<vmem>>
      %dma_wait3A_1262 = arith.constant 0 : i32
      %dma_wait3A_1263 = tpu.memref_slice %arg3[%dma_wait3A_1251, %add3A_1236, %dma_wait3A_1262] : memref<2x2560x125xi32, #tpu.memory_space<hbm>> -> memref<1x1x125xi32, #tpu.memory_space<hbm>>
      %dma_wait3A_1264 = tpu.memref_squeeze %dma_wait3A_1263 : memref<1x1x125xi32, #tpu.memory_space<hbm>> -> memref<125xi32, #tpu.memory_space<hbm>>
      tpu.wait_dma2 semaphore(%arg19 : memref<!tpu.dma_semaphore, #tpu.memory_space<semaphore_mem>>) src(%dma_wait3A_1264 : memref<125xi32, #tpu.memory_space<hbm>>) dst(%dma_wait3A_1261 : memref<125xi32, #tpu.memory_space<vmem>>)
      %dma_start3A_1265 = arith.constant 0 : i32
      %dma_start3A_1266 = arith.constant 0 : i32
      %dma_start3A_1267 = tpu.memref_slice %arg9[%dma_start3A_1265, %dma_start3A_1266] : memref<2x125xi32, #tpu.memory_space<vmem>> -> memref<1x125xi32, #tpu.memory_space<vmem>>
      %dma_start3A_1268 = tpu.memref_squeeze %dma_start3A_1267 : memref<1x125xi32, #tpu.memory_space<vmem>> -> memref<125xi32, #tpu.memory_space<vmem>>
      %dma_start3A_1269 = arith.constant 0 : i32
      %dma_start3A_1270 = arith.constant 0 : i32
      %dma_start3A_1271 = tpu.memref_slice %arg2[%dma_start3A_1269, %dma_start3A_1270] : memref<10000x128xf32, #tpu.memory_space<hbm>> -> memref<10000x128xf32, #tpu.memory_space<hbm>>
      tpu.enqueue_indirect_dma source(%dma_start3A_1271 : memref<10000x128xf32, #tpu.memory_space<hbm>>) target(%arg11 : memref<125x128xf32, #tpu.memory_space<vmem>>) offsets(%dma_start3A_1268 : memref<125xi32, #tpu.memory_space<vmem>>) semaphore(%arg22 : memref<!tpu.dma_semaphore, #tpu.memory_space<semaphore_mem>>)
      %lt3A = arith.constant 19 : i32
      %lt3A_1272 = arith.cmpi slt, %scan3A_1143, %lt3A : i32
      %convert_element_type3A = arith.extui %lt3A_1272 : i1 to i32
      %cond3A = arith.constant 0 : i32
      %cond3A_1273 = arith.cmpi ne, %convert_element_type3A, %cond3A : i32
      scf.if %cond3A_1273 {
        %add3A_1353 = arith.constant 3 : i32
        %add3A_1354 = arith.addi %add3A_1227, %add3A_1353 : i32
        %dma_start3A_1355 = arith.constant 0 : i32
        %dma_start3A_1356 = arith.constant 0 : i32
        %dma_start3A_1357 = arith.constant 0 : i32
        %dma_start3A_1358 = tpu.memref_slice %arg7[%dma_start3A_1356, %dma_start3A_1357] : memref<2x125xi32, #tpu.memory_space<vmem>> -> memref<1x125xi32, #tpu.memory_space<vmem>>
        %dma_start3A_1359 = tpu.memref_squeeze %dma_start3A_1358 : memref<1x125xi32, #tpu.memory_space<vmem>> -> memref<125xi32, #tpu.memory_space<vmem>>
        %dma_start3A_1360 = arith.constant 0 : i32
        %dma_start3A_1361 = tpu.memref_slice %arg3[%dma_start3A_1355, %add3A_1354, %dma_start3A_1360] : memref<2x2560x125xi32, #tpu.memory_space<hbm>> -> memref<1x1x125xi32, #tpu.memory_space<hbm>>
        %dma_start3A_1362 = tpu.memref_squeeze %dma_start3A_1361 : memref<1x1x125xi32, #tpu.memory_space<hbm>> -> memref<125xi32, #tpu.memory_space<hbm>>
        %dma_start3A_1363 = arith.constant 0 : i32
        %dma_start3A_1364 = tpu.memref_slice %arg7[%dma_start3A_1356, %dma_start3A_1363] : memref<2x125xi32, #tpu.memory_space<vmem>> -> memref<1x125xi32, #tpu.memory_space<vmem>>
        %dma_start3A_1365 = tpu.memref_squeeze %dma_start3A_1364 : memref<1x125xi32, #tpu.memory_space<vmem>> -> memref<125xi32, #tpu.memory_space<vmem>>
        %dma_start3A_1366 = arith.constant 0 : i32
        %dma_start3A_1367 = tpu.memref_slice %arg3[%dma_start3A_1355, %add3A_1354, %dma_start3A_1366] : memref<2x2560x125xi32, #tpu.memory_space<hbm>> -> memref<1x1x125xi32, #tpu.memory_space<hbm>>
        %dma_start3A_1368 = tpu.memref_squeeze %dma_start3A_1367 : memref<1x1x125xi32, #tpu.memory_space<hbm>> -> memref<125xi32, #tpu.memory_space<hbm>>
        tpu.enqueue_dma source(%dma_start3A_1368 : memref<125xi32, #tpu.memory_space<hbm>>) target(%dma_start3A_1365 : memref<125xi32, #tpu.memory_space<vmem>>) target_semaphore(%arg14 : memref<!tpu.dma_semaphore, #tpu.memory_space<semaphore_mem>>)
        %dma_start3A_1369 = arith.constant 1 : i32
        %dma_start3A_1370 = arith.constant 1 : i32
        %dma_start3A_1371 = arith.constant 0 : i32
        %dma_start3A_1372 = tpu.memref_slice %arg7[%dma_start3A_1370, %dma_start3A_1371] : memref<2x125xi32, #tpu.memory_space<vmem>> -> memref<1x125xi32, #tpu.memory_space<vmem>>
        %dma_start3A_1373 = tpu.memref_squeeze %dma_start3A_1372 : memref<1x125xi32, #tpu.memory_space<vmem>> -> memref<125xi32, #tpu.memory_space<vmem>>
        %dma_start3A_1374 = arith.constant 0 : i32
        %dma_start3A_1375 = tpu.memref_slice %arg3[%dma_start3A_1369, %add3A_1354, %dma_start3A_1374] : memref<2x2560x125xi32, #tpu.memory_space<hbm>> -> memref<1x1x125xi32, #tpu.memory_space<hbm>>
        %dma_start3A_1376 = tpu.memref_squeeze %dma_start3A_1375 : memref<1x1x125xi32, #tpu.memory_space<hbm>> -> memref<125xi32, #tpu.memory_space<hbm>>
        %dma_start3A_1377 = arith.constant 0 : i32
        %dma_start3A_1378 = tpu.memref_slice %arg7[%dma_start3A_1370, %dma_start3A_1377] : memref<2x125xi32, #tpu.memory_space<vmem>> -> memref<1x125xi32, #tpu.memory_space<vmem>>
        %dma_start3A_1379 = tpu.memref_squeeze %dma_start3A_1378 : memref<1x125xi32, #tpu.memory_space<vmem>> -> memref<125xi32, #tpu.memory_space<vmem>>
        %dma_start3A_1380 = arith.constant 0 : i32
        %dma_start3A_1381 = tpu.memref_slice %arg3[%dma_start3A_1369, %add3A_1354, %dma_start3A_1380] : memref<2x2560x125xi32, #tpu.memory_space<hbm>> -> memref<1x1x125xi32, #tpu.memory_space<hbm>>
        %dma_start3A_1382 = tpu.memref_squeeze %dma_start3A_1381 : memref<1x1x125xi32, #tpu.memory_space<hbm>> -> memref<125xi32, #tpu.memory_space<hbm>>
        tpu.enqueue_dma source(%dma_start3A_1382 : memref<125xi32, #tpu.memory_space<hbm>>) target(%dma_start3A_1379 : memref<125xi32, #tpu.memory_space<vmem>>) target_semaphore(%arg15 : memref<!tpu.dma_semaphore, #tpu.memory_space<semaphore_mem>>)
      } else {
      }
      %run_scoped3A_1274 = arith.constant 1 : i32
      "tpu.region"() ({
        %run_scoped3A_1353 = tpu.sem_alloc : memref<!tpu.dma_semaphore, #tpu.memory_space<semaphore_mem>>
        %dma_start3A_1354 = arith.constant 0 : i32
        %dma_start3A_1355 = tpu.memref_slice %arg8[%run_scoped3A_1274, %dma_start3A_1354] : memref<2x125xi32, #tpu.memory_space<vmem>> -> memref<1x125xi32, #tpu.memory_space<vmem>>
        %dma_start3A_1356 = tpu.memref_squeeze %dma_start3A_1355 : memref<1x125xi32, #tpu.memory_space<vmem>> -> memref<125xi32, #tpu.memory_space<vmem>>
        %dma_start3A_1357 = arith.constant 0 : i32
        %dma_start3A_1358 = arith.constant 0 : i32
        %dma_start3A_1359 = tpu.memref_slice %arg6[%dma_start3A_1357, %dma_start3A_1358] : memref<10240x128xf32, #tpu.memory_space<vmem_shared>> -> memref<10240x128xf32, #tpu.memory_space<vmem_shared>>
        tpu.enqueue_indirect_dma source(%arg12 : memref<125x128xf32, #tpu.memory_space<vmem>>) target(%dma_start3A_1359 : memref<10240x128xf32, #tpu.memory_space<vmem_shared>>) offsets(%dma_start3A_1356 : memref<125xi32, #tpu.memory_space<vmem>>) semaphore(%run_scoped3A_1353 : memref<!tpu.dma_semaphore, #tpu.memory_space<semaphore_mem>>) {add = true}
        %dma_wait3A_1360 = arith.constant 0 : i32
        %dma_wait3A_1361 = tpu.memref_slice %arg8[%run_scoped3A_1274, %dma_wait3A_1360] : memref<2x125xi32, #tpu.memory_space<vmem>> -> memref<1x125xi32, #tpu.memory_space<vmem>>
        %dma_wait3A_1362 = tpu.memref_squeeze %dma_wait3A_1361 : memref<1x125xi32, #tpu.memory_space<vmem>> -> memref<125xi32, #tpu.memory_space<vmem>>
        %dma_wait3A_1363 = arith.constant 0 : i32
        %dma_wait3A_1364 = arith.constant 0 : i32
        %dma_wait3A_1365 = tpu.memref_slice %arg6[%dma_wait3A_1363, %dma_wait3A_1364] : memref<10240x128xf32, #tpu.memory_space<vmem_shared>> -> memref<10240x128xf32, #tpu.memory_space<vmem_shared>>
        tpu.wait_indirect_dma semaphore(%run_scoped3A_1353 : memref<!tpu.dma_semaphore, #tpu.memory_space<semaphore_mem>>) src(%arg12 : memref<125x128xf32, #tpu.memory_space<vmem>>) dst(%dma_wait3A_1365 : memref<10240x128xf32, #tpu.memory_space<vmem_shared>>)
        tpu.yield
      }) : () -> ()
      %run_scoped3A_1275 = arith.constant 1 : i32
      "tpu.region"() ({
        %run_scoped3A_1353 = tpu.sem_alloc : memref<!tpu.dma_semaphore, #tpu.memory_space<semaphore_mem>>
        %dma_start3A_1354 = arith.constant 0 : i32
        %dma_start3A_1355 = tpu.memref_slice %arg8[%run_scoped3A_1275, %dma_start3A_1354] : memref<2x125xi32, #tpu.memory_space<vmem>> -> memref<1x125xi32, #tpu.memory_space<vmem>>
        %dma_start3A_1356 = tpu.memref_squeeze %dma_start3A_1355 : memref<1x125xi32, #tpu.memory_space<vmem>> -> memref<125xi32, #tpu.memory_space<vmem>>
        %dma_start3A_1357 = arith.constant 0 : i32
        %dma_start3A_1358 = arith.constant 0 : i32
        %dma_start3A_1359 = tpu.memref_slice %arg24[%dma_start3A_1357, %dma_start3A_1358] : memref<10240x16xf32, #tpu.memory_space<vmem_shared>> -> memref<10240x16xf32, #tpu.memory_space<vmem_shared>>
        tpu.enqueue_indirect_dma source(%arg25 : memref<125x16xf32, #tpu.memory_space<vmem>>) target(%dma_start3A_1359 : memref<10240x16xf32, #tpu.memory_space<vmem_shared>>) offsets(%dma_start3A_1356 : memref<125xi32, #tpu.memory_space<vmem>>) semaphore(%run_scoped3A_1353 : memref<!tpu.dma_semaphore, #tpu.memory_space<semaphore_mem>>) {add = true}
        %dma_wait3A_1360 = arith.constant 0 : i32
        %dma_wait3A_1361 = tpu.memref_slice %arg8[%run_scoped3A_1275, %dma_wait3A_1360] : memref<2x125xi32, #tpu.memory_space<vmem>> -> memref<1x125xi32, #tpu.memory_space<vmem>>
        %dma_wait3A_1362 = tpu.memref_squeeze %dma_wait3A_1361 : memref<1x125xi32, #tpu.memory_space<vmem>> -> memref<125xi32, #tpu.memory_space<vmem>>
        %dma_wait3A_1363 = arith.constant 0 : i32
        %dma_wait3A_1364 = arith.constant 0 : i32
        %dma_wait3A_1365 = tpu.memref_slice %arg24[%dma_wait3A_1363, %dma_wait3A_1364] : memref<10240x16xf32, #tpu.memory_space<vmem_shared>> -> memref<10240x16xf32, #tpu.memory_space<vmem_shared>>
        tpu.wait_indirect_dma semaphore(%run_scoped3A_1353 : memref<!tpu.dma_semaphore, #tpu.memory_space<semaphore_mem>>) src(%arg25 : memref<125x16xf32, #tpu.memory_space<vmem>>) dst(%dma_wait3A_1365 : memref<10240x16xf32, #tpu.memory_space<vmem_shared>>)
        tpu.yield
      }) : () -> ()
      %add3A_1276 = arith.constant 2 : i32
      %add3A_1277 = arith.addi %mul3A_1146, %add3A_1276 : i32
      %add3A_1278 = arith.addi %mul3A_985, %add3A_1277 : i32
      %dma_wait3A_1279 = arith.constant 0 : i32
      %dma_wait3A_1280 = arith.constant 0 : i32
      %dma_wait3A_1281 = tpu.memref_slice %arg9[%dma_wait3A_1279, %dma_wait3A_1280] : memref<2x125xi32, #tpu.memory_space<vmem>> -> memref<1x125xi32, #tpu.memory_space<vmem>>
      %dma_wait3A_1282 = tpu.memref_squeeze %dma_wait3A_1281 : memref<1x125xi32, #tpu.memory_space<vmem>> -> memref<125xi32, #tpu.memory_space<vmem>>
      %dma_wait3A_1283 = arith.constant 0 : i32
      %dma_wait3A_1284 = arith.constant 0 : i32
      %dma_wait3A_1285 = tpu.memref_slice %arg2[%dma_wait3A_1283, %dma_wait3A_1284] : memref<10000x128xf32, #tpu.memory_space<hbm>> -> memref<10000x128xf32, #tpu.memory_space<hbm>>
      tpu.wait_indirect_dma semaphore(%arg22 : memref<!tpu.dma_semaphore, #tpu.memory_space<semaphore_mem>>) src(%dma_wait3A_1285 : memref<10000x128xf32, #tpu.memory_space<hbm>>) dst(%arg11 : memref<125x128xf32, #tpu.memory_space<vmem>>)
      %add3A_1286 = arith.constant 1 : i32
      %add3A_1287 = arith.addi %add3A_1278, %add3A_1286 : i32
      %dma_wait3A_1288 = arith.constant 0 : i32
      %dma_wait3A_1289 = arith.constant 0 : i32
      %dma_wait3A_1290 = arith.constant 0 : i32
      %dma_wait3A_1291 = tpu.memref_slice %arg10[%dma_wait3A_1289, %dma_wait3A_1290] : memref<2x125xi32, #tpu.memory_space<vmem>> -> memref<1x125xi32, #tpu.memory_space<vmem>>
      %dma_wait3A_1292 = tpu.memref_squeeze %dma_wait3A_1291 : memref<1x125xi32, #tpu.memory_space<vmem>> -> memref<125xi32, #tpu.memory_space<vmem>>
      %dma_wait3A_1293 = arith.constant 0 : i32
      %dma_wait3A_1294 = tpu.memref_slice %arg3[%dma_wait3A_1288, %add3A_1287, %dma_wait3A_1293] : memref<2x2560x125xi32, #tpu.memory_space<hbm>> -> memref<1x1x125xi32, #tpu.memory_space<hbm>>
      %dma_wait3A_1295 = tpu.memref_squeeze %dma_wait3A_1294 : memref<1x1x125xi32, #tpu.memory_space<hbm>> -> memref<125xi32, #tpu.memory_space<hbm>>
      %dma_wait3A_1296 = arith.constant 0 : i32
      %dma_wait3A_1297 = tpu.memref_slice %arg10[%dma_wait3A_1289, %dma_wait3A_1296] : memref<2x125xi32, #tpu.memory_space<vmem>> -> memref<1x125xi32, #tpu.memory_space<vmem>>
      %dma_wait3A_1298 = tpu.memref_squeeze %dma_wait3A_1297 : memref<1x125xi32, #tpu.memory_space<vmem>> -> memref<125xi32, #tpu.memory_space<vmem>>
      %dma_wait3A_1299 = arith.constant 0 : i32
      %dma_wait3A_1300 = tpu.memref_slice %arg3[%dma_wait3A_1288, %add3A_1287, %dma_wait3A_1299] : memref<2x2560x125xi32, #tpu.memory_space<hbm>> -> memref<1x1x125xi32, #tpu.memory_space<hbm>>
      %dma_wait3A_1301 = tpu.memref_squeeze %dma_wait3A_1300 : memref<1x1x125xi32, #tpu.memory_space<hbm>> -> memref<125xi32, #tpu.memory_space<hbm>>
      tpu.wait_dma2 semaphore(%arg20 : memref<!tpu.dma_semaphore, #tpu.memory_space<semaphore_mem>>) src(%dma_wait3A_1301 : memref<125xi32, #tpu.memory_space<hbm>>) dst(%dma_wait3A_1298 : memref<125xi32, #tpu.memory_space<vmem>>)
      %dma_wait3A_1302 = arith.constant 1 : i32
      %dma_wait3A_1303 = arith.constant 1 : i32
      %dma_wait3A_1304 = arith.constant 0 : i32
      %dma_wait3A_1305 = tpu.memref_slice %arg10[%dma_wait3A_1303, %dma_wait3A_1304] : memref<2x125xi32, #tpu.memory_space<vmem>> -> memref<1x125xi32, #tpu.memory_space<vmem>>
      %dma_wait3A_1306 = tpu.memref_squeeze %dma_wait3A_1305 : memref<1x125xi32, #tpu.memory_space<vmem>> -> memref<125xi32, #tpu.memory_space<vmem>>
      %dma_wait3A_1307 = arith.constant 0 : i32
      %dma_wait3A_1308 = tpu.memref_slice %arg3[%dma_wait3A_1302, %add3A_1287, %dma_wait3A_1307] : memref<2x2560x125xi32, #tpu.memory_space<hbm>> -> memref<1x1x125xi32, #tpu.memory_space<hbm>>
      %dma_wait3A_1309 = tpu.memref_squeeze %dma_wait3A_1308 : memref<1x1x125xi32, #tpu.memory_space<hbm>> -> memref<125xi32, #tpu.memory_space<hbm>>
      %dma_wait3A_1310 = arith.constant 0 : i32
      %dma_wait3A_1311 = tpu.memref_slice %arg10[%dma_wait3A_1303, %dma_wait3A_1310] : memref<2x125xi32, #tpu.memory_space<vmem>> -> memref<1x125xi32, #tpu.memory_space<vmem>>
      %dma_wait3A_1312 = tpu.memref_squeeze %dma_wait3A_1311 : memref<1x125xi32, #tpu.memory_space<vmem>> -> memref<125xi32, #tpu.memory_space<vmem>>
      %dma_wait3A_1313 = arith.constant 0 : i32
      %dma_wait3A_1314 = tpu.memref_slice %arg3[%dma_wait3A_1302, %add3A_1287, %dma_wait3A_1313] : memref<2x2560x125xi32, #tpu.memory_space<hbm>> -> memref<1x1x125xi32, #tpu.memory_space<hbm>>
      %dma_wait3A_1315 = tpu.memref_squeeze %dma_wait3A_1314 : memref<1x1x125xi32, #tpu.memory_space<hbm>> -> memref<125xi32, #tpu.memory_space<hbm>>
      tpu.wait_dma2 semaphore(%arg21 : memref<!tpu.dma_semaphore, #tpu.memory_space<semaphore_mem>>) src(%dma_wait3A_1315 : memref<125xi32, #tpu.memory_space<hbm>>) dst(%dma_wait3A_1312 : memref<125xi32, #tpu.memory_space<vmem>>)
      %dma_start3A_1316 = arith.constant 0 : i32
      %dma_start3A_1317 = arith.constant 0 : i32
      %dma_start3A_1318 = tpu.memref_slice %arg10[%dma_start3A_1316, %dma_start3A_1317] : memref<2x125xi32, #tpu.memory_space<vmem>> -> memref<1x125xi32, #tpu.memory_space<vmem>>
      %dma_start3A_1319 = tpu.memref_squeeze %dma_start3A_1318 : memref<1x125xi32, #tpu.memory_space<vmem>> -> memref<125xi32, #tpu.memory_space<vmem>>
      %dma_start3A_1320 = arith.constant 0 : i32
      %dma_start3A_1321 = arith.constant 0 : i32
      %dma_start3A_1322 = tpu.memref_slice %arg2[%dma_start3A_1320, %dma_start3A_1321] : memref<10000x128xf32, #tpu.memory_space<hbm>> -> memref<10000x128xf32, #tpu.memory_space<hbm>>
      tpu.enqueue_indirect_dma source(%dma_start3A_1322 : memref<10000x128xf32, #tpu.memory_space<hbm>>) target(%arg12 : memref<125x128xf32, #tpu.memory_space<vmem>>) offsets(%dma_start3A_1319 : memref<125xi32, #tpu.memory_space<vmem>>) semaphore(%arg23 : memref<!tpu.dma_semaphore, #tpu.memory_space<semaphore_mem>>)
      %lt3A_1323 = arith.constant 19 : i32
      %lt3A_1324 = arith.cmpi slt, %scan3A_1143, %lt3A_1323 : i32
      %convert_element_type3A_1325 = arith.extui %lt3A_1324 : i1 to i32
      %cond3A_1326 = arith.constant 0 : i32
      %cond3A_1327 = arith.cmpi ne, %convert_element_type3A_1325, %cond3A_1326 : i32
      scf.if %cond3A_1327 {
        %add3A_1353 = arith.constant 3 : i32
        %add3A_1354 = arith.addi %add3A_1278, %add3A_1353 : i32
        %dma_start3A_1355 = arith.constant 0 : i32
        %dma_start3A_1356 = arith.constant 0 : i32
        %dma_start3A_1357 = arith.constant 0 : i32
        %dma_start3A_1358 = tpu.memref_slice %arg8[%dma_start3A_1356, %dma_start3A_1357] : memref<2x125xi32, #tpu.memory_space<vmem>> -> memref<1x125xi32, #tpu.memory_space<vmem>>
        %dma_start3A_1359 = tpu.memref_squeeze %dma_start3A_1358 : memref<1x125xi32, #tpu.memory_space<vmem>> -> memref<125xi32, #tpu.memory_space<vmem>>
        %dma_start3A_1360 = arith.constant 0 : i32
        %dma_start3A_1361 = tpu.memref_slice %arg3[%dma_start3A_1355, %add3A_1354, %dma_start3A_1360] : memref<2x2560x125xi32, #tpu.memory_space<hbm>> -> memref<1x1x125xi32, #tpu.memory_space<hbm>>
        %dma_start3A_1362 = tpu.memref_squeeze %dma_start3A_1361 : memref<1x1x125xi32, #tpu.memory_space<hbm>> -> memref<125xi32, #tpu.memory_space<hbm>>
        %dma_start3A_1363 = arith.constant 0 : i32
        %dma_start3A_1364 = tpu.memref_slice %arg8[%dma_start3A_1356, %dma_start3A_1363] : memref<2x125xi32, #tpu.memory_space<vmem>> -> memref<1x125xi32, #tpu.memory_space<vmem>>
        %dma_start3A_1365 = tpu.memref_squeeze %dma_start3A_1364 : memref<1x125xi32, #tpu.memory_space<vmem>> -> memref<125xi32, #tpu.memory_space<vmem>>
        %dma_start3A_1366 = arith.constant 0 : i32
        %dma_start3A_1367 = tpu.memref_slice %arg3[%dma_start3A_1355, %add3A_1354, %dma_start3A_1366] : memref<2x2560x125xi32, #tpu.memory_space<hbm>> -> memref<1x1x125xi32, #tpu.memory_space<hbm>>
        %dma_start3A_1368 = tpu.memref_squeeze %dma_start3A_1367 : memref<1x1x125xi32, #tpu.memory_space<hbm>> -> memref<125xi32, #tpu.memory_space<hbm>>
        tpu.enqueue_dma source(%dma_start3A_1368 : memref<125xi32, #tpu.memory_space<hbm>>) target(%dma_start3A_1365 : memref<125xi32, #tpu.memory_space<vmem>>) target_semaphore(%arg16 : memref<!tpu.dma_semaphore, #tpu.memory_space<semaphore_mem>>)
        %dma_start3A_1369 = arith.constant 1 : i32
        %dma_start3A_1370 = arith.constant 1 : i32
        %dma_start3A_1371 = arith.constant 0 : i32
        %dma_start3A_1372 = tpu.memref_slice %arg8[%dma_start3A_1370, %dma_start3A_1371] : memref<2x125xi32, #tpu.memory_space<vmem>> -> memref<1x125xi32, #tpu.memory_space<vmem>>
        %dma_start3A_1373 = tpu.memref_squeeze %dma_start3A_1372 : memref<1x125xi32, #tpu.memory_space<vmem>> -> memref<125xi32, #tpu.memory_space<vmem>>
        %dma_start3A_1374 = arith.constant 0 : i32
        %dma_start3A_1375 = tpu.memref_slice %arg3[%dma_start3A_1369, %add3A_1354, %dma_start3A_1374] : memref<2x2560x125xi32, #tpu.memory_space<hbm>> -> memref<1x1x125xi32, #tpu.memory_space<hbm>>
        %dma_start3A_1376 = tpu.memref_squeeze %dma_start3A_1375 : memref<1x1x125xi32, #tpu.memory_space<hbm>> -> memref<125xi32, #tpu.memory_space<hbm>>
        %dma_start3A_1377 = arith.constant 0 : i32
        %dma_start3A_1378 = tpu.memref_slice %arg8[%dma_start3A_1370, %dma_start3A_1377] : memref<2x125xi32, #tpu.memory_space<vmem>> -> memref<1x125xi32, #tpu.memory_space<vmem>>
        %dma_start3A_1379 = tpu.memref_squeeze %dma_start3A_1378 : memref<1x125xi32, #tpu.memory_space<vmem>> -> memref<125xi32, #tpu.memory_space<vmem>>
        %dma_start3A_1380 = arith.constant 0 : i32
        %dma_start3A_1381 = tpu.memref_slice %arg3[%dma_start3A_1369, %add3A_1354, %dma_start3A_1380] : memref<2x2560x125xi32, #tpu.memory_space<hbm>> -> memref<1x1x125xi32, #tpu.memory_space<hbm>>
        %dma_start3A_1382 = tpu.memref_squeeze %dma_start3A_1381 : memref<1x1x125xi32, #tpu.memory_space<hbm>> -> memref<125xi32, #tpu.memory_space<hbm>>
        tpu.enqueue_dma source(%dma_start3A_1382 : memref<125xi32, #tpu.memory_space<hbm>>) target(%dma_start3A_1379 : memref<125xi32, #tpu.memory_space<vmem>>) target_semaphore(%arg17 : memref<!tpu.dma_semaphore, #tpu.memory_space<semaphore_mem>>)
      } else {
      }
      %run_scoped3A_1328 = arith.constant 1 : i32
      "tpu.region"() ({
        %run_scoped3A_1353 = tpu.sem_alloc : memref<!tpu.dma_semaphore, #tpu.memory_space<semaphore_mem>>
        %dma_start3A_1354 = arith.constant 0 : i32
        %dma_start3A_1355 = tpu.memref_slice %arg9[%run_scoped3A_1328, %dma_start3A_1354] : memref<2x125xi32, #tpu.memory_space<vmem>> -> memref<1x125xi32, #tpu.memory_space<vmem>>
        %dma_start3A_1356 = tpu.memref_squeeze %dma_start3A_1355 : memref<1x125xi32, #tpu.memory_space<vmem>> -> memref<125xi32, #tpu.memory_space<vmem>>
        %dma_start3A_1357 = arith.constant 0 : i32
        %dma_start3A_1358 = arith.constant 0 : i32
        %dma_start3A_1359 = tpu.memref_slice %arg6[%dma_start3A_1357, %dma_start3A_1358] : memref<10240x128xf32, #tpu.memory_space<vmem_shared>> -> memref<10240x128xf32, #tpu.memory_space<vmem_shared>>
        tpu.enqueue_indirect_dma source(%arg11 : memref<125x128xf32, #tpu.memory_space<vmem>>) target(%dma_start3A_1359 : memref<10240x128xf32, #tpu.memory_space<vmem_shared>>) offsets(%dma_start3A_1356 : memref<125xi32, #tpu.memory_space<vmem>>) semaphore(%run_scoped3A_1353 : memref<!tpu.dma_semaphore, #tpu.memory_space<semaphore_mem>>) {add = true}
        %dma_wait3A_1360 = arith.constant 0 : i32
        %dma_wait3A_1361 = tpu.memref_slice %arg9[%run_scoped3A_1328, %dma_wait3A_1360] : memref<2x125xi32, #tpu.memory_space<vmem>> -> memref<1x125xi32, #tpu.memory_space<vmem>>
        %dma_wait3A_1362 = tpu.memref_squeeze %dma_wait3A_1361 : memref<1x125xi32, #tpu.memory_space<vmem>> -> memref<125xi32, #tpu.memory_space<vmem>>
        %dma_wait3A_1363 = arith.constant 0 : i32
        %dma_wait3A_1364 = arith.constant 0 : i32
        %dma_wait3A_1365 = tpu.memref_slice %arg6[%dma_wait3A_1363, %dma_wait3A_1364] : memref<10240x128xf32, #tpu.memory_space<vmem_shared>> -> memref<10240x128xf32, #tpu.memory_space<vmem_shared>>
        tpu.wait_indirect_dma semaphore(%run_scoped3A_1353 : memref<!tpu.dma_semaphore, #tpu.memory_space<semaphore_mem>>) src(%arg11 : memref<125x128xf32, #tpu.memory_space<vmem>>) dst(%dma_wait3A_1365 : memref<10240x128xf32, #tpu.memory_space<vmem_shared>>)
        tpu.yield
      }) : () -> ()
      %run_scoped3A_1329 = arith.constant 1 : i32
      "tpu.region"() ({
        %run_scoped3A_1353 = tpu.sem_alloc : memref<!tpu.dma_semaphore, #tpu.memory_space<semaphore_mem>>
        %dma_start3A_1354 = arith.constant 0 : i32
        %dma_start3A_1355 = tpu.memref_slice %arg9[%run_scoped3A_1329, %dma_start3A_1354] : memref<2x125xi32, #tpu.memory_space<vmem>> -> memref<1x125xi32, #tpu.memory_space<vmem>>
        %dma_start3A_1356 = tpu.memref_squeeze %dma_start3A_1355 : memref<1x125xi32, #tpu.memory_space<vmem>> -> memref<125xi32, #tpu.memory_space<vmem>>
        %dma_start3A_1357 = arith.constant 0 : i32
        %dma_start3A_1358 = arith.constant 0 : i32
        %dma_start3A_1359 = tpu.memref_slice %arg24[%dma_start3A_1357, %dma_start3A_1358] : memref<10240x16xf32, #tpu.memory_space<vmem_shared>> -> memref<10240x16xf32, #tpu.memory_space<vmem_shared>>
        tpu.enqueue_indirect_dma source(%arg25 : memref<125x16xf32, #tpu.memory_space<vmem>>) target(%dma_start3A_1359 : memref<10240x16xf32, #tpu.memory_space<vmem_shared>>) offsets(%dma_start3A_1356 : memref<125xi32, #tpu.memory_space<vmem>>) semaphore(%run_scoped3A_1353 : memref<!tpu.dma_semaphore, #tpu.memory_space<semaphore_mem>>) {add = true}
        %dma_wait3A_1360 = arith.constant 0 : i32
        %dma_wait3A_1361 = tpu.memref_slice %arg9[%run_scoped3A_1329, %dma_wait3A_1360] : memref<2x125xi32, #tpu.memory_space<vmem>> -> memref<1x125xi32, #tpu.memory_space<vmem>>
        %dma_wait3A_1362 = tpu.memref_squeeze %dma_wait3A_1361 : memref<1x125xi32, #tpu.memory_space<vmem>> -> memref<125xi32, #tpu.memory_space<vmem>>
        %dma_wait3A_1363 = arith.constant 0 : i32
        %dma_wait3A_1364 = arith.constant 0 : i32
        %dma_wait3A_1365 = tpu.memref_slice %arg24[%dma_wait3A_1363, %dma_wait3A_1364] : memref<10240x16xf32, #tpu.memory_space<vmem_shared>> -> memref<10240x16xf32, #tpu.memory_space<vmem_shared>>
        tpu.wait_indirect_dma semaphore(%run_scoped3A_1353 : memref<!tpu.dma_semaphore, #tpu.memory_space<semaphore_mem>>) src(%arg25 : memref<125x16xf32, #tpu.memory_space<vmem>>) dst(%dma_wait3A_1365 : memref<10240x16xf32, #tpu.memory_space<vmem_shared>>)
        tpu.yield
      }) : () -> ()
      %add3A_1330 = arith.constant 3 : i32
      %add3A_1331 = arith.addi %mul3A_1146, %add3A_1330 : i32
      %add3A_1332 = arith.addi %mul3A_985, %add3A_1331 : i32
      %dma_wait3A_1333 = arith.constant 0 : i32
      %dma_wait3A_1334 = arith.constant 0 : i32
      %dma_wait3A_1335 = tpu.memref_slice %arg10[%dma_wait3A_1333, %dma_wait3A_1334] : memref<2x125xi32, #tpu.memory_space<vmem>> -> memref<1x125xi32, #tpu.memory_space<vmem>>
      %dma_wait3A_1336 = tpu.memref_squeeze %dma_wait3A_1335 : memref<1x125xi32, #tpu.memory_space<vmem>> -> memref<125xi32, #tpu.memory_space<vmem>>
      %dma_wait3A_1337 = arith.constant 0 : i32
      %dma_wait3A_1338 = arith.constant 0 : i32
      %dma_wait3A_1339 = tpu.memref_slice %arg2[%dma_wait3A_1337, %dma_wait3A_1338] : memref<10000x128xf32, #tpu.memory_space<hbm>> -> memref<10000x128xf32, #tpu.memory_space<hbm>>
      tpu.wait_indirect_dma semaphore(%arg23 : memref<!tpu.dma_semaphore, #tpu.memory_space<semaphore_mem>>) src(%dma_wait3A_1339 : memref<10000x128xf32, #tpu.memory_space<hbm>>) dst(%arg12 : memref<125x128xf32, #tpu.memory_space<vmem>>)
      %lt3A_1340 = arith.constant 19 : i32
      %lt3A_1341 = arith.cmpi slt, %scan3A_1143, %lt3A_1340 : i32
      %convert_element_type3A_1342 = arith.extui %lt3A_1341 : i1 to i32
      %cond3A_1343 = arith.constant 0 : i32
      %cond3A_1344 = arith.cmpi ne, %convert_element_type3A_1342, %cond3A_1343 : i32
      scf.if %cond3A_1344 {
        %add3A_1353 = arith.constant 1 : i32
        %add3A_1354 = arith.addi %add3A_1332, %add3A_1353 : i32
        %dma_wait3A_1355 = arith.constant 0 : i32
        %dma_wait3A_1356 = arith.constant 0 : i32
        %dma_wait3A_1357 = arith.constant 0 : i32
        %dma_wait3A_1358 = tpu.memref_slice %arg7[%dma_wait3A_1356, %dma_wait3A_1357] : memref<2x125xi32, #tpu.memory_space<vmem>> -> memref<1x125xi32, #tpu.memory_space<vmem>>
        %dma_wait3A_1359 = tpu.memref_squeeze %dma_wait3A_1358 : memref<1x125xi32, #tpu.memory_space<vmem>> -> memref<125xi32, #tpu.memory_space<vmem>>
        %dma_wait3A_1360 = arith.constant 0 : i32
        %dma_wait3A_1361 = tpu.memref_slice %arg3[%dma_wait3A_1355, %add3A_1354, %dma_wait3A_1360] : memref<2x2560x125xi32, #tpu.memory_space<hbm>> -> memref<1x1x125xi32, #tpu.memory_space<hbm>>
        %dma_wait3A_1362 = tpu.memref_squeeze %dma_wait3A_1361 : memref<1x1x125xi32, #tpu.memory_space<hbm>> -> memref<125xi32, #tpu.memory_space<hbm>>
        %dma_wait3A_1363 = arith.constant 0 : i32
        %dma_wait3A_1364 = tpu.memref_slice %arg7[%dma_wait3A_1356, %dma_wait3A_1363] : memref<2x125xi32, #tpu.memory_space<vmem>> -> memref<1x125xi32, #tpu.memory_space<vmem>>
        %dma_wait3A_1365 = tpu.memref_squeeze %dma_wait3A_1364 : memref<1x125xi32, #tpu.memory_space<vmem>> -> memref<125xi32, #tpu.memory_space<vmem>>
        %dma_wait3A_1366 = arith.constant 0 : i32
        %dma_wait3A_1367 = tpu.memref_slice %arg3[%dma_wait3A_1355, %add3A_1354, %dma_wait3A_1366] : memref<2x2560x125xi32, #tpu.memory_space<hbm>> -> memref<1x1x125xi32, #tpu.memory_space<hbm>>
        %dma_wait3A_1368 = tpu.memref_squeeze %dma_wait3A_1367 : memref<1x1x125xi32, #tpu.memory_space<hbm>> -> memref<125xi32, #tpu.memory_space<hbm>>
        tpu.wait_dma2 semaphore(%arg14 : memref<!tpu.dma_semaphore, #tpu.memory_space<semaphore_mem>>) src(%dma_wait3A_1368 : memref<125xi32, #tpu.memory_space<hbm>>) dst(%dma_wait3A_1365 : memref<125xi32, #tpu.memory_space<vmem>>)
        %dma_wait3A_1369 = arith.constant 1 : i32
        %dma_wait3A_1370 = arith.constant 1 : i32
        %dma_wait3A_1371 = arith.constant 0 : i32
        %dma_wait3A_1372 = tpu.memref_slice %arg7[%dma_wait3A_1370, %dma_wait3A_1371] : memref<2x125xi32, #tpu.memory_space<vmem>> -> memref<1x125xi32, #tpu.memory_space<vmem>>
        %dma_wait3A_1373 = tpu.memref_squeeze %dma_wait3A_1372 : memref<1x125xi32, #tpu.memory_space<vmem>> -> memref<125xi32, #tpu.memory_space<vmem>>
        %dma_wait3A_1374 = arith.constant 0 : i32
        %dma_wait3A_1375 = tpu.memref_slice %arg3[%dma_wait3A_1369, %add3A_1354, %dma_wait3A_1374] : memref<2x2560x125xi32, #tpu.memory_space<hbm>> -> memref<1x1x125xi32, #tpu.memory_space<hbm>>
        %dma_wait3A_1376 = tpu.memref_squeeze %dma_wait3A_1375 : memref<1x1x125xi32, #tpu.memory_space<hbm>> -> memref<125xi32, #tpu.memory_space<hbm>>
        %dma_wait3A_1377 = arith.constant 0 : i32
        %dma_wait3A_1378 = tpu.memref_slice %arg7[%dma_wait3A_1370, %dma_wait3A_1377] : memref<2x125xi32, #tpu.memory_space<vmem>> -> memref<1x125xi32, #tpu.memory_space<vmem>>
        %dma_wait3A_1379 = tpu.memref_squeeze %dma_wait3A_1378 : memref<1x125xi32, #tpu.memory_space<vmem>> -> memref<125xi32, #tpu.memory_space<vmem>>
        %dma_wait3A_1380 = arith.constant 0 : i32
        %dma_wait3A_1381 = tpu.memref_slice %arg3[%dma_wait3A_1369, %add3A_1354, %dma_wait3A_1380] : memref<2x2560x125xi32, #tpu.memory_space<hbm>> -> memref<1x1x125xi32, #tpu.memory_space<hbm>>
        %dma_wait3A_1382 = tpu.memref_squeeze %dma_wait3A_1381 : memref<1x1x125xi32, #tpu.memory_space<hbm>> -> memref<125xi32, #tpu.memory_space<hbm>>
        tpu.wait_dma2 semaphore(%arg15 : memref<!tpu.dma_semaphore, #tpu.memory_space<semaphore_mem>>) src(%dma_wait3A_1382 : memref<125xi32, #tpu.memory_space<hbm>>) dst(%dma_wait3A_1379 : memref<125xi32, #tpu.memory_space<vmem>>)
        %dma_start3A_1383 = arith.constant 0 : i32
        %dma_start3A_1384 = arith.constant 0 : i32
        %dma_start3A_1385 = tpu.memref_slice %arg7[%dma_start3A_1383, %dma_start3A_1384] : memref<2x125xi32, #tpu.memory_space<vmem>> -> memref<1x125xi32, #tpu.memory_space<vmem>>
        %dma_start3A_1386 = tpu.memref_squeeze %dma_start3A_1385 : memref<1x125xi32, #tpu.memory_space<vmem>> -> memref<125xi32, #tpu.memory_space<vmem>>
        %dma_start3A_1387 = arith.constant 0 : i32
        %dma_start3A_1388 = arith.constant 0 : i32
        %dma_start3A_1389 = tpu.memref_slice %arg2[%dma_start3A_1387, %dma_start3A_1388] : memref<10000x128xf32, #tpu.memory_space<hbm>> -> memref<10000x128xf32, #tpu.memory_space<hbm>>
        tpu.enqueue_indirect_dma source(%dma_start3A_1389 : memref<10000x128xf32, #tpu.memory_space<hbm>>) target(%arg11 : memref<125x128xf32, #tpu.memory_space<vmem>>) offsets(%dma_start3A_1386 : memref<125xi32, #tpu.memory_space<vmem>>) semaphore(%arg22 : memref<!tpu.dma_semaphore, #tpu.memory_space<semaphore_mem>>)
      } else {
      }
      %lt3A_1345 = arith.constant 19 : i32
      %lt3A_1346 = arith.cmpi slt, %scan3A_1143, %lt3A_1345 : i32
      %convert_element_type3A_1347 = arith.extui %lt3A_1346 : i1 to i32
      %cond3A_1348 = arith.constant 0 : i32
      %cond3A_1349 = arith.cmpi ne, %convert_element_type3A_1347, %cond3A_1348 : i32
      scf.if %cond3A_1349 {
        %add3A_1353 = arith.constant 3 : i32
        %add3A_1354 = arith.addi %add3A_1332, %add3A_1353 : i32
        %dma_start3A_1355 = arith.constant 0 : i32
        %dma_start3A_1356 = arith.constant 0 : i32
        %dma_start3A_1357 = arith.constant 0 : i32
        %dma_start3A_1358 = tpu.memref_slice %arg9[%dma_start3A_1356, %dma_start3A_1357] : memref<2x125xi32, #tpu.memory_space<vmem>> -> memref<1x125xi32, #tpu.memory_space<vmem>>
        %dma_start3A_1359 = tpu.memref_squeeze %dma_start3A_1358 : memref<1x125xi32, #tpu.memory_space<vmem>> -> memref<125xi32, #tpu.memory_space<vmem>>
        %dma_start3A_1360 = arith.constant 0 : i32
        %dma_start3A_1361 = tpu.memref_slice %arg3[%dma_start3A_1355, %add3A_1354, %dma_start3A_1360] : memref<2x2560x125xi32, #tpu.memory_space<hbm>> -> memref<1x1x125xi32, #tpu.memory_space<hbm>>
        %dma_start3A_1362 = tpu.memref_squeeze %dma_start3A_1361 : memref<1x1x125xi32, #tpu.memory_space<hbm>> -> memref<125xi32, #tpu.memory_space<hbm>>
        %dma_start3A_1363 = arith.constant 0 : i32
        %dma_start3A_1364 = tpu.memref_slice %arg9[%dma_start3A_1356, %dma_start3A_1363] : memref<2x125xi32, #tpu.memory_space<vmem>> -> memref<1x125xi32, #tpu.memory_space<vmem>>
        %dma_start3A_1365 = tpu.memref_squeeze %dma_start3A_1364 : memref<1x125xi32, #tpu.memory_space<vmem>> -> memref<125xi32, #tpu.memory_space<vmem>>
        %dma_start3A_1366 = arith.constant 0 : i32
        %dma_start3A_1367 = tpu.memref_slice %arg3[%dma_start3A_1355, %add3A_1354, %dma_start3A_1366] : memref<2x2560x125xi32, #tpu.memory_space<hbm>> -> memref<1x1x125xi32, #tpu.memory_space<hbm>>
        %dma_start3A_1368 = tpu.memref_squeeze %dma_start3A_1367 : memref<1x1x125xi32, #tpu.memory_space<hbm>> -> memref<125xi32, #tpu.memory_space<hbm>>
        tpu.enqueue_dma source(%dma_start3A_1368 : memref<125xi32, #tpu.memory_space<hbm>>) target(%dma_start3A_1365 : memref<125xi32, #tpu.memory_space<vmem>>) target_semaphore(%arg18 : memref<!tpu.dma_semaphore, #tpu.memory_space<semaphore_mem>>)
        %dma_start3A_1369 = arith.constant 1 : i32
        %dma_start3A_1370 = arith.constant 1 : i32
        %dma_start3A_1371 = arith.constant 0 : i32
        %dma_start3A_1372 = tpu.memref_slice %arg9[%dma_start3A_1370, %dma_start3A_1371] : memref<2x125xi32, #tpu.memory_space<vmem>> -> memref<1x125xi32, #tpu.memory_space<vmem>>
        %dma_start3A_1373 = tpu.memref_squeeze %dma_start3A_1372 : memref<1x125xi32, #tpu.memory_space<vmem>> -> memref<125xi32, #tpu.memory_space<vmem>>
        %dma_start3A_1374 = arith.constant 0 : i32
        %dma_start3A_1375 = tpu.memref_slice %arg3[%dma_start3A_1369, %add3A_1354, %dma_start3A_1374] : memref<2x2560x125xi32, #tpu.memory_space<hbm>> -> memref<1x1x125xi32, #tpu.memory_space<hbm>>
        %dma_start3A_1376 = tpu.memref_squeeze %dma_start3A_1375 : memref<1x1x125xi32, #tpu.memory_space<hbm>> -> memref<125xi32, #tpu.memory_space<hbm>>
        %dma_start3A_1377 = arith.constant 0 : i32
        %dma_start3A_1378 = tpu.memref_slice %arg9[%dma_start3A_1370, %dma_start3A_1377] : memref<2x125xi32, #tpu.memory_space<vmem>> -> memref<1x125xi32, #tpu.memory_space<vmem>>
        %dma_start3A_1379 = tpu.memref_squeeze %dma_start3A_1378 : memref<1x125xi32, #tpu.memory_space<vmem>> -> memref<125xi32, #tpu.memory_space<vmem>>
        %dma_start3A_1380 = arith.constant 0 : i32
        %dma_start3A_1381 = tpu.memref_slice %arg3[%dma_start3A_1369, %add3A_1354, %dma_start3A_1380] : memref<2x2560x125xi32, #tpu.memory_space<hbm>> -> memref<1x1x125xi32, #tpu.memory_space<hbm>>
        %dma_start3A_1382 = tpu.memref_squeeze %dma_start3A_1381 : memref<1x1x125xi32, #tpu.memory_space<hbm>> -> memref<125xi32, #tpu.memory_space<hbm>>
        tpu.enqueue_dma source(%dma_start3A_1382 : memref<125xi32, #tpu.memory_space<hbm>>) target(%dma_start3A_1379 : memref<125xi32, #tpu.memory_space<vmem>>) target_semaphore(%arg19 : memref<!tpu.dma_semaphore, #tpu.memory_space<semaphore_mem>>)
      } else {
      }
      %run_scoped3A_1350 = arith.constant 1 : i32
      "tpu.region"() ({
        %run_scoped3A_1353 = tpu.sem_alloc : memref<!tpu.dma_semaphore, #tpu.memory_space<semaphore_mem>>
        %dma_start3A_1354 = arith.constant 0 : i32
        %dma_start3A_1355 = tpu.memref_slice %arg10[%run_scoped3A_1350, %dma_start3A_1354] : memref<2x125xi32, #tpu.memory_space<vmem>> -> memref<1x125xi32, #tpu.memory_space<vmem>>
        %dma_start3A_1356 = tpu.memref_squeeze %dma_start3A_1355 : memref<1x125xi32, #tpu.memory_space<vmem>> -> memref<125xi32, #tpu.memory_space<vmem>>
        %dma_start3A_1357 = arith.constant 0 : i32
        %dma_start3A_1358 = arith.constant 0 : i32
        %dma_start3A_1359 = tpu.memref_slice %arg6[%dma_start3A_1357, %dma_start3A_1358] : memref<10240x128xf32, #tpu.memory_space<vmem_shared>> -> memref<10240x128xf32, #tpu.memory_space<vmem_shared>>
        tpu.enqueue_indirect_dma source(%arg12 : memref<125x128xf32, #tpu.memory_space<vmem>>) target(%dma_start3A_1359 : memref<10240x128xf32, #tpu.memory_space<vmem_shared>>) offsets(%dma_start3A_1356 : memref<125xi32, #tpu.memory_space<vmem>>) semaphore(%run_scoped3A_1353 : memref<!tpu.dma_semaphore, #tpu.memory_space<semaphore_mem>>) {add = true}
        %dma_wait3A_1360 = arith.constant 0 : i32
        %dma_wait3A_1361 = tpu.memref_slice %arg10[%run_scoped3A_1350, %dma_wait3A_1360] : memref<2x125xi32, #tpu.memory_space<vmem>> -> memref<1x125xi32, #tpu.memory_space<vmem>>
        %dma_wait3A_1362 = tpu.memref_squeeze %dma_wait3A_1361 : memref<1x125xi32, #tpu.memory_space<vmem>> -> memref<125xi32, #tpu.memory_space<vmem>>
        %dma_wait3A_1363 = arith.constant 0 : i32
        %dma_wait3A_1364 = arith.constant 0 : i32
        %dma_wait3A_1365 = tpu.memref_slice %arg6[%dma_wait3A_1363, %dma_wait3A_1364] : memref<10240x128xf32, #tpu.memory_space<vmem_shared>> -> memref<10240x128xf32, #tpu.memory_space<vmem_shared>>
        tpu.wait_indirect_dma semaphore(%run_scoped3A_1353 : memref<!tpu.dma_semaphore, #tpu.memory_space<semaphore_mem>>) src(%arg12 : memref<125x128xf32, #tpu.memory_space<vmem>>) dst(%dma_wait3A_1365 : memref<10240x128xf32, #tpu.memory_space<vmem_shared>>)
        tpu.yield
      }) : () -> ()
      %run_scoped3A_1351 = arith.constant 1 : i32
      "tpu.region"() ({
        %run_scoped3A_1353 = tpu.sem_alloc : memref<!tpu.dma_semaphore, #tpu.memory_space<semaphore_mem>>
        %dma_start3A_1354 = arith.constant 0 : i32
        %dma_start3A_1355 = tpu.memref_slice %arg10[%run_scoped3A_1351, %dma_start3A_1354] : memref<2x125xi32, #tpu.memory_space<vmem>> -> memref<1x125xi32, #tpu.memory_space<vmem>>
        %dma_start3A_1356 = tpu.memref_squeeze %dma_start3A_1355 : memref<1x125xi32, #tpu.memory_space<vmem>> -> memref<125xi32, #tpu.memory_space<vmem>>
        %dma_start3A_1357 = arith.constant 0 : i32
        %dma_start3A_1358 = arith.constant 0 : i32
        %dma_start3A_1359 = tpu.memref_slice %arg24[%dma_start3A_1357, %dma_start3A_1358] : memref<10240x16xf32, #tpu.memory_space<vmem_shared>> -> memref<10240x16xf32, #tpu.memory_space<vmem_shared>>
        tpu.enqueue_indirect_dma source(%arg25 : memref<125x16xf32, #tpu.memory_space<vmem>>) target(%dma_start3A_1359 : memref<10240x16xf32, #tpu.memory_space<vmem_shared>>) offsets(%dma_start3A_1356 : memref<125xi32, #tpu.memory_space<vmem>>) semaphore(%run_scoped3A_1353 : memref<!tpu.dma_semaphore, #tpu.memory_space<semaphore_mem>>) {add = true}
        %dma_wait3A_1360 = arith.constant 0 : i32
        %dma_wait3A_1361 = tpu.memref_slice %arg10[%run_scoped3A_1351, %dma_wait3A_1360] : memref<2x125xi32, #tpu.memory_space<vmem>> -> memref<1x125xi32, #tpu.memory_space<vmem>>
        %dma_wait3A_1362 = tpu.memref_squeeze %dma_wait3A_1361 : memref<1x125xi32, #tpu.memory_space<vmem>> -> memref<125xi32, #tpu.memory_space<vmem>>
        %dma_wait3A_1363 = arith.constant 0 : i32
        %dma_wait3A_1364 = arith.constant 0 : i32
        %dma_wait3A_1365 = tpu.memref_slice %arg24[%dma_wait3A_1363, %dma_wait3A_1364] : memref<10240x16xf32, #tpu.memory_space<vmem_shared>> -> memref<10240x16xf32, #tpu.memory_space<vmem_shared>>
        tpu.wait_indirect_dma semaphore(%run_scoped3A_1353 : memref<!tpu.dma_semaphore, #tpu.memory_space<semaphore_mem>>) src(%arg25 : memref<125x16xf32, #tpu.memory_space<vmem>>) dst(%dma_wait3A_1365 : memref<10240x16xf32, #tpu.memory_space<vmem_shared>>)
        tpu.yield
      }) : () -> ()
      %scan3A_1352 = arith.constant 0 : i32
      scf.yield %scan3A_1352 : i32
    }
    %scan3A_1119 = arith.constant 20 : i32
    %barrier3A_1120 = arith.constant 0 : index
    tpu.barrier barrier_id(%barrier3A_1120)
    %mul3A_1121 = arith.constant 640 : i32
    %mul3A_1122 = arith.muli %arg1, %mul3A_1121 : i32
    %dma_start3A_1123 = arith.constant 0 : i32
    %dma_start3A_1124 = tpu.memref_slice %arg4[%arg0, %mul3A_1122, %dma_start3A_1123] : memref<2x10240x128xf32, #tpu.memory_space<hbm>> -> memref<1x640x128xf32, #tpu.memory_space<hbm>>
    %dma_start3A_1125 = tpu.memref_squeeze %dma_start3A_1124 : memref<1x640x128xf32, #tpu.memory_space<hbm>> -> memref<640x128xf32, #tpu.memory_space<hbm>>
    %dma_start3A_1126 = arith.constant 0 : i32
    %dma_start3A_1127 = tpu.memref_slice %arg6[%mul3A_1122, %dma_start3A_1126] : memref<10240x128xf32, #tpu.memory_space<vmem_shared>> -> memref<640x128xf32, #tpu.memory_space<vmem_shared>>
    tpu.enqueue_dma source(%dma_start3A_1127 : memref<640x128xf32, #tpu.memory_space<vmem_shared>>) target(%dma_start3A_1125 : memref<640x128xf32, #tpu.memory_space<hbm>>) target_semaphore(%arg22 : memref<!tpu.dma_semaphore, #tpu.memory_space<semaphore_mem>>)
    %dma_start3A_1128 = arith.constant 0 : i32
    %dma_start3A_1129 = tpu.memref_slice %arg5[%arg0, %mul3A_1122, %dma_start3A_1128] : memref<2x10240x16xf32, #tpu.memory_space<hbm>> -> memref<1x640x16xf32, #tpu.memory_space<hbm>>
    %dma_start3A_1130 = tpu.memref_squeeze %dma_start3A_1129 : memref<1x640x16xf32, #tpu.memory_space<hbm>> -> memref<640x16xf32, #tpu.memory_space<hbm>>
    %dma_start3A_1131 = arith.constant 0 : i32
    %dma_start3A_1132 = tpu.memref_slice %arg24[%mul3A_1122, %dma_start3A_1131] : memref<10240x16xf32, #tpu.memory_space<vmem_shared>> -> memref<640x16xf32, #tpu.memory_space<vmem_shared>>
    tpu.enqueue_dma source(%dma_start3A_1132 : memref<640x16xf32, #tpu.memory_space<vmem_shared>>) target(%dma_start3A_1130 : memref<640x16xf32, #tpu.memory_space<hbm>>) target_semaphore(%arg23 : memref<!tpu.dma_semaphore, #tpu.memory_space<semaphore_mem>>)
    %dma_wait3A_1133 = arith.constant 0 : i32
    %dma_wait3A_1134 = tpu.memref_slice %arg4[%arg0, %mul3A_1122, %dma_wait3A_1133] : memref<2x10240x128xf32, #tpu.memory_space<hbm>> -> memref<1x640x128xf32, #tpu.memory_space<hbm>>
    %dma_wait3A_1135 = tpu.memref_squeeze %dma_wait3A_1134 : memref<1x640x128xf32, #tpu.memory_space<hbm>> -> memref<640x128xf32, #tpu.memory_space<hbm>>
    %dma_wait3A_1136 = arith.constant 0 : i32
    %dma_wait3A_1137 = tpu.memref_slice %arg6[%mul3A_1122, %dma_wait3A_1136] : memref<10240x128xf32, #tpu.memory_space<vmem_shared>> -> memref<640x128xf32, #tpu.memory_space<vmem_shared>>
    tpu.wait_dma2 semaphore(%arg22 : memref<!tpu.dma_semaphore, #tpu.memory_space<semaphore_mem>>) src(%dma_wait3A_1137 : memref<640x128xf32, #tpu.memory_space<vmem_shared>>) dst(%dma_wait3A_1135 : memref<640x128xf32, #tpu.memory_space<hbm>>)
    %dma_wait3A_1138 = arith.constant 0 : i32
    %dma_wait3A_1139 = tpu.memref_slice %arg5[%arg0, %mul3A_1122, %dma_wait3A_1138] : memref<2x10240x16xf32, #tpu.memory_space<hbm>> -> memref<1x640x16xf32, #tpu.memory_space<hbm>>
    %dma_wait3A_1140 = tpu.memref_squeeze %dma_wait3A_1139 : memref<1x640x16xf32, #tpu.memory_space<hbm>> -> memref<640x16xf32, #tpu.memory_space<hbm>>
    %dma_wait3A_1141 = arith.constant 0 : i32
    %dma_wait3A_1142 = tpu.memref_slice %arg24[%mul3A_1122, %dma_wait3A_1141] : memref<10240x16xf32, #tpu.memory_space<vmem_shared>> -> memref<640x16xf32, #tpu.memory_space<vmem_shared>>
    tpu.wait_dma2 semaphore(%arg23 : memref<!tpu.dma_semaphore, #tpu.memory_space<semaphore_mem>>) src(%dma_wait3A_1142 : memref<640x16xf32, #tpu.memory_space<vmem_shared>>) dst(%dma_wait3A_1140 : memref<640x16xf32, #tpu.memory_space<hbm>>)
    return
  }
}

module attributes {stable_mosaic.version = 14 : i64} {
  func.func @_selfmm_body(%arg0: i32, %arg1: memref<1000x128xf32, #tpu.memory_space<vmem>>, %arg2: memref<128x128xf32, #tpu.memory_space<vmem>>, %arg3: memref<1x128xf32, #tpu.memory_space<vmem>>, %arg4: memref<1000x128xf32, #tpu.memory_space<vmem>>) attributes {dimension_semantics = [#tpu.dimension_semantics<arbitrary>], iteration_bounds = array<i64: 10>, scalar_prefetch = 0 : i64, scratch_operands = 0 : i64, tpu.core_type = #tpu.core_type<tc>, window_params = [{transform_indices = @transform_0, window_bounds = array<i64: 1000, 128>}, {pipeline_mode = #tpu.pipeline_mode<synchronous>, transform_indices = @transform_1, window_bounds = array<i64: 128, 128>}, {pipeline_mode = #tpu.pipeline_mode<synchronous>, transform_indices = @transform_2, window_bounds = array<i64: 1, 128>}, {transform_indices = @transform_3, window_bounds = array<i64: 1000, 128>}]} {
    %get3A = arith.constant 0 : index
    %get3A_0 = arith.constant 0 : index
    %get3A_1 = vector.load %arg1[%get3A, %get3A_0] : memref<1000x128xf32, #tpu.memory_space<vmem>>, vector<1000x128xf32>
    %get3A_2 = arith.constant 0 : index
    %get3A_3 = arith.constant 0 : index
    %get3A_4 = vector.load %arg2[%get3A_2, %get3A_3] : memref<128x128xf32, #tpu.memory_space<vmem>>, vector<128x128xf32>
    %dot_general3A = arith.constant dense<0.000000e+00> : vector<1000x128xf32>
    %dot_general3A_5 = tpu.matmul %get3A_1, %get3A_4, %dot_general3A {dimension_numbers = #tpu.dot_dimension_numbers<[1], [0], [0], [1], [0, 0, 1, 1], [], []>, transpose_lhs_hint = false} : vector<1000x128xf32>, vector<128x128xf32>, vector<1000x128xf32> -> vector<1000x128xf32>
    %get3A_6 = arith.constant 0 : index
    %get3A_7 = arith.constant 0 : index
    %get3A_8 = vector.load %arg3[%get3A_6, %get3A_7] : memref<1x128xf32, #tpu.memory_space<vmem>>, vector<1x128xf32>
    %add3A = vector.broadcast %get3A_8 : vector<1x128xf32> to vector<1000x128xf32>
    %add3A_9 = arith.addf %dot_general3A_5, %add3A : vector<1000x128xf32>
    %swap3A = arith.constant 0 : index
    %swap3A_10 = arith.constant 0 : index
    %swap3A_11 = vector.load %arg4[%swap3A, %swap3A_10] : memref<1000x128xf32, #tpu.memory_space<vmem>>, vector<1000x128xf32>
    tpu.vector_store %arg4[%swap3A, %swap3A_10], %add3A_9 {strides = array<i32>} : memref<1000x128xf32, #tpu.memory_space<vmem>>, vector<1000x128xf32>,
    return
  }
  func.func @transform_0(%arg0: i32) -> (i32, i32) {
    %c0_i32 = arith.constant 0 : i32
    %c0_i32_0 = arith.constant 0 : i32
    return %arg0, %c0_i32 : i32, i32
  }
  func.func @transform_1(%arg0: i32) -> (i32, i32) {
    %c0_i32 = arith.constant 0 : i32
    %c0_i32_0 = arith.constant 0 : i32
    %c0_i32_1 = arith.constant 0 : i32
    return %c0_i32, %c0_i32_0 : i32, i32
  }
  func.func @transform_2(%arg0: i32) -> (i32, i32) {
    %c0_i32 = arith.constant 0 : i32
    %c0_i32_0 = arith.constant 0 : i32
    %c0_i32_1 = arith.constant 0 : i32
    return %c0_i32, %c0_i32_0 : i32, i32
  }
  func.func @transform_3(%arg0: i32) -> (i32, i32) {
    %c0_i32 = arith.constant 0 : i32
    %c0_i32_0 = arith.constant 0 : i32
    return %arg0, %c0_i32 : i32, i32
  }
}

module attributes {stable_mosaic.version = 14 : i64} {
  func.func @_combine_body(%arg0: i32, %arg1: memref<1000x128xf32, #tpu.memory_space<vmem>>, %arg2: memref<2x1000x128xf32, #tpu.memory_space<vmem>>, %arg3: memref<2x1000x16xf32, #tpu.memory_space<vmem>>, %arg4: memref<128x128xf32, #tpu.memory_space<vmem>>, %arg5: memref<1000x128xf32, #tpu.memory_space<vmem>>) attributes {dimension_semantics = [#tpu.dimension_semantics<arbitrary>], iteration_bounds = array<i64: 10>, scalar_prefetch = 0 : i64, scratch_operands = 0 : i64, tpu.core_type = #tpu.core_type<tc>, window_params = [{transform_indices = @transform_0, window_bounds = array<i64: 1000, 128>}, {transform_indices = @transform_1, window_bounds = array<i64: 2, 1000, 128>}, {transform_indices = @transform_2, window_bounds = array<i64: 2, 1000, 16>}, {pipeline_mode = #tpu.pipeline_mode<synchronous>, transform_indices = @transform_3, window_bounds = array<i64: 128, 128>}, {transform_indices = @transform_4, window_bounds = array<i64: 1000, 128>}]} {
    %get3A = arith.constant 0 : index
    %get3A_0 = arith.constant 0 : index
    %get3A_1 = arith.constant 0 : index
    %get3A_2 = vector.load %arg2[%get3A, %get3A_0, %get3A_1] : memref<2x1000x128xf32, #tpu.memory_space<vmem>>, vector<1x1000x128xf32>
    %get3A_3 = vector.shape_cast %get3A_2 : vector<1x1000x128xf32> to vector<1000x128xf32>
    %get3A_4 = arith.constant 1 : index
    %get3A_5 = arith.constant 0 : index
    %get3A_6 = arith.constant 0 : index
    %get3A_7 = vector.load %arg2[%get3A_4, %get3A_5, %get3A_6] : memref<2x1000x128xf32, #tpu.memory_space<vmem>>, vector<1x1000x128xf32>
    %get3A_8 = vector.shape_cast %get3A_7 : vector<1x1000x128xf32> to vector<1000x128xf32>
    %add3A = arith.addf %get3A_3, %get3A_8 : vector<1000x128xf32>
    %get3A_9 = arith.constant 0 : index
    %get3A_10 = arith.constant 0 : index
    %get3A_11 = arith.constant 0 : index
    %get3A_12 = vector.load %arg3[%get3A_9, %get3A_10, %get3A_11] : memref<2x1000x16xf32, #tpu.memory_space<vmem>>, vector<1x1000x1xf32>
    %get3A_13 = vector.shape_cast %get3A_12 : vector<1x1000x1xf32> to vector<1000x1xf32>
    %get3A_14 = arith.constant 1 : index
    %get3A_15 = arith.constant 0 : index
    %get3A_16 = arith.constant 0 : index
    %get3A_17 = vector.load %arg3[%get3A_14, %get3A_15, %get3A_16] : memref<2x1000x16xf32, #tpu.memory_space<vmem>>, vector<1x1000x1xf32>
    %get3A_18 = vector.shape_cast %get3A_17 : vector<1x1000x1xf32> to vector<1000x1xf32>
    %add3A_19 = arith.addf %get3A_13, %get3A_18 : vector<1000x1xf32>
    %max3A = arith.constant 1.000000e+00 : f32
    %max3A_20 = vector.broadcast %max3A : f32 to vector<1000x1xf32>
    %max3A_21 = arith.maximumf %add3A_19, %max3A_20 : vector<1000x1xf32>
    %div3A = arith.constant 1.000000e+00 : f32
    %div3A_22 = vector.broadcast %div3A : f32 to vector<1000x1xf32>
    %div3A_23 = arith.divf %div3A_22, %max3A_21 : vector<1000x1xf32>
    %mul3A = vector.broadcast %div3A_23 : vector<1000x1xf32> to vector<1000x128xf32>
    %mul3A_24 = arith.mulf %add3A, %mul3A : vector<1000x128xf32>
    %get3A_25 = arith.constant 0 : index
    %get3A_26 = arith.constant 0 : index
    %get3A_27 = vector.load %arg1[%get3A_25, %get3A_26] : memref<1000x128xf32, #tpu.memory_space<vmem>>, vector<1000x128xf32>
    %get3A_28 = arith.constant 0 : index
    %get3A_29 = arith.constant 0 : index
    %get3A_30 = vector.load %arg4[%get3A_28, %get3A_29] : memref<128x128xf32, #tpu.memory_space<vmem>>, vector<128x128xf32>
    %dot_general3A = arith.constant dense<0.000000e+00> : vector<1000x128xf32>
    %dot_general3A_31 = tpu.matmul %mul3A_24, %get3A_30, %dot_general3A {dimension_numbers = #tpu.dot_dimension_numbers<[1], [0], [0], [1], [0, 0, 1, 1], [], []>, transpose_lhs_hint = false} : vector<1000x128xf32>, vector<128x128xf32>, vector<1000x128xf32> -> vector<1000x128xf32>
    %add3A_32 = arith.addf %get3A_27, %dot_general3A_31 : vector<1000x128xf32>
    %max3A_33 = arith.constant 0.000000e+00 : f32
    %max3A_34 = vector.broadcast %max3A_33 : f32 to vector<1000x128xf32>
    %max3A_35 = arith.maximumf %add3A_32, %max3A_34 : vector<1000x128xf32>
    %swap3A = arith.constant 0 : index
    %swap3A_36 = arith.constant 0 : index
    %swap3A_37 = vector.load %arg5[%swap3A, %swap3A_36] : memref<1000x128xf32, #tpu.memory_space<vmem>>, vector<1000x128xf32>
    tpu.vector_store %arg5[%swap3A, %swap3A_36], %max3A_35 {strides = array<i32>} : memref<1000x128xf32, #tpu.memory_space<vmem>>, vector<1000x128xf32>,
    return
  }
  func.func @transform_0(%arg0: i32) -> (i32, i32) {
    %c0_i32 = arith.constant 0 : i32
    %c0_i32_0 = arith.constant 0 : i32
    return %arg0, %c0_i32 : i32, i32
  }
  func.func @transform_1(%arg0: i32) -> (i32, i32, i32) {
    %c0_i32 = arith.constant 0 : i32
    %c0_i32_0 = arith.constant 0 : i32
    %c0_i32_1 = arith.constant 0 : i32
    return %c0_i32, %arg0, %c0_i32_0 : i32, i32, i32
  }
  func.func @transform_2(%arg0: i32) -> (i32, i32, i32) {
    %c0_i32 = arith.constant 0 : i32
    %c0_i32_0 = arith.constant 0 : i32
    %c0_i32_1 = arith.constant 0 : i32
    return %c0_i32, %arg0, %c0_i32_0 : i32, i32, i32
  }
  func.func @transform_3(%arg0: i32) -> (i32, i32) {
    %c0_i32 = arith.constant 0 : i32
    %c0_i32_0 = arith.constant 0 : i32
    %c0_i32_1 = arith.constant 0 : i32
    return %c0_i32, %c0_i32_0 : i32, i32
  }
  func.func @transform_4(%arg0: i32) -> (i32, i32) {
    %c0_i32 = arith.constant 0 : i32
    %c0_i32_0 = arith.constant 0 : i32
    return %arg0, %c0_i32 : i32, i32
  }
}

module attributes {stable_mosaic.version = 14 : i64} {
  func.func @_combine_body(%arg0: i32, %arg1: memref<1000x128xf32, #tpu.memory_space<vmem>>, %arg2: memref<2x1000x128xf32, #tpu.memory_space<vmem>>, %arg3: memref<2x1000x16xf32, #tpu.memory_space<vmem>>, %arg4: memref<128x128xf32, #tpu.memory_space<vmem>>, %arg5: memref<1000x128xf32, #tpu.memory_space<vmem>>) attributes {dimension_semantics = [#tpu.dimension_semantics<arbitrary>], iteration_bounds = array<i64: 10>, scalar_prefetch = 0 : i64, scratch_operands = 0 : i64, tpu.core_type = #tpu.core_type<tc>, window_params = [{transform_indices = @transform_0, window_bounds = array<i64: 1000, 128>}, {transform_indices = @transform_1, window_bounds = array<i64: 2, 1000, 128>}, {transform_indices = @transform_2, window_bounds = array<i64: 2, 1000, 16>}, {pipeline_mode = #tpu.pipeline_mode<synchronous>, transform_indices = @transform_3, window_bounds = array<i64: 128, 128>}, {transform_indices = @transform_4, window_bounds = array<i64: 1000, 128>}]} {
    %get3A = arith.constant 0 : index
    %get3A_0 = arith.constant 0 : index
    %get3A_1 = arith.constant 0 : index
    %get3A_2 = vector.load %arg2[%get3A, %get3A_0, %get3A_1] : memref<2x1000x128xf32, #tpu.memory_space<vmem>>, vector<1x1000x128xf32>
    %get3A_3 = vector.shape_cast %get3A_2 : vector<1x1000x128xf32> to vector<1000x128xf32>
    %get3A_4 = arith.constant 1 : index
    %get3A_5 = arith.constant 0 : index
    %get3A_6 = arith.constant 0 : index
    %get3A_7 = vector.load %arg2[%get3A_4, %get3A_5, %get3A_6] : memref<2x1000x128xf32, #tpu.memory_space<vmem>>, vector<1x1000x128xf32>
    %get3A_8 = vector.shape_cast %get3A_7 : vector<1x1000x128xf32> to vector<1000x128xf32>
    %add3A = arith.addf %get3A_3, %get3A_8 : vector<1000x128xf32>
    %get3A_9 = arith.constant 0 : index
    %get3A_10 = arith.constant 0 : index
    %get3A_11 = arith.constant 0 : index
    %get3A_12 = vector.load %arg3[%get3A_9, %get3A_10, %get3A_11] : memref<2x1000x16xf32, #tpu.memory_space<vmem>>, vector<1x1000x1xf32>
    %get3A_13 = vector.shape_cast %get3A_12 : vector<1x1000x1xf32> to vector<1000x1xf32>
    %get3A_14 = arith.constant 1 : index
    %get3A_15 = arith.constant 0 : index
    %get3A_16 = arith.constant 0 : index
    %get3A_17 = vector.load %arg3[%get3A_14, %get3A_15, %get3A_16] : memref<2x1000x16xf32, #tpu.memory_space<vmem>>, vector<1x1000x1xf32>
    %get3A_18 = vector.shape_cast %get3A_17 : vector<1x1000x1xf32> to vector<1000x1xf32>
    %add3A_19 = arith.addf %get3A_13, %get3A_18 : vector<1000x1xf32>
    %max3A = arith.constant 1.000000e+00 : f32
    %max3A_20 = vector.broadcast %max3A : f32 to vector<1000x1xf32>
    %max3A_21 = arith.maximumf %add3A_19, %max3A_20 : vector<1000x1xf32>
    %div3A = arith.constant 1.000000e+00 : f32
    %div3A_22 = vector.broadcast %div3A : f32 to vector<1000x1xf32>
    %div3A_23 = arith.divf %div3A_22, %max3A_21 : vector<1000x1xf32>
    %mul3A = vector.broadcast %div3A_23 : vector<1000x1xf32> to vector<1000x128xf32>
    %mul3A_24 = arith.mulf %add3A, %mul3A : vector<1000x128xf32>
    %get3A_25 = arith.constant 0 : index
    %get3A_26 = arith.constant 0 : index
    %get3A_27 = vector.load %arg1[%get3A_25, %get3A_26] : memref<1000x128xf32, #tpu.memory_space<vmem>>, vector<1000x128xf32>
    %get3A_28 = arith.constant 0 : index
    %get3A_29 = arith.constant 0 : index
    %get3A_30 = vector.load %arg4[%get3A_28, %get3A_29] : memref<128x128xf32, #tpu.memory_space<vmem>>, vector<128x128xf32>
    %dot_general3A = arith.constant dense<0.000000e+00> : vector<1000x128xf32>
    %dot_general3A_31 = tpu.matmul %mul3A_24, %get3A_30, %dot_general3A {dimension_numbers = #tpu.dot_dimension_numbers<[1], [0], [0], [1], [0, 0, 1, 1], [], []>, transpose_lhs_hint = false} : vector<1000x128xf32>, vector<128x128xf32>, vector<1000x128xf32> -> vector<1000x128xf32>
    %add3A_32 = arith.addf %get3A_27, %dot_general3A_31 : vector<1000x128xf32>
    %swap3A = arith.constant 0 : index
    %swap3A_33 = arith.constant 0 : index
    %swap3A_34 = vector.load %arg5[%swap3A, %swap3A_33] : memref<1000x128xf32, #tpu.memory_space<vmem>>, vector<1000x128xf32>
    tpu.vector_store %arg5[%swap3A, %swap3A_33], %add3A_32 {strides = array<i32>} : memref<1000x128xf32, #tpu.memory_space<vmem>>, vector<1000x128xf32>,
    return
  }
  func.func @transform_0(%arg0: i32) -> (i32, i32) {
    %c0_i32 = arith.constant 0 : i32
    %c0_i32_0 = arith.constant 0 : i32
    return %arg0, %c0_i32 : i32, i32
  }
  func.func @transform_1(%arg0: i32) -> (i32, i32, i32) {
    %c0_i32 = arith.constant 0 : i32
    %c0_i32_0 = arith.constant 0 : i32
    %c0_i32_1 = arith.constant 0 : i32
    return %c0_i32, %arg0, %c0_i32_0 : i32, i32, i32
  }
  func.func @transform_2(%arg0: i32) -> (i32, i32, i32) {
    %c0_i32 = arith.constant 0 : i32
    %c0_i32_0 = arith.constant 0 : i32
    %c0_i32_1 = arith.constant 0 : i32
    return %c0_i32, %arg0, %c0_i32_0 : i32, i32, i32
  }
  func.func @transform_3(%arg0: i32) -> (i32, i32) {
    %c0_i32 = arith.constant 0 : i32
    %c0_i32_0 = arith.constant 0 : i32
    %c0_i32_1 = arith.constant 0 : i32
    return %c0_i32, %c0_i32_0 : i32, i32
  }
  func.func @transform_4(%arg0: i32) -> (i32, i32) {
    %c0_i32 = arith.constant 0 : i32
    %c0_i32_0 = arith.constant 0 : i32
    return %arg0, %c0_i32 : i32, i32
  }
}

</mosaic_0001>

<sc_bundles>
// kernel: kernel.11.cloned.1.call-start
scs
__scs_entry_jumppad:
0x0: {  	(pc) =	sbr.rel $0x88, $3  }
0x1: {  	(tag) =	ssettag $0x0;
	lr =	simm.s32 $0x1  }
0x2: {  	[smem:$0x3F98] =	sst lr;
	_ =	strace $0xD0000000  }
0x3: {  	_ = 	snop  }
0x4: {  	_ = 	snop  }
0x5: {  	_ = 	snop  }
0x6: {  	_ = 	snop  }
0x7: {  	_ = 	snop  }
__scs_overlays_trampoline_lowered:
0x8: {  	[smem:$0x3FA7] =	sst s0  }
0x9: {  	[smem:$0x3FA8] =	sst s1  }
0xa: {  	[smem:$0x3FA9] =	sst s2  }
0xb: {  	[smem:$0x3FAA] =	sst s3  }
0xc: {  	[smem:$0x3FAB] =	sst s4  }
0xd: {  	[smem:$0x3FAC] =	sst s5  }
0xe: {  	[smem:$0x3FAD] =	sst s6  }
0xf: {  	[smem:$0x3FAE] =	sst s7  }
0x10: {  	[smem:$0x3FAF] =	sst s8  }
0x11: {  	[smem:$0x3FB0] =	sst s9;
	s0 =	simm.s32 @!p0 $0x0  }
0x12: {  	s1 =	sld [smem:$0x3F96];
	s0 =	simm.s32 @p0 $0x1  }
0x13: {  	[smem:$0x3FB1] =	sst s0;
	s0 =	simm.s32 @!p1 $0x0  }
0x14: {  	s2 =	sld [smem:$0x3F95];
	s0 =	simm.s32 @p1 $0x1  }
0x15: {  	[smem:$0x3FB2] =	sst s0;
	s0 =	simm.s32 @!p2 $0x0  }
0x16: {  	s3 =	sld [smem:$0x3FDB];
	s0 =	simm.s32 @p2 $0x1  }
0x17: {  	s4 =	simm.s32 $0x1BF5;
	[smem:$0x3FB4] =	sst s0  }
0x18: {  	s0 =	sld [smem:$0x3F97];
	_ =	swait.ge [sflag:s4], $0x0  }
0x19: {  	s7 =	sld [smem:$0x3F98]  }
0x1a: {  	s8 =	sadd.s32 $0xFFFFE003, lr  }
0x1b: {  	s9 =	sadd.s32 $0xFFFFFEF7, lr;
	s5 =	simm.s32 $0xFFFFFFFF;
	p2 =	slt.u32 s8, $0xFFFFF086  }
0x1c: {  	p1 =	slt.u32 s9, $0xF7A;
	s5 =	simm.s32 @!p2 $0x0  }
0x1d: {  	s5 =	simm.s32 @p1 $0x1;
	p0 =	seq.s32 s7, s2  }
0x1e: {  	s7 =	smul.u32 @!p0 $0xF7A, s2;
	p2 =	seq.s32 @!p0 s5, $0x0  }
0x1f: {  	s9 =	smul.u32 $0xF7A, s1;
	s8 =	simm.s32 @!p0 $0x1BF5;
	p2 =	por !p2, p0  }
0x20: {  	[sflag:s8] =	ssyncset.s32 @!p0 $0xFFFFF086;
	s6 =	sadd.s32 @!p0 s3, s7;
	s7 =	simm.s32 @!p0 $0x108  }
0x21: {  	s3 =	sadd.s32 s3, s9;
	s6 =	sadd.s32 @!p0 $0x88, s6;
	s7 =	simm.s32 @p2 $0x1082  }
0x22: {  	[simem:s7], [sflag:s8] =	dma.local @!p0 [hbm:s6], $0xF7A  }
0x23: {  	s9 =	sor.u32 $0xD0000000, s2;
	s6 =	simm.s32 $0x108;
	_ =	swait.ge @!p0 [sflag:s8], $0x0  }
0x24: {  	s3 =	sadd.s32 $0x88, s3;
	s6 =	simm.s32 @!p1 $0x1082;
	[sflag:s4] =	ssyncset.s32 $0xFFFFF086  }
0x25: {  	[simem:s6], [sflag:s4] =	dma.local [hbm:s3], $0xF7A  }
0x26: {  	[smem:$0x3F98] =	sst s1;
	(tag) =	ssettag s2;
	_ =	strace s9  }
0x27: {  	s1 =	sld [smem:$0x3FA8]  }
0x28: {  	s2 =	sld [smem:$0x3FA9]  }
0x29: {  	s4 =	sld [smem:$0x3FAB]  }
0x2a: {  	p0 =	seq.s32 s5, $0x0;
	s5 =	sld [smem:$0x3FAC]  }
0x2b: {  	s6 =	sld [smem:$0x3FAD]  }
0x2c: {  	s7 =	sld [smem:$0x3FAE]  }
0x2d: {  	s3 =	simm.s32 $0x108;
	s8 =	sld [smem:$0x3FAF]  }
0x2e: {  	s3 =	simm.s32 @!p0 $0x1082;
	s9 =	sld [smem:$0x3FB0]  }
0x2f: {  	lr =	sadd.s32 s0, s3;
	s0 =	sld [smem:$0x3FA7]  }
0x30: {  	s3 =	sld [smem:$0x3FAA]  }
0x31: {  	[smem:$0x3FB3] =	sst s10  }
0x32: {  	s10 =	sld [smem:$0x3FB1];
	_ =	sdelay $0x3  }
0x33: {  	p0 =	seq.s32 s10, $0x1;
	s10 =	sld [smem:$0x3FB3];
	_ =	sdelay $0x3  }
0x34: {  	[smem:$0x3FB3] =	sst s10  }
0x35: {  	s10 =	sld [smem:$0x3FB2];
	_ =	sdelay $0x3  }
0x36: {  	p1 =	seq.s32 s10, $0x1;
	s10 =	sld [smem:$0x3FB3];
	_ =	sdelay $0x3  }
0x37: {  	[smem:$0x3FB3] =	sst s10  }
0x38: {  	s10 =	sld [smem:$0x3FB4]  }
0x39: {  	_ = 	snop;
	(pc) =	sbr.ind lr, $3  }
0x3a: {  	_ = 	snop  }
0x3b: {  	_ = 	snop  }
0x3c: {  	p2 =	seq.s32 s10, $0x1;
	s10 =	sld [smem:$0x3FB3]  }
0x3d: {  	_ =	shalt  }
0x3e: {  	_ =	shalt  }
0x3f: {  	_ =	shalt  }
0x40: {  	_ =	shalt  }
0x41: {  	_ =	shalt  }
0x42: {  	_ =	shalt  }
0x43: {  	_ =	shalt  }
0x44: {  	_ =	shalt  }
0x45: {  	_ =	shalt  }
0x46: {  	_ =	shalt  }
0x47: {  	_ =	shalt  }
0x48: {  	_ =	shalt  }
0x49: {  	_ =	shalt  }
0x4a: {  	_ =	shalt  }
0x4b: {  	_ =	shalt  }
0x4c: {  	_ =	shalt  }
0x4d: {  	_ =	shalt  }
0x4e: {  	_ =	shalt  }
0x4f: {  	_ =	shalt  }
0x50: {  	_ =	shalt  }
0x51: {  	_ =	shalt  }
0x52: {  	_ =	shalt  }
0x53: {  	_ =	shalt  }
0x54: {  	_ =	shalt  }
0x55: {  	_ =	shalt  }
0x56: {  	_ =	shalt  }
0x57: {  	_ =	shalt  }
0x58: {  	_ =	shalt  }
0x59: {  	_ =	shalt  }
0x5a: {  	_ =	shalt  }
0x5b: {  	_ =	shalt  }
0x5c: {  	_ =	shalt  }
0x5d: {  	_ =	shalt  }
0x5e: {  	_ =	shalt  }
0x5f: {  	_ =	shalt  }
0x60: {  	_ =	shalt  }
0x61: {  	_ =	shalt  }
0x62: {  	_ =	shalt  }
0x63: {  	_ =	shalt  }
0x64: {  	_ =	shalt  }
0x65: {  	_ =	shalt  }
0x66: {  	_ =	shalt  }
0x67: {  	_ =	shalt  }
0x68: {  	_ =	shalt  }
0x69: {  	_ =	shalt  }
0x6a: {  	_ =	shalt  }
0x6b: {  	_ =	shalt  }
0x6c: {  	_ =	shalt  }
0x6d: {  	_ =	shalt  }
0x6e: {  	_ =	shalt  }
0x6f: {  	_ =	shalt  }
0x70: {  	_ =	shalt  }
0x71: {  	_ =	shalt  }
0x72: {  	_ =	shalt  }
0x73: {  	_ =	shalt  }
0x74: {  	_ =	shalt  }
0x75: {  	_ =	shalt  }
0x76: {  	_ =	shalt  }
0x77: {  	_ =	shalt  }
0x78: {  	_ =	shalt  }
0x79: {  	_ =	shalt  }
0x7a: {  	_ =	shalt  }
0x7b: {  	_ =	shalt  }
0x7c: {  	_ =	shalt  }
0x7d: {  	_ =	shalt  }
0x7e: {  	_ =	shalt  }
0x7f: {  	_ =	shalt  }
0x80: {  	_ =	shalt  }
0x81: {  	_ =	shalt  }
0x82: {  	_ =	shalt  }
0x83: {  	_ =	shalt  }
0x84: {  	_ =	shalt  }
0x85: {  	_ =	shalt  }
0x86: {  	_ =	shalt  }
0x87: {  	_ =	shalt  }
.Lfunc_end0:
.L_simem_size_0:
called_computation.1_lowered:
.L_overlay_start_0:
0x88: {  	s2 =	sld [smem:$0x3FD9]  }
0x89: {  	s3 =	sld [smem:$0x3FFE];
	_ =	sdelay $0x1  }
0x8a: {  	s1 =	srdreg.scid  }
0x8b: {  	s0 =	sand.u32 $0x1, s1  }
0x8c: {  	s14 =	sshll.u32 s0, $0xA;
	s2 =	sadd.s32 s3, s2  }
0x8d: {  	s2 =	sadd.s32 s2, s14  }
0x8e: {  	[smem:$0x3FBF] =	sst s2  }
0x8f: {  	_ = 	snop  }
0x90: {  	s2 =	sld [smem:$0x3FD0];
	_ =	sdelay $0x2  }
0x91: {  	s15 =	simm.s32 $0xA;
	s4 =	simm.s32 $0x10  }
0x92: {  	[smem:s4], [sflag:s15] =	dma.local [hbm:s2], $0x1  }
0x93: {  	_ =	swait.eq [sflag:s15], $0x1  }
0x94: {  	[sflag:s15] =	ssyncset.done $0x0  }
0x95: {  	[sflag:s15] =	ssyncadd.s32 $0xFFFFFFFF  }
0x96: {  	s16 =	sld [smem:$0x10];
	(tm) =	ssettm $0x1  }
0x97: {  	s17 =	sld [smem:$0x3FFB];
	_ =	sdelay $0x3  }
0x98: {  	_ =	strace s17  }
0x99: {  	s3 =	sld [smem:$0x3FFC];
	_ =	sdelay $0x3  }
0x9a: {  	_ =	strace s3  }
0x9b: {  	s3 =	sld [smem:$0x3FFD];
	_ =	sdelay $0x3  }
0x9c: {  	_ =	strace s3  }
0x9d: {  	_ =	strace $0x8FFFFFFF  }
0x9e: {  	s18 =	sld [smem:$0x3FDB];
	_ =	sdelay $0x1  }
0x9f: {  	s19 =	simm.s32 $_scs_section_size  }
0xa0: {  	s5 =	simm.s32 $_size__tile_overlayer_lowered;
	s6 =	simm.s32 $_tile_overlayer_lowered  }
0xa1: {  	s22 =	simm.s32 $0x1BFF;
	s21 =	sshll.u32 s6, $0x1;
	s3 =	sadd.s32 s19, s18  }
0xa2: {  	s7 =	simm.s32 $0x0;
	s20 =	sshll.u32 s5, $0x1;
	s5 =	sadd.s32 s21, s3  }
0xa3: {  	[timem:s7], [sflag:s22] =	dma.local [hbm:s5], s20  }
0xa4: {  	_ =	swait.ge [sflag:s22], s20  }
0xa5: {  	s4 =	ssub.s32 $0x0, s20;
	[sflag:s22] =	ssyncset.done $0x0  }
0xa6: {  	[sflag:s22] =	ssyncadd.s32 s4;
	_ =	sdelay $0x1  }
0xa7: {  	s23 =	simm.s32 $0x1B8B  }
0xa8: {  	_ =	swait.ge [sflag:s23], $0x1  }
0xa9: {  	[sflag:s23] =	ssyncset.done $0x0  }
0xaa: {  	s25 =	simm.s32 $0x1B8E;
	s24 =	sld [smem:$0x3FFE];
	[sflag:s23] =	ssyncadd.s32 $0xFFFFFFFF  }
0xab: {  	s26 =	simm.s32 $execute0_lowered;
	[smem:$0x3FD2] =	sst s25  }
0xac: {  	s5 =	sshll.u32 s26, $0x1;
	_ =	strace $0x80000049;
	[dreg:$0x1] =	wrdreg $0xFFFFFFFF  }
0xad: {  	s28 =	simm.s32 $_size_execute0_lowered;
	s3 =	sadd.s32 s3, s5;
	[dreg:$0x0] =	wrdreg $0x0  }
0xae: {  	s5 =	sshll.u32 s28, $0x1;
	[dreg:$0x2] =	wrdreg s3  }
0xaf: {  	[dreg:$0x3] =	wrdreg s5  }
0xb0: {  	[dreg:$0x4] =	wrdreg $0xC0  }
0xb1: {  	_ =	task [dreg:s7], $0x5FFFF  }
0xb2: {  	[dreg:$0x1] =	wrdreg $0xFFFFFFFF  }
0xb3: {  	[dreg:$0x0] =	wrdreg $0x60  }
0xb4: {  	[dreg:$0x2] =	wrdreg s16  }
0xb5: {  	[dreg:$0x3] =	wrdreg s24  }
0xb6: {  	[dreg:$0x4] =	wrdreg $0x0  }
0xb7: {  	[dreg:$0x5] =	wrdreg $0x9  }
0xb8: {  	_ =	task.clear_ibuf [dreg:s7], $0x6FFFF;
	_ =	strace $0x90000049  }
0xb9: {  	s29 =	simm.s32 $0x9;
	_ =	strace $0x8000004B  }
0xba: {  	_ =	swait.ge [sflag:s29], $0x1  }
0xbb: {  	[sflag:s29] =	ssyncadd.s32 $0xFFFFFFFF  }
0xbc: {  	_ =	strace $0x9000004B  }
0xbd: {  	_ =	sfence  }
0xbe: {  	s30 =	sld [smem:$0x0];
	_ =	sdelay $0x2  }
0xbf: {  	s31 =	sshll.u32 s1, $0xD;
	s1 =	sshrl.u32 s1, $0x2  }
0xc0: {  	s3 =	sand.u32 $0x4000, s31;
	s1 =	sadd.s32 s1, s30  }
0xc1: {  	s0 =	sor.u32 s3, s0;
	s1 =	sshll.u32 s1, $0x11  }
0xc2: {  	s0 =	sor.u32 s1, s0  }
0xc3: {  	s0 =	sadd.s32 $0x8F2B, s0  }
0xc4: {  	[sflag:s0] =	ssyncadd.remote.s32 $0x1  }
0xc5: {  	_ =	sfence.sel $0xFFFF  }
0xc6: {  	[dreg:$0x0] =	wrdreg $0xFFFFFFFF;
	(pc) =	sbr.abs _section_cstart, $3  }
0xc7: {  	[dreg:$0x1] =	wrdreg $0xFFFFFFFF  }
0xc8: {  	_ =	task.clear_ibuf [dreg:s7], $0x2FFFF;
	_ =	strace $0x9FFFFFFF  }
0xc9: {  	(tm) =	ssettm $0x7FFFFFFF  }
tec
execute0_lowered:
.L_overlay_start_1:
0x0: {  	(tag) =	ssettag $0x1  }
0x1: {  	s1 =	rddreg [dreg:$0x0]  }
0x2: {  	s2 =	srdreg.scid;
	s14 =	stileid.u32  }
0x3: {  	s0 =	rddreg [dreg:$0x1];
	s7 =	sand.u32 $0x1, s2;
	s5 =	smul.u32 $0x14000, s14  }
0x4: {  	s3 =	rddreg [dreg:$0x2];
	s4 =	simm.s32 $0x0;
	s2 =	smul.u32 $0x140000, s7  }
0x5: {  	[smem:$0x7FF] =	sst s4;
	s8 =	smul.u32 $0x50000, s14;
	s6 =	ssub.s32 $0x2, s7  }
0x6: {  	s9 =	sadd.s32 $0x2800, s0;
	s21 =	sshrl.u32 s6, $0x1;
	s2 =	sadd.s32 s5, s2  }
0x7: {  	s8 =	sshrl.u32 s8, $0x2;
	s18 =	sadd.s32 s5, s3;
	s2 =	sshrl.u32 s2, $0x3  }
0x8: {  	s0 =	sadd.s32 s2, s0;
	s2 =	ssub.s32 s6, s21;
	s6 =	sadd.s32 s8, s3  }
0x9: {  	_ =	strace $0x8000004A;
	[dreg:$0xb] =	wrdreg s18;
	s24 =	sadd.s32 $0x800, s6  }
0xa: {  	s25 =	sadd.s32 $0x1000, s6;
	[dreg:$0xc] =	wrdreg s24  }
0xb: {  	s26 =	sadd.s32 $0x1800, s6;
	[dreg:$0xd] =	wrdreg s25  }
0xc: {  	s29 =	sadd.s32 $0x2000, s6;
	[dreg:$0xe] =	wrdreg s26  }
0xd: {  	s12 =	sadd.s32 $0x2800, s6;
	[dreg:$0xf] =	wrdreg s29  }
0xe: {  	s11 =	smul.u32 $0x2800, s14;
	s13 =	sadd.s32 $0x3000, s6;
	[dreg:$0x10] =	wrdreg s12  }
0xf: {  	s22 =	sshll.u32 s7, $0x4;
	s15 =	sadd.s32 $0x3800, s6;
	[dreg:$0x11] =	wrdreg s13  }
0x10: {  	s10 =	sor.u32 s14, s22;
	s16 =	sadd.s32 $0x4000, s6;
	[dreg:$0x12] =	wrdreg s15  }
0x11: {  	s10 =	smul.u32 $0x2800, s10;
	s17 =	sadd.s32 $0x4800, s6;
	[dreg:$0x13] =	wrdreg s16  }
0x12: {  	s23 =	smul.u32 $0x28000, s7;
	s19 =	sadd.s32 $0x5000, s6;
	[dreg:$0x14] =	wrdreg s17  }
0x13: {  	s10 =	sshrl.u32 s10, $0x3;
	s0 =	sadd.s32 $0x16800, s0;
	[dreg:$0x15] =	wrdreg s19  }
0x14: {  	s8 =	sadd.s32 s11, s23;
	s5 =	sadd.s32 s9, s10;
	[smem:$0x7F7] =	sst s0  }
0x15: {  	s11 =	sadd.s32 $0x50300, s8;
	s24 =	sadd.s32 $0x5800, s6;
	[dreg:$0x18] =	wrdreg s5  }
0x16: {  	s21 =	sadd.s32 $0x50280, s8;
	s29 =	sadd.s32 $0x6000, s6;
	[dreg:$0x16] =	wrdreg s24  }
0x17: {  	s11 =	sshrl.u32 s11, $0x3;
	s15 =	sadd.s32 $0x7000, s6;
	[dreg:$0x17] =	wrdreg s29  }
0x18: {  	s12 =	sor.u32 $0x300, s8;
	s16 =	sadd.s32 $0x7800, s6;
	[dreg:$0x1a] =	wrdreg s15  }
0x19: {  	s13 =	sor.u32 $0x280, s8;
	s17 =	sadd.s32 $0x8000, s6;
	[dreg:$0x1b] =	wrdreg s16  }
0x1a: {  	s19 =	sadd.s32 $0x8800, s6;
	s11 =	sadd.s32 s11, s9;
	[dreg:$0x1c] =	wrdreg s17  }
0x1b: {  	s20 =	sshrl.u32 s12, $0x3;
	s23 =	sshrl.u32 s13, $0x3;
	[dreg:$0x1d] =	wrdreg s19  }
0x1c: {  	s13 =	smul.u32 $0x500, s14;
	s14 =	sadd.s32 $0x6800, s6;
	[dreg:$0x4] =	wrdreg s11  }
0x1d: {  	s12 =	sshrl.u32 s21, $0x3;
	s21 =	sadd.s32 $0x9800, s6;
	[dreg:$0x19] =	wrdreg s14  }
0x1e: {  	s24 =	sadd.s32 $0xB000, s6;
	[dreg:$0x1f] =	wrdreg s21  }
0x1f: {  	s29 =	sadd.s32 $0xC800, s6;
	[smem:$0x7E5] =	sst s24  }
0x20: {  	s15 =	sadd.s32 $0x10800, s6;
	[smem:$0x7E8] =	sst s29  }
0x21: {  	s16 =	sadd.s32 $0x11000, s6;
	[smem:$0x7F0] =	sst s15  }
0x22: {  	s17 =	sadd.s32 $0x11800, s6;
	[smem:$0x7F1] =	sst s16  }
0x23: {  	s19 =	sadd.s32 $0x12000, s6;
	[smem:$0x7F2] =	sst s17  }
0x24: {  	s26 =	sadd.s32 $0x50200, s8;
	s11 =	sadd.s32 s20, s9;
	[smem:$0x7F3] =	sst s19  }
0x25: {  	s8 =	sor.u32 $0x200, s8;
	s22 =	sadd.s32 s12, s9;
	[dreg:$0x5] =	wrdreg s11  }
0x26: {  	s8 =	sshrl.u32 s8, $0x3;
	s25 =	sadd.s32 s23, s9;
	[dreg:$0x6] =	wrdreg s22  }
0x27: {  	s8 =	sadd.s32 s8, s9;
	[dreg:$0x7] =	wrdreg s25  }
0x28: {  	s20 =	sadd.s32 $0x9000, s6;
	[dreg:$0x9] =	wrdreg s8  }
0x29: {  	s23 =	sadd.s32 $0xA800, s6;
	[dreg:$0x1e] =	wrdreg s20  }
0x2a: {  	s12 =	sshrl.u32 s26, $0x3;
	s26 =	sadd.s32 $0xC000, s6;
	[smem:$0x7E4] =	sst s23  }
0x2b: {  	s14 =	sadd.s32 $0x10000, s6;
	[smem:$0x7E7] =	sst s26  }
0x2c: {  	s21 =	sadd.s32 $0x13000, s6;
	[smem:$0x7EF] =	sst s14  }
0x2d: {  	s7 =	smul.u32 $0x5000, s7;
	s24 =	sadd.s32 $0x10, s5;
	[smem:$0x7F5] =	sst s21  }
0x2e: {  	s29 =	sadd.s32 $0xA020, s5;
	[smem:$0x7FA] =	sst s24  }
0x2f: {  	s7 =	sadd.s32 s7, s9;
	s10 =	sadd.s32 s12, s9;
	[smem:$0x7FD] =	sst s29  }
0x30: {  	s28 =	simm.s32 $0x1C100;
	s7 =	sadd.s32 s13, s7;
	[dreg:$0x8] =	wrdreg s10  }
0x31: {  	s30 =	simm.s32 $0x3;
	s22 =	sadd.s32 $0xA000, s6;
	[dreg:$0xa] =	wrdreg s7  }
0x32: {  	s31 =	simm.s32 $0x5;
	s25 =	sadd.s32 $0xB800, s6;
	[smem:$0x7E3] =	sst s22  }
0x33: {  	s15 =	simm.s32 $0x18280;
	s8 =	sadd.s32 $0xD000, s6;
	[smem:$0x7E6] =	sst s25  }
0x34: {  	s16 =	simm.s32 $0x14300;
	s9 =	sadd.s32 $0xD800, s6;
	[smem:$0x7E9] =	sst s8  }
0x35: {  	s17 =	simm.s32 $0x14380;
	s11 =	sadd.s32 $0xE800, s6;
	[smem:$0x7EA] =	sst s9  }
0x36: {  	s19 =	simm.s32 $0xB;
	s12 =	sadd.s32 $0xF000, s6;
	[smem:$0x7EC] =	sst s11  }
0x37: {  	s13 =	sadd.s32 $0xF800, s6;
	s20 =	sadd.s32 $0x12800, s6;
	[smem:$0x7ED] =	sst s12  }
0x38: {  	s23 =	sadd.s32 $0xA000, s5;
	s26 =	sadd.s32 $0x20, s5;
	[smem:$0x7EE] =	sst s13  }
0x39: {  	s14 =	simm.s32 $0x4;
	s21 =	simm.s32 $0x6;
	[smem:$0x7F4] =	sst s20  }
0x3a: {  	s10 =	sadd.s32 $0xE000, s6;
	s6 =	sadd.s32 $0x13800, s6;
	[smem:$0x7F9] =	sst s23  }
0x3b: {  	s22 =	smax.u32 s2, $0x1;
	s25 =	sadd.s32 $0xA010, s5;
	[smem:$0x7FC] =	sst s26  }
0x3c: {  	s2 =	simm.s32 $0x7;
	s7 =	simm.s32 $0x14100;
	s8 =	simm.s32 $0x14180  }
0x3d: {  	s9 =	simm.s32 $0x14200;
	s11 =	simm.s32 $0x7D;
	[smem:$0x7EB] =	sst s10  }
0x3e: {  	s12 =	simm.s32 $0x14400;
	s13 =	simm.s32 $0x9;
	[smem:$0x7F6] =	sst s6  }
0x3f: {  	s20 =	simm.s32 $0xA;
	s5 =	simm.s32 $0x0;
	[smem:$0x7F8] =	sst s22  }
0x40: {  	v0 =	vimm.f32 $0.0e+00;
	[smem:$0x7FB] =	sst s25;
	s6 =	simm.s32 $0x14080;
	s22 =	simm.s32 $0x8  }
.LBB2_1:
0x41: {  	s0 =	sand.u32 $0x1E00, s4  }
0x42: {  	[smem:$0x7E2] =	sst s5;
	s24 =	sand.u32 $0x70, s4;
	s25 =	sshrl.u32 s0, $0x2  }
0x43: {  	s0 =	simm.s32 $0x40;
	s25 =	sor.u32 s24, s25;
	s24 =	simm.s32 $0x0  }
.LBB2_2:
0x44: {  	p0 =	sne.s32 s0, $0x1FC0  }
0x45: {  	[tilespmem:s25+$0x1C100] =	vst v0;
	s24 =	sadd.s32 $0x10, s24;
	s25 =	smov.u32 s0;
	s0 =	sadd.s32 $0x40, s0  }
.Ltmp0:
0x46: {  	(pc) =	sbr.rel @p0 .LBB2_2-.Ltmp0, $4  }
0x47: {  	_ = 	snop  }
0x48: {  	s25 =	sand.u32 $0x1E00, s25  }
0x49: {  	s26 =	sand.u32 $0x70, s24;
	s25 =	sshrl.u32 s25, $0x2  }
0x4a: {  	s25 =	sor.u32 s26, s25  }
0x4b: {  	[tilespmem:s25+$0x1C100] =	vst v0;
	s0 =	rddreg [dreg:$0xc]  }
0x4c: {  	[spmem:s18] =	stream.linear.scatter [tilespmem:s28], [sflag:$0x1], $0x800, $0x38;
	[tilespmem:$0x1C900] =	vst v63  }
0x4d: {  	s5 =	rddreg [dreg:$0xd]  }
0x4e: {  	[spmem:s0] =	stream.linear.scatter [tilespmem:s28], [sflag:$0x3], $0x800, $0x38;
	[tilespmem:$0x1C900] =	vst v63  }
0x4f: {  	s10 =	rddreg [dreg:$0xe]  }
0x50: {  	[spmem:s5] =	stream.linear.scatter [tilespmem:s28], [sflag:$0x5], $0x800, $0x38;
	[tilespmem:$0x1C900] =	vst v63  }
0x51: {  	s23 =	rddreg [dreg:$0x10]  }
0x52: {  	[spmem:s10] =	stream.linear.scatter [tilespmem:s28], [sflag:$0x7], $0x800, $0x38;
	[tilespmem:$0x1C900] =	vst v63  }
0x53: {  	s18 =	rddreg [dreg:$0xf]  }
0x54: {  	[spmem:s18] =	stream.linear.scatter [tilespmem:s28], [sflag:$0x1], $0x800, $0x38;
	[tilespmem:$0x1C900] =	vst v63  }
0x55: {  	s24 =	rddreg [dreg:$0x11]  }
0x56: {  	[spmem:s23] =	stream.linear.scatter [tilespmem:s28], [sflag:$0x3], $0x800, $0x38;
	[tilespmem:$0x1C900] =	vst v63  }
0x57: {  	s25 =	rddreg [dreg:$0x12]  }
0x58: {  	[spmem:s24] =	stream.linear.scatter [tilespmem:s28], [sflag:$0x5], $0x800, $0x38;
	[tilespmem:$0x1C900] =	vst v63  }
0x59: {  	s26 =	rddreg [dreg:$0x13]  }
0x5a: {  	[spmem:s25] =	stream.linear.scatter [tilespmem:s28], [sflag:$0x7], $0x800, $0x38;
	[tilespmem:$0x1C900] =	vst v63  }
0x5b: {  	s29 =	rddreg [dreg:$0x14]  }
0x5c: {  	[spmem:s26] =	stream.linear.scatter [tilespmem:s28], [sflag:$0x1], $0x800, $0x38;
	[tilespmem:$0x1C900] =	vst v63  }
0x5d: {  	s5 =	rddreg [dreg:$0x15]  }
0x5e: {  	[spmem:s29] =	stream.linear.scatter [tilespmem:s28], [sflag:$0x3], $0x800, $0x38;
	[tilespmem:$0x1C900] =	vst v63  }
0x5f: {  	s10 =	rddreg [dreg:$0x16]  }
0x60: {  	[spmem:s5] =	stream.linear.scatter [tilespmem:s28], [sflag:$0x5], $0x800, $0x38;
	[tilespmem:$0x1C900] =	vst v63  }
0x61: {  	s18 =	rddreg [dreg:$0x17]  }
0x62: {  	[spmem:s10] =	stream.linear.scatter [tilespmem:s28], [sflag:$0x7], $0x800, $0x38;
	[tilespmem:$0x1C900] =	vst v63  }
0x63: {  	s23 =	rddreg [dreg:$0x19]  }
0x64: {  	[spmem:s18] =	stream.linear.scatter [tilespmem:s28], [sflag:$0x1], $0x800, $0x38;
	[tilespmem:$0x1C900] =	vst v63  }
0x65: {  	s24 =	rddreg [dreg:$0x1a]  }
0x66: {  	[spmem:s23] =	stream.linear.scatter [tilespmem:s28], [sflag:$0x3], $0x800, $0x38;
	[tilespmem:$0x1C900] =	vst v63  }
0x67: {  	s25 =	rddreg [dreg:$0x1b]  }
0x68: {  	[spmem:s24] =	stream.linear.scatter [tilespmem:s28], [sflag:$0x5], $0x800, $0x38;
	[tilespmem:$0x1C900] =	vst v63  }
0x69: {  	s26 =	rddreg [dreg:$0x1c]  }
0x6a: {  	[spmem:s25] =	stream.linear.scatter [tilespmem:s28], [sflag:$0x7], $0x800, $0x38;
	[tilespmem:$0x1C900] =	vst v63  }
0x6b: {  	s29 =	rddreg [dreg:$0x1d]  }
0x6c: {  	[spmem:s26] =	stream.linear.scatter [tilespmem:s28], [sflag:$0x1], $0x800, $0x38;
	[tilespmem:$0x1C900] =	vst v63  }
0x6d: {  	s5 =	rddreg [dreg:$0x1e]  }
0x6e: {  	[spmem:s29] =	stream.linear.scatter [tilespmem:s28], [sflag:$0x3], $0x800, $0x38;
	[tilespmem:$0x1C900] =	vst v63  }
0x6f: {  	s10 =	rddreg [dreg:$0x1f]  }
0x70: {  	[spmem:s5] =	stream.linear.scatter [tilespmem:s28], [sflag:$0x5], $0x800, $0x38;
	[tilespmem:$0x1C900] =	vst v63  }
0x71: {  	s18 =	sld [smem:$0x7E3]  }
0x72: {  	[spmem:s10] =	stream.linear.scatter [tilespmem:s28], [sflag:$0x7], $0x800, $0x38;
	[tilespmem:$0x1C900] =	vst v63  }
0x73: {  	s23 =	sld [smem:$0x7E4]  }
0x74: {  	[spmem:s18] =	stream.linear.scatter [tilespmem:s28], [sflag:$0x1], $0x800, $0x38;
	[tilespmem:$0x1C900] =	vst v63  }
0x75: {  	s24 =	sld [smem:$0x7E5]  }
0x76: {  	[spmem:s23] =	stream.linear.scatter [tilespmem:s28], [sflag:$0x3], $0x800, $0x38;
	[tilespmem:$0x1C900] =	vst v63  }
0x77: {  	s25 =	sld [smem:$0x7E6]  }
0x78: {  	[spmem:s24] =	stream.linear.scatter [tilespmem:s28], [sflag:$0x5], $0x800, $0x38;
	[tilespmem:$0x1C900] =	vst v63  }
0x79: {  	s26 =	sld [smem:$0x7E7]  }
0x7a: {  	[spmem:s25] =	stream.linear.scatter [tilespmem:s28], [sflag:$0x7], $0x800, $0x38;
	[tilespmem:$0x1C900] =	vst v63  }
0x7b: {  	s29 =	sld [smem:$0x7E8]  }
0x7c: {  	[spmem:s26] =	stream.linear.scatter [tilespmem:s28], [sflag:$0x1], $0x800, $0x38;
	[tilespmem:$0x1C900] =	vst v63  }
0x7d: {  	s5 =	sld [smem:$0x7E9]  }
0x7e: {  	[spmem:s29] =	stream.linear.scatter [tilespmem:s28], [sflag:$0x3], $0x800, $0x38;
	[tilespmem:$0x1C900] =	vst v63  }
0x7f: {  	s10 =	sld [smem:$0x7EA]  }
0x80: {  	[spmem:s5] =	stream.linear.scatter [tilespmem:s28], [sflag:$0x5], $0x800, $0x38;
	[tilespmem:$0x1C900] =	vst v63  }
0x81: {  	s18 =	sld [smem:$0x7EB]  }
0x82: {  	[spmem:s10] =	stream.linear.scatter [tilespmem:s28], [sflag:$0x7], $0x800, $0x38;
	[tilespmem:$0x1C900] =	vst v63  }
0x83: {  	s23 =	sld [smem:$0x7EC]  }
0x84: {  	[spmem:s18] =	stream.linear.scatter [tilespmem:s28], [sflag:$0x1], $0x800, $0x38;
	[tilespmem:$0x1C900] =	vst v63  }
0x85: {  	s24 =	sld [smem:$0x7ED]  }
0x86: {  	[spmem:s23] =	stream.linear.scatter [tilespmem:s28], [sflag:$0x3], $0x800, $0x38;
	[tilespmem:$0x1C900] =	vst v63  }
0x87: {  	s25 =	sld [smem:$0x7EE]  }
0x88: {  	[spmem:s24] =	stream.linear.scatter [tilespmem:s28], [sflag:$0x5], $0x800, $0x38;
	[tilespmem:$0x1C900] =	vst v63  }
0x89: {  	s26 =	sld [smem:$0x7EF]  }
0x8a: {  	[spmem:s25] =	stream.linear.scatter [tilespmem:s28], [sflag:$0x7], $0x800, $0x38;
	[tilespmem:$0x1C900] =	vst v63  }
0x8b: {  	s29 =	sld [smem:$0x7F0]  }
0x8c: {  	[spmem:s26] =	stream.linear.scatter [tilespmem:s28], [sflag:$0x1], $0x800, $0x38;
	[tilespmem:$0x1C900] =	vst v63  }
0x8d: {  	s5 =	sld [smem:$0x7F1]  }
0x8e: {  	[spmem:s29] =	stream.linear.scatter [tilespmem:s28], [sflag:$0x3], $0x800, $0x38;
	[tilespmem:$0x1C900] =	vst v63  }
0x8f: {  	s10 =	sld [smem:$0x7F2]  }
0x90: {  	[spmem:s5] =	stream.linear.scatter [tilespmem:s28], [sflag:$0x5], $0x800, $0x38;
	[tilespmem:$0x1C900] =	vst v63  }
0x91: {  	s18 =	sld [smem:$0x7F3]  }
0x92: {  	[spmem:s10] =	stream.linear.scatter [tilespmem:s28], [sflag:$0x7], $0x800, $0x38;
	[tilespmem:$0x1C900] =	vst v63  }
0x93: {  	s23 =	sld [smem:$0x7F4]  }
0x94: {  	[spmem:s18] =	stream.linear.scatter [tilespmem:s28], [sflag:$0x1], $0x800, $0x38;
	[tilespmem:$0x1C900] =	vst v63  }
0x95: {  	s24 =	sld [smem:$0x7F5]  }
0x96: {  	[spmem:s23] =	stream.linear.scatter [tilespmem:s28], [sflag:$0x3], $0x800, $0x38;
	[tilespmem:$0x1C900] =	vst v63  }
0x97: {  	s25 =	sld [smem:$0x7F6]  }
0x98: {  	[spmem:s24] =	stream.linear.scatter [tilespmem:s28], [sflag:$0x5], $0x800, $0x38;
	[tilespmem:$0x1C900] =	vst v63  }
0x99: {  	s10 =	simm.s32 $0x1  }
0x9a: {  	[spmem:s25] =	stream.linear.scatter [tilespmem:s28], [sflag:$0x7], $0x800, $0x38;
	[tilespmem:$0x1C900] =	vst v63  }
0x9b: {  	_ =	swait.ge [sflag:s10], $0x800  }
0x9c: {  	[sflag:s10] =	ssyncset.done $0x0  }
0x9d: {  	[sflag:s10] =	ssyncadd.s32 $0xFFFFF800  }
0x9e: {  	_ =	swait.ge [sflag:s30], $0x800  }
0x9f: {  	[sflag:s30] =	ssyncset.done $0x0  }
0xa0: {  	[sflag:s30] =	ssyncadd.s32 $0xFFFFF800  }
0xa1: {  	_ =	swait.ge [sflag:s31], $0x800  }
0xa2: {  	[sflag:s31] =	ssyncset.done $0x0  }
0xa3: {  	[sflag:s31] =	ssyncadd.s32 $0xFFFFF800  }
0xa4: {  	_ =	swait.ge [sflag:s2], $0x800  }
0xa5: {  	[sflag:s2] =	ssyncset.done $0x0  }
0xa6: {  	[sflag:s2] =	ssyncadd.s32 $0xFFFFF800  }
0xa7: {  	_ =	swait.ge [sflag:s10], $0x800  }
0xa8: {  	[sflag:s10] =	ssyncset.done $0x0  }
0xa9: {  	[sflag:s10] =	ssyncadd.s32 $0xFFFFF800  }
0xaa: {  	_ =	swait.ge [sflag:s30], $0x800  }
0xab: {  	[sflag:s30] =	ssyncset.done $0x0  }
0xac: {  	[sflag:s30] =	ssyncadd.s32 $0xFFFFF800  }
0xad: {  	_ =	swait.ge [sflag:s31], $0x800  }
0xae: {  	[sflag:s31] =	ssyncset.done $0x0  }
0xaf: {  	[sflag:s31] =	ssyncadd.s32 $0xFFFFF800  }
0xb0: {  	_ =	swait.ge [sflag:s2], $0x800  }
0xb1: {  	[sflag:s2] =	ssyncset.done $0x0  }
0xb2: {  	[sflag:s2] =	ssyncadd.s32 $0xFFFFF800  }
0xb3: {  	_ =	swait.ge [sflag:s10], $0x800  }
0xb4: {  	[sflag:s10] =	ssyncset.done $0x0  }
0xb5: {  	[sflag:s10] =	ssyncadd.s32 $0xFFFFF800  }
0xb6: {  	_ =	swait.ge [sflag:s30], $0x800  }
0xb7: {  	[sflag:s30] =	ssyncset.done $0x0  }
0xb8: {  	[sflag:s30] =	ssyncadd.s32 $0xFFFFF800  }
0xb9: {  	_ =	swait.ge [sflag:s31], $0x800  }
0xba: {  	[sflag:s31] =	ssyncset.done $0x0  }
0xbb: {  	[sflag:s31] =	ssyncadd.s32 $0xFFFFF800  }
0xbc: {  	_ =	swait.ge [sflag:s2], $0x800  }
0xbd: {  	[sflag:s2] =	ssyncset.done $0x0  }
0xbe: {  	[sflag:s2] =	ssyncadd.s32 $0xFFFFF800  }
0xbf: {  	_ =	swait.ge [sflag:s10], $0x800  }
0xc0: {  	[sflag:s10] =	ssyncset.done $0x0  }
0xc1: {  	[sflag:s10] =	ssyncadd.s32 $0xFFFFF800  }
0xc2: {  	_ =	swait.ge [sflag:s30], $0x800  }
0xc3: {  	[sflag:s30] =	ssyncset.done $0x0  }
0xc4: {  	[sflag:s30] =	ssyncadd.s32 $0xFFFFF800  }
0xc5: {  	_ =	swait.ge [sflag:s31], $0x800  }
0xc6: {  	[sflag:s31] =	ssyncset.done $0x0  }
0xc7: {  	[sflag:s31] =	ssyncadd.s32 $0xFFFFF800  }
0xc8: {  	_ =	swait.ge [sflag:s2], $0x800  }
0xc9: {  	[sflag:s2] =	ssyncset.done $0x0  }
0xca: {  	[sflag:s2] =	ssyncadd.s32 $0xFFFFF800  }
0xcb: {  	_ =	swait.ge [sflag:s10], $0x800  }
0xcc: {  	[sflag:s10] =	ssyncset.done $0x0  }
0xcd: {  	[sflag:s10] =	ssyncadd.s32 $0xFFFFF800  }
0xce: {  	_ =	swait.ge [sflag:s30], $0x800  }
0xcf: {  	[sflag:s30] =	ssyncset.done $0x0  }
0xd0: {  	[sflag:s30] =	ssyncadd.s32 $0xFFFFF800  }
0xd1: {  	_ =	swait.ge [sflag:s31], $0x800  }
0xd2: {  	[sflag:s31] =	ssyncset.done $0x0  }
0xd3: {  	[sflag:s31] =	ssyncadd.s32 $0xFFFFF800  }
0xd4: {  	_ =	swait.ge [sflag:s2], $0x800  }
0xd5: {  	[sflag:s2] =	ssyncset.done $0x0  }
0xd6: {  	[sflag:s2] =	ssyncadd.s32 $0xFFFFF800  }
0xd7: {  	_ =	swait.ge [sflag:s10], $0x800  }
0xd8: {  	[sflag:s10] =	ssyncset.done $0x0  }
0xd9: {  	[sflag:s10] =	ssyncadd.s32 $0xFFFFF800  }
0xda: {  	_ =	swait.ge [sflag:s30], $0x800  }
0xdb: {  	[sflag:s30] =	ssyncset.done $0x0  }
0xdc: {  	[sflag:s30] =	ssyncadd.s32 $0xFFFFF800  }
0xdd: {  	_ =	swait.ge [sflag:s31], $0x800  }
0xde: {  	[sflag:s31] =	ssyncset.done $0x0  }
0xdf: {  	[sflag:s31] =	ssyncadd.s32 $0xFFFFF800  }
0xe0: {  	_ =	swait.ge [sflag:s2], $0x800  }
0xe1: {  	[sflag:s2] =	ssyncset.done $0x0  }
0xe2: {  	[sflag:s2] =	ssyncadd.s32 $0xFFFFF800  }
0xe3: {  	_ =	swait.ge [sflag:s10], $0x800  }
0xe4: {  	[sflag:s10] =	ssyncset.done $0x0  }
0xe5: {  	[sflag:s10] =	ssyncadd.s32 $0xFFFFF800  }
0xe6: {  	_ =	swait.ge [sflag:s30], $0x800  }
0xe7: {  	[sflag:s30] =	ssyncset.done $0x0  }
0xe8: {  	[sflag:s30] =	ssyncadd.s32 $0xFFFFF800  }
0xe9: {  	_ =	swait.ge [sflag:s31], $0x800  }
0xea: {  	[sflag:s31] =	ssyncset.done $0x0  }
0xeb: {  	[sflag:s31] =	ssyncadd.s32 $0xFFFFF800  }
0xec: {  	_ =	swait.ge [sflag:s2], $0x800  }
0xed: {  	[sflag:s2] =	ssyncset.done $0x0  }
0xee: {  	[sflag:s2] =	ssyncadd.s32 $0xFFFFF800  }
0xef: {  	_ =	swait.ge [sflag:s10], $0x800  }
0xf0: {  	[sflag:s10] =	ssyncset.done $0x0  }
0xf1: {  	[sflag:s10] =	ssyncadd.s32 $0xFFFFF800  }
0xf2: {  	_ =	swait.ge [sflag:s30], $0x800  }
0xf3: {  	[sflag:s30] =	ssyncset.done $0x0  }
0xf4: {  	[sflag:s30] =	ssyncadd.s32 $0xFFFFF800  }
0xf5: {  	_ =	swait.ge [sflag:s31], $0x800  }
0xf6: {  	[sflag:s31] =	ssyncset.done $0x0  }
0xf7: {  	[sflag:s31] =	ssyncadd.s32 $0xFFFFF800  }
0xf8: {  	_ =	swait.ge [sflag:s2], $0x800  }
0xf9: {  	[sflag:s2] =	ssyncset.done $0x0  }
0xfa: {  	[sflag:s2] =	ssyncadd.s32 $0xFFFFF800  }
0xfb: {  	_ =	swait.ge [sflag:s10], $0x800  }
0xfc: {  	[sflag:s10] =	ssyncset.done $0x0  }
0xfd: {  	[sflag:s10] =	ssyncadd.s32 $0xFFFFF800  }
0xfe: {  	_ =	swait.ge [sflag:s30], $0x800  }
0xff: {  	[sflag:s30] =	ssyncset.done $0x0  }
0x100: {  	[sflag:s30] =	ssyncadd.s32 $0xFFFFF800  }
0x101: {  	_ =	swait.ge [sflag:s31], $0x800  }
0x102: {  	[sflag:s31] =	ssyncset.done $0x0  }
0x103: {  	[sflag:s31] =	ssyncadd.s32 $0xFFFFF800  }
0x104: {  	_ =	swait.ge [sflag:s2], $0x800  }
0x105: {  	[sflag:s2] =	ssyncset.done $0x0  }
0x106: {  	[sflag:s2] =	ssyncadd.s32 $0xFFFFF800  }
0x107: {  	_ =	swait.ge [sflag:s10], $0x800  }
0x108: {  	[sflag:s10] =	ssyncset.done $0x0  }
0x109: {  	[sflag:s10] =	ssyncadd.s32 $0xFFFFF800  }
0x10a: {  	_ =	swait.ge [sflag:s30], $0x800  }
0x10b: {  	[sflag:s30] =	ssyncset.done $0x0  }
0x10c: {  	[sflag:s30] =	ssyncadd.s32 $0xFFFFF800  }
0x10d: {  	_ =	swait.ge [sflag:s31], $0x800  }
0x10e: {  	[sflag:s31] =	ssyncset.done $0x0  }
0x10f: {  	[sflag:s31] =	ssyncadd.s32 $0xFFFFF800  }
0x110: {  	_ =	swait.ge [sflag:s2], $0x800  }
0x111: {  	[sflag:s2] =	ssyncset.done $0x0  }
0x112: {  	[sflag:s2] =	ssyncadd.s32 $0xFFFFF800  }
0x113: {  	[bflag:$0x0] =	sbarrier.arrive $0xFFFF  }
0x114: {  	s5 =	rddreg [dreg:$0x18]  }
0x115: {  	s0 =	simm.s32 $0x0;
	s18 =	simm.s32 $0x14000;
	s26 =	sld [smem:$0x7F9]  }
0x116: {  	[tilespmem:s18], [sflag:$0x1] =	stream.linear.gather [hbm4b:s5+s0], $0x80, $0x38;
	[tilespmem:$0x1C900] =	vst v63  }
0x117: {  	s29 =	sld [smem:$0x7FA]  }
0x118: {  	[tilespmem:s6], [sflag:$0x2] =	stream.linear.gather [hbm4b:s26+s0], $0x80, $0x38;
	[tilespmem:$0x1C900] =	vst v63  }
0x119: {  	s23 =	sld [smem:$0x7FB]  }
0x11a: {  	[tilespmem:s7], [sflag:$0x3] =	stream.linear.gather [hbm4b:s29+s0], $0x80, $0x38;
	[tilespmem:$0x1C900] =	vst v63  }
0x11b: {  	s24 =	sld [smem:$0x7FC]  }
0x11c: {  	[tilespmem:s8], [sflag:$0x4] =	stream.linear.gather [hbm4b:s23+s0], $0x80, $0x38;
	[tilespmem:$0x1C900] =	vst v63  }
0x11d: {  	s25 =	sld [smem:$0x7FD]  }
0x11e: {  	[tilespmem:s9], [sflag:$0x5] =	stream.linear.gather [hbm4b:s24+s0], $0x80, $0x38;
	[tilespmem:$0x1C900] =	vst v63  }
0x11f: {  	s23 =	simm.s32 $0x14280  }
0x120: {  	[tilespmem:s23], [sflag:$0x6] =	stream.linear.gather [hbm4b:s25+s0], $0x80, $0x38;
	[tilespmem:$0x1C900] =	vst v63  }
0x121: {  	_ =	swait.ge [sflag:s10], $0x80  }
0x122: {  	[sflag:s10] =	ssyncset.done $0x0  }
0x123: {  	s26 =	simm.s32 $0x2;
	[sflag:s10] =	ssyncadd.s32 $0xFFFFFF80  }
0x124: {  	_ =	swait.ge [sflag:s26], $0x80  }
0x125: {  	[sflag:s26] =	ssyncset.done $0x0  }
0x126: {  	[sflag:s26] =	ssyncadd.s32 $0xFFFFFF80  }
0x127: {  	[tilespmem:s12], [sflag:$0x9] =	stream.indirect.gather [hbm4b:s1+s11], $0x80, s18, s11, $0xb8;
	[tilespmem:$0x1C900] =	vst v63  }
0x128: {  	_ =	swait.ge [sflag:s13], $0x3E80  }
0x129: {  	[sflag:s13] =	ssyncset.done $0x0  }
0x12a: {  	[sflag:s13] =	ssyncadd.s32 $0xFFFFC180  }
0x12b: {  	_ =	swait.ge [sflag:s30], $0x80  }
0x12c: {  	[sflag:s30] =	ssyncset.done $0x0  }
0x12d: {  	[sflag:s30] =	ssyncadd.s32 $0xFFFFFF80  }
0x12e: {  	_ =	swait.ge [sflag:s14], $0x80  }
0x12f: {  	[sflag:s14] =	ssyncset.done $0x0;
	s29 =	rddreg [dreg:$0xa]  }
0x130: {  	[sflag:s14] =	ssyncadd.s32 $0xFFFFFF80;
	s0 =	sadd.s32 $0x0, s29  }
0x131: {  	[tilespmem:s15], [sflag:$0xA] =	stream.indirect.gather [hbm4b:s1+s11], $0x80, s7, s11, $0xb8;
	[tilespmem:$0x1C900] =	vst v63  }
0x132: {  	s24 =	sadd.s32 $0x30, s0  }
0x133: {  	[tilespmem:s16], [sflag:$0x7] =	stream.linear.gather [hbm4b:s24+s4], $0x80, $0x38;
	[tilespmem:$0x1C900] =	vst v63  }
0x134: {  	s0 =	sadd.s32 $0xA030, s0  }
0x135: {  	[tilespmem:s17], [sflag:$0x8] =	stream.linear.gather [hbm4b:s0+s4], $0x80, $0x38;
	[tilespmem:$0x1C900] =	vst v63  }
0x136: {  	_ = 	snop  }
0x137: {  	[spmem:s3] =	stream.indirect.scatter.add.f32 [tilespmem:s12], [sflag:$0xB], $0x80, s6, s11, $0xb8;
	[tilespmem:$0x1C900] =	vst v63  }
0x138: {  	_ =	swait.ge [sflag:s19], $0x3E80  }
0x139: {  	[sflag:s19] =	ssyncset.done $0x0  }
0x13a: {  	[sflag:s19] =	ssyncadd.s32 $0xFFFFC180  }
0x13b: {  	_ =	swait.ge [sflag:s20], $0x3E80  }
0x13c: {  	[sflag:s20] =	ssyncset.done $0x0  }
0x13d: {  	[sflag:s20] =	ssyncadd.s32 $0xFFFFC180  }
0x13e: {  	_ =	swait.ge [sflag:s31], $0x80  }
0x13f: {  	[sflag:s31] =	ssyncset.done $0x0  }
0x140: {  	[sflag:s31] =	ssyncadd.s32 $0xFFFFFF80  }
0x141: {  	_ =	swait.ge [sflag:s21], $0x80  }
0x142: {  	p0 =	por $0x0, $0x0;
	[sflag:s21] =	ssyncset.done $0x0  }
0x143: {  	s25 =	simm.s32 @!p0 $0x14000;
	s0 =	rddreg [dreg:$0x9];
	[sflag:s21] =	ssyncadd.s32 $0xFFFFFF80  }
0x144: {  	[tilespmem:s12], [sflag:$0x9] =	stream.indirect.gather [hbm4b:s1+s11], $0x80, s9, s11, $0xb8;
	[tilespmem:$0x1C900] =	vst v63  }
0x145: {  	s24 =	rddreg [dreg:$0x8];
	s26 =	sadd.s32 @!p0 $0x0, s0;
	s0 =	simm.s32 @!p0 $0x0  }
0x146: {  	[tilespmem:s25], [sflag:$0x1] =	stream.linear.gather @!p0 [hbm4b:s26+s0], $0x80, $0x38;
	[tilespmem:$0x1C900] =	vst v63  }
0x147: {  	s24 =	sadd.s32 @!p0 $0x0, s24;
	s26 =	simm.s32 @!p0 $0x14080  }
0x148: {  	[tilespmem:s26], [sflag:$0x2] =	stream.linear.gather @!p0 [hbm4b:s24+s0], $0x80, $0x38;
	[tilespmem:$0x1C900] =	vst v63  }
0x149: {  	_ = 	snop  }
0x14a: {  	[spmem:s3] =	stream.indirect.scatter.add.f32 [tilespmem:s15], [sflag:$0xB], $0x80, s8, s11, $0xb8;
	[tilespmem:$0x1C900] =	vst v63  }
0x14b: {  	_ =	swait.ge [sflag:s19], $0x3E80  }
0x14c: {  	[sflag:s19] =	ssyncset.done $0x0  }
0x14d: {  	[sflag:s19] =	ssyncadd.s32 $0xFFFFC180  }
0x14e: {  	_ =	swait.ge [sflag:s13], $0x3E80  }
0x14f: {  	[sflag:s13] =	ssyncset.done $0x0  }
0x150: {  	[sflag:s13] =	ssyncadd.s32 $0xFFFFC180  }
0x151: {  	_ =	swait.ge [sflag:s2], $0x80  }
0x152: {  	[sflag:s2] =	ssyncset.done $0x0  }
0x153: {  	[sflag:s2] =	ssyncadd.s32 $0xFFFFFF80  }
0x154: {  	_ =	swait.ge [sflag:s22], $0x80  }
0x155: {  	[sflag:s22] =	ssyncset.done $0x0  }
0x156: {  	s10 =	simm.s32 @p0 $0x14280;
	[sflag:s22] =	ssyncadd.s32 $0xFFFFFF80  }
0x157: {  	[tilespmem:s15], [sflag:$0xA] =	stream.indirect.gather [hbm4b:s1+s11], $0x80, s16, s11, $0xb8;
	[tilespmem:$0x1C900] =	vst v63  }
0x158: {  	s18 =	simm.s32 @p0 $0x7D;
	s24 =	simm.s32 @p0 $0x14400;
	s26 =	simm.s32 @p0 $0xB  }
0x159: {  	[spmem:s3] =	stream.indirect.scatter.add.f32 @p0 [tilespmem:s24], [sflag:$0xB], $0x80, s10, s18, $0xb8;
	[tilespmem:$0x1C900] =	vst v63  }
0x15a: {  	_ =	swait.ge @p0 [sflag:s26], $0x3E80  }
0x15b: {  	[sflag:s26] =	ssyncset.done @p0 $0x0  }
0x15c: {  	s10 =	simm.s32 @p0 $0xA;
	[sflag:s26] =	ssyncadd.s32 @p0 $0xFFFFC180  }
0x15d: {  	_ =	swait.ge @p0 [sflag:s10], $0x3E80  }
0x15e: {  	s18 =	rddreg [dreg:$0x7]  }
0x15f: {  	[sflag:s10] =	ssyncset.done @p0 $0x0;
	s24 =	rddreg [dreg:$0x6]  }
0x160: {  	[sflag:s10] =	ssyncadd.s32 @p0 $0xFFFFC180;
	s10 =	sadd.s32 @!p0 $0x0, s18;
	s18 =	simm.s32 @!p0 $0x14100  }
0x161: {  	[tilespmem:s18], [sflag:$0x3] =	stream.linear.gather @!p0 [hbm4b:s10+s0], $0x80, $0x38;
	[tilespmem:$0x1C900] =	vst v63  }
0x162: {  	s26 =	simm.s32 @!p0 $0x14400;
	s10 =	sadd.s32 @!p0 $0x0, s24;
	s18 =	simm.s32 @!p0 $0x14180  }
0x163: {  	[tilespmem:s18], [sflag:$0x4] =	stream.linear.gather @!p0 [hbm4b:s10+s0], $0x80, $0x38;
	[tilespmem:$0x1C900] =	vst v63  }
0x164: {  	s24 =	simm.s32 @!p0 $0xB;
	s10 =	simm.s32 @!p0 $0x7D;
	s18 =	simm.s32 @!p0 $0x14280  }
0x165: {  	[spmem:s3] =	stream.indirect.scatter.add.f32 @!p0 [tilespmem:s26], [sflag:$0xB], $0x80, s18, s10, $0xb8;
	[tilespmem:$0x1C900] =	vst v63  }
0x166: {  	_ =	swait.ge @!p0 [sflag:s24], $0x3E80  }
0x167: {  	[sflag:s24] =	ssyncset.done @!p0 $0x0  }
0x168: {  	[sflag:s24] =	ssyncadd.s32 @!p0 $0xFFFFC180;
	s24 =	simm.s32 @!p0 $0xA  }
0x169: {  	_ =	swait.ge @!p0 [sflag:s24], $0x3E80  }
0x16a: {  	[sflag:s24] =	ssyncset.done @!p0 $0x0  }
0x16b: {  	[sflag:s24] =	ssyncadd.s32 @!p0 $0xFFFFC180;
	s24 =	simm.s32 @!p0 $0x1  }
0x16c: {  	_ =	swait.ge @!p0 [sflag:s24], $0x80  }
0x16d: {  	[sflag:s24] =	ssyncset.done @!p0 $0x0  }
0x16e: {  	[sflag:s24] =	ssyncadd.s32 @!p0 $0xFFFFFF80;
	s24 =	simm.s32 @!p0 $0x2  }
0x16f: {  	_ =	swait.ge @!p0 [sflag:s24], $0x80  }
0x170: {  	[sflag:s24] =	ssyncset.done @!p0 $0x0  }
0x171: {  	[sflag:s24] =	ssyncadd.s32 @!p0 $0xFFFFFF80;
	s24 =	rddreg [dreg:$0x5]  }
0x172: {  	[tilespmem:s26], [sflag:$0x9] =	stream.indirect.gather @!p0 [hbm4b:s1+s10], $0x80, s25, s10, $0xb8;
	[tilespmem:$0x1C900] =	vst v63  }
0x173: {  	s10 =	rddreg [dreg:$0x4];
	s24 =	sadd.s32 @!p0 $0x0, s24;
	s25 =	simm.s32 @!p0 $0x14200  }
0x174: {  	[tilespmem:s25], [sflag:$0x5] =	stream.linear.gather @!p0 [hbm4b:s24+s0], $0x80, $0x38;
	[tilespmem:$0x1C900] =	vst v63  }
0x175: {  	s10 =	sadd.s32 @!p0 $0x0, s10  }
0x176: {  	[tilespmem:s18], [sflag:$0x6] =	stream.linear.gather @!p0 [hbm4b:s10+s0], $0x80, $0x38;
	[tilespmem:$0x1C900] =	vst v63  }
0x177: {  	s0 =	simm.s32 $0x40  }
0x178: {  	[spmem:s3] =	stream.indirect.scatter.add.f32 [tilespmem:s15], [sflag:$0xB], $0x80, s17, s11, $0xb8;
	[tilespmem:$0x1C900] =	vst v63  }
.LBB2_4:
0x179: {  	_ =	swait.ge [sflag:s19], $0x3E80  }
0x17a: {  	[sflag:s19] =	ssyncset.done $0x0  }
0x17b: {  	[sflag:s19] =	ssyncadd.s32 $0xFFFFC180  }
0x17c: {  	_ =	swait.ge [sflag:s13], $0x3E80  }
0x17d: {  	[sflag:s13] =	ssyncset.done $0x0  }
0x17e: {  	[sflag:s13] =	ssyncadd.s32 $0xFFFFC180  }
0x17f: {  	_ =	swait.ge [sflag:s30], $0x80  }
0x180: {  	[sflag:s30] =	ssyncset.done $0x0  }
0x181: {  	[sflag:s30] =	ssyncadd.s32 $0xFFFFFF80  }
0x182: {  	_ =	swait.ge [sflag:s14], $0x80  }
0x183: {  	s24 =	smov.u32 s0;
	[sflag:s14] =	ssyncset.done $0x0;
	s10 =	rddreg [dreg:$0xa]  }
0x184: {  	[sflag:s14] =	ssyncadd.s32 $0xFFFFFF80;
	s10 =	sadd.s32 s24, s10  }
0x185: {  	[tilespmem:s15], [sflag:$0xA] =	stream.indirect.gather [hbm4b:s1+s11], $0x80, s7, s11, $0xb8;
	[tilespmem:$0x1C900] =	vst v63  }
0x186: {  	s18 =	sadd.s32 $0x30, s10  }
0x187: {  	[tilespmem:s16], [sflag:$0x7] =	stream.linear.gather [hbm4b:s18+s4], $0x80, $0x38;
	[tilespmem:$0x1C900] =	vst v63  }
0x188: {  	s10 =	sadd.s32 $0xA030, s10  }
0x189: {  	[tilespmem:s17], [sflag:$0x8] =	stream.linear.gather [hbm4b:s10+s4], $0x80, $0x38;
	[tilespmem:$0x1C900] =	vst v63  }
0x18a: {  	_ = 	snop  }
0x18b: {  	[spmem:s3] =	stream.indirect.scatter.add.f32 [tilespmem:s12], [sflag:$0xB], $0x80, s6, s11, $0xb8;
	[tilespmem:$0x1C900] =	vst v63  }
0x18c: {  	_ =	swait.ge [sflag:s19], $0x3E80  }
0x18d: {  	[sflag:s19] =	ssyncset.done $0x0  }
0x18e: {  	[sflag:s19] =	ssyncadd.s32 $0xFFFFC180  }
0x18f: {  	_ =	swait.ge [sflag:s20], $0x3E80  }
0x190: {  	[sflag:s20] =	ssyncset.done $0x0  }
0x191: {  	[sflag:s20] =	ssyncadd.s32 $0xFFFFC180  }
0x192: {  	_ =	swait.ge [sflag:s31], $0x80  }
0x193: {  	[sflag:s31] =	ssyncset.done $0x0  }
0x194: {  	[sflag:s31] =	ssyncadd.s32 $0xFFFFFF80  }
0x195: {  	_ =	swait.ge [sflag:s21], $0x80  }
0x196: {  	p1 =	seq.s32 s24, $0x4C0;
	[sflag:s21] =	ssyncset.done $0x0  }
0x197: {  	s26 =	simm.s32 @!p1 $0x14000;
	s10 =	rddreg [dreg:$0x9];
	[sflag:s21] =	ssyncadd.s32 $0xFFFFFF80  }
0x198: {  	[tilespmem:s12], [sflag:$0x9] =	stream.indirect.gather [hbm4b:s1+s11], $0x80, s9, s11, $0xb8;
	[tilespmem:$0x1C900] =	vst v63  }
0x199: {  	s25 =	simm.s32 @!p1 $0x0;
	s18 =	rddreg [dreg:$0x8];
	s10 =	sadd.s32 @!p1 s24, s10  }
0x19a: {  	[tilespmem:s26], [sflag:$0x1] =	stream.linear.gather @!p1 [hbm4b:s10+s25], $0x80, $0x38;
	[tilespmem:$0x1C900] =	vst v63  }
0x19b: {  	s5 =	simm.s32 @!p1 $0x14080;
	s18 =	sadd.s32 @!p1 s24, s18  }
0x19c: {  	[tilespmem:s5], [sflag:$0x2] =	stream.linear.gather @!p1 [hbm4b:s18+s25], $0x80, $0x38;
	[tilespmem:$0x1C900] =	vst v63  }
0x19d: {  	_ = 	snop  }
0x19e: {  	[spmem:s3] =	stream.indirect.scatter.add.f32 [tilespmem:s15], [sflag:$0xB], $0x80, s8, s11, $0xb8;
	[tilespmem:$0x1C900] =	vst v63  }
0x19f: {  	_ =	swait.ge [sflag:s19], $0x3E80  }
0x1a0: {  	[sflag:s19] =	ssyncset.done $0x0  }
0x1a1: {  	[sflag:s19] =	ssyncadd.s32 $0xFFFFC180  }
0x1a2: {  	_ =	swait.ge [sflag:s13], $0x3E80  }
0x1a3: {  	[sflag:s13] =	ssyncset.done $0x0  }
0x1a4: {  	[sflag:s13] =	ssyncadd.s32 $0xFFFFC180  }
0x1a5: {  	_ =	swait.ge [sflag:s2], $0x80  }
0x1a6: {  	[sflag:s2] =	ssyncset.done $0x0  }
0x1a7: {  	[sflag:s2] =	ssyncadd.s32 $0xFFFFFF80  }
0x1a8: {  	_ =	swait.ge [sflag:s22], $0x80  }
0x1a9: {  	[sflag:s22] =	ssyncset.done $0x0  }
0x1aa: {  	s23 =	simm.s32 @p1 $0x14280;
	[sflag:s22] =	ssyncadd.s32 $0xFFFFFF80  }
0x1ab: {  	[tilespmem:s15], [sflag:$0xA] =	stream.indirect.gather [hbm4b:s1+s11], $0x80, s16, s11, $0xb8;
	[tilespmem:$0x1C900] =	vst v63  }
0x1ac: {  	s10 =	simm.s32 @p1 $0xB;
	s5 =	simm.s32 @p1 $0x14400;
	s18 =	simm.s32 @p1 $0x7D  }
0x1ad: {  	[spmem:s3] =	stream.indirect.scatter.add.f32 @p1 [tilespmem:s5], [sflag:$0xB], $0x80, s23, s18, $0xb8;
	[tilespmem:$0x1C900] =	vst v63  }
0x1ae: {  	_ =	swait.ge @p1 [sflag:s10], $0x3E80  }
0x1af: {  	[sflag:s10] =	ssyncset.done @p1 $0x0  }
0x1b0: {  	s5 =	simm.s32 @p1 $0xA;
	[sflag:s10] =	ssyncadd.s32 @p1 $0xFFFFC180  }
0x1b1: {  	_ =	swait.ge @p1 [sflag:s5], $0x3E80  }
0x1b2: {  	s18 =	simm.s32 @!p1 $0x14100;
	[sflag:s5] =	ssyncset.done @p1 $0x0;
	s10 =	rddreg [dreg:$0x7]  }
0x1b3: {  	[sflag:s5] =	ssyncadd.s32 @p1 $0xFFFFC180;
	s5 =	rddreg [dreg:$0x6];
	s10 =	sadd.s32 @!p1 s24, s10  }
0x1b4: {  	[tilespmem:s18], [sflag:$0x3] =	stream.linear.gather @!p1 [hbm4b:s10+s25], $0x80, $0x38;
	[tilespmem:$0x1C900] =	vst v63  }
0x1b5: {  	s23 =	simm.s32 @!p1 $0x14400;
	s5 =	sadd.s32 @!p1 s24, s5;
	s10 =	simm.s32 @!p1 $0x14180  }
0x1b6: {  	[tilespmem:s10], [sflag:$0x4] =	stream.linear.gather @!p1 [hbm4b:s5+s25], $0x80, $0x38;
	[tilespmem:$0x1C900] =	vst v63  }
0x1b7: {  	s18 =	simm.s32 @!p1 $0xB;
	s5 =	simm.s32 @!p1 $0x7D;
	s10 =	simm.s32 @!p1 $0x14280  }
0x1b8: {  	[spmem:s3] =	stream.indirect.scatter.add.f32 @!p1 [tilespmem:s23], [sflag:$0xB], $0x80, s10, s5, $0xb8;
	[tilespmem:$0x1C900] =	vst v63  }
0x1b9: {  	_ =	swait.ge @!p1 [sflag:s18], $0x3E80  }
0x1ba: {  	[sflag:s18] =	ssyncset.done @!p1 $0x0  }
0x1bb: {  	[sflag:s18] =	ssyncadd.s32 @!p1 $0xFFFFC180;
	s18 =	simm.s32 @!p1 $0xA  }
0x1bc: {  	_ =	swait.ge @!p1 [sflag:s18], $0x3E80  }
0x1bd: {  	[sflag:s18] =	ssyncset.done @!p1 $0x0  }
0x1be: {  	s29 =	simm.s32 @!p1 $0x1;
	[sflag:s18] =	ssyncadd.s32 @!p1 $0xFFFFC180  }
0x1bf: {  	_ =	swait.ge @!p1 [sflag:s29], $0x80  }
0x1c0: {  	[sflag:s29] =	ssyncset.done @!p1 $0x0  }
0x1c1: {  	s18 =	simm.s32 @!p1 $0x2;
	[sflag:s29] =	ssyncadd.s32 @!p1 $0xFFFFFF80  }
0x1c2: {  	_ =	swait.ge @!p1 [sflag:s18], $0x80  }
0x1c3: {  	[sflag:s18] =	ssyncset.done @!p1 $0x0  }
0x1c4: {  	s0 =	sadd.s32 $0x40, s0;
	s29 =	rddreg [dreg:$0x5];
	[sflag:s18] =	ssyncadd.s32 @!p1 $0xFFFFFF80  }
0x1c5: {  	[tilespmem:s23], [sflag:$0x9] =	stream.indirect.gather @!p1 [hbm4b:s1+s5], $0x80, s26, s5, $0xb8;
	[tilespmem:$0x1C900] =	vst v63  }
0x1c6: {  	p0 =	sne.s32 s0, $0x500;
	s5 =	sadd.s32 @!p1 s24, s29;
	s23 =	simm.s32 @!p1 $0x14200  }
0x1c7: {  	[tilespmem:s23], [sflag:$0x5] =	stream.linear.gather @!p1 [hbm4b:s5+s25], $0x80, $0x38;
	[tilespmem:$0x1C900] =	vst v63  }
.Ltmp1:
0x1c8: {  	s18 =	rddreg [dreg:$0x4];
	(pc) =	sbr.rel @p0 .LBB2_4-.Ltmp1, $4  }
0x1c9: {  	s5 =	sadd.s32 @!p1 s24, s18  }
0x1ca: {  	[tilespmem:s10], [sflag:$0x6] =	stream.linear.gather @!p1 [hbm4b:s5+s25], $0x80, $0x38;
	[tilespmem:$0x1C900] =	vst v63  }
0x1cb: {  	_ = 	snop  }
0x1cc: {  	[spmem:s3] =	stream.indirect.scatter.add.f32 [tilespmem:s15], [sflag:$0xB], $0x80, s17, s11, $0xb8;
	[tilespmem:$0x1C900] =	vst v63  }
0x1cd: {  	_ =	swait.ge [sflag:s19], $0x3E80  }
0x1ce: {  	[sflag:s19] =	ssyncset.done $0x0  }
0x1cf: {  	[sflag:s19] =	ssyncadd.s32 $0xFFFFC180  }
0x1d0: {  	[bflag:$0x0] =	sbarrier.arrive $0xFFFF  }
0x1d1: {  	s0 =	stileid.u32;
	s10 =	sld [smem:$0x7F7]  }
0x1d2: {  	s0 =	sshll.u32 s0, $0x6;
	s18 =	rddreg [dreg:$0xb]  }
0x1d3: {  	s0 =	sor.u32 $0x1C09, s0;
	s5 =	sshrl.u32 s18, $0x3  }
0x1d4: {  	[hbm:s10], [sflag:s0] =	dma.local [spmem:s5], $0x2800  }
0x1d5: {  	_ =	swait.ge [sflag:s13], $0x2800  }
0x1d6: {  	s26 =	sld [smem:$0x7E2]  }
0x1d7: {  	s29 =	sld [smem:$0x7F8];
	_ =	sdelay $0x1  }
0x1d8: {  	s5 =	sadd.s32 $0x1, s26  }
0x1d9: {  	p0 =	sne.s32 s5, s29  }
.Ltmp2:
0x1da: {  	_ = 	snop;
	(pc) =	sbr.rel @p0 .LBB2_1-.Ltmp2, $3  }
0x1db: {  	_ =	sdelay $0x1  }
0x1dc: {  	[sflag:s13] =	ssyncset.done $0x0  }
0x1dd: {  	[sflag:s13] =	ssyncadd.s32 $0xFFFFD800  }
0x1de: {  	_ =	sfence.sel $0x180000  }
0x1df: {  	[bflag:$0x0] =	sbarrier.arrive $0xFFFF  }
0x1e0: {  	_ =	strace $0x9000004A  }
0x1e1: {  	s0 =	stileid.u32;
	[bflag:$0x2] =	sbarrier.arrive $0xFFFF  }
0x1e2: {  	p0 =	sne.s32 s0, $0x0;
	s0 =	rddreg [dreg:$0x3]  }
0x1e3: {  	s0 =	sadd.s32 @!p0 $0x100000, s0  }
0x1e4: {  	[sflag:s0] =	ssyncadd.tile.s32 @!p0 $0x1;
	_ =	shalt  }
.Lfunc_end2:
_tile_overlayer_lowered:
.L_overlay_start_2:
0x1e5: {  	(tag) =	ssettag $0x2  }
0x1e6: {  	s0 =	rddreg [dreg:$0x0];
	s2 =	stileid.u32  }
0x1e7: {  	s1 =	rddreg [dreg:$0x1];
	p0 =	sne.s32 s2, $0x0  }
0x1e8: {  	s3 =	rddreg [dreg:$0x2];
	[bflag:$0x3] =	sbarrier.arrive $0xFFFF;
	s2 =	simm.s32 @!p0 $0x1C0B  }
0x1e9: {  	[timem:s3], [sflag:s2] =	dma.local @!p0 [hbm:s0], s1  }
0x1ea: {  	s0 =	simm.s32 @!p0 $0xB  }
0x1eb: {  	_ =	swait.ge @!p0 [sflag:s0], s1  }
0x1ec: {  	s1 =	ssub.s32 @!p0 $0x0, s1;
	[sflag:s0] =	ssyncset.done @!p0 $0x0  }
0x1ed: {  	[sflag:s0] =	ssyncadd.s32 @!p0 s1  }
0x1ee: {  	[bflag:$0x3] =	sbarrier.arrive $0xFFFF  }
0x1ef: {  	_ =	shalt  }

// kernel: kernel.8.cloned.1.call-start
scs
__scs_entry_jumppad:
0x0: {  	(pc) =	sbr.rel $0x88, $3  }
0x1: {  	(tag) =	ssettag $0x0;
	lr =	simm.s32 $0x1  }
0x2: {  	[smem:$0x3F98] =	sst lr;
	_ =	strace $0xD0000000  }
0x3: {  	_ = 	snop  }
0x4: {  	_ = 	snop  }
0x5: {  	_ = 	snop  }
0x6: {  	_ = 	snop  }
0x7: {  	_ = 	snop  }
__scs_overlays_trampoline_lowered:
0x8: {  	[smem:$0x3FA7] =	sst s0  }
0x9: {  	[smem:$0x3FA8] =	sst s1  }
0xa: {  	[smem:$0x3FA9] =	sst s2  }
0xb: {  	[smem:$0x3FAA] =	sst s3  }
0xc: {  	[smem:$0x3FAB] =	sst s4  }
0xd: {  	[smem:$0x3FAC] =	sst s5  }
0xe: {  	[smem:$0x3FAD] =	sst s6  }
0xf: {  	[smem:$0x3FAE] =	sst s7  }
0x10: {  	[smem:$0x3FAF] =	sst s8  }
0x11: {  	[smem:$0x3FB0] =	sst s9;
	s0 =	simm.s32 @!p0 $0x0  }
0x12: {  	s1 =	sld [smem:$0x3F96];
	s0 =	simm.s32 @p0 $0x1  }
0x13: {  	[smem:$0x3FB1] =	sst s0;
	s0 =	simm.s32 @!p1 $0x0  }
0x14: {  	s2 =	sld [smem:$0x3F95];
	s0 =	simm.s32 @p1 $0x1  }
0x15: {  	[smem:$0x3FB2] =	sst s0;
	s0 =	simm.s32 @!p2 $0x0  }
0x16: {  	s3 =	sld [smem:$0x3FDB];
	s0 =	simm.s32 @p2 $0x1  }
0x17: {  	s4 =	simm.s32 $0x1BF5;
	[smem:$0x3FB4] =	sst s0  }
0x18: {  	s0 =	sld [smem:$0x3F97];
	_ =	swait.ge [sflag:s4], $0x0  }
0x19: {  	s7 =	sld [smem:$0x3F98]  }
0x1a: {  	s8 =	sadd.s32 $0xFFFFE003, lr  }
0x1b: {  	s9 =	sadd.s32 $0xFFFFFEF7, lr;
	s5 =	simm.s32 $0xFFFFFFFF;
	p2 =	slt.u32 s8, $0xFFFFF086  }
0x1c: {  	p1 =	slt.u32 s9, $0xF7A;
	s5 =	simm.s32 @!p2 $0x0  }
0x1d: {  	s5 =	simm.s32 @p1 $0x1;
	p0 =	seq.s32 s7, s2  }
0x1e: {  	s7 =	smul.u32 @!p0 $0xF7A, s2;
	p2 =	seq.s32 @!p0 s5, $0x0  }
0x1f: {  	s9 =	smul.u32 $0xF7A, s1;
	s8 =	simm.s32 @!p0 $0x1BF5;
	p2 =	por !p2, p0  }
0x20: {  	[sflag:s8] =	ssyncset.s32 @!p0 $0xFFFFF086;
	s6 =	sadd.s32 @!p0 s3, s7;
	s7 =	simm.s32 @!p0 $0x108  }
0x21: {  	s3 =	sadd.s32 s3, s9;
	s6 =	sadd.s32 @!p0 $0x88, s6;
	s7 =	simm.s32 @p2 $0x1082  }
0x22: {  	[simem:s7], [sflag:s8] =	dma.local @!p0 [hbm:s6], $0xF7A  }
0x23: {  	s9 =	sor.u32 $0xD0000000, s2;
	s6 =	simm.s32 $0x108;
	_ =	swait.ge @!p0 [sflag:s8], $0x0  }
0x24: {  	s3 =	sadd.s32 $0x88, s3;
	s6 =	simm.s32 @!p1 $0x1082;
	[sflag:s4] =	ssyncset.s32 $0xFFFFF086  }
0x25: {  	[simem:s6], [sflag:s4] =	dma.local [hbm:s3], $0xF7A  }
0x26: {  	[smem:$0x3F98] =	sst s1;
	(tag) =	ssettag s2;
	_ =	strace s9  }
0x27: {  	s1 =	sld [smem:$0x3FA8]  }
0x28: {  	s2 =	sld [smem:$0x3FA9]  }
0x29: {  	s4 =	sld [smem:$0x3FAB]  }
0x2a: {  	p0 =	seq.s32 s5, $0x0;
	s5 =	sld [smem:$0x3FAC]  }
0x2b: {  	s6 =	sld [smem:$0x3FAD]  }
0x2c: {  	s7 =	sld [smem:$0x3FAE]  }
0x2d: {  	s3 =	simm.s32 $0x108;
	s8 =	sld [smem:$0x3FAF]  }
0x2e: {  	s3 =	simm.s32 @!p0 $0x1082;
	s9 =	sld [smem:$0x3FB0]  }
0x2f: {  	lr =	sadd.s32 s0, s3;
	s0 =	sld [smem:$0x3FA7]  }
0x30: {  	s3 =	sld [smem:$0x3FAA]  }
0x31: {  	[smem:$0x3FB3] =	sst s10  }
0x32: {  	s10 =	sld [smem:$0x3FB1];
	_ =	sdelay $0x3  }
0x33: {  	p0 =	seq.s32 s10, $0x1;
	s10 =	sld [smem:$0x3FB3];
	_ =	sdelay $0x3  }
0x34: {  	[smem:$0x3FB3] =	sst s10  }
0x35: {  	s10 =	sld [smem:$0x3FB2];
	_ =	sdelay $0x3  }
0x36: {  	p1 =	seq.s32 s10, $0x1;
	s10 =	sld [smem:$0x3FB3];
	_ =	sdelay $0x3  }
0x37: {  	[smem:$0x3FB3] =	sst s10  }
0x38: {  	s10 =	sld [smem:$0x3FB4]  }
0x39: {  	_ = 	snop;
	(pc) =	sbr.ind lr, $3  }
0x3a: {  	_ = 	snop  }
0x3b: {  	_ = 	snop  }
0x3c: {  	p2 =	seq.s32 s10, $0x1;
	s10 =	sld [smem:$0x3FB3]  }
0x3d: {  	_ =	shalt  }
0x3e: {  	_ =	shalt  }
0x3f: {  	_ =	shalt  }
0x40: {  	_ =	shalt  }
0x41: {  	_ =	shalt  }
0x42: {  	_ =	shalt  }
0x43: {  	_ =	shalt  }
0x44: {  	_ =	shalt  }
0x45: {  	_ =	shalt  }
0x46: {  	_ =	shalt  }
0x47: {  	_ =	shalt  }
0x48: {  	_ =	shalt  }
0x49: {  	_ =	shalt  }
0x4a: {  	_ =	shalt  }
0x4b: {  	_ =	shalt  }
0x4c: {  	_ =	shalt  }
0x4d: {  	_ =	shalt  }
0x4e: {  	_ =	shalt  }
0x4f: {  	_ =	shalt  }
0x50: {  	_ =	shalt  }
0x51: {  	_ =	shalt  }
0x52: {  	_ =	shalt  }
0x53: {  	_ =	shalt  }
0x54: {  	_ =	shalt  }
0x55: {  	_ =	shalt  }
0x56: {  	_ =	shalt  }
0x57: {  	_ =	shalt  }
0x58: {  	_ =	shalt  }
0x59: {  	_ =	shalt  }
0x5a: {  	_ =	shalt  }
0x5b: {  	_ =	shalt  }
0x5c: {  	_ =	shalt  }
0x5d: {  	_ =	shalt  }
0x5e: {  	_ =	shalt  }
0x5f: {  	_ =	shalt  }
0x60: {  	_ =	shalt  }
0x61: {  	_ =	shalt  }
0x62: {  	_ =	shalt  }
0x63: {  	_ =	shalt  }
0x64: {  	_ =	shalt  }
0x65: {  	_ =	shalt  }
0x66: {  	_ =	shalt  }
0x67: {  	_ =	shalt  }
0x68: {  	_ =	shalt  }
0x69: {  	_ =	shalt  }
0x6a: {  	_ =	shalt  }
0x6b: {  	_ =	shalt  }
0x6c: {  	_ =	shalt  }
0x6d: {  	_ =	shalt  }
0x6e: {  	_ =	shalt  }
0x6f: {  	_ =	shalt  }
0x70: {  	_ =	shalt  }
0x71: {  	_ =	shalt  }
0x72: {  	_ =	shalt  }
0x73: {  	_ =	shalt  }
0x74: {  	_ =	shalt  }
0x75: {  	_ =	shalt  }
0x76: {  	_ =	shalt  }
0x77: {  	_ =	shalt  }
0x78: {  	_ =	shalt  }
0x79: {  	_ =	shalt  }
0x7a: {  	_ =	shalt  }
0x7b: {  	_ =	shalt  }
0x7c: {  	_ =	shalt  }
0x7d: {  	_ =	shalt  }
0x7e: {  	_ =	shalt  }
0x7f: {  	_ =	shalt  }
0x80: {  	_ =	shalt  }
0x81: {  	_ =	shalt  }
0x82: {  	_ =	shalt  }
0x83: {  	_ =	shalt  }
0x84: {  	_ =	shalt  }
0x85: {  	_ =	shalt  }
0x86: {  	_ =	shalt  }
0x87: {  	_ =	shalt  }
.Lfunc_end0:
.L_simem_size_0:
called_computation_lowered:
.L_overlay_start_0:
0x88: {  	s2 =	sld [smem:$0x3FD9]  }
0x89: {  	s3 =	sld [smem:$0x3FFE];
	_ =	sdelay $0x1  }
0x8a: {  	s1 =	srdreg.scid  }
0x8b: {  	s0 =	sand.u32 $0x1, s1  }
0x8c: {  	s14 =	sshll.u32 s0, $0xA;
	s2 =	sadd.s32 s3, s2  }
0x8d: {  	s2 =	sadd.s32 s2, s14  }
0x8e: {  	[smem:$0x3FBF] =	sst s2  }
0x8f: {  	_ = 	snop  }
0x90: {  	s2 =	sld [smem:$0x3FD0];
	_ =	sdelay $0x2  }
0x91: {  	s4 =	simm.s32 $0xA;
	s5 =	simm.s32 $0x10;
	s15 =	sld [smem:$0x3FC9]  }
0x92: {  	[smem:s5], [sflag:s4] =	dma.local [hbm:s2], $0x1  }
0x93: {  	_ =	swait.eq [sflag:s4], $0x1  }
0x94: {  	[sflag:s4] =	ssyncset.done $0x0  }
0x95: {  	[sflag:s4] =	ssyncadd.s32 $0xFFFFFFFF  }
0x96: {  	s16 =	sld [smem:$0x10];
	(tm) =	ssettm $0x1  }
0x97: {  	s17 =	sld [smem:$0x3FFB];
	_ =	sdelay $0x3  }
0x98: {  	_ =	strace s17  }
0x99: {  	s4 =	sld [smem:$0x3FFC];
	_ =	sdelay $0x3  }
0x9a: {  	_ =	strace s4  }
0x9b: {  	s4 =	sld [smem:$0x3FFD];
	_ =	sdelay $0x3  }
0x9c: {  	_ =	strace s4  }
0x9d: {  	_ =	strace $0x8FFFFFFF  }
0x9e: {  	s18 =	sld [smem:$0x3FDB];
	_ =	sdelay $0x1  }
0x9f: {  	s19 =	simm.s32 $_scs_section_size  }
0xa0: {  	s6 =	simm.s32 $_size__tile_overlayer_lowered;
	s7 =	simm.s32 $_tile_overlayer_lowered  }
0xa1: {  	s22 =	simm.s32 $0x1BFF;
	s21 =	sshll.u32 s7, $0x1;
	s4 =	sadd.s32 s19, s18  }
0xa2: {  	s8 =	simm.s32 $0x0;
	s20 =	sshll.u32 s6, $0x1;
	s6 =	sadd.s32 s21, s4  }
0xa3: {  	[timem:s8], [sflag:s22] =	dma.local [hbm:s6], s20  }
0xa4: {  	_ =	swait.ge [sflag:s22], s20  }
0xa5: {  	s5 =	ssub.s32 $0x0, s20;
	[sflag:s22] =	ssyncset.done $0x0  }
0xa6: {  	[sflag:s22] =	ssyncadd.s32 s5;
	_ =	sdelay $0x1  }
0xa7: {  	s23 =	simm.s32 $0x1B8B  }
0xa8: {  	_ =	swait.ge [sflag:s23], $0x1  }
0xa9: {  	[sflag:s23] =	ssyncset.done $0x0  }
0xaa: {  	s25 =	simm.s32 $0x1B8E;
	s24 =	sld [smem:$0x3FFE];
	[sflag:s23] =	ssyncadd.s32 $0xFFFFFFFF  }
0xab: {  	s26 =	simm.s32 $execute0_lowered;
	[smem:$0x3FD2] =	sst s25  }
0xac: {  	s6 =	sshll.u32 s26, $0x1;
	_ =	strace $0x80000046;
	[dreg:$0x1] =	wrdreg $0xFFFFFFFF  }
0xad: {  	s28 =	simm.s32 $_size_execute0_lowered;
	s4 =	sadd.s32 s4, s6;
	[dreg:$0x0] =	wrdreg $0x0  }
0xae: {  	s6 =	sshll.u32 s28, $0x1;
	[dreg:$0x2] =	wrdreg s4  }
0xaf: {  	[dreg:$0x3] =	wrdreg s6  }
0xb0: {  	[dreg:$0x4] =	wrdreg $0xC0  }
0xb1: {  	_ =	task [dreg:s8], $0x5FFFF  }
0xb2: {  	[dreg:$0x1] =	wrdreg $0xFFFFFFFF  }
0xb3: {  	[dreg:$0x0] =	wrdreg $0x60  }
0xb4: {  	[dreg:$0x2] =	wrdreg s15  }
0xb5: {  	[dreg:$0x3] =	wrdreg s24  }
0xb6: {  	[dreg:$0x4] =	wrdreg s16  }
0xb7: {  	[dreg:$0x5] =	wrdreg $0x0  }
0xb8: {  	[dreg:$0x6] =	wrdreg $0x1C9000  }
0xb9: {  	[dreg:$0x7] =	wrdreg $0x9  }
0xba: {  	_ =	task.clear_ibuf [dreg:s8], $0x8FFFF;
	_ =	strace $0x90000046  }
0xbb: {  	s29 =	simm.s32 $0x9;
	_ =	strace $0x80000048  }
0xbc: {  	_ =	swait.ge [sflag:s29], $0x1  }
0xbd: {  	[sflag:s29] =	ssyncadd.s32 $0xFFFFFFFF  }
0xbe: {  	_ =	strace $0x90000048  }
0xbf: {  	_ =	sfence  }
0xc0: {  	s30 =	sld [smem:$0x0];
	_ =	sdelay $0x2  }
0xc1: {  	s31 =	sshll.u32 s1, $0xD;
	s1 =	sshrl.u32 s1, $0x2  }
0xc2: {  	s3 =	sand.u32 $0x4000, s31;
	s1 =	sadd.s32 s1, s30  }
0xc3: {  	s0 =	sor.u32 s3, s0;
	s1 =	sshll.u32 s1, $0x11  }
0xc4: {  	s0 =	sor.u32 s1, s0  }
0xc5: {  	s0 =	sadd.s32 $0x8F2B, s0  }
0xc6: {  	[sflag:s0] =	ssyncadd.remote.s32 $0x1  }
0xc7: {  	_ =	sfence.sel $0xFFFF  }
0xc8: {  	[dreg:$0x0] =	wrdreg $0xFFFFFFFF;
	(pc) =	sbr.abs _section_cstart, $3  }
0xc9: {  	[dreg:$0x1] =	wrdreg $0xFFFFFFFF  }
0xca: {  	_ =	task.clear_ibuf [dreg:s8], $0x2FFFF;
	_ =	strace $0x9FFFFFFF  }
0xcb: {  	(tm) =	ssettm $0x7FFFFFFF  }
tec
execute0_lowered:
.L_overlay_start_1:
0x0: {  	(tag) =	ssettag $0x1  }
0x1: {  	s0 =	rddreg [dreg:$0x0]  }
0x2: {  	s6 =	rddreg [dreg:$0x1]  }
0x3: {  	s7 =	rddreg [dreg:$0x2]  }
0x4: {  	s3 =	rddreg [dreg:$0x3];
	s1 =	srdreg.scid  }
0x5: {  	s14 =	stileid.u32;
	s4 =	rddreg [dreg:$0x4]  }
0x6: {  	s5 =	simm.s32 $0x0;
	s8 =	sand.u32 $0x1, s1;
	s2 =	smul.u32 $0x14000, s14  }
0x7: {  	[smem:$0x7FF] =	sst s5;
	s9 =	sadd.s32 $0x2800, s6;
	s1 =	smul.u32 $0x140000, s8  }
0x8: {  	s13 =	smul.u32 $0x2800, s14;
	s18 =	ssub.s32 $0x2, s8;
	s11 =	sshll.u32 s8, $0x4  }
0x9: {  	s12 =	smul.u32 $0x28000, s8;
	[smem:$0x79C] =	sst s2;
	s1 =	sadd.s32 s2, s1  }
0xa: {  	s8 =	smul.u32 $0x5000, s8;
	_ =	strace $0x80000047;
	s10 =	sshrl.u32 s1, $0x3  }
0xb: {  	[smem:$0x7B9] =	sst s13;
	s1 =	smul.u32 $0x280, s14;
	s6 =	sadd.s32 s10, s6  }
0xc: {  	s19 =	sshrl.u32 s18, $0x1;
	s10 =	sadd.s32 s13, s12;
	[smem:$0x7F5] =	sst s6  }
0xd: {  	s6 =	ssub.s32 s18, s19;
	s2 =	sor.u32 $0x10, s1;
	s20 =	sor.u32 $0x20, s1  }
0xe: {  	s21 =	sor.u32 $0x30, s1;
	s22 =	sor.u32 $0x40, s1;
	[smem:$0x7F7] =	sst s6  }
0xf: {  	s23 =	sor.u32 $0x50, s1;
	s24 =	sadd.s32 $0x50300, s10;
	[smem:$0x7BB] =	sst s2  }
0x10: {  	s25 =	sor.u32 $0x60, s1;
	s26 =	sor.u32 $0x300, s10;
	[smem:$0x7BC] =	sst s20  }
0x11: {  	s15 =	sor.u32 $0x70, s1;
	s17 =	sadd.s32 $0x50280, s10;
	[smem:$0x7BD] =	sst s21  }
0x12: {  	s19 =	sor.u32 $0x280, s10;
	s13 =	sadd.s32 $0xC0, s1;
	[smem:$0x7C1] =	sst s22  }
0x13: {  	s30 =	sadd.s32 $0x190, s1;
	s31 =	sadd.s32 $0x1A0, s1;
	[smem:$0x79D] =	sst s23  }
0x14: {  	s28 =	sadd.s32 $0x1D0, s1;
	s29 =	sadd.s32 $0x1E0, s1;
	[smem:$0x7C2] =	sst s25  }
0x15: {  	s6 =	sor.u32 s14, s11;
	s11 =	sshrl.u32 s24, $0x3;
	[smem:$0x7C6] =	sst s15  }
0x16: {  	s12 =	sshrl.u32 s26, $0x3;
	s18 =	sshrl.u32 s17, $0x3;
	s20 =	sadd.s32 $0x50200, s10  }
0x17: {  	s24 =	sadd.s32 $0x80, s1;
	s25 =	sor.u32 $0x200, s10;
	[smem:$0x79E] =	sst s13  }
0x18: {  	s26 =	smul.u32 $0x500, s14;
	s14 =	sadd.s32 $0xF0, s1;
	[smem:$0x7C7] =	sst s24  }
0x19: {  	s10 =	sshrl.u32 s10, $0x3;
	s15 =	sadd.s32 $0x120, s1;
	[smem:$0x79F] =	sst s14  }
0x1a: {  	s17 =	sadd.s32 $0x130, s1;
	s13 =	sadd.s32 $0x150, s1;
	[smem:$0x7A0] =	sst s15  }
0x1b: {  	s11 =	sadd.s32 s11, s9;
	s16 =	sadd.s32 s12, s9;
	[smem:$0x7A3] =	sst s17  }
0x1c: {  	s12 =	sshrl.u32 s19, $0x3;
	s22 =	sshrl.u32 s20, $0x3;
	[smem:$0x7DB] =	sst s13  }
0x1d: {  	s6 =	smul.u32 $0x2800, s6;
	s7 =	sadd.s32 s7, s10;
	[dreg:$0x6] =	wrdreg s11  }
0x1e: {  	s10 =	sadd.s32 $0x110, s1;
	s14 =	sadd.s32 $0x160, s1;
	[dreg:$0x7] =	wrdreg s16  }
0x1f: {  	s15 =	sadd.s32 $0x170, s1;
	s17 =	sadd.s32 $0x180, s1;
	[dreg:$0xd] =	wrdreg s7  }
0x20: {  	s19 =	sadd.s32 $0x1B0, s1;
	s11 =	sadd.s32 s18, s9;
	[smem:$0x7D7] =	sst s10  }
0x21: {  	s24 =	sadd.s32 $0x200, s1;
	s21 =	sadd.s32 s12, s9;
	[dreg:$0x8] =	wrdreg s11  }
0x22: {  	s23 =	sadd.s32 s22, s9;
	s16 =	sadd.s32 $0x90, s1;
	[dreg:$0x9] =	wrdreg s21  }
0x23: {  	s12 =	sadd.s32 s8, s9;
	s7 =	sadd.s32 $0xB0, s1;
	[dreg:$0xa] =	wrdreg s23  }
0x24: {  	s18 =	sadd.s32 $0x230, s1;
	s22 =	sadd.s32 $0x240, s1;
	[smem:$0x7C8] =	sst s16  }
0x25: {  	s6 =	sshrl.u32 s6, $0x3;
	s11 =	sshrl.u32 s25, $0x3;
	[smem:$0x7CD] =	sst s7  }
0x26: {  	s8 =	sadd.s32 s26, s12;
	s12 =	sadd.s32 $0x140, s1;
	s26 =	sadd.s32 $0x1C0, s1  }
0x27: {  	s23 =	sadd.s32 $0x1F0, s1;
	s25 =	sadd.s32 $0x210, s1;
	[smem:$0x7EB] =	sst s18  }
0x28: {  	s21 =	sadd.s32 $0x220, s1;
	s18 =	sadd.s32 $0x250, s1;
	[dreg:$0xc] =	wrdreg s8  }
0x29: {  	s11 =	sadd.s32 s11, s9;
	[smem:$0x7EF] =	sst s18;
	s18 =	sadd.s32 $0x260, s1  }
0x2a: {  	s20 =	sadd.s32 s9, s6;
	s6 =	sadd.s32 $0xD0, s1;
	[smem:$0x7F0] =	sst s18  }
0x2b: {  	s8 =	sadd.s32 $0xE0, s1;
	s9 =	sadd.s32 $0x100, s1;
	s18 =	sld [smem:$0x79C]  }
0x2c: {  	[dreg:$0xb] =	wrdreg s11;
	s11 =	sadd.s32 $0xA0, s1;
	s1 =	sadd.s32 $0x270, s1  }
0x2d: {  	[smem:$0x7F1] =	sst s1  }
0x2e: {  	s1 =	sadd.s32 s18, s3;
	s18 =	sshll.u32 s2, $0x7;
	s2 =	sld [smem:$0x7BC]  }
0x2f: {  	[dreg:$0xf] =	wrdreg s1  }
0x30: {  	s1 =	sadd.s32 s18, s3;
	s18 =	sld [smem:$0x7BD]  }
0x31: {  	[smem:$0x7D1] =	sst s6  }
0x32: {  	[smem:$0x7D2] =	sst s8  }
0x33: {  	[dreg:$0x10] =	wrdreg s1;
	s1 =	sshll.u32 s2, $0x7;
	s2 =	sshll.u32 s18, $0x7  }
0x34: {  	s18 =	sld [smem:$0x7C1];
	s2 =	sadd.s32 s2, s3  }
0x35: {  	[dreg:$0x12] =	wrdreg s2  }
0x36: {  	s2 =	sld [smem:$0x7C2]  }
0x37: {  	[smem:$0x7D6] =	sst s9;
	s1 =	sadd.s32 s1, s3  }
0x38: {  	[dreg:$0x11] =	wrdreg s1;
	s1 =	sshll.u32 s18, $0x7  }
0x39: {  	s18 =	sld [smem:$0x79D];
	s1 =	sadd.s32 s1, s3;
	s2 =	sshll.u32 s2, $0x7  }
0x3a: {  	[dreg:$0x13] =	wrdreg s1;
	s2 =	sadd.s32 s2, s3  }
0x3b: {  	s16 =	sshll.u32 s16, $0x7;
	[dreg:$0x15] =	wrdreg s2  }
0x3c: {  	s16 =	sadd.s32 s16, s3;
	s1 =	sshll.u32 s18, $0x7;
	s2 =	sld [smem:$0x7C6]  }
0x3d: {  	[dreg:$0x18] =	wrdreg s16;
	s1 =	sadd.s32 s1, s3  }
0x3e: {  	[dreg:$0x14] =	wrdreg s1  }
0x3f: {  	s1 =	sshll.u32 s2, $0x7;
	s2 =	sld [smem:$0x7C7]  }
0x40: {  	[dreg:$0xe] =	wrdreg s20  }
0x41: {  	[smem:$0x7CC] =	sst s11;
	s1 =	sadd.s32 s1, s3  }
0x42: {  	[dreg:$0x16] =	wrdreg s1;
	s1 =	sshll.u32 s2, $0x7  }
0x43: {  	s2 =	sshll.u32 s11, $0x7;
	s11 =	sld [smem:$0x79E];
	s1 =	sadd.s32 s1, s3  }
0x44: {  	s7 =	sshll.u32 s7, $0x7;
	[dreg:$0x17] =	wrdreg s1  }
0x45: {  	s1 =	sadd.s32 s2, s3;
	s2 =	sshll.u32 s8, $0x7;
	s8 =	sld [smem:$0x79F]  }
0x46: {  	[dreg:$0x19] =	wrdreg s1;
	s16 =	sshll.u32 s11, $0x7;
	s1 =	sadd.s32 s7, s3  }
0x47: {  	[dreg:$0x1a] =	wrdreg s1;
	s7 =	sadd.s32 s16, s3;
	s16 =	sshll.u32 s6, $0x7  }
0x48: {  	[dreg:$0x1b] =	wrdreg s7;
	s1 =	sadd.s32 s16, s3;
	s6 =	sshll.u32 s8, $0x7  }
0x49: {  	[dreg:$0x1c] =	wrdreg s1;
	s7 =	sadd.s32 s6, s3  }
0x4a: {  	[dreg:$0x1e] =	wrdreg s7  }
0x4b: {  	s9 =	sshll.u32 s9, $0x7;
	s1 =	sadd.s32 s2, s3;
	s7 =	sld [smem:$0x7A0]  }
0x4c: {  	s10 =	sshll.u32 s10, $0x7;
	[dreg:$0x1d] =	wrdreg s1;
	s1 =	sadd.s32 s9, s3  }
0x4d: {  	[dreg:$0x1f] =	wrdreg s1;
	s1 =	sadd.s32 s10, s3  }
0x4e: {  	[smem:$0x7A1] =	sst s1;
	s16 =	sshll.u32 s7, $0x7  }
0x4f: {  	s13 =	sshll.u32 s13, $0x7;
	s6 =	sadd.s32 s16, s3;
	s16 =	sld [smem:$0x7A3]  }
0x50: {  	[smem:$0x7A2] =	sst s6;
	s6 =	sadd.s32 s13, s3;
	s13 =	sshll.u32 s17, $0x7  }
0x51: {  	[smem:$0x7A6] =	sst s6;
	s6 =	sadd.s32 s13, s3;
	s13 =	sshll.u32 s19, $0x7  }
0x52: {  	s9 =	sshll.u32 s16, $0x7;
	[smem:$0x7A9] =	sst s6;
	s6 =	sadd.s32 s13, s3  }
0x53: {  	s13 =	sshll.u32 s29, $0x7;
	s1 =	sadd.s32 s9, s3;
	[smem:$0x7AC] =	sst s6  }
0x54: {  	s10 =	sshll.u32 s12, $0x7;
	s6 =	sadd.s32 s13, s3;
	[smem:$0x7A4] =	sst s1  }
0x55: {  	s13 =	sshll.u32 s25, $0x7;
	s1 =	sadd.s32 s10, s3;
	[smem:$0x7AF] =	sst s6  }
0x56: {  	s6 =	sadd.s32 s13, s3;
	[smem:$0x7A5] =	sst s1  }
0x57: {  	s9 =	sshll.u32 s14, $0x7;
	s13 =	sshll.u32 s22, $0x7;
	[smem:$0x7B2] =	sst s6  }
0x58: {  	s1 =	sadd.s32 s9, s3;
	s6 =	sadd.s32 s13, s3;
	s13 =	sld [smem:$0x7F1]  }
0x59: {  	[smem:$0x7A7] =	sst s1  }
0x5a: {  	s10 =	sshll.u32 s15, $0x7;
	[smem:$0x7B5] =	sst s6  }
0x5b: {  	s9 =	sshll.u32 s30, $0x7;
	s1 =	sadd.s32 s10, s3;
	s6 =	sld [smem:$0x7B9]  }
0x5c: {  	[smem:$0x7A8] =	sst s1;
	s1 =	sadd.s32 s9, s3  }
0x5d: {  	s10 =	sshll.u32 s31, $0x7;
	s9 =	sshll.u32 s26, $0x7;
	[smem:$0x7AA] =	sst s1  }
0x5e: {  	s1 =	sadd.s32 s10, s3;
	s2 =	sshll.u32 s13, $0x7;
	s13 =	sld [smem:$0x7BD]  }
0x5f: {  	[smem:$0x7AB] =	sst s1;
	s1 =	sadd.s32 s9, s3  }
0x60: {  	s10 =	sshll.u32 s28, $0x7;
	s2 =	sadd.s32 s2, s3;
	[smem:$0x7AD] =	sst s1  }
0x61: {  	s9 =	sshll.u32 s23, $0x7;
	s1 =	sadd.s32 s10, s3;
	[smem:$0x7B8] =	sst s2  }
0x62: {  	[smem:$0x7AE] =	sst s1;
	s1 =	sadd.s32 s9, s3  }
0x63: {  	s10 =	sshll.u32 s24, $0x7;
	[smem:$0x7B0] =	sst s1  }
0x64: {  	s1 =	sadd.s32 s10, s3;
	s10 =	sld [smem:$0x7EB]  }
0x65: {  	s9 =	sshll.u32 s21, $0x7;
	[smem:$0x7B1] =	sst s1  }
0x66: {  	s1 =	sadd.s32 s9, s3;
	s9 =	sld [smem:$0x7EF]  }
0x67: {  	[smem:$0x7B3] =	sst s1;
	s1 =	sshll.u32 s10, $0x7  }
0x68: {  	s10 =	sld [smem:$0x7F0];
	s1 =	sadd.s32 s1, s3  }
0x69: {  	[smem:$0x7B4] =	sst s1;
	s1 =	sshll.u32 s9, $0x7  }
0x6a: {  	s9 =	sld [smem:$0x7BB];
	s1 =	sadd.s32 s1, s3  }
0x6b: {  	[smem:$0x7B6] =	sst s1;
	s1 =	sshll.u32 s10, $0x7  }
0x6c: {  	s10 =	sld [smem:$0x7BC];
	s1 =	sadd.s32 s1, s3  }
0x6d: {  	[smem:$0x7B7] =	sst s1;
	s1 =	sadd.s32 s6, s4  }
0x6e: {  	s6 =	sshll.u32 s13, $0x4;
	s13 =	sshll.u32 s18, $0x4;
	s18 =	sld [smem:$0x7C2]  }
0x6f: {  	[smem:$0x7BA] =	sst s1;
	s1 =	sshll.u32 s9, $0x4  }
0x70: {  	s2 =	sshll.u32 s10, $0x4;
	s9 =	sadd.s32 s6, s4;
	s10 =	sld [smem:$0x7C1]  }
0x71: {  	s1 =	sadd.s32 s1, s4;
	[smem:$0x7C0] =	sst s9  }
0x72: {  	s2 =	sadd.s32 s2, s4;
	[smem:$0x7BE] =	sst s1  }
0x73: {  	[smem:$0x7BF] =	sst s2  }
0x74: {  	s2 =	sadd.s32 s13, s4;
	s13 =	sld [smem:$0x7C7]  }
0x75: {  	s6 =	sshll.u32 s18, $0x4;
	s18 =	sld [smem:$0x7C8]  }
0x76: {  	[smem:$0x7C4] =	sst s2  }
0x77: {  	s1 =	sshll.u32 s10, $0x4;
	s9 =	sadd.s32 s6, s4;
	s10 =	sld [smem:$0x7C6]  }
0x78: {  	s1 =	sadd.s32 s1, s4;
	[smem:$0x7C5] =	sst s9  }
0x79: {  	[smem:$0x7C3] =	sst s1  }
0x7a: {  	s2 =	sshll.u32 s13, $0x4;
	s6 =	sshll.u32 s18, $0x4;
	s13 =	sld [smem:$0x7CD]  }
0x7b: {  	s1 =	sshll.u32 s10, $0x4;
	s2 =	sadd.s32 s2, s4;
	s10 =	sld [smem:$0x7CC]  }
0x7c: {  	s18 =	sshll.u32 s11, $0x4;
	s9 =	sadd.s32 s6, s4;
	[smem:$0x7CA] =	sst s2  }
0x7d: {  	s6 =	sadd.s32 s18, s4;
	[smem:$0x7CB] =	sst s9  }
0x7e: {  	s12 =	sshll.u32 s12, $0x4;
	s11 =	sshll.u32 s8, $0x4;
	[smem:$0x7D0] =	sst s6  }
0x7f: {  	s8 =	sshll.u32 s7, $0x4;
	s18 =	sadd.s32 s11, s4;
	s9 =	sld [smem:$0x7D1]  }
0x80: {  	s7 =	sshll.u32 s17, $0x4;
	s17 =	sshll.u32 s29, $0x4;
	[smem:$0x7D5] =	sst s18  }
0x81: {  	s11 =	sshll.u32 s16, $0x4;
	s16 =	sadd.s32 s12, s4;
	s6 =	sld [smem:$0x7D7]  }
0x82: {  	s12 =	sshll.u32 s19, $0x4;
	s19 =	sadd.s32 s17, s4;
	[smem:$0x7DD] =	sst s16  }
0x83: {  	s1 =	sadd.s32 s1, s4;
	[smem:$0x7E7] =	sst s19  }
0x84: {  	[smem:$0x7C9] =	sst s1  }
0x85: {  	s2 =	sshll.u32 s13, $0x4;
	s1 =	sshll.u32 s10, $0x4;
	s10 =	sld [smem:$0x7D2]  }
0x86: {  	s19 =	sld [smem:$0x7F5];
	s2 =	sadd.s32 s2, s4  }
0x87: {  	s1 =	sadd.s32 s1, s4;
	[smem:$0x7CF] =	sst s2  }
0x88: {  	[smem:$0x7CE] =	sst s1;
	s1 =	sshll.u32 s9, $0x4;
	s2 =	sshll.u32 s10, $0x4  }
0x89: {  	s1 =	sadd.s32 s1, s4;
	s13 =	sadd.s32 s2, s4;
	s2 =	sld [smem:$0x7D6]  }
0x8a: {  	s10 =	sadd.s32 s8, s4;
	[smem:$0x7D3] =	sst s1  }
0x8b: {  	[smem:$0x7DA] =	sst s10  }
0x8c: {  	[smem:$0x7D4] =	sst s13;
	s1 =	sshll.u32 s2, $0x4  }
0x8d: {  	s13 =	sld [smem:$0x7DB];
	s2 =	sshll.u32 s6, $0x4;
	s1 =	sadd.s32 s1, s4  }
0x8e: {  	s9 =	sadd.s32 s2, s4;
	[smem:$0x7D8] =	sst s1  }
0x8f: {  	s2 =	sshll.u32 s14, $0x4;
	s14 =	sadd.s32 s12, s4;
	[smem:$0x7D9] =	sst s9  }
0x90: {  	[smem:$0x7E4] =	sst s14  }
0x91: {  	s6 =	sshll.u32 s13, $0x4;
	s1 =	sadd.s32 s11, s4;
	s14 =	sld [smem:$0x7EF]  }
0x92: {  	s18 =	sadd.s32 s6, s4;
	[smem:$0x7DC] =	sst s1  }
0x93: {  	s24 =	sshll.u32 s24, $0x4;
	s9 =	sadd.s32 s7, s4;
	[smem:$0x7DE] =	sst s18  }
0x94: {  	s7 =	sadd.s32 s24, s4;
	[smem:$0x7E1] =	sst s9  }
0x95: {  	s16 =	sshll.u32 s28, $0x4;
	s6 =	sshll.u32 s15, $0x4;
	[smem:$0x7E9] =	sst s7  }
0x96: {  	s15 =	sshll.u32 s26, $0x4;
	s18 =	sadd.s32 s16, s4;
	s16 =	sld [smem:$0x7F1]  }
0x97: {  	s24 =	sadd.s32 $0xA010, s20;
	s9 =	sshll.u32 s21, $0x4;
	s21 =	sld [smem:$0x7F7]  }
0x98: {  	s26 =	sshll.u32 s25, $0x4;
	s25 =	sadd.s32 $0x20, s20;
	[smem:$0x7FB] =	sst s24  }
0x99: {  	s1 =	sadd.s32 s2, s4;
	[smem:$0x7FC] =	sst s25  }
0x9a: {  	s11 =	sshll.u32 s31, $0x4;
	s8 =	sadd.s32 s6, s4;
	[smem:$0x7DF] =	sst s1  }
0x9b: {  	s13 =	sadd.s32 s11, s4;
	[smem:$0x7E0] =	sst s8  }
0x9c: {  	s23 =	sshll.u32 s23, $0x4;
	[smem:$0x7E3] =	sst s13  }
0x9d: {  	s10 =	sshll.u32 s30, $0x4;
	s11 =	sshll.u32 s22, $0x4;
	[smem:$0x7E6] =	sst s18  }
0x9e: {  	s22 =	sadd.s32 $0xA000, s20;
	s1 =	sadd.s32 s10, s4;
	s10 =	sld [smem:$0x7EB]  }
0x9f: {  	s29 =	simm.s32 $0x4;
	s28 =	simm.s32 $0x14100;
	[smem:$0x7F9] =	sst s22  }
0xa0: {  	s30 =	simm.s32 $0x6;
	s8 =	sadd.s32 s26, s4;
	[smem:$0x7E2] =	sst s1  }
0xa1: {  	s31 =	simm.s32 $0xA;
	s13 =	sadd.s32 s11, s4;
	[smem:$0x7EA] =	sst s8  }
0xa2: {  	s24 =	simm.s32 $0x3;
	s25 =	simm.s32 $0x5;
	[smem:$0x7EE] =	sst s13  }
0xa3: {  	s26 =	sadd.s32 $0xA020, s20;
	s1 =	sadd.s32 s15, s4;
	s15 =	sld [smem:$0x7F0]  }
0xa4: {  	s7 =	simm.s32 $0x8;
	s11 =	simm.s32 $0x7D;
	[smem:$0x7FD] =	sst s26  }
0xa5: {  	s26 =	simm.s32 $0x7;
	s13 =	simm.s32 $0x9;
	s8 =	simm.s32 $0x0  }
0xa6: {  	[smem:$0x7E5] =	sst s1;
	s1 =	sadd.s32 s23, s4;
	s6 =	sshll.u32 s16, $0x4  }
0xa7: {  	s23 =	sadd.s32 $0x10, s20;
	s16 =	simm.s32 $0x14380;
	[smem:$0x7E8] =	sst s1  }
0xa8: {  	s2 =	sshll.u32 s10, $0x4;
	s1 =	sadd.s32 s9, s4;
	s18 =	sadd.s32 s6, s4  }
0xa9: {  	[smem:$0x7FA] =	sst s23;
	s6 =	simm.s32 $0x14180;
	s9 =	simm.s32 $0x14200  }
0xaa: {  	s10 =	simm.s32 $0x14280;
	[smem:$0x7EC] =	sst s1;
	s12 =	sadd.s32 s2, s4  }
0xab: {  	s1 =	sshll.u32 s14, $0x4;
	s2 =	sshll.u32 s15, $0x4;
	[smem:$0x7F4] =	sst s18  }
0xac: {  	s14 =	simm.s32 $0x18280;
	[smem:$0x7ED] =	sst s12;
	s1 =	sadd.s32 s1, s4  }
0xad: {  	s15 =	simm.s32 $0x14300;
	s17 =	sadd.s32 s2, s4;
	[smem:$0x7F2] =	sst s1  }
0xae: {  	s18 =	simm.s32 $0x1F100;
	[smem:$0x7F3] =	sst s17;
	s1 =	sadd.s32 $0x16800, s19  }
0xaf: {  	s2 =	simm.s32 $0x14080;
	[smem:$0x7F6] =	sst s1;
	s1 =	smax.u32 s21, $0x1  }
0xb0: {  	v0 =	vimm.f32 $0.0e+00;
	v1 =	vimm.f32 $1.000000000e+00;
	s12 =	simm.s32 $0x14400;
	s17 =	simm.s32 $0xB;
	[smem:$0x7F8] =	sst s1  }
.LBB2_1:
0xb1: {  	[smem:$0x79B] =	sst s8;
	s8 =	simm.s32 $0x0;
	s19 =	simm.s32 $0x0  }
.LBB2_2:
0xb2: {  	p0 =	sne.s32 s19, $0x1FC0  }
.Ltmp0:
0xb3: {  	_ = 	snop;
	(pc) =	sbr.rel @p0 .LBB2_2-.Ltmp0, $4  }
0xb4: {  	s22 =	sand.u32 $0x1E00, s19  }
0xb5: {  	s23 =	sand.u32 $0x70, s8;
	s22 =	sshrl.u32 s22, $0x2  }
0xb6: {  	s22 =	sor.u32 s23, s22  }
0xb7: {  	s8 =	sadd.s32 $0x10, s8;
	s19 =	sadd.s32 $0x40, s19;
	[tilespmem:s22+$0x1C100] =	vst v0  }
0xb8: {  	s8 =	simm.s32 $0x40;
	s19 =	simm.s32 $0x0  }
.LBB2_4:
0xb9: {  	p0 =	sne.s32 s8, $0x1F00;
	[tilespmem:s19+$0x1F100] =	vst v1;
	s19 =	smov.u32 s8;
	s8 =	sadd.s32 $0x40, s8  }
.Ltmp1:
0xba: {  	(pc) =	sbr.rel @p0 .LBB2_4-.Ltmp1, $2  }
0xbb: {  	_ =	sdelay $0x2  }
0xbc: {  	s19 =	sshra.s32 s19, $0x2  }
0xbd: {  	[tilespmem:s19+$0x1F100] =	vst v1  }
0xbe: {  	[tilespmem:$0x1F8D0] =	vst v0  }
0xbf: {  	[tilespmem:$0x1F8E0] =	vst v0  }
0xc0: {  	[tilespmem:$0x1F8F0] =	vst v0  }
0xc1: {  	[tilespmem:$0x1F900] =	vst v0  }
0xc2: {  	[tilespmem:$0x1F910] =	vst v0  }
0xc3: {  	[tilespmem:$0x1F920] =	vst v0  }
0xc4: {  	[tilespmem:$0x1F930] =	vst v0  }
0xc5: {  	[tilespmem:$0x1F940] =	vst v0  }
0xc6: {  	[tilespmem:$0x1F950] =	vst v0  }
0xc7: {  	[tilespmem:$0x1F960] =	vst v0  }
0xc8: {  	[tilespmem:$0x1F970] =	vst v0  }
0xc9: {  	[tilespmem:$0x1F980] =	vst v0  }
0xca: {  	[tilespmem:$0x1F990] =	vst v0  }
0xcb: {  	[tilespmem:$0x1F9A0] =	vst v0  }
0xcc: {  	s1 =	rddreg [dreg:$0xf];
	[tilespmem:$0x1F9B0] =	vst v0  }
0xcd: {  	s8 =	simm.s32 $0x1C100;
	s23 =	rddreg [dreg:$0x10];
	[tilespmem:$0x1F9C0] =	vst v0  }
0xce: {  	[spmem:s1] =	stream.linear.scatter [tilespmem:s8], [sflag:$0x1], $0x800, $0x38;
	[tilespmem:$0x1F9D0] =	vst v63  }
0xcf: {  	s19 =	rddreg [dreg:$0x11]  }
0xd0: {  	[spmem:s23] =	stream.linear.scatter [tilespmem:s8], [sflag:$0x3], $0x800, $0x38;
	[tilespmem:$0x1F9D0] =	vst v63  }
0xd1: {  	s20 =	rddreg [dreg:$0x12]  }
0xd2: {  	[spmem:s19] =	stream.linear.scatter [tilespmem:s8], [sflag:$0x5], $0x800, $0x38;
	[tilespmem:$0x1F9D0] =	vst v63  }
0xd3: {  	s21 =	rddreg [dreg:$0x13]  }
0xd4: {  	[spmem:s20] =	stream.linear.scatter [tilespmem:s8], [sflag:$0x7], $0x800, $0x38;
	[tilespmem:$0x1F9D0] =	vst v63  }
0xd5: {  	s22 =	rddreg [dreg:$0x14]  }
0xd6: {  	[spmem:s21] =	stream.linear.scatter [tilespmem:s8], [sflag:$0x1], $0x800, $0x38;
	[tilespmem:$0x1F9D0] =	vst v63  }
0xd7: {  	s23 =	rddreg [dreg:$0x15]  }
0xd8: {  	[spmem:s22] =	stream.linear.scatter [tilespmem:s8], [sflag:$0x3], $0x800, $0x38;
	[tilespmem:$0x1F9D0] =	vst v63  }
0xd9: {  	s19 =	rddreg [dreg:$0x16]  }
0xda: {  	[spmem:s23] =	stream.linear.scatter [tilespmem:s8], [sflag:$0x5], $0x800, $0x38;
	[tilespmem:$0x1F9D0] =	vst v63  }
0xdb: {  	s20 =	rddreg [dreg:$0x17]  }
0xdc: {  	[spmem:s19] =	stream.linear.scatter [tilespmem:s8], [sflag:$0x7], $0x800, $0x38;
	[tilespmem:$0x1F9D0] =	vst v63  }
0xdd: {  	s21 =	rddreg [dreg:$0x18]  }
0xde: {  	[spmem:s20] =	stream.linear.scatter [tilespmem:s8], [sflag:$0x1], $0x800, $0x38;
	[tilespmem:$0x1F9D0] =	vst v63  }
0xdf: {  	s22 =	rddreg [dreg:$0x19]  }
0xe0: {  	[spmem:s21] =	stream.linear.scatter [tilespmem:s8], [sflag:$0x3], $0x800, $0x38;
	[tilespmem:$0x1F9D0] =	vst v63  }
0xe1: {  	s23 =	rddreg [dreg:$0x1a]  }
0xe2: {  	[spmem:s22] =	stream.linear.scatter [tilespmem:s8], [sflag:$0x5], $0x800, $0x38;
	[tilespmem:$0x1F9D0] =	vst v63  }
0xe3: {  	s19 =	rddreg [dreg:$0x1b]  }
0xe4: {  	[spmem:s23] =	stream.linear.scatter [tilespmem:s8], [sflag:$0x7], $0x800, $0x38;
	[tilespmem:$0x1F9D0] =	vst v63  }
0xe5: {  	s20 =	rddreg [dreg:$0x1c]  }
0xe6: {  	[spmem:s19] =	stream.linear.scatter [tilespmem:s8], [sflag:$0x1], $0x800, $0x38;
	[tilespmem:$0x1F9D0] =	vst v63  }
0xe7: {  	s21 =	rddreg [dreg:$0x1d]  }
0xe8: {  	[spmem:s20] =	stream.linear.scatter [tilespmem:s8], [sflag:$0x3], $0x800, $0x38;
	[tilespmem:$0x1F9D0] =	vst v63  }
0xe9: {  	s22 =	rddreg [dreg:$0x1e]  }
0xea: {  	[spmem:s21] =	stream.linear.scatter [tilespmem:s8], [sflag:$0x5], $0x800, $0x38;
	[tilespmem:$0x1F9D0] =	vst v63  }
0xeb: {  	s23 =	rddreg [dreg:$0x1f]  }
0xec: {  	[spmem:s22] =	stream.linear.scatter [tilespmem:s8], [sflag:$0x7], $0x800, $0x38;
	[tilespmem:$0x1F9D0] =	vst v63  }
0xed: {  	s19 =	sld [smem:$0x7A1]  }
0xee: {  	[spmem:s23] =	stream.linear.scatter [tilespmem:s8], [sflag:$0x1], $0x800, $0x38;
	[tilespmem:$0x1F9D0] =	vst v63  }
0xef: {  	s20 =	sld [smem:$0x7A2]  }
0xf0: {  	[spmem:s19] =	stream.linear.scatter [tilespmem:s8], [sflag:$0x3], $0x800, $0x38;
	[tilespmem:$0x1F9D0] =	vst v63  }
0xf1: {  	s21 =	sld [smem:$0x7A4]  }
0xf2: {  	[spmem:s20] =	stream.linear.scatter [tilespmem:s8], [sflag:$0x5], $0x800, $0x38;
	[tilespmem:$0x1F9D0] =	vst v63  }
0xf3: {  	s22 =	sld [smem:$0x7A5]  }
0xf4: {  	[spmem:s21] =	stream.linear.scatter [tilespmem:s8], [sflag:$0x7], $0x800, $0x38;
	[tilespmem:$0x1F9D0] =	vst v63  }
0xf5: {  	s23 =	sld [smem:$0x7A6]  }
0xf6: {  	[spmem:s22] =	stream.linear.scatter [tilespmem:s8], [sflag:$0x1], $0x800, $0x38;
	[tilespmem:$0x1F9D0] =	vst v63  }
0xf7: {  	s19 =	sld [smem:$0x7A7]  }
0xf8: {  	[spmem:s23] =	stream.linear.scatter [tilespmem:s8], [sflag:$0x3], $0x800, $0x38;
	[tilespmem:$0x1F9D0] =	vst v63  }
0xf9: {  	s20 =	sld [smem:$0x7A8]  }
0xfa: {  	[spmem:s19] =	stream.linear.scatter [tilespmem:s8], [sflag:$0x5], $0x800, $0x38;
	[tilespmem:$0x1F9D0] =	vst v63  }
0xfb: {  	s21 =	sld [smem:$0x7A9]  }
0xfc: {  	[spmem:s20] =	stream.linear.scatter [tilespmem:s8], [sflag:$0x7], $0x800, $0x38;
	[tilespmem:$0x1F9D0] =	vst v63  }
0xfd: {  	s22 =	sld [smem:$0x7AA]  }
0xfe: {  	[spmem:s21] =	stream.linear.scatter [tilespmem:s8], [sflag:$0x1], $0x800, $0x38;
	[tilespmem:$0x1F9D0] =	vst v63  }
0xff: {  	s23 =	sld [smem:$0x7AB]  }
0x100: {  	[spmem:s22] =	stream.linear.scatter [tilespmem:s8], [sflag:$0x3], $0x800, $0x38;
	[tilespmem:$0x1F9D0] =	vst v63  }
0x101: {  	s19 =	sld [smem:$0x7AC]  }
0x102: {  	[spmem:s23] =	stream.linear.scatter [tilespmem:s8], [sflag:$0x5], $0x800, $0x38;
	[tilespmem:$0x1F9D0] =	vst v63  }
0x103: {  	s20 =	sld [smem:$0x7AD]  }
0x104: {  	[spmem:s19] =	stream.linear.scatter [tilespmem:s8], [sflag:$0x7], $0x800, $0x38;
	[tilespmem:$0x1F9D0] =	vst v63  }
0x105: {  	s21 =	sld [smem:$0x7AE]  }
0x106: {  	[spmem:s20] =	stream.linear.scatter [tilespmem:s8], [sflag:$0x1], $0x800, $0x38;
	[tilespmem:$0x1F9D0] =	vst v63  }
0x107: {  	s22 =	sld [smem:$0x7AF]  }
0x108: {  	[spmem:s21] =	stream.linear.scatter [tilespmem:s8], [sflag:$0x3], $0x800, $0x38;
	[tilespmem:$0x1F9D0] =	vst v63  }
0x109: {  	s23 =	sld [smem:$0x7B0]  }
0x10a: {  	[spmem:s22] =	stream.linear.scatter [tilespmem:s8], [sflag:$0x5], $0x800, $0x38;
	[tilespmem:$0x1F9D0] =	vst v63  }
0x10b: {  	s19 =	sld [smem:$0x7B1]  }
0x10c: {  	[spmem:s23] =	stream.linear.scatter [tilespmem:s8], [sflag:$0x7], $0x800, $0x38;
	[tilespmem:$0x1F9D0] =	vst v63  }
0x10d: {  	s20 =	sld [smem:$0x7B2]  }
0x10e: {  	[spmem:s19] =	stream.linear.scatter [tilespmem:s8], [sflag:$0x1], $0x800, $0x38;
	[tilespmem:$0x1F9D0] =	vst v63  }
0x10f: {  	s21 =	sld [smem:$0x7B3]  }
0x110: {  	[spmem:s20] =	stream.linear.scatter [tilespmem:s8], [sflag:$0x3], $0x800, $0x38;
	[tilespmem:$0x1F9D0] =	vst v63  }
0x111: {  	s22 =	sld [smem:$0x7B4]  }
0x112: {  	[spmem:s21] =	stream.linear.scatter [tilespmem:s8], [sflag:$0x5], $0x800, $0x38;
	[tilespmem:$0x1F9D0] =	vst v63  }
0x113: {  	s23 =	sld [smem:$0x7B5]  }
0x114: {  	[spmem:s22] =	stream.linear.scatter [tilespmem:s8], [sflag:$0x7], $0x800, $0x38;
	[tilespmem:$0x1F9D0] =	vst v63  }
0x115: {  	s19 =	sld [smem:$0x7B6]  }
0x116: {  	[spmem:s23] =	stream.linear.scatter [tilespmem:s8], [sflag:$0x1], $0x800, $0x38;
	[tilespmem:$0x1F9D0] =	vst v63  }
0x117: {  	s20 =	sld [smem:$0x7B7]  }
0x118: {  	[spmem:s19] =	stream.linear.scatter [tilespmem:s8], [sflag:$0x3], $0x800, $0x38;
	[tilespmem:$0x1F9D0] =	vst v63  }
0x119: {  	s21 =	sld [smem:$0x7B8]  }
0x11a: {  	[spmem:s20] =	stream.linear.scatter [tilespmem:s8], [sflag:$0x5], $0x800, $0x38;
	[tilespmem:$0x1F9D0] =	vst v63  }
0x11b: {  	s22 =	sld [smem:$0x7BA]  }
0x11c: {  	[spmem:s21] =	stream.linear.scatter [tilespmem:s8], [sflag:$0x7], $0x800, $0x38;
	[tilespmem:$0x1F9D0] =	vst v63  }
0x11d: {  	s23 =	sld [smem:$0x7BE];
	s8 =	simm.s32 $0x1F8D0  }
0x11e: {  	[spmem:s22] =	stream.linear.scatter [tilespmem:s8], [sflag:$0x2], $0x100, $0x38;
	[tilespmem:$0x1F9D0] =	vst v63  }
0x11f: {  	s19 =	sld [smem:$0x7BF]  }
0x120: {  	[spmem:s23] =	stream.linear.scatter [tilespmem:s8], [sflag:$0x4], $0x100, $0x38;
	[tilespmem:$0x1F9D0] =	vst v63  }
0x121: {  	s20 =	sld [smem:$0x7C0]  }
0x122: {  	[spmem:s19] =	stream.linear.scatter [tilespmem:s8], [sflag:$0x6], $0x100, $0x38;
	[tilespmem:$0x1F9D0] =	vst v63  }
0x123: {  	s21 =	sld [smem:$0x7C3]  }
0x124: {  	[spmem:s20] =	stream.linear.scatter [tilespmem:s8], [sflag:$0x8], $0x100, $0x38;
	[tilespmem:$0x1F9D0] =	vst v63  }
0x125: {  	s22 =	sld [smem:$0x7C4]  }
0x126: {  	[spmem:s21] =	stream.linear.scatter [tilespmem:s8], [sflag:$0x2], $0x100, $0x38;
	[tilespmem:$0x1F9D0] =	vst v63  }
0x127: {  	s23 =	sld [smem:$0x7C5]  }
0x128: {  	[spmem:s22] =	stream.linear.scatter [tilespmem:s8], [sflag:$0x4], $0x100, $0x38;
	[tilespmem:$0x1F9D0] =	vst v63  }
0x129: {  	s19 =	sld [smem:$0x7C9]  }
0x12a: {  	[spmem:s23] =	stream.linear.scatter [tilespmem:s8], [sflag:$0x6], $0x100, $0x38;
	[tilespmem:$0x1F9D0] =	vst v63  }
0x12b: {  	s20 =	sld [smem:$0x7CA]  }
0x12c: {  	[spmem:s19] =	stream.linear.scatter [tilespmem:s8], [sflag:$0x8], $0x100, $0x38;
	[tilespmem:$0x1F9D0] =	vst v63  }
0x12d: {  	s21 =	sld [smem:$0x7CB]  }
0x12e: {  	[spmem:s20] =	stream.linear.scatter [tilespmem:s8], [sflag:$0x2], $0x100, $0x38;
	[tilespmem:$0x1F9D0] =	vst v63  }
0x12f: {  	s22 =	sld [smem:$0x7CE]  }
0x130: {  	[spmem:s21] =	stream.linear.scatter [tilespmem:s8], [sflag:$0x4], $0x100, $0x38;
	[tilespmem:$0x1F9D0] =	vst v63  }
0x131: {  	s23 =	sld [smem:$0x7CF]  }
0x132: {  	[spmem:s22] =	stream.linear.scatter [tilespmem:s8], [sflag:$0x6], $0x100, $0x38;
	[tilespmem:$0x1F9D0] =	vst v63  }
0x133: {  	s19 =	sld [smem:$0x7D0]  }
0x134: {  	[spmem:s23] =	stream.linear.scatter [tilespmem:s8], [sflag:$0x8], $0x100, $0x38;
	[tilespmem:$0x1F9D0] =	vst v63  }
0x135: {  	s20 =	sld [smem:$0x7D3]  }
0x136: {  	[spmem:s19] =	stream.linear.scatter [tilespmem:s8], [sflag:$0x2], $0x100, $0x38;
	[tilespmem:$0x1F9D0] =	vst v63  }
0x137: {  	s21 =	sld [smem:$0x7D4]  }
0x138: {  	[spmem:s20] =	stream.linear.scatter [tilespmem:s8], [sflag:$0x4], $0x100, $0x38;
	[tilespmem:$0x1F9D0] =	vst v63  }
0x139: {  	s22 =	sld [smem:$0x7D5]  }
0x13a: {  	[spmem:s21] =	stream.linear.scatter [tilespmem:s8], [sflag:$0x6], $0x100, $0x38;
	[tilespmem:$0x1F9D0] =	vst v63  }
0x13b: {  	s23 =	sld [smem:$0x7D8]  }
0x13c: {  	[spmem:s22] =	stream.linear.scatter [tilespmem:s8], [sflag:$0x8], $0x100, $0x38;
	[tilespmem:$0x1F9D0] =	vst v63  }
0x13d: {  	s19 =	sld [smem:$0x7D9]  }
0x13e: {  	[spmem:s23] =	stream.linear.scatter [tilespmem:s8], [sflag:$0x2], $0x100, $0x38;
	[tilespmem:$0x1F9D0] =	vst v63  }
0x13f: {  	s20 =	sld [smem:$0x7DA]  }
0x140: {  	[spmem:s19] =	stream.linear.scatter [tilespmem:s8], [sflag:$0x4], $0x100, $0x38;
	[tilespmem:$0x1F9D0] =	vst v63  }
0x141: {  	s21 =	sld [smem:$0x7DC]  }
0x142: {  	[spmem:s20] =	stream.linear.scatter [tilespmem:s8], [sflag:$0x6], $0x100, $0x38;
	[tilespmem:$0x1F9D0] =	vst v63  }
0x143: {  	s22 =	sld [smem:$0x7DD]  }
0x144: {  	[spmem:s21] =	stream.linear.scatter [tilespmem:s8], [sflag:$0x8], $0x100, $0x38;
	[tilespmem:$0x1F9D0] =	vst v63  }
0x145: {  	s23 =	sld [smem:$0x7DE]  }
0x146: {  	[spmem:s22] =	stream.linear.scatter [tilespmem:s8], [sflag:$0x2], $0x100, $0x38;
	[tilespmem:$0x1F9D0] =	vst v63  }
0x147: {  	s19 =	sld [smem:$0x7DF]  }
0x148: {  	[spmem:s23] =	stream.linear.scatter [tilespmem:s8], [sflag:$0x4], $0x100, $0x38;
	[tilespmem:$0x1F9D0] =	vst v63  }
0x149: {  	s20 =	sld [smem:$0x7E0]  }
0x14a: {  	[spmem:s19] =	stream.linear.scatter [tilespmem:s8], [sflag:$0x6], $0x100, $0x38;
	[tilespmem:$0x1F9D0] =	vst v63  }
0x14b: {  	s21 =	sld [smem:$0x7E1]  }
0x14c: {  	[spmem:s20] =	stream.linear.scatter [tilespmem:s8], [sflag:$0x8], $0x100, $0x38;
	[tilespmem:$0x1F9D0] =	vst v63  }
0x14d: {  	s22 =	sld [smem:$0x7E2]  }
0x14e: {  	[spmem:s21] =	stream.linear.scatter [tilespmem:s8], [sflag:$0x2], $0x100, $0x38;
	[tilespmem:$0x1F9D0] =	vst v63  }
0x14f: {  	s23 =	sld [smem:$0x7E3]  }
0x150: {  	[spmem:s22] =	stream.linear.scatter [tilespmem:s8], [sflag:$0x4], $0x100, $0x38;
	[tilespmem:$0x1F9D0] =	vst v63  }
0x151: {  	s19 =	sld [smem:$0x7E4]  }
0x152: {  	[spmem:s23] =	stream.linear.scatter [tilespmem:s8], [sflag:$0x6], $0x100, $0x38;
	[tilespmem:$0x1F9D0] =	vst v63  }
0x153: {  	s20 =	sld [smem:$0x7E5]  }
0x154: {  	[spmem:s19] =	stream.linear.scatter [tilespmem:s8], [sflag:$0x8], $0x100, $0x38;
	[tilespmem:$0x1F9D0] =	vst v63  }
0x155: {  	s21 =	sld [smem:$0x7E6]  }
0x156: {  	[spmem:s20] =	stream.linear.scatter [tilespmem:s8], [sflag:$0x2], $0x100, $0x38;
	[tilespmem:$0x1F9D0] =	vst v63  }
0x157: {  	s22 =	sld [smem:$0x7E7]  }
0x158: {  	[spmem:s21] =	stream.linear.scatter [tilespmem:s8], [sflag:$0x4], $0x100, $0x38;
	[tilespmem:$0x1F9D0] =	vst v63  }
0x159: {  	s23 =	sld [smem:$0x7E8]  }
0x15a: {  	[spmem:s22] =	stream.linear.scatter [tilespmem:s8], [sflag:$0x6], $0x100, $0x38;
	[tilespmem:$0x1F9D0] =	vst v63  }
0x15b: {  	s19 =	sld [smem:$0x7E9]  }
0x15c: {  	[spmem:s23] =	stream.linear.scatter [tilespmem:s8], [sflag:$0x8], $0x100, $0x38;
	[tilespmem:$0x1F9D0] =	vst v63  }
0x15d: {  	s20 =	sld [smem:$0x7EA]  }
0x15e: {  	[spmem:s19] =	stream.linear.scatter [tilespmem:s8], [sflag:$0x2], $0x100, $0x38;
	[tilespmem:$0x1F9D0] =	vst v63  }
0x15f: {  	s21 =	sld [smem:$0x7EC]  }
0x160: {  	[spmem:s20] =	stream.linear.scatter [tilespmem:s8], [sflag:$0x4], $0x100, $0x38;
	[tilespmem:$0x1F9D0] =	vst v63  }
0x161: {  	s22 =	sld [smem:$0x7ED]  }
0x162: {  	[spmem:s21] =	stream.linear.scatter [tilespmem:s8], [sflag:$0x6], $0x100, $0x38;
	[tilespmem:$0x1F9D0] =	vst v63  }
0x163: {  	s23 =	sld [smem:$0x7EE]  }
0x164: {  	[spmem:s22] =	stream.linear.scatter [tilespmem:s8], [sflag:$0x8], $0x100, $0x38;
	[tilespmem:$0x1F9D0] =	vst v63  }
0x165: {  	s19 =	sld [smem:$0x7F2]  }
0x166: {  	[spmem:s23] =	stream.linear.scatter [tilespmem:s8], [sflag:$0x2], $0x100, $0x38;
	[tilespmem:$0x1F9D0] =	vst v63  }
0x167: {  	s20 =	sld [smem:$0x7F3]  }
0x168: {  	[spmem:s19] =	stream.linear.scatter [tilespmem:s8], [sflag:$0x4], $0x100, $0x38;
	[tilespmem:$0x1F9D0] =	vst v63  }
0x169: {  	s21 =	sld [smem:$0x7F4]  }
0x16a: {  	[spmem:s20] =	stream.linear.scatter [tilespmem:s8], [sflag:$0x6], $0x100, $0x38;
	[tilespmem:$0x1F9D0] =	vst v63  }
0x16b: {  	s19 =	simm.s32 $0x1  }
0x16c: {  	[spmem:s21] =	stream.linear.scatter [tilespmem:s8], [sflag:$0x8], $0x100, $0x38;
	[tilespmem:$0x1F9D0] =	vst v63  }
0x16d: {  	_ =	swait.ge [sflag:s19], $0x800  }
0x16e: {  	[sflag:s19] =	ssyncset.done $0x0  }
0x16f: {  	[sflag:s19] =	ssyncadd.s32 $0xFFFFF800  }
0x170: {  	_ =	swait.ge [sflag:s24], $0x800  }
0x171: {  	[sflag:s24] =	ssyncset.done $0x0  }
0x172: {  	[sflag:s24] =	ssyncadd.s32 $0xFFFFF800  }
0x173: {  	_ =	swait.ge [sflag:s25], $0x800  }
0x174: {  	[sflag:s25] =	ssyncset.done $0x0  }
0x175: {  	[sflag:s25] =	ssyncadd.s32 $0xFFFFF800  }
0x176: {  	_ =	swait.ge [sflag:s26], $0x800  }
0x177: {  	[sflag:s26] =	ssyncset.done $0x0  }
0x178: {  	[sflag:s26] =	ssyncadd.s32 $0xFFFFF800  }
0x179: {  	_ =	swait.ge [sflag:s19], $0x800  }
0x17a: {  	[sflag:s19] =	ssyncset.done $0x0  }
0x17b: {  	[sflag:s19] =	ssyncadd.s32 $0xFFFFF800  }
0x17c: {  	_ =	swait.ge [sflag:s24], $0x800  }
0x17d: {  	[sflag:s24] =	ssyncset.done $0x0  }
0x17e: {  	[sflag:s24] =	ssyncadd.s32 $0xFFFFF800  }
0x17f: {  	_ =	swait.ge [sflag:s25], $0x800  }
0x180: {  	[sflag:s25] =	ssyncset.done $0x0  }
0x181: {  	[sflag:s25] =	ssyncadd.s32 $0xFFFFF800  }
0x182: {  	_ =	swait.ge [sflag:s26], $0x800  }
0x183: {  	[sflag:s26] =	ssyncset.done $0x0  }
0x184: {  	[sflag:s26] =	ssyncadd.s32 $0xFFFFF800  }
0x185: {  	_ =	swait.ge [sflag:s19], $0x800  }
0x186: {  	[sflag:s19] =	ssyncset.done $0x0  }
0x187: {  	[sflag:s19] =	ssyncadd.s32 $0xFFFFF800  }
0x188: {  	_ =	swait.ge [sflag:s24], $0x800  }
0x189: {  	[sflag:s24] =	ssyncset.done $0x0  }
0x18a: {  	[sflag:s24] =	ssyncadd.s32 $0xFFFFF800  }
0x18b: {  	_ =	swait.ge [sflag:s25], $0x800  }
0x18c: {  	[sflag:s25] =	ssyncset.done $0x0  }
0x18d: {  	[sflag:s25] =	ssyncadd.s32 $0xFFFFF800  }
0x18e: {  	_ =	swait.ge [sflag:s26], $0x800  }
0x18f: {  	[sflag:s26] =	ssyncset.done $0x0  }
0x190: {  	[sflag:s26] =	ssyncadd.s32 $0xFFFFF800  }
0x191: {  	_ =	swait.ge [sflag:s19], $0x800  }
0x192: {  	[sflag:s19] =	ssyncset.done $0x0  }
0x193: {  	[sflag:s19] =	ssyncadd.s32 $0xFFFFF800  }
0x194: {  	_ =	swait.ge [sflag:s24], $0x800  }
0x195: {  	[sflag:s24] =	ssyncset.done $0x0  }
0x196: {  	[sflag:s24] =	ssyncadd.s32 $0xFFFFF800  }
0x197: {  	_ =	swait.ge [sflag:s25], $0x800  }
0x198: {  	[sflag:s25] =	ssyncset.done $0x0  }
0x199: {  	[sflag:s25] =	ssyncadd.s32 $0xFFFFF800  }
0x19a: {  	_ =	swait.ge [sflag:s26], $0x800  }
0x19b: {  	[sflag:s26] =	ssyncset.done $0x0  }
0x19c: {  	[sflag:s26] =	ssyncadd.s32 $0xFFFFF800  }
0x19d: {  	_ =	swait.ge [sflag:s19], $0x800  }
0x19e: {  	[sflag:s19] =	ssyncset.done $0x0  }
0x19f: {  	[sflag:s19] =	ssyncadd.s32 $0xFFFFF800  }
0x1a0: {  	_ =	swait.ge [sflag:s24], $0x800  }
0x1a1: {  	[sflag:s24] =	ssyncset.done $0x0  }
0x1a2: {  	[sflag:s24] =	ssyncadd.s32 $0xFFFFF800  }
0x1a3: {  	_ =	swait.ge [sflag:s25], $0x800  }
0x1a4: {  	[sflag:s25] =	ssyncset.done $0x0  }
0x1a5: {  	[sflag:s25] =	ssyncadd.s32 $0xFFFFF800  }
0x1a6: {  	_ =	swait.ge [sflag:s26], $0x800  }
0x1a7: {  	[sflag:s26] =	ssyncset.done $0x0  }
0x1a8: {  	[sflag:s26] =	ssyncadd.s32 $0xFFFFF800  }
0x1a9: {  	_ =	swait.ge [sflag:s19], $0x800  }
0x1aa: {  	[sflag:s19] =	ssyncset.done $0x0  }
0x1ab: {  	[sflag:s19] =	ssyncadd.s32 $0xFFFFF800  }
0x1ac: {  	_ =	swait.ge [sflag:s24], $0x800  }
0x1ad: {  	[sflag:s24] =	ssyncset.done $0x0  }
0x1ae: {  	[sflag:s24] =	ssyncadd.s32 $0xFFFFF800  }
0x1af: {  	_ =	swait.ge [sflag:s25], $0x800  }
0x1b0: {  	[sflag:s25] =	ssyncset.done $0x0  }
0x1b1: {  	[sflag:s25] =	ssyncadd.s32 $0xFFFFF800  }
0x1b2: {  	_ =	swait.ge [sflag:s26], $0x800  }
0x1b3: {  	[sflag:s26] =	ssyncset.done $0x0  }
0x1b4: {  	[sflag:s26] =	ssyncadd.s32 $0xFFFFF800  }
0x1b5: {  	_ =	swait.ge [sflag:s19], $0x800  }
0x1b6: {  	[sflag:s19] =	ssyncset.done $0x0  }
0x1b7: {  	[sflag:s19] =	ssyncadd.s32 $0xFFFFF800  }
0x1b8: {  	_ =	swait.ge [sflag:s24], $0x800  }
0x1b9: {  	[sflag:s24] =	ssyncset.done $0x0  }
0x1ba: {  	[sflag:s24] =	ssyncadd.s32 $0xFFFFF800  }
0x1bb: {  	_ =	swait.ge [sflag:s25], $0x800  }
0x1bc: {  	[sflag:s25] =	ssyncset.done $0x0  }
0x1bd: {  	[sflag:s25] =	ssyncadd.s32 $0xFFFFF800  }
0x1be: {  	_ =	swait.ge [sflag:s26], $0x800  }
0x1bf: {  	[sflag:s26] =	ssyncset.done $0x0  }
0x1c0: {  	[sflag:s26] =	ssyncadd.s32 $0xFFFFF800  }
0x1c1: {  	_ =	swait.ge [sflag:s19], $0x800  }
0x1c2: {  	[sflag:s19] =	ssyncset.done $0x0  }
0x1c3: {  	[sflag:s19] =	ssyncadd.s32 $0xFFFFF800  }
0x1c4: {  	_ =	swait.ge [sflag:s24], $0x800  }
0x1c5: {  	[sflag:s24] =	ssyncset.done $0x0  }
0x1c6: {  	[sflag:s24] =	ssyncadd.s32 $0xFFFFF800  }
0x1c7: {  	_ =	swait.ge [sflag:s25], $0x800  }
0x1c8: {  	[sflag:s25] =	ssyncset.done $0x0  }
0x1c9: {  	[sflag:s25] =	ssyncadd.s32 $0xFFFFF800  }
0x1ca: {  	_ =	swait.ge [sflag:s26], $0x800  }
0x1cb: {  	[sflag:s26] =	ssyncset.done $0x0  }
0x1cc: {  	[sflag:s26] =	ssyncadd.s32 $0xFFFFF800  }
0x1cd: {  	_ =	swait.ge [sflag:s19], $0x800  }
0x1ce: {  	[sflag:s19] =	ssyncset.done $0x0  }
0x1cf: {  	[sflag:s19] =	ssyncadd.s32 $0xFFFFF800  }
0x1d0: {  	_ =	swait.ge [sflag:s24], $0x800  }
0x1d1: {  	[sflag:s24] =	ssyncset.done $0x0  }
0x1d2: {  	[sflag:s24] =	ssyncadd.s32 $0xFFFFF800  }
0x1d3: {  	_ =	swait.ge [sflag:s25], $0x800  }
0x1d4: {  	[sflag:s25] =	ssyncset.done $0x0  }
0x1d5: {  	[sflag:s25] =	ssyncadd.s32 $0xFFFFF800  }
0x1d6: {  	_ =	swait.ge [sflag:s26], $0x800  }
0x1d7: {  	[sflag:s26] =	ssyncset.done $0x0  }
0x1d8: {  	[sflag:s26] =	ssyncadd.s32 $0xFFFFF800  }
0x1d9: {  	_ =	swait.ge [sflag:s19], $0x800  }
0x1da: {  	[sflag:s19] =	ssyncset.done $0x0  }
0x1db: {  	[sflag:s19] =	ssyncadd.s32 $0xFFFFF800  }
0x1dc: {  	_ =	swait.ge [sflag:s24], $0x800  }
0x1dd: {  	[sflag:s24] =	ssyncset.done $0x0  }
0x1de: {  	[sflag:s24] =	ssyncadd.s32 $0xFFFFF800  }
0x1df: {  	_ =	swait.ge [sflag:s25], $0x800  }
0x1e0: {  	[sflag:s25] =	ssyncset.done $0x0  }
0x1e1: {  	[sflag:s25] =	ssyncadd.s32 $0xFFFFF800  }
0x1e2: {  	_ =	swait.ge [sflag:s26], $0x800  }
0x1e3: {  	[sflag:s26] =	ssyncset.done $0x0  }
0x1e4: {  	s20 =	simm.s32 $0x2;
	[sflag:s26] =	ssyncadd.s32 $0xFFFFF800  }
0x1e5: {  	_ =	swait.ge [sflag:s20], $0x100  }
0x1e6: {  	[sflag:s20] =	ssyncset.done $0x0  }
0x1e7: {  	[sflag:s20] =	ssyncadd.s32 $0xFFFFFF00  }
0x1e8: {  	_ =	swait.ge [sflag:s29], $0x100  }
0x1e9: {  	[sflag:s29] =	ssyncset.done $0x0  }
0x1ea: {  	[sflag:s29] =	ssyncadd.s32 $0xFFFFFF00  }
0x1eb: {  	_ =	swait.ge [sflag:s30], $0x100  }
0x1ec: {  	[sflag:s30] =	ssyncset.done $0x0  }
0x1ed: {  	[sflag:s30] =	ssyncadd.s32 $0xFFFFFF00  }
0x1ee: {  	_ =	swait.ge [sflag:s7], $0x100  }
0x1ef: {  	[sflag:s7] =	ssyncset.done $0x0  }
0x1f0: {  	[sflag:s7] =	ssyncadd.s32 $0xFFFFFF00  }
0x1f1: {  	_ =	swait.ge [sflag:s20], $0x100  }
0x1f2: {  	[sflag:s20] =	ssyncset.done $0x0  }
0x1f3: {  	[sflag:s20] =	ssyncadd.s32 $0xFFFFFF00  }
0x1f4: {  	_ =	swait.ge [sflag:s29], $0x100  }
0x1f5: {  	[sflag:s29] =	ssyncset.done $0x0  }
0x1f6: {  	[sflag:s29] =	ssyncadd.s32 $0xFFFFFF00  }
0x1f7: {  	_ =	swait.ge [sflag:s30], $0x100  }
0x1f8: {  	[sflag:s30] =	ssyncset.done $0x0  }
0x1f9: {  	[sflag:s30] =	ssyncadd.s32 $0xFFFFFF00  }
0x1fa: {  	_ =	swait.ge [sflag:s7], $0x100  }
0x1fb: {  	[sflag:s7] =	ssyncset.done $0x0  }
0x1fc: {  	[sflag:s7] =	ssyncadd.s32 $0xFFFFFF00  }
0x1fd: {  	_ =	swait.ge [sflag:s20], $0x100  }
0x1fe: {  	[sflag:s20] =	ssyncset.done $0x0  }
0x1ff: {  	[sflag:s20] =	ssyncadd.s32 $0xFFFFFF00  }
0x200: {  	_ =	swait.ge [sflag:s29], $0x100  }
0x201: {  	[sflag:s29] =	ssyncset.done $0x0  }
0x202: {  	[sflag:s29] =	ssyncadd.s32 $0xFFFFFF00  }
0x203: {  	_ =	swait.ge [sflag:s30], $0x100  }
0x204: {  	[sflag:s30] =	ssyncset.done $0x0  }
0x205: {  	[sflag:s30] =	ssyncadd.s32 $0xFFFFFF00  }
0x206: {  	_ =	swait.ge [sflag:s7], $0x100  }
0x207: {  	[sflag:s7] =	ssyncset.done $0x0  }
0x208: {  	[sflag:s7] =	ssyncadd.s32 $0xFFFFFF00  }
0x209: {  	_ =	swait.ge [sflag:s20], $0x100  }
0x20a: {  	[sflag:s20] =	ssyncset.done $0x0  }
0x20b: {  	[sflag:s20] =	ssyncadd.s32 $0xFFFFFF00  }
0x20c: {  	_ =	swait.ge [sflag:s29], $0x100  }
0x20d: {  	[sflag:s29] =	ssyncset.done $0x0  }
0x20e: {  	[sflag:s29] =	ssyncadd.s32 $0xFFFFFF00  }
0x20f: {  	_ =	swait.ge [sflag:s30], $0x100  }
0x210: {  	[sflag:s30] =	ssyncset.done $0x0  }
0x211: {  	[sflag:s30] =	ssyncadd.s32 $0xFFFFFF00  }
0x212: {  	_ =	swait.ge [sflag:s7], $0x100  }
0x213: {  	[sflag:s7] =	ssyncset.done $0x0  }
0x214: {  	[sflag:s7] =	ssyncadd.s32 $0xFFFFFF00  }
0x215: {  	_ =	swait.ge [sflag:s20], $0x100  }
0x216: {  	[sflag:s20] =	ssyncset.done $0x0  }
0x217: {  	[sflag:s20] =	ssyncadd.s32 $0xFFFFFF00  }
0x218: {  	_ =	swait.ge [sflag:s29], $0x100  }
0x219: {  	[sflag:s29] =	ssyncset.done $0x0  }
0x21a: {  	[sflag:s29] =	ssyncadd.s32 $0xFFFFFF00  }
0x21b: {  	_ =	swait.ge [sflag:s30], $0x100  }
0x21c: {  	[sflag:s30] =	ssyncset.done $0x0  }
0x21d: {  	[sflag:s30] =	ssyncadd.s32 $0xFFFFFF00  }
0x21e: {  	_ =	swait.ge [sflag:s7], $0x100  }
0x21f: {  	[sflag:s7] =	ssyncset.done $0x0  }
0x220: {  	[sflag:s7] =	ssyncadd.s32 $0xFFFFFF00  }
0x221: {  	_ =	swait.ge [sflag:s20], $0x100  }
0x222: {  	[sflag:s20] =	ssyncset.done $0x0  }
0x223: {  	[sflag:s20] =	ssyncadd.s32 $0xFFFFFF00  }
0x224: {  	_ =	swait.ge [sflag:s29], $0x100  }
0x225: {  	[sflag:s29] =	ssyncset.done $0x0  }
0x226: {  	[sflag:s29] =	ssyncadd.s32 $0xFFFFFF00  }
0x227: {  	_ =	swait.ge [sflag:s30], $0x100  }
0x228: {  	[sflag:s30] =	ssyncset.done $0x0  }
0x229: {  	[sflag:s30] =	ssyncadd.s32 $0xFFFFFF00  }
0x22a: {  	_ =	swait.ge [sflag:s7], $0x100  }
0x22b: {  	[sflag:s7] =	ssyncset.done $0x0  }
0x22c: {  	[sflag:s7] =	ssyncadd.s32 $0xFFFFFF00  }
0x22d: {  	_ =	swait.ge [sflag:s20], $0x100  }
0x22e: {  	[sflag:s20] =	ssyncset.done $0x0  }
0x22f: {  	[sflag:s20] =	ssyncadd.s32 $0xFFFFFF00  }
0x230: {  	_ =	swait.ge [sflag:s29], $0x100  }
0x231: {  	[sflag:s29] =	ssyncset.done $0x0  }
0x232: {  	[sflag:s29] =	ssyncadd.s32 $0xFFFFFF00  }
0x233: {  	_ =	swait.ge [sflag:s30], $0x100  }
0x234: {  	[sflag:s30] =	ssyncset.done $0x0  }
0x235: {  	[sflag:s30] =	ssyncadd.s32 $0xFFFFFF00  }
0x236: {  	_ =	swait.ge [sflag:s7], $0x100  }
0x237: {  	[sflag:s7] =	ssyncset.done $0x0  }
0x238: {  	[sflag:s7] =	ssyncadd.s32 $0xFFFFFF00  }
0x239: {  	_ =	swait.ge [sflag:s20], $0x100  }
0x23a: {  	[sflag:s20] =	ssyncset.done $0x0  }
0x23b: {  	[sflag:s20] =	ssyncadd.s32 $0xFFFFFF00  }
0x23c: {  	_ =	swait.ge [sflag:s29], $0x100  }
0x23d: {  	[sflag:s29] =	ssyncset.done $0x0  }
0x23e: {  	[sflag:s29] =	ssyncadd.s32 $0xFFFFFF00  }
0x23f: {  	_ =	swait.ge [sflag:s30], $0x100  }
0x240: {  	[sflag:s30] =	ssyncset.done $0x0  }
0x241: {  	[sflag:s30] =	ssyncadd.s32 $0xFFFFFF00  }
0x242: {  	_ =	swait.ge [sflag:s7], $0x100  }
0x243: {  	[sflag:s7] =	ssyncset.done $0x0  }
0x244: {  	[sflag:s7] =	ssyncadd.s32 $0xFFFFFF00  }
0x245: {  	_ =	swait.ge [sflag:s20], $0x100  }
0x246: {  	[sflag:s20] =	ssyncset.done $0x0  }
0x247: {  	[sflag:s20] =	ssyncadd.s32 $0xFFFFFF00  }
0x248: {  	_ =	swait.ge [sflag:s29], $0x100  }
0x249: {  	[sflag:s29] =	ssyncset.done $0x0  }
0x24a: {  	[sflag:s29] =	ssyncadd.s32 $0xFFFFFF00  }
0x24b: {  	_ =	swait.ge [sflag:s30], $0x100  }
0x24c: {  	[sflag:s30] =	ssyncset.done $0x0  }
0x24d: {  	[sflag:s30] =	ssyncadd.s32 $0xFFFFFF00  }
0x24e: {  	_ =	swait.ge [sflag:s7], $0x100  }
0x24f: {  	[sflag:s7] =	ssyncset.done $0x0  }
0x250: {  	[sflag:s7] =	ssyncadd.s32 $0xFFFFFF00  }
0x251: {  	_ =	swait.ge [sflag:s20], $0x100  }
0x252: {  	[sflag:s20] =	ssyncset.done $0x0  }
0x253: {  	[sflag:s20] =	ssyncadd.s32 $0xFFFFFF00  }
0x254: {  	_ =	swait.ge [sflag:s29], $0x100  }
0x255: {  	[sflag:s29] =	ssyncset.done $0x0  }
0x256: {  	[sflag:s29] =	ssyncadd.s32 $0xFFFFFF00  }
0x257: {  	_ =	swait.ge [sflag:s30], $0x100  }
0x258: {  	[sflag:s30] =	ssyncset.done $0x0  }
0x259: {  	[sflag:s30] =	ssyncadd.s32 $0xFFFFFF00  }
0x25a: {  	_ =	swait.ge [sflag:s7], $0x100  }
0x25b: {  	[sflag:s7] =	ssyncset.done $0x0  }
0x25c: {  	[sflag:s7] =	ssyncadd.s32 $0xFFFFFF00  }
0x25d: {  	[bflag:$0x0] =	sbarrier.arrive $0xFFFF  }
0x25e: {  	s22 =	rddreg [dreg:$0xe]  }
0x25f: {  	s8 =	simm.s32 $0x0;
	s21 =	simm.s32 $0x14000;
	s23 =	sld [smem:$0x7F9]  }
0x260: {  	[tilespmem:s21], [sflag:$0x1] =	stream.linear.gather [hbm4b:s22+s8], $0x80, $0x38;
	[tilespmem:$0x1F9D0] =	vst v63  }
0x261: {  	s22 =	sld [smem:$0x7FA]  }
0x262: {  	[tilespmem:s2], [sflag:$0x2] =	stream.linear.gather [hbm4b:s23+s8], $0x80, $0x38;
	[tilespmem:$0x1F9D0] =	vst v63  }
0x263: {  	s23 =	sld [smem:$0x7FB]  }
0x264: {  	[tilespmem:s28], [sflag:$0x3] =	stream.linear.gather [hbm4b:s22+s8], $0x80, $0x38;
	[tilespmem:$0x1F9D0] =	vst v63  }
0x265: {  	s22 =	sld [smem:$0x7FC]  }
0x266: {  	[tilespmem:s6], [sflag:$0x4] =	stream.linear.gather [hbm4b:s23+s8], $0x80, $0x38;
	[tilespmem:$0x1F9D0] =	vst v63  }
0x267: {  	s23 =	sld [smem:$0x7FD]  }
0x268: {  	[tilespmem:s9], [sflag:$0x5] =	stream.linear.gather [hbm4b:s22+s8], $0x80, $0x38;
	[tilespmem:$0x1F9D0] =	vst v63  }
0x269: {  	_ = 	snop  }
0x26a: {  	[tilespmem:s10], [sflag:$0x6] =	stream.linear.gather [hbm4b:s23+s8], $0x80, $0x38;
	[tilespmem:$0x1F9D0] =	vst v63  }
0x26b: {  	_ =	swait.ge [sflag:s19], $0x80  }
0x26c: {  	[sflag:s19] =	ssyncset.done $0x0  }
0x26d: {  	[sflag:s19] =	ssyncadd.s32 $0xFFFFFF80  }
0x26e: {  	_ =	swait.ge [sflag:s20], $0x80  }
0x26f: {  	[sflag:s20] =	ssyncset.done $0x0  }
0x270: {  	[sflag:s20] =	ssyncadd.s32 $0xFFFFFF80  }
0x271: {  	[tilespmem:s12], [sflag:$0x9] =	stream.indirect.gather [hbm4b:s0+s11], $0x80, s21, s11, $0xb8;
	[tilespmem:$0x1F9D0] =	vst v63  }
0x272: {  	_ =	swait.ge [sflag:s13], $0x3E80  }
0x273: {  	[sflag:s13] =	ssyncset.done $0x0  }
0x274: {  	[sflag:s13] =	ssyncadd.s32 $0xFFFFC180  }
0x275: {  	_ =	swait.ge [sflag:s24], $0x80  }
0x276: {  	[sflag:s24] =	ssyncset.done $0x0  }
0x277: {  	[sflag:s24] =	ssyncadd.s32 $0xFFFFFF80  }
0x278: {  	_ =	swait.ge [sflag:s29], $0x80  }
0x279: {  	[sflag:s29] =	ssyncset.done $0x0;
	s22 =	rddreg [dreg:$0xc]  }
0x27a: {  	[sflag:s29] =	ssyncadd.s32 $0xFFFFFF80;
	s8 =	sadd.s32 $0x0, s22  }
0x27b: {  	[tilespmem:s14], [sflag:$0xA] =	stream.indirect.gather [hbm4b:s0+s11], $0x80, s28, s11, $0xb8;
	[tilespmem:$0x1F9D0] =	vst v63  }
0x27c: {  	s23 =	sadd.s32 $0x30, s8  }
0x27d: {  	[tilespmem:s15], [sflag:$0x7] =	stream.linear.gather [hbm4b:s23+s5], $0x80, $0x38;
	[tilespmem:$0x1F9D0] =	vst v63  }
0x27e: {  	s8 =	sadd.s32 $0xA030, s8  }
0x27f: {  	[tilespmem:s16], [sflag:$0x8] =	stream.linear.gather [hbm4b:s8+s5], $0x80, $0x38;
	[tilespmem:$0x1F9D0] =	vst v63  }
0x280: {  	_ = 	snop  }
0x281: {  	[spmem:s3] =	stream.indirect.scatter.add.f32 [tilespmem:s12], [sflag:$0xB], $0x80, s2, s11, $0xb8;
	[tilespmem:$0x1F9D0] =	vst v63  }
0x282: {  	_ =	swait.ge [sflag:s17], $0x3E80  }
0x283: {  	[sflag:s17] =	ssyncset.done $0x0  }
0x284: {  	[sflag:s17] =	ssyncadd.s32 $0xFFFFC180  }
0x285: {  	[spmem:s4] =	stream.indirect.scatter.add.f32 [tilespmem:s18], [sflag:$0xB], $0x10, s2, s11, $0xb8;
	[tilespmem:$0x1F9D0] =	vst v63  }
0x286: {  	_ =	swait.ge [sflag:s17], $0x7D0  }
0x287: {  	[sflag:s17] =	ssyncset.done $0x0  }
0x288: {  	[sflag:s17] =	ssyncadd.s32 $0xFFFFF830  }
0x289: {  	_ =	swait.ge [sflag:s31], $0x3E80  }
0x28a: {  	[sflag:s31] =	ssyncset.done $0x0  }
0x28b: {  	[sflag:s31] =	ssyncadd.s32 $0xFFFFC180  }
0x28c: {  	_ =	swait.ge [sflag:s25], $0x80  }
0x28d: {  	[sflag:s25] =	ssyncset.done $0x0  }
0x28e: {  	[sflag:s25] =	ssyncadd.s32 $0xFFFFFF80  }
0x28f: {  	_ =	swait.ge [sflag:s30], $0x80  }
0x290: {  	p0 =	por $0x0, $0x0;
	[sflag:s30] =	ssyncset.done $0x0  }
0x291: {  	s1 =	simm.s32 @!p0 $0x14000;
	s8 =	rddreg [dreg:$0xb];
	[sflag:s30] =	ssyncadd.s32 $0xFFFFFF80  }
0x292: {  	[tilespmem:s12], [sflag:$0x9] =	stream.indirect.gather [hbm4b:s0+s11], $0x80, s9, s11, $0xb8;
	[tilespmem:$0x1F9D0] =	vst v63  }
0x293: {  	s22 =	simm.s32 @!p0 $0x0;
	s19 =	rddreg [dreg:$0xa];
	s8 =	sadd.s32 @!p0 $0x0, s8  }
0x294: {  	[tilespmem:s1], [sflag:$0x1] =	stream.linear.gather @!p0 [hbm4b:s8+s22], $0x80, $0x38;
	[tilespmem:$0x1F9D0] =	vst v63  }
0x295: {  	s8 =	sadd.s32 @!p0 $0x0, s19;
	s19 =	simm.s32 @!p0 $0x14080  }
0x296: {  	[tilespmem:s19], [sflag:$0x2] =	stream.linear.gather @!p0 [hbm4b:s8+s22], $0x80, $0x38;
	[tilespmem:$0x1F9D0] =	vst v63  }
0x297: {  	_ = 	snop  }
0x298: {  	[spmem:s3] =	stream.indirect.scatter.add.f32 [tilespmem:s14], [sflag:$0xB], $0x80, s6, s11, $0xb8;
	[tilespmem:$0x1F9D0] =	vst v63  }
0x299: {  	_ =	swait.ge [sflag:s17], $0x3E80  }
0x29a: {  	[sflag:s17] =	ssyncset.done $0x0  }
0x29b: {  	[sflag:s17] =	ssyncadd.s32 $0xFFFFC180  }
0x29c: {  	[spmem:s4] =	stream.indirect.scatter.add.f32 [tilespmem:s18], [sflag:$0xB], $0x10, s6, s11, $0xb8;
	[tilespmem:$0x1F9D0] =	vst v63  }
0x29d: {  	_ =	swait.ge [sflag:s17], $0x7D0  }
0x29e: {  	[sflag:s17] =	ssyncset.done $0x0  }
0x29f: {  	[sflag:s17] =	ssyncadd.s32 $0xFFFFF830  }
0x2a0: {  	_ =	swait.ge [sflag:s13], $0x3E80  }
0x2a1: {  	[sflag:s13] =	ssyncset.done $0x0  }
0x2a2: {  	[sflag:s13] =	ssyncadd.s32 $0xFFFFC180  }
0x2a3: {  	_ =	swait.ge [sflag:s26], $0x80  }
0x2a4: {  	[sflag:s26] =	ssyncset.done $0x0  }
0x2a5: {  	[sflag:s26] =	ssyncadd.s32 $0xFFFFFF80  }
0x2a6: {  	_ =	swait.ge [sflag:s7], $0x80  }
0x2a7: {  	[sflag:s7] =	ssyncset.done $0x0  }
0x2a8: {  	s8 =	rddreg [dreg:$0x9];
	[sflag:s7] =	ssyncadd.s32 $0xFFFFFF80  }
0x2a9: {  	[tilespmem:s14], [sflag:$0xA] =	stream.indirect.gather [hbm4b:s0+s11], $0x80, s15, s11, $0xb8;
	[tilespmem:$0x1F9D0] =	vst v63  }
0x2aa: {  	s23 =	simm.s32 @!p0 $0x14100;
	s19 =	rddreg [dreg:$0x8];
	s8 =	sadd.s32 @!p0 $0x0, s8  }
0x2ab: {  	[tilespmem:s23], [sflag:$0x3] =	stream.linear.gather @!p0 [hbm4b:s8+s22], $0x80, $0x38;
	[tilespmem:$0x1F9D0] =	vst v63  }
0x2ac: {  	s19 =	sadd.s32 @!p0 $0x0, s19;
	s8 =	simm.s32 @!p0 $0x14180  }
0x2ad: {  	[tilespmem:s8], [sflag:$0x4] =	stream.linear.gather @!p0 [hbm4b:s19+s22], $0x80, $0x38;
	[tilespmem:$0x1F9D0] =	vst v63  }
0x2ae: {  	_ = 	snop  }
0x2af: {  	[spmem:s3] =	stream.indirect.scatter.add.f32 [tilespmem:s12], [sflag:$0xB], $0x80, s10, s11, $0xb8;
	[tilespmem:$0x1F9D0] =	vst v63  }
0x2b0: {  	_ =	swait.ge [sflag:s17], $0x3E80  }
0x2b1: {  	[sflag:s17] =	ssyncset.done $0x0  }
0x2b2: {  	[sflag:s17] =	ssyncadd.s32 $0xFFFFC180  }
0x2b3: {  	[spmem:s4] =	stream.indirect.scatter.add.f32 [tilespmem:s18], [sflag:$0xB], $0x10, s10, s11, $0xb8;
	[tilespmem:$0x1F9D0] =	vst v63  }
0x2b4: {  	_ =	swait.ge [sflag:s17], $0x7D0  }
0x2b5: {  	[sflag:s17] =	ssyncset.done $0x0  }
0x2b6: {  	[sflag:s17] =	ssyncadd.s32 $0xFFFFF830  }
0x2b7: {  	_ =	swait.ge [sflag:s31], $0x3E80  }
0x2b8: {  	[sflag:s31] =	ssyncset.done $0x0  }
0x2b9: {  	s8 =	simm.s32 @!p0 $0x1;
	[sflag:s31] =	ssyncadd.s32 $0xFFFFC180  }
0x2ba: {  	_ =	swait.ge @!p0 [sflag:s8], $0x80  }
0x2bb: {  	[sflag:s8] =	ssyncset.done @!p0 $0x0  }
0x2bc: {  	s19 =	simm.s32 @!p0 $0x2;
	[sflag:s8] =	ssyncadd.s32 @!p0 $0xFFFFFF80  }
0x2bd: {  	_ =	swait.ge @!p0 [sflag:s19], $0x80  }
0x2be: {  	s23 =	simm.s32 @!p0 $0x7D;
	[sflag:s19] =	ssyncset.done @!p0 $0x0  }
0x2bf: {  	s8 =	simm.s32 @!p0 $0x14400;
	[sflag:s19] =	ssyncadd.s32 @!p0 $0xFFFFFF80;
	s19 =	rddreg [dreg:$0x7]  }
0x2c0: {  	[tilespmem:s8], [sflag:$0x9] =	stream.indirect.gather @!p0 [hbm4b:s0+s23], $0x80, s1, s23, $0xb8;
	[tilespmem:$0x1F9D0] =	vst v63  }
0x2c1: {  	s8 =	rddreg [dreg:$0x6];
	s19 =	sadd.s32 @!p0 $0x0, s19;
	s23 =	simm.s32 @!p0 $0x14200  }
0x2c2: {  	[tilespmem:s23], [sflag:$0x5] =	stream.linear.gather @!p0 [hbm4b:s19+s22], $0x80, $0x38;
	[tilespmem:$0x1F9D0] =	vst v63  }
0x2c3: {  	s8 =	sadd.s32 @!p0 $0x0, s8;
	s19 =	simm.s32 @!p0 $0x14280  }
0x2c4: {  	[tilespmem:s19], [sflag:$0x6] =	stream.linear.gather @!p0 [hbm4b:s8+s22], $0x80, $0x38;
	[tilespmem:$0x1F9D0] =	vst v63  }
0x2c5: {  	_ = 	snop  }
0x2c6: {  	[spmem:s3] =	stream.indirect.scatter.add.f32 [tilespmem:s14], [sflag:$0xB], $0x80, s16, s11, $0xb8;
	[tilespmem:$0x1F9D0] =	vst v63  }
0x2c7: {  	_ =	swait.ge [sflag:s17], $0x3E80  }
0x2c8: {  	[sflag:s17] =	ssyncset.done $0x0  }
0x2c9: {  	[sflag:s17] =	ssyncadd.s32 $0xFFFFC180  }
0x2ca: {  	[spmem:s4] =	stream.indirect.scatter.add.f32 [tilespmem:s18], [sflag:$0xB], $0x10, s16, s11, $0xb8;
	[tilespmem:$0x1F9D0] =	vst v63  }
0x2cb: {  	s8 =	simm.s32 $0x40;
	_ =	swait.ge [sflag:s17], $0x7D0  }
.LBB2_6:
0x2cc: {  	[sflag:s17] =	ssyncset.done $0x0  }
0x2cd: {  	[sflag:s17] =	ssyncadd.s32 $0xFFFFF830  }
0x2ce: {  	_ =	swait.ge [sflag:s13], $0x3E80  }
0x2cf: {  	[sflag:s13] =	ssyncset.done $0x0  }
0x2d0: {  	[sflag:s13] =	ssyncadd.s32 $0xFFFFC180  }
0x2d1: {  	_ =	swait.ge [sflag:s24], $0x80  }
0x2d2: {  	[sflag:s24] =	ssyncset.done $0x0  }
0x2d3: {  	[sflag:s24] =	ssyncadd.s32 $0xFFFFFF80  }
0x2d4: {  	_ =	swait.ge [sflag:s29], $0x80  }
0x2d5: {  	s23 =	smov.u32 s8;
	[sflag:s29] =	ssyncset.done $0x0;
	s19 =	rddreg [dreg:$0xc]  }
0x2d6: {  	[sflag:s29] =	ssyncadd.s32 $0xFFFFFF80;
	s19 =	sadd.s32 s23, s19  }
0x2d7: {  	[tilespmem:s14], [sflag:$0xA] =	stream.indirect.gather [hbm4b:s0+s11], $0x80, s28, s11, $0xb8;
	[tilespmem:$0x1F9D0] =	vst v63  }
0x2d8: {  	s22 =	sadd.s32 $0x30, s19  }
0x2d9: {  	[tilespmem:s15], [sflag:$0x7] =	stream.linear.gather [hbm4b:s22+s5], $0x80, $0x38;
	[tilespmem:$0x1F9D0] =	vst v63  }
0x2da: {  	s19 =	sadd.s32 $0xA030, s19  }
0x2db: {  	[tilespmem:s16], [sflag:$0x8] =	stream.linear.gather [hbm4b:s19+s5], $0x80, $0x38;
	[tilespmem:$0x1F9D0] =	vst v63  }
0x2dc: {  	_ = 	snop  }
0x2dd: {  	[spmem:s3] =	stream.indirect.scatter.add.f32 [tilespmem:s12], [sflag:$0xB], $0x80, s2, s11, $0xb8;
	[tilespmem:$0x1F9D0] =	vst v63  }
0x2de: {  	_ =	swait.ge [sflag:s17], $0x3E80  }
0x2df: {  	[sflag:s17] =	ssyncset.done $0x0  }
0x2e0: {  	[sflag:s17] =	ssyncadd.s32 $0xFFFFC180  }
0x2e1: {  	[spmem:s4] =	stream.indirect.scatter.add.f32 [tilespmem:s18], [sflag:$0xB], $0x10, s2, s11, $0xb8;
	[tilespmem:$0x1F9D0] =	vst v63  }
0x2e2: {  	_ =	swait.ge [sflag:s17], $0x7D0  }
0x2e3: {  	[sflag:s17] =	ssyncset.done $0x0  }
0x2e4: {  	[sflag:s17] =	ssyncadd.s32 $0xFFFFF830  }
0x2e5: {  	_ =	swait.ge [sflag:s31], $0x3E80  }
0x2e6: {  	[sflag:s31] =	ssyncset.done $0x0  }
0x2e7: {  	[sflag:s31] =	ssyncadd.s32 $0xFFFFC180  }
0x2e8: {  	_ =	swait.ge [sflag:s25], $0x80  }
0x2e9: {  	[sflag:s25] =	ssyncset.done $0x0  }
0x2ea: {  	[sflag:s25] =	ssyncadd.s32 $0xFFFFFF80  }
0x2eb: {  	_ =	swait.ge [sflag:s30], $0x80  }
0x2ec: {  	p1 =	seq.s32 s23, $0x4C0;
	[sflag:s30] =	ssyncset.done $0x0  }
0x2ed: {  	s22 =	simm.s32 @!p1 $0x14000;
	s19 =	rddreg [dreg:$0xb];
	[sflag:s30] =	ssyncadd.s32 $0xFFFFFF80  }
0x2ee: {  	[tilespmem:s12], [sflag:$0x9] =	stream.indirect.gather [hbm4b:s0+s11], $0x80, s9, s11, $0xb8;
	[tilespmem:$0x1F9D0] =	vst v63  }
0x2ef: {  	s28 =	rddreg [dreg:$0xa];
	s20 =	sadd.s32 @!p1 s23, s19;
	s19 =	simm.s32 @!p1 $0x0  }
0x2f0: {  	[tilespmem:s22], [sflag:$0x1] =	stream.linear.gather @!p1 [hbm4b:s20+s19], $0x80, $0x38;
	[tilespmem:$0x1F9D0] =	vst v63  }
0x2f1: {  	s20 =	sadd.s32 @!p1 s23, s28;
	s28 =	simm.s32 @!p1 $0x14080  }
0x2f2: {  	[tilespmem:s28], [sflag:$0x2] =	stream.linear.gather @!p1 [hbm4b:s20+s19], $0x80, $0x38;
	[tilespmem:$0x1F9D0] =	vst v63  }
0x2f3: {  	_ = 	snop  }
0x2f4: {  	[spmem:s3] =	stream.indirect.scatter.add.f32 [tilespmem:s14], [sflag:$0xB], $0x80, s6, s11, $0xb8;
	[tilespmem:$0x1F9D0] =	vst v63  }
0x2f5: {  	_ =	swait.ge [sflag:s17], $0x3E80  }
0x2f6: {  	[sflag:s17] =	ssyncset.done $0x0  }
0x2f7: {  	[sflag:s17] =	ssyncadd.s32 $0xFFFFC180  }
0x2f8: {  	[spmem:s4] =	stream.indirect.scatter.add.f32 [tilespmem:s18], [sflag:$0xB], $0x10, s6, s11, $0xb8;
	[tilespmem:$0x1F9D0] =	vst v63  }
0x2f9: {  	_ =	swait.ge [sflag:s17], $0x7D0  }
0x2fa: {  	[sflag:s17] =	ssyncset.done $0x0  }
0x2fb: {  	[sflag:s17] =	ssyncadd.s32 $0xFFFFF830  }
0x2fc: {  	_ =	swait.ge [sflag:s13], $0x3E80  }
0x2fd: {  	[sflag:s13] =	ssyncset.done $0x0  }
0x2fe: {  	[sflag:s13] =	ssyncadd.s32 $0xFFFFC180  }
0x2ff: {  	_ =	swait.ge [sflag:s26], $0x80  }
0x300: {  	[sflag:s26] =	ssyncset.done $0x0  }
0x301: {  	[sflag:s26] =	ssyncadd.s32 $0xFFFFFF80  }
0x302: {  	_ =	swait.ge [sflag:s7], $0x80  }
0x303: {  	[sflag:s7] =	ssyncset.done $0x0  }
0x304: {  	s20 =	rddreg [dreg:$0x9];
	[sflag:s7] =	ssyncadd.s32 $0xFFFFFF80  }
0x305: {  	[tilespmem:s14], [sflag:$0xA] =	stream.indirect.gather [hbm4b:s0+s11], $0x80, s15, s11, $0xb8;
	[tilespmem:$0x1F9D0] =	vst v63  }
0x306: {  	s21 =	simm.s32 @!p1 $0x14100;
	s28 =	rddreg [dreg:$0x8];
	s20 =	sadd.s32 @!p1 s23, s20  }
0x307: {  	[tilespmem:s21], [sflag:$0x3] =	stream.linear.gather @!p1 [hbm4b:s20+s19], $0x80, $0x38;
	[tilespmem:$0x1F9D0] =	vst v63  }
0x308: {  	s1 =	simm.s32 @!p1 $0x14180;
	s20 =	sadd.s32 @!p1 s23, s28  }
0x309: {  	[tilespmem:s1], [sflag:$0x4] =	stream.linear.gather @!p1 [hbm4b:s20+s19], $0x80, $0x38;
	[tilespmem:$0x1F9D0] =	vst v63  }
0x30a: {  	_ = 	snop  }
0x30b: {  	[spmem:s3] =	stream.indirect.scatter.add.f32 [tilespmem:s12], [sflag:$0xB], $0x80, s10, s11, $0xb8;
	[tilespmem:$0x1F9D0] =	vst v63  }
0x30c: {  	_ =	swait.ge [sflag:s17], $0x3E80  }
0x30d: {  	[sflag:s17] =	ssyncset.done $0x0  }
0x30e: {  	[sflag:s17] =	ssyncadd.s32 $0xFFFFC180  }
0x30f: {  	[spmem:s4] =	stream.indirect.scatter.add.f32 [tilespmem:s18], [sflag:$0xB], $0x10, s10, s11, $0xb8;
	[tilespmem:$0x1F9D0] =	vst v63  }
0x310: {  	_ =	swait.ge [sflag:s17], $0x7D0  }
0x311: {  	[sflag:s17] =	ssyncset.done $0x0  }
0x312: {  	[sflag:s17] =	ssyncadd.s32 $0xFFFFF830  }
0x313: {  	_ =	swait.ge [sflag:s31], $0x3E80  }
0x314: {  	[sflag:s31] =	ssyncset.done $0x0  }
0x315: {  	s1 =	simm.s32 @!p1 $0x1;
	[sflag:s31] =	ssyncadd.s32 $0xFFFFC180  }
0x316: {  	_ =	swait.ge @!p1 [sflag:s1], $0x80  }
0x317: {  	[sflag:s1] =	ssyncset.done @!p1 $0x0  }
0x318: {  	s20 =	simm.s32 @!p1 $0x2;
	[sflag:s1] =	ssyncadd.s32 @!p1 $0xFFFFFF80  }
0x319: {  	_ =	swait.ge @!p1 [sflag:s20], $0x80  }
0x31a: {  	s21 =	simm.s32 @!p1 $0x7D;
	[sflag:s20] =	ssyncset.done @!p1 $0x0  }
0x31b: {  	s1 =	simm.s32 @!p1 $0x14400;
	s28 =	rddreg [dreg:$0x7];
	[sflag:s20] =	ssyncadd.s32 @!p1 $0xFFFFFF80  }
0x31c: {  	[tilespmem:s1], [sflag:$0x9] =	stream.indirect.gather @!p1 [hbm4b:s0+s21], $0x80, s22, s21, $0xb8;
	[tilespmem:$0x1F9D0] =	vst v63  }
0x31d: {  	s20 =	rddreg [dreg:$0x6];
	s1 =	sadd.s32 @!p1 s23, s28;
	s21 =	simm.s32 @!p1 $0x14200  }
0x31e: {  	[tilespmem:s21], [sflag:$0x5] =	stream.linear.gather @!p1 [hbm4b:s1+s19], $0x80, $0x38;
	[tilespmem:$0x1F9D0] =	vst v63  }
0x31f: {  	s8 =	sadd.s32 $0x40, s8;
	s22 =	simm.s32 @!p1 $0x14280;
	s1 =	sadd.s32 @!p1 s23, s20  }
0x320: {  	[tilespmem:s22], [sflag:$0x6] =	stream.linear.gather @!p1 [hbm4b:s1+s19], $0x80, $0x38;
	[tilespmem:$0x1F9D0] =	vst v63  }
0x321: {  	p0 =	sne.s32 s8, $0x500  }
0x322: {  	[spmem:s3] =	stream.indirect.scatter.add.f32 [tilespmem:s14], [sflag:$0xB], $0x80, s16, s11, $0xb8;
	[tilespmem:$0x1F9D0] =	vst v63  }
.Ltmp2:
0x323: {  	_ =	swait.ge [sflag:s17], $0x3E80;
	(pc) =	sbr.rel @p0 .LBB2_6-.Ltmp2, $4  }
0x324: {  	[sflag:s17] =	ssyncset.done $0x0  }
0x325: {  	[sflag:s17] =	ssyncadd.s32 $0xFFFFC180  }
0x326: {  	[spmem:s4] =	stream.indirect.scatter.add.f32 [tilespmem:s18], [sflag:$0xB], $0x10, s16, s11, $0xb8;
	[tilespmem:$0x1F9D0] =	vst v63  }
0x327: {  	s28 =	simm.s32 $0x14100;
	_ =	swait.ge [sflag:s17], $0x7D0  }
0x328: {  	[sflag:s17] =	ssyncset.done $0x0  }
0x329: {  	[sflag:s17] =	ssyncadd.s32 $0xFFFFF830  }
0x32a: {  	[bflag:$0x0] =	sbarrier.arrive $0xFFFF  }
0x32b: {  	s1 =	stileid.u32;
	s20 =	sld [smem:$0x7F6]  }
0x32c: {  	s1 =	sshll.u32 s1, $0x6;
	s19 =	rddreg [dreg:$0xf]  }
0x32d: {  	s8 =	sor.u32 $0x1C09, s1;
	s19 =	sshrl.u32 s19, $0x3  }
0x32e: {  	[hbm:s20], [sflag:s8] =	dma.local [spmem:s19], $0x2800  }
0x32f: {  	s8 =	sld [smem:$0x7BA];
	_ =	sdelay $0x2  }
0x330: {  	s1 =	sor.u32 $0x1C0A, s1;
	s19 =	rddreg [dreg:$0xd];
	s8 =	sshrl.u32 s8, $0x3  }
0x331: {  	[hbm:s19], [sflag:s1] =	dma.local [spmem:s8], $0x500  }
0x332: {  	_ =	swait.ge [sflag:s13], $0x2800  }
0x333: {  	[sflag:s13] =	ssyncset.done $0x0  }
0x334: {  	[sflag:s13] =	ssyncadd.s32 $0xFFFFD800  }
0x335: {  	_ =	swait.ge [sflag:s31], $0x500  }
0x336: {  	s22 =	sld [smem:$0x79B]  }
0x337: {  	s23 =	sld [smem:$0x7F8];
	_ =	sdelay $0x1  }
0x338: {  	s8 =	sadd.s32 $0x1, s22  }
0x339: {  	p0 =	sne.s32 s8, s23  }
.Ltmp3:
0x33a: {  	_ = 	snop;
	(pc) =	sbr.rel @p0 .LBB2_1-.Ltmp3, $3  }
0x33b: {  	_ =	sdelay $0x1  }
0x33c: {  	[sflag:s31] =	ssyncset.done $0x0  }
0x33d: {  	[sflag:s31] =	ssyncadd.s32 $0xFFFFFB00  }
0x33e: {  	_ =	sfence.sel $0x180000  }
0x33f: {  	[bflag:$0x0] =	sbarrier.arrive $0xFFFF  }
0x340: {  	_ =	strace $0x90000047  }
0x341: {  	s0 =	stileid.u32;
	[bflag:$0x2] =	sbarrier.arrive $0xFFFF  }
0x342: {  	p0 =	sne.s32 s0, $0x0;
	s0 =	rddreg [dreg:$0x5]  }
0x343: {  	s0 =	sadd.s32 @!p0 $0x100000, s0  }
0x344: {  	[sflag:s0] =	ssyncadd.tile.s32 @!p0 $0x1;
	_ =	shalt  }
.Lfunc_end2:
_tile_overlayer_lowered:
.L_overlay_start_2:
0x345: {  	(tag) =	ssettag $0x2  }
0x346: {  	s0 =	rddreg [dreg:$0x0];
	s2 =	stileid.u32  }
0x347: {  	s1 =	rddreg [dreg:$0x1];
	p0 =	sne.s32 s2, $0x0  }
0x348: {  	s3 =	rddreg [dreg:$0x2];
	[bflag:$0x3] =	sbarrier.arrive $0xFFFF;
	s2 =	simm.s32 @!p0 $0x1C0B  }
0x349: {  	[timem:s3], [sflag:s2] =	dma.local @!p0 [hbm:s0], s1  }
0x34a: {  	s0 =	simm.s32 @!p0 $0xB  }
0x34b: {  	_ =	swait.ge @!p0 [sflag:s0], s1  }
0x34c: {  	s1 =	ssub.s32 @!p0 $0x0, s1;
	[sflag:s0] =	ssyncset.done @!p0 $0x0  }
0x34d: {  	[sflag:s0] =	ssyncadd.s32 @!p0 s1  }
0x34e: {  	[bflag:$0x3] =	sbarrier.arrive $0xFFFF  }
0x34f: {  	_ =	shalt  }

</sc_bundles>
